<compile_context>
chip_gen: v7x
topology: tpu7x:2x2x1
jax: 0.10.2.dev20260603
libtpu: 0.0.44.dev20260713+nightly
codegen_flags: <defaults>
</compile_context>

<pallas_src>
import functools

import jax
import jax.numpy as jnp
from jax import lax
from jax.experimental import pallas as pl
from jax.experimental.pallas import tpu as pltpu
from jax.experimental.pallas import tpu_sc as plsc

_E_SIZE = 6884
_NE = 320000
_D = 128
_L = 16

_NC = 2
_NS = 16
_NW = _NC * _NS
_EPW = _NE // _NW
_B = 80
_NCHUNK = _EPW // _B
_NT = 5
_GRP = 8


def _sqrt_nr(x):
    i = lax.bitcast_convert_type(x, jnp.int32)
    y = lax.bitcast_convert_type(jnp.int32(0x5F3759DF) - (i >> 1), jnp.float32)
    for _ in range(2):
        y = y * (1.5 - 0.5 * x * y * y)
    return x * y


def _tile_body(node_hbm, rel_hbm, src_hbm, tgt_hbm, nsrc_hbm, ntgt_hbm, et_hbm,
               out_hbm,
               src_i, tgt_i, nsrc_i, ntgt_i, et_i,
               rows_v, acc_v, sem0, sem1):
    wid = lax.axis_index("s") * _NC + lax.axis_index("c")
    base = pl.multiple_of(wid * _EPW, 8)

    pltpu.sync_copy(src_hbm.at[pl.ds(base, _EPW)], src_i)
    pltpu.sync_copy(tgt_hbm.at[pl.ds(base, _EPW)], tgt_i)
    pltpu.sync_copy(nsrc_hbm.at[pl.ds(base, _EPW)], nsrc_i)
    pltpu.sync_copy(ntgt_hbm.at[pl.ds(base, _EPW)], ntgt_i)
    pltpu.sync_copy(et_hbm.at[pl.ds(base, _EPW)], et_i)

    sems = (sem0, sem1)

    def fire(c, p):
        off = pl.multiple_of(c * _B, 8)
        sem = sems[p]
        pltpu.async_copy(node_hbm.at[src_i.at[pl.ds(off, _B)]],
                         rows_v.at[p, pl.ds(0 * _B, _B)], sem)
        pltpu.async_copy(node_hbm.at[tgt_i.at[pl.ds(off, _B)]],
                         rows_v.at[p, pl.ds(1 * _B, _B)], sem)
        pltpu.async_copy(node_hbm.at[nsrc_i.at[pl.ds(off, _B)]],
                         rows_v.at[p, pl.ds(2 * _B, _B)], sem)
        pltpu.async_copy(node_hbm.at[ntgt_i.at[pl.ds(off, _B)]],
                         rows_v.at[p, pl.ds(3 * _B, _B)], sem)
        pltpu.async_copy(rel_hbm.at[et_i.at[pl.ds(off, _B)]],
                         rows_v.at[p, pl.ds(4 * _B, _B)], sem)

    def drain(p):
        pltpu.make_async_copy(node_hbm.at[pl.ds(0, _NT * _B)],
                              rows_v.at[p], sems[p]).wait()

    def compute(p, loss):
        def up(v):
            return plsc.unpack(v, format=plsc.PackFormat.INTERLEAVED)

        def edge_body(e, loss2):
            accp = None
            accn = None
            for j in range(_D // (2 * _L)):
                sl = pl.ds(j * 2 * _L, 2 * _L)
                rv = rows_v[p, 4 * _B + e, sl]
                d0, d1 = up(rows_v[p, e, sl] + rv - rows_v[p, _B + e, sl])
                dn0, dn1 = up(rows_v[p, 2 * _B + e, sl] + rv
                              - rows_v[p, 3 * _B + e, sl])
                if accp is None:
                    accp = d0 * d0 + d1 * d1
                    accn = dn0 * dn0 + dn1 * dn1
                else:
                    accp = accp + d0 * d0 + d1 * d1
                    accn = accn + dn0 * dn0 + dn1 * dn1
            pos = _sqrt_nr(jnp.sum(accp))
            neg = _sqrt_nr(jnp.sum(accn))
            return loss2 + jnp.maximum(pos - neg + 1.0, 0.0)

        return lax.fori_loop(0, _B, edge_body, loss, unroll=4)

    fire(0, 0)

    def pair_body(i, loss):
        fire(2 * i + 1, 1)
        drain(0)
        loss = compute(0, loss)
        fire(2 * i + 2, 0)
        drain(1)
        return compute(1, loss)

    total = lax.fori_loop(0, _NCHUNK // 2, pair_body, jnp.float32(0.0),
                          unroll=False)
    drain(0)
    total = compute(0, total)

    acc_v[...] = jnp.where(lax.iota(jnp.int32, _L) == 0, total, 0.0)
    pltpu.sync_copy(acc_v, out_hbm.at[wid])


@functools.partial(jax.jit, static_argnames=())
def _loss_sc(node_embs, rel_weight, src, tgt, nsrc, ntgt, et):
    mesh = plsc.VectorSubcoreMesh(core_axis_name="c", subcore_axis_name="s")
    run = functools.partial(
        pl.kernel,
        mesh=mesh,
        compiler_params=pltpu.CompilerParams(needs_layout_passes=False,
                                             use_tc_tiling_on_sc=False),
        out_type=jax.ShapeDtypeStruct((_NW, _L), jnp.float32),
        scratch_types=[
            pltpu.VMEM((_EPW,), jnp.int32),
            pltpu.VMEM((_EPW,), jnp.int32),
            pltpu.VMEM((_EPW,), jnp.int32),
            pltpu.VMEM((_EPW,), jnp.int32),
            pltpu.VMEM((_EPW,), jnp.int32),
            pltpu.VMEM((2, _NT * _B, _D), jnp.bfloat16),
            pltpu.VMEM((_L,), jnp.float32),
            pltpu.SemaphoreType.DMA,
            pltpu.SemaphoreType.DMA,
        ],
    )(_tile_body)
    return run(node_embs, rel_weight, src, tgt, nsrc, ntgt, et)


def kernel(node_embs, edge_index, edge_type, rel_weight):
    neg_edge_index = jax.random.randint(
        jax.random.key(42), edge_index.shape, 0, _E_SIZE, dtype=edge_index.dtype)
    partials = _loss_sc(
        node_embs.astype(jnp.bfloat16), rel_weight.astype(jnp.bfloat16),
        edge_index[0], edge_index[1],
        neg_edge_index[0], neg_edge_index[1],
        edge_type,
    )
    return jnp.sum(partials) / jnp.float32(_NE)

# --- scband reference (transcript-rebuilt; emitter-appended) ---
"""Pipeline reference for scband-decoder-35270271435371 (READ-ONLY COPY).

The authoritative reference and input builder live on the scoring server;
editing this copy changes nothing except your own understanding.
"""

import jax, jax.numpy as jnp
import numpy as np

E_SIZE = 6884  # hardcoded global in the original module (neg-sampling range)


def _score(node_embs, rel_weight, edge_type, edge_index):
    src = jnp.take(node_embs, edge_index[0], axis=0)
    tgt = jnp.take(node_embs, edge_index[1], axis=0)
    rel = jnp.take(rel_weight, edge_type, axis=0)
    out = src + rel - tgt
    return jnp.sqrt(jnp.sum(out * out, axis=1))


def setup_inputs(seed: int = 0) -> dict:
    key = jax.random.key(seed)
    k1, k2, k3, k4 = jax.random.split(key, 4)
    node_embs = jax.random.normal(k1, (10000, 128), dtype=jnp.float32)
    edge_index = jax.random.randint(k2, (2, 320000), 0, 10000, dtype=jnp.int32)
    edge_type = jax.random.randint(k3, (320000,), 0, 990, dtype=jnp.int32)
    # learned parameter: relation embedding table (nn.Embedding(rel_size, feature_dim_size))
    rel_weight = jax.random.normal(k4, (990, 128), dtype=jnp.float32)
    return {"node_embs": node_embs, "edge_index": edge_index, "edge_type": edge_type, "rel_weight": rel_weight}


def reference(node_embs, edge_index, edge_type, rel_weight):
    # negative edges: torch.randint(0, e_size, (2, neg_num)) -> fixed-key jax equivalent
    neg_edge_index = jax.random.randint(jax.random.key(42), edge_index.shape, 0, E_SIZE, dtype=edge_index.dtype)
    pos = _score(node_embs, rel_weight, edge_type, edge_index)
    neg = _score(node_embs, rel_weight, edge_type, neg_edge_index)
    # MarginRankingLoss(margin=1.0) with target y=-1: mean(max(0, -y*(pos-neg)+margin)) = mean(max(0, pos-neg+1))
    loss = jnp.mean(jnp.maximum(0.0, (pos - neg) + 1.0))
    return loss

if __name__ == "__main__":
    import jax
    _d = setup_inputs()
    print(jax.jit(kernel)(*tuple(_d.values())))

</pallas_src>

<mosaic_0001>
#map = affine_map<(d0, d1) -> (0, 0)>
#map1 = affine_map<(d0, d1) -> (0)>
module attributes {stable_mosaic.version = 14 : i64} {
  func.func @_tile_body(%arg0: i32, %arg1: i32, %arg2: memref<10000x128xbf16, #tpu.memory_space<hbm>>, %arg3: memref<990x128xbf16, #tpu.memory_space<hbm>>, %arg4: memref<320000xi32, #tpu.memory_space<hbm>>, %arg5: memref<320000xi32, #tpu.memory_space<hbm>>, %arg6: memref<320000xi32, #tpu.memory_space<hbm>>, %arg7: memref<320000xi32, #tpu.memory_space<hbm>>, %arg8: memref<320000xi32, #tpu.memory_space<hbm>>, %arg9: memref<32x16xf32, #tpu.memory_space<hbm>>, %arg10: memref<10000xi32, #tpu.memory_space<vmem>>, %arg11: memref<10000xi32, #tpu.memory_space<vmem>>, %arg12: memref<10000xi32, #tpu.memory_space<vmem>>, %arg13: memref<10000xi32, #tpu.memory_space<vmem>>, %arg14: memref<10000xi32, #tpu.memory_space<vmem>>, %arg15: memref<2x400x128xbf16, #tpu.memory_space<vmem>>, %arg16: memref<16xf32, #tpu.memory_space<vmem>>, %arg17: memref<!tpu.dma_semaphore, #tpu.memory_space<semaphore_mem>>, %arg18: memref<!tpu.dma_semaphore, #tpu.memory_space<semaphore_mem>>) attributes {dimension_semantics = [#tpu.dimension_semantics<core_parallel>, #tpu.dimension_semantics<subcore_parallel>], iteration_bounds = array<i64: 2, 16>, scalar_prefetch = 0 : i64, scratch_operands = 9 : i64, tpu.core_type = #tpu.core_type<sc_vector_subcore>, window_params = [{transform_indices = #map}, {transform_indices = #map}, {transform_indices = #map1}, {transform_indices = #map1}, {transform_indices = #map1}, {transform_indices = #map1}, {transform_indices = #map1}, {transform_indices = #map}]} {
    %mul3A = arith.constant 2 : i32
    %mul3A_0 = arith.muli %arg1, %mul3A : i32
    %add3A = arith.addi %mul3A_0, %arg0 : i32
    %mul3A_1 = arith.constant 10000 : i32
    %mul3A_2 = arith.muli %add3A, %mul3A_1 : i32
    %multiple_of3A = tpu.assume_multiple %mul3A_2, 8 : i32
    "tpu.region"() ({
      %run_scoped3A = tpu.sem_alloc : memref<!tpu.dma_semaphore, #tpu.memory_space<semaphore_mem>>
      %dma_start3A_79 = tpu.memref_slice %arg4[%multiple_of3A] : memref<320000xi32, #tpu.memory_space<hbm>> -> memref<10000xi32, #tpu.memory_space<hbm>>
      %dma_start3A_80 = tpu.memref_slice %arg4[%multiple_of3A] : memref<320000xi32, #tpu.memory_space<hbm>> -> memref<10000xi32, #tpu.memory_space<hbm>>
      tpu.enqueue_dma source(%dma_start3A_80 : memref<10000xi32, #tpu.memory_space<hbm>>) target(%arg10 : memref<10000xi32, #tpu.memory_space<vmem>>) target_semaphore(%run_scoped3A : memref<!tpu.dma_semaphore, #tpu.memory_space<semaphore_mem>>)
      %dma_wait3A_81 = tpu.memref_slice %arg4[%multiple_of3A] : memref<320000xi32, #tpu.memory_space<hbm>> -> memref<10000xi32, #tpu.memory_space<hbm>>
      %dma_wait3A_82 = tpu.memref_slice %arg4[%multiple_of3A] : memref<320000xi32, #tpu.memory_space<hbm>> -> memref<10000xi32, #tpu.memory_space<hbm>>
      tpu.wait_dma2 semaphore(%run_scoped3A : memref<!tpu.dma_semaphore, #tpu.memory_space<semaphore_mem>>) src(%dma_wait3A_82 : memref<10000xi32, #tpu.memory_space<hbm>>) dst(%arg10 : memref<10000xi32, #tpu.memory_space<vmem>>)
      tpu.yield
    }) : () -> ()
    "tpu.region"() ({
      %run_scoped3A = tpu.sem_alloc : memref<!tpu.dma_semaphore, #tpu.memory_space<semaphore_mem>>
      %dma_start3A_79 = tpu.memref_slice %arg5[%multiple_of3A] : memref<320000xi32, #tpu.memory_space<hbm>> -> memref<10000xi32, #tpu.memory_space<hbm>>
      %dma_start3A_80 = tpu.memref_slice %arg5[%multiple_of3A] : memref<320000xi32, #tpu.memory_space<hbm>> -> memref<10000xi32, #tpu.memory_space<hbm>>
      tpu.enqueue_dma source(%dma_start3A_80 : memref<10000xi32, #tpu.memory_space<hbm>>) target(%arg11 : memref<10000xi32, #tpu.memory_space<vmem>>) target_semaphore(%run_scoped3A : memref<!tpu.dma_semaphore, #tpu.memory_space<semaphore_mem>>)
      %dma_wait3A_81 = tpu.memref_slice %arg5[%multiple_of3A] : memref<320000xi32, #tpu.memory_space<hbm>> -> memref<10000xi32, #tpu.memory_space<hbm>>
      %dma_wait3A_82 = tpu.memref_slice %arg5[%multiple_of3A] : memref<320000xi32, #tpu.memory_space<hbm>> -> memref<10000xi32, #tpu.memory_space<hbm>>
      tpu.wait_dma2 semaphore(%run_scoped3A : memref<!tpu.dma_semaphore, #tpu.memory_space<semaphore_mem>>) src(%dma_wait3A_82 : memref<10000xi32, #tpu.memory_space<hbm>>) dst(%arg11 : memref<10000xi32, #tpu.memory_space<vmem>>)
      tpu.yield
    }) : () -> ()
    "tpu.region"() ({
      %run_scoped3A = tpu.sem_alloc : memref<!tpu.dma_semaphore, #tpu.memory_space<semaphore_mem>>
      %dma_start3A_79 = tpu.memref_slice %arg6[%multiple_of3A] : memref<320000xi32, #tpu.memory_space<hbm>> -> memref<10000xi32, #tpu.memory_space<hbm>>
      %dma_start3A_80 = tpu.memref_slice %arg6[%multiple_of3A] : memref<320000xi32, #tpu.memory_space<hbm>> -> memref<10000xi32, #tpu.memory_space<hbm>>
      tpu.enqueue_dma source(%dma_start3A_80 : memref<10000xi32, #tpu.memory_space<hbm>>) target(%arg12 : memref<10000xi32, #tpu.memory_space<vmem>>) target_semaphore(%run_scoped3A : memref<!tpu.dma_semaphore, #tpu.memory_space<semaphore_mem>>)
      %dma_wait3A_81 = tpu.memref_slice %arg6[%multiple_of3A] : memref<320000xi32, #tpu.memory_space<hbm>> -> memref<10000xi32, #tpu.memory_space<hbm>>
      %dma_wait3A_82 = tpu.memref_slice %arg6[%multiple_of3A] : memref<320000xi32, #tpu.memory_space<hbm>> -> memref<10000xi32, #tpu.memory_space<hbm>>
      tpu.wait_dma2 semaphore(%run_scoped3A : memref<!tpu.dma_semaphore, #tpu.memory_space<semaphore_mem>>) src(%dma_wait3A_82 : memref<10000xi32, #tpu.memory_space<hbm>>) dst(%arg12 : memref<10000xi32, #tpu.memory_space<vmem>>)
      tpu.yield
    }) : () -> ()
    "tpu.region"() ({
      %run_scoped3A = tpu.sem_alloc : memref<!tpu.dma_semaphore, #tpu.memory_space<semaphore_mem>>
      %dma_start3A_79 = tpu.memref_slice %arg7[%multiple_of3A] : memref<320000xi32, #tpu.memory_space<hbm>> -> memref<10000xi32, #tpu.memory_space<hbm>>
      %dma_start3A_80 = tpu.memref_slice %arg7[%multiple_of3A] : memref<320000xi32, #tpu.memory_space<hbm>> -> memref<10000xi32, #tpu.memory_space<hbm>>
      tpu.enqueue_dma source(%dma_start3A_80 : memref<10000xi32, #tpu.memory_space<hbm>>) target(%arg13 : memref<10000xi32, #tpu.memory_space<vmem>>) target_semaphore(%run_scoped3A : memref<!tpu.dma_semaphore, #tpu.memory_space<semaphore_mem>>)
      %dma_wait3A_81 = tpu.memref_slice %arg7[%multiple_of3A] : memref<320000xi32, #tpu.memory_space<hbm>> -> memref<10000xi32, #tpu.memory_space<hbm>>
      %dma_wait3A_82 = tpu.memref_slice %arg7[%multiple_of3A] : memref<320000xi32, #tpu.memory_space<hbm>> -> memref<10000xi32, #tpu.memory_space<hbm>>
      tpu.wait_dma2 semaphore(%run_scoped3A : memref<!tpu.dma_semaphore, #tpu.memory_space<semaphore_mem>>) src(%dma_wait3A_82 : memref<10000xi32, #tpu.memory_space<hbm>>) dst(%arg13 : memref<10000xi32, #tpu.memory_space<vmem>>)
      tpu.yield
    }) : () -> ()
    "tpu.region"() ({
      %run_scoped3A = tpu.sem_alloc : memref<!tpu.dma_semaphore, #tpu.memory_space<semaphore_mem>>
      %dma_start3A_79 = tpu.memref_slice %arg8[%multiple_of3A] : memref<320000xi32, #tpu.memory_space<hbm>> -> memref<10000xi32, #tpu.memory_space<hbm>>
      %dma_start3A_80 = tpu.memref_slice %arg8[%multiple_of3A] : memref<320000xi32, #tpu.memory_space<hbm>> -> memref<10000xi32, #tpu.memory_space<hbm>>
      tpu.enqueue_dma source(%dma_start3A_80 : memref<10000xi32, #tpu.memory_space<hbm>>) target(%arg14 : memref<10000xi32, #tpu.memory_space<vmem>>) target_semaphore(%run_scoped3A : memref<!tpu.dma_semaphore, #tpu.memory_space<semaphore_mem>>)
      %dma_wait3A_81 = tpu.memref_slice %arg8[%multiple_of3A] : memref<320000xi32, #tpu.memory_space<hbm>> -> memref<10000xi32, #tpu.memory_space<hbm>>
      %dma_wait3A_82 = tpu.memref_slice %arg8[%multiple_of3A] : memref<320000xi32, #tpu.memory_space<hbm>> -> memref<10000xi32, #tpu.memory_space<hbm>>
      tpu.wait_dma2 semaphore(%run_scoped3A : memref<!tpu.dma_semaphore, #tpu.memory_space<semaphore_mem>>) src(%dma_wait3A_82 : memref<10000xi32, #tpu.memory_space<hbm>>) dst(%arg14 : memref<10000xi32, #tpu.memory_space<vmem>>)
      tpu.yield
    }) : () -> ()
    %multiple_of3A_3 = arith.constant 0 : i32
    %multiple_of3A_4 = tpu.assume_multiple %multiple_of3A_3, 8 : i32
    %dma_start3A = arith.constant 0 : i32
    %dma_start3A_5 = arith.constant 0 : i32
    %dma_start3A_6 = arith.constant 0 : i32
    %dma_start3A_7 = tpu.memref_slice %arg15[%dma_start3A, %dma_start3A_5, %dma_start3A_6] : memref<2x400x128xbf16, #tpu.memory_space<vmem>> -> memref<1x80x128xbf16, #tpu.memory_space<vmem>>
    %dma_start3A_8 = tpu.memref_squeeze %dma_start3A_7 : memref<1x80x128xbf16, #tpu.memory_space<vmem>> -> memref<80x128xbf16, #tpu.memory_space<vmem>>
    %dma_start3A_9 = tpu.memref_slice %arg10[%multiple_of3A_4] : memref<10000xi32, #tpu.memory_space<vmem>> -> memref<80xi32, #tpu.memory_space<vmem>>
    %dma_start3A_10 = arith.constant 0 : i32
    %dma_start3A_11 = arith.constant 0 : i32
    %dma_start3A_12 = tpu.memref_slice %arg2[%dma_start3A_10, %dma_start3A_11] : memref<10000x128xbf16, #tpu.memory_space<hbm>> -> memref<10000x128xbf16, #tpu.memory_space<hbm>>
    tpu.enqueue_indirect_dma source(%dma_start3A_12 : memref<10000x128xbf16, #tpu.memory_space<hbm>>) target(%dma_start3A_8 : memref<80x128xbf16, #tpu.memory_space<vmem>>) offsets(%dma_start3A_9 : memref<80xi32, #tpu.memory_space<vmem>>) semaphore(%arg17 : memref<!tpu.dma_semaphore, #tpu.memory_space<semaphore_mem>>)
    %dma_start3A_13 = arith.constant 0 : i32
    %dma_start3A_14 = arith.constant 80 : i32
    %dma_start3A_15 = arith.constant 0 : i32
    %dma_start3A_16 = tpu.memref_slice %arg15[%dma_start3A_13, %dma_start3A_14, %dma_start3A_15] : memref<2x400x128xbf16, #tpu.memory_space<vmem>> -> memref<1x80x128xbf16, #tpu.memory_space<vmem>>
    %dma_start3A_17 = tpu.memref_squeeze %dma_start3A_16 : memref<1x80x128xbf16, #tpu.memory_space<vmem>> -> memref<80x128xbf16, #tpu.memory_space<vmem>>
    %dma_start3A_18 = tpu.memref_slice %arg11[%multiple_of3A_4] : memref<10000xi32, #tpu.memory_space<vmem>> -> memref<80xi32, #tpu.memory_space<vmem>>
    %dma_start3A_19 = arith.constant 0 : i32
    %dma_start3A_20 = arith.constant 0 : i32
    %dma_start3A_21 = tpu.memref_slice %arg2[%dma_start3A_19, %dma_start3A_20] : memref<10000x128xbf16, #tpu.memory_space<hbm>> -> memref<10000x128xbf16, #tpu.memory_space<hbm>>
    tpu.enqueue_indirect_dma source(%dma_start3A_21 : memref<10000x128xbf16, #tpu.memory_space<hbm>>) target(%dma_start3A_17 : memref<80x128xbf16, #tpu.memory_space<vmem>>) offsets(%dma_start3A_18 : memref<80xi32, #tpu.memory_space<vmem>>) semaphore(%arg17 : memref<!tpu.dma_semaphore, #tpu.memory_space<semaphore_mem>>)
    %dma_start3A_22 = arith.constant 0 : i32
    %dma_start3A_23 = arith.constant 160 : i32
    %dma_start3A_24 = arith.constant 0 : i32
    %dma_start3A_25 = tpu.memref_slice %arg15[%dma_start3A_22, %dma_start3A_23, %dma_start3A_24] : memref<2x400x128xbf16, #tpu.memory_space<vmem>> -> memref<1x80x128xbf16, #tpu.memory_space<vmem>>
    %dma_start3A_26 = tpu.memref_squeeze %dma_start3A_25 : memref<1x80x128xbf16, #tpu.memory_space<vmem>> -> memref<80x128xbf16, #tpu.memory_space<vmem>>
    %dma_start3A_27 = tpu.memref_slice %arg12[%multiple_of3A_4] : memref<10000xi32, #tpu.memory_space<vmem>> -> memref<80xi32, #tpu.memory_space<vmem>>
    %dma_start3A_28 = arith.constant 0 : i32
    %dma_start3A_29 = arith.constant 0 : i32
    %dma_start3A_30 = tpu.memref_slice %arg2[%dma_start3A_28, %dma_start3A_29] : memref<10000x128xbf16, #tpu.memory_space<hbm>> -> memref<10000x128xbf16, #tpu.memory_space<hbm>>
    tpu.enqueue_indirect_dma source(%dma_start3A_30 : memref<10000x128xbf16, #tpu.memory_space<hbm>>) target(%dma_start3A_26 : memref<80x128xbf16, #tpu.memory_space<vmem>>) offsets(%dma_start3A_27 : memref<80xi32, #tpu.memory_space<vmem>>) semaphore(%arg17 : memref<!tpu.dma_semaphore, #tpu.memory_space<semaphore_mem>>)
    %dma_start3A_31 = arith.constant 0 : i32
    %dma_start3A_32 = arith.constant 240 : i32
    %dma_start3A_33 = arith.constant 0 : i32
    %dma_start3A_34 = tpu.memref_slice %arg15[%dma_start3A_31, %dma_start3A_32, %dma_start3A_33] : memref<2x400x128xbf16, #tpu.memory_space<vmem>> -> memref<1x80x128xbf16, #tpu.memory_space<vmem>>
    %dma_start3A_35 = tpu.memref_squeeze %dma_start3A_34 : memref<1x80x128xbf16, #tpu.memory_space<vmem>> -> memref<80x128xbf16, #tpu.memory_space<vmem>>
    %dma_start3A_36 = tpu.memref_slice %arg13[%multiple_of3A_4] : memref<10000xi32, #tpu.memory_space<vmem>> -> memref<80xi32, #tpu.memory_space<vmem>>
    %dma_start3A_37 = arith.constant 0 : i32
    %dma_start3A_38 = arith.constant 0 : i32
    %dma_start3A_39 = tpu.memref_slice %arg2[%dma_start3A_37, %dma_start3A_38] : memref<10000x128xbf16, #tpu.memory_space<hbm>> -> memref<10000x128xbf16, #tpu.memory_space<hbm>>
    tpu.enqueue_indirect_dma source(%dma_start3A_39 : memref<10000x128xbf16, #tpu.memory_space<hbm>>) target(%dma_start3A_35 : memref<80x128xbf16, #tpu.memory_space<vmem>>) offsets(%dma_start3A_36 : memref<80xi32, #tpu.memory_space<vmem>>) semaphore(%arg17 : memref<!tpu.dma_semaphore, #tpu.memory_space<semaphore_mem>>)
    %dma_start3A_40 = arith.constant 0 : i32
    %dma_start3A_41 = arith.constant 320 : i32
    %dma_start3A_42 = arith.constant 0 : i32
    %dma_start3A_43 = tpu.memref_slice %arg15[%dma_start3A_40, %dma_start3A_41, %dma_start3A_42] : memref<2x400x128xbf16, #tpu.memory_space<vmem>> -> memref<1x80x128xbf16, #tpu.memory_space<vmem>>
    %dma_start3A_44 = tpu.memref_squeeze %dma_start3A_43 : memref<1x80x128xbf16, #tpu.memory_space<vmem>> -> memref<80x128xbf16, #tpu.memory_space<vmem>>
    %dma_start3A_45 = tpu.memref_slice %arg14[%multiple_of3A_4] : memref<10000xi32, #tpu.memory_space<vmem>> -> memref<80xi32, #tpu.memory_space<vmem>>
    %dma_start3A_46 = arith.constant 0 : i32
    %dma_start3A_47 = arith.constant 0 : i32
    %dma_start3A_48 = tpu.memref_slice %arg3[%dma_start3A_46, %dma_start3A_47] : memref<990x128xbf16, #tpu.memory_space<hbm>> -> memref<990x128xbf16, #tpu.memory_space<hbm>>
    tpu.enqueue_indirect_dma source(%dma_start3A_48 : memref<990x128xbf16, #tpu.memory_space<hbm>>) target(%dma_start3A_44 : memref<80x128xbf16, #tpu.memory_space<vmem>>) offsets(%dma_start3A_45 : memref<80xi32, #tpu.memory_space<vmem>>) semaphore(%arg17 : memref<!tpu.dma_semaphore, #tpu.memory_space<semaphore_mem>>)
    %scan3A = arith.constant 0.000000e+00 : f32
    %scan3A_49 = arith.constant 0 : i32
    %scan3A_50 = arith.constant 62 : i32
    %scan3A_51 = arith.addi %scan3A_49, %scan3A_50 : i32
    %scan3A_52 = arith.constant 1 : i32
    %scan3A_53 = scf.for %scan3A_79 = %scan3A_49 to %scan3A_51 step %scan3A_52 iter_args(%scan3A_80 = %scan3A) -> (f32)  : i32 {
      %mul3A_81 = arith.constant 2 : i32
      %mul3A_82 = arith.muli %mul3A_81, %scan3A_79 : i32
      %add3A_83 = arith.constant 1 : i32
      %add3A_84 = arith.addi %mul3A_82, %add3A_83 : i32
      %mul3A_85 = arith.constant 80 : i32
      %mul3A_86 = arith.muli %add3A_84, %mul3A_85 : i32
      %multiple_of3A_87 = tpu.assume_multiple %mul3A_86, 8 : i32
      %dma_start3A_88 = arith.constant 1 : i32
      %dma_start3A_89 = arith.constant 0 : i32
      %dma_start3A_90 = arith.constant 0 : i32
      %dma_start3A_91 = tpu.memref_slice %arg15[%dma_start3A_88, %dma_start3A_89, %dma_start3A_90] : memref<2x400x128xbf16, #tpu.memory_space<vmem>> -> memref<1x80x128xbf16, #tpu.memory_space<vmem>>
      %dma_start3A_92 = tpu.memref_squeeze %dma_start3A_91 : memref<1x80x128xbf16, #tpu.memory_space<vmem>> -> memref<80x128xbf16, #tpu.memory_space<vmem>>
      %dma_start3A_93 = tpu.memref_slice %arg10[%multiple_of3A_87] : memref<10000xi32, #tpu.memory_space<vmem>> -> memref<80xi32, #tpu.memory_space<vmem>>
      %dma_start3A_94 = arith.constant 0 : i32
      %dma_start3A_95 = arith.constant 0 : i32
      %dma_start3A_96 = tpu.memref_slice %arg2[%dma_start3A_94, %dma_start3A_95] : memref<10000x128xbf16, #tpu.memory_space<hbm>> -> memref<10000x128xbf16, #tpu.memory_space<hbm>>
      tpu.enqueue_indirect_dma source(%dma_start3A_96 : memref<10000x128xbf16, #tpu.memory_space<hbm>>) target(%dma_start3A_92 : memref<80x128xbf16, #tpu.memory_space<vmem>>) offsets(%dma_start3A_93 : memref<80xi32, #tpu.memory_space<vmem>>) semaphore(%arg18 : memref<!tpu.dma_semaphore, #tpu.memory_space<semaphore_mem>>)
      %dma_start3A_97 = arith.constant 1 : i32
      %dma_start3A_98 = arith.constant 80 : i32
      %dma_start3A_99 = arith.constant 0 : i32
      %dma_start3A_100 = tpu.memref_slice %arg15[%dma_start3A_97, %dma_start3A_98, %dma_start3A_99] : memref<2x400x128xbf16, #tpu.memory_space<vmem>> -> memref<1x80x128xbf16, #tpu.memory_space<vmem>>
      %dma_start3A_101 = tpu.memref_squeeze %dma_start3A_100 : memref<1x80x128xbf16, #tpu.memory_space<vmem>> -> memref<80x128xbf16, #tpu.memory_space<vmem>>
      %dma_start3A_102 = tpu.memref_slice %arg11[%multiple_of3A_87] : memref<10000xi32, #tpu.memory_space<vmem>> -> memref<80xi32, #tpu.memory_space<vmem>>
      %dma_start3A_103 = arith.constant 0 : i32
      %dma_start3A_104 = arith.constant 0 : i32
      %dma_start3A_105 = tpu.memref_slice %arg2[%dma_start3A_103, %dma_start3A_104] : memref<10000x128xbf16, #tpu.memory_space<hbm>> -> memref<10000x128xbf16, #tpu.memory_space<hbm>>
      tpu.enqueue_indirect_dma source(%dma_start3A_105 : memref<10000x128xbf16, #tpu.memory_space<hbm>>) target(%dma_start3A_101 : memref<80x128xbf16, #tpu.memory_space<vmem>>) offsets(%dma_start3A_102 : memref<80xi32, #tpu.memory_space<vmem>>) semaphore(%arg18 : memref<!tpu.dma_semaphore, #tpu.memory_space<semaphore_mem>>)
      %dma_start3A_106 = arith.constant 1 : i32
      %dma_start3A_107 = arith.constant 160 : i32
      %dma_start3A_108 = arith.constant 0 : i32
      %dma_start3A_109 = tpu.memref_slice %arg15[%dma_start3A_106, %dma_start3A_107, %dma_start3A_108] : memref<2x400x128xbf16, #tpu.memory_space<vmem>> -> memref<1x80x128xbf16, #tpu.memory_space<vmem>>
      %dma_start3A_110 = tpu.memref_squeeze %dma_start3A_109 : memref<1x80x128xbf16, #tpu.memory_space<vmem>> -> memref<80x128xbf16, #tpu.memory_space<vmem>>
      %dma_start3A_111 = tpu.memref_slice %arg12[%multiple_of3A_87] : memref<10000xi32, #tpu.memory_space<vmem>> -> memref<80xi32, #tpu.memory_space<vmem>>
      %dma_start3A_112 = arith.constant 0 : i32
      %dma_start3A_113 = arith.constant 0 : i32
      %dma_start3A_114 = tpu.memref_slice %arg2[%dma_start3A_112, %dma_start3A_113] : memref<10000x128xbf16, #tpu.memory_space<hbm>> -> memref<10000x128xbf16, #tpu.memory_space<hbm>>
      tpu.enqueue_indirect_dma source(%dma_start3A_114 : memref<10000x128xbf16, #tpu.memory_space<hbm>>) target(%dma_start3A_110 : memref<80x128xbf16, #tpu.memory_space<vmem>>) offsets(%dma_start3A_111 : memref<80xi32, #tpu.memory_space<vmem>>) semaphore(%arg18 : memref<!tpu.dma_semaphore, #tpu.memory_space<semaphore_mem>>)
      %dma_start3A_115 = arith.constant 1 : i32
      %dma_start3A_116 = arith.constant 240 : i32
      %dma_start3A_117 = arith.constant 0 : i32
      %dma_start3A_118 = tpu.memref_slice %arg15[%dma_start3A_115, %dma_start3A_116, %dma_start3A_117] : memref<2x400x128xbf16, #tpu.memory_space<vmem>> -> memref<1x80x128xbf16, #tpu.memory_space<vmem>>
      %dma_start3A_119 = tpu.memref_squeeze %dma_start3A_118 : memref<1x80x128xbf16, #tpu.memory_space<vmem>> -> memref<80x128xbf16, #tpu.memory_space<vmem>>
      %dma_start3A_120 = tpu.memref_slice %arg13[%multiple_of3A_87] : memref<10000xi32, #tpu.memory_space<vmem>> -> memref<80xi32, #tpu.memory_space<vmem>>
      %dma_start3A_121 = arith.constant 0 : i32
      %dma_start3A_122 = arith.constant 0 : i32
      %dma_start3A_123 = tpu.memref_slice %arg2[%dma_start3A_121, %dma_start3A_122] : memref<10000x128xbf16, #tpu.memory_space<hbm>> -> memref<10000x128xbf16, #tpu.memory_space<hbm>>
      tpu.enqueue_indirect_dma source(%dma_start3A_123 : memref<10000x128xbf16, #tpu.memory_space<hbm>>) target(%dma_start3A_119 : memref<80x128xbf16, #tpu.memory_space<vmem>>) offsets(%dma_start3A_120 : memref<80xi32, #tpu.memory_space<vmem>>) semaphore(%arg18 : memref<!tpu.dma_semaphore, #tpu.memory_space<semaphore_mem>>)
      %dma_start3A_124 = arith.constant 1 : i32
      %dma_start3A_125 = arith.constant 320 : i32
      %dma_start3A_126 = arith.constant 0 : i32
      %dma_start3A_127 = tpu.memref_slice %arg15[%dma_start3A_124, %dma_start3A_125, %dma_start3A_126] : memref<2x400x128xbf16, #tpu.memory_space<vmem>> -> memref<1x80x128xbf16, #tpu.memory_space<vmem>>
      %dma_start3A_128 = tpu.memref_squeeze %dma_start3A_127 : memref<1x80x128xbf16, #tpu.memory_space<vmem>> -> memref<80x128xbf16, #tpu.memory_space<vmem>>
      %dma_start3A_129 = tpu.memref_slice %arg14[%multiple_of3A_87] : memref<10000xi32, #tpu.memory_space<vmem>> -> memref<80xi32, #tpu.memory_space<vmem>>
      %dma_start3A_130 = arith.constant 0 : i32
      %dma_start3A_131 = arith.constant 0 : i32
      %dma_start3A_132 = tpu.memref_slice %arg3[%dma_start3A_130, %dma_start3A_131] : memref<990x128xbf16, #tpu.memory_space<hbm>> -> memref<990x128xbf16, #tpu.memory_space<hbm>>
      tpu.enqueue_indirect_dma source(%dma_start3A_132 : memref<990x128xbf16, #tpu.memory_space<hbm>>) target(%dma_start3A_128 : memref<80x128xbf16, #tpu.memory_space<vmem>>) offsets(%dma_start3A_129 : memref<80xi32, #tpu.memory_space<vmem>>) semaphore(%arg18 : memref<!tpu.dma_semaphore, #tpu.memory_space<semaphore_mem>>)
      %dma_wait3A_133 = arith.constant 0 : i32
      %dma_wait3A_134 = arith.constant 0 : i32
      %dma_wait3A_135 = arith.constant 0 : i32
      %dma_wait3A_136 = tpu.memref_slice %arg15[%dma_wait3A_133, %dma_wait3A_134, %dma_wait3A_135] : memref<2x400x128xbf16, #tpu.memory_space<vmem>> -> memref<1x400x128xbf16, #tpu.memory_space<vmem>>
      %dma_wait3A_137 = tpu.memref_squeeze %dma_wait3A_136 : memref<1x400x128xbf16, #tpu.memory_space<vmem>> -> memref<400x128xbf16, #tpu.memory_space<vmem>>
      %dma_wait3A_138 = arith.constant 0 : i32
      %dma_wait3A_139 = arith.constant 0 : i32
      %dma_wait3A_140 = tpu.memref_slice %arg2[%dma_wait3A_138, %dma_wait3A_139] : memref<10000x128xbf16, #tpu.memory_space<hbm>> -> memref<400x128xbf16, #tpu.memory_space<hbm>>
      %dma_wait3A_141 = arith.constant 0 : i32
      %dma_wait3A_142 = arith.constant 0 : i32
      %dma_wait3A_143 = tpu.memref_slice %arg15[%dma_wait3A_133, %dma_wait3A_141, %dma_wait3A_142] : memref<2x400x128xbf16, #tpu.memory_space<vmem>> -> memref<1x400x128xbf16, #tpu.memory_space<vmem>>
      %dma_wait3A_144 = tpu.memref_squeeze %dma_wait3A_143 : memref<1x400x128xbf16, #tpu.memory_space<vmem>> -> memref<400x128xbf16, #tpu.memory_space<vmem>>
      %dma_wait3A_145 = arith.constant 0 : i32
      %dma_wait3A_146 = arith.constant 0 : i32
      %dma_wait3A_147 = tpu.memref_slice %arg2[%dma_wait3A_145, %dma_wait3A_146] : memref<10000x128xbf16, #tpu.memory_space<hbm>> -> memref<400x128xbf16, #tpu.memory_space<hbm>>
      tpu.wait_dma2 semaphore(%arg17 : memref<!tpu.dma_semaphore, #tpu.memory_space<semaphore_mem>>) src(%dma_wait3A_147 : memref<400x128xbf16, #tpu.memory_space<hbm>>) dst(%dma_wait3A_144 : memref<400x128xbf16, #tpu.memory_space<vmem>>)
      %scan3A_148 = arith.constant 0 : i32
      %scan3A_149 = arith.constant 80 : i32
      %scan3A_150 = arith.addi %scan3A_148, %scan3A_149 : i32
      %scan3A_151 = arith.constant 4 : i32
      %scan3A_152 = scf.for %scan3A_227 = %scan3A_148 to %scan3A_150 step %scan3A_151 iter_args(%scan3A_228 = %scan3A_80) -> (f32)  : i32 {
        %add3A_229 = arith.constant 320 : i32
        %add3A_230 = arith.addi %add3A_229, %scan3A_227 : i32
        %get3A = arith.constant 0 : i32
        %get3A_231 = arith.index_cast %get3A : i32 to index
        %get3A_232 = arith.index_cast %add3A_230 : i32 to index
        %get3A_233 = arith.constant 0 : index
        %get3A_234 = tpu.vector_load %arg15[%get3A_231, %get3A_232, %get3A_233] {strides = array<i32>} : memref<2x400x128xbf16, #tpu.memory_space<vmem>>, vector<32xbf16>,
        %get3A_235 = arith.constant 0 : i32
        %get3A_236 = arith.index_cast %get3A_235 : i32 to index
        %get3A_237 = arith.index_cast %scan3A_227 : i32 to index
        %get3A_238 = arith.constant 0 : index
        %get3A_239 = tpu.vector_load %arg15[%get3A_236, %get3A_237, %get3A_238] {strides = array<i32>} : memref<2x400x128xbf16, #tpu.memory_space<vmem>>, vector<32xbf16>,
        %add3A_240 = arith.addf %get3A_239, %get3A_234 : vector<32xbf16>
        %add3A_241 = arith.constant 80 : i32
        %add3A_242 = arith.addi %add3A_241, %scan3A_227 : i32
        %get3A_243 = arith.constant 0 : i32
        %get3A_244 = arith.index_cast %get3A_243 : i32 to index
        %get3A_245 = arith.index_cast %add3A_242 : i32 to index
        %get3A_246 = arith.constant 0 : index
        %get3A_247 = tpu.vector_load %arg15[%get3A_244, %get3A_245, %get3A_246] {strides = array<i32>} : memref<2x400x128xbf16, #tpu.memory_space<vmem>>, vector<32xbf16>,
        %sub3A = arith.subf %add3A_240, %get3A_247 : vector<32xbf16>
        %unpack3A = tpu.unpack_subelements %sub3A, 0 {pack_format = #tpu.pack_format<interleaved>} : vector<32xbf16> -> vector<16xf32>
        %unpack3A_248 = tpu.unpack_subelements %sub3A, 1 {pack_format = #tpu.pack_format<interleaved>} : vector<32xbf16> -> vector<16xf32>
        %add3A_249 = arith.constant 160 : i32
        %add3A_250 = arith.addi %add3A_249, %scan3A_227 : i32
        %get3A_251 = arith.constant 0 : i32
        %get3A_252 = arith.index_cast %get3A_251 : i32 to index
        %get3A_253 = arith.index_cast %add3A_250 : i32 to index
        %get3A_254 = arith.constant 0 : index
        %get3A_255 = tpu.vector_load %arg15[%get3A_252, %get3A_253, %get3A_254] {strides = array<i32>} : memref<2x400x128xbf16, #tpu.memory_space<vmem>>, vector<32xbf16>,
        %add3A_256 = arith.addf %get3A_255, %get3A_234 : vector<32xbf16>
        %add3A_257 = arith.constant 240 : i32
        %add3A_258 = arith.addi %add3A_257, %scan3A_227 : i32
        %get3A_259 = arith.constant 0 : i32
        %get3A_260 = arith.index_cast %get3A_259 : i32 to index
        %get3A_261 = arith.index_cast %add3A_258 : i32 to index
        %get3A_262 = arith.constant 0 : index
        %get3A_263 = tpu.vector_load %arg15[%get3A_260, %get3A_261, %get3A_262] {strides = array<i32>} : memref<2x400x128xbf16, #tpu.memory_space<vmem>>, vector<32xbf16>,
        %sub3A_264 = arith.subf %add3A_256, %get3A_263 : vector<32xbf16>
        %unpack3A_265 = tpu.unpack_subelements %sub3A_264, 0 {pack_format = #tpu.pack_format<interleaved>} : vector<32xbf16> -> vector<16xf32>
        %unpack3A_266 = tpu.unpack_subelements %sub3A_264, 1 {pack_format = #tpu.pack_format<interleaved>} : vector<32xbf16> -> vector<16xf32>
        %mul3A_267 = arith.mulf %unpack3A, %unpack3A : vector<16xf32>
        %mul3A_268 = arith.mulf %unpack3A_248, %unpack3A_248 : vector<16xf32>
        %add3A_269 = arith.addf %mul3A_267, %mul3A_268 : vector<16xf32>
        %mul3A_270 = arith.mulf %unpack3A_265, %unpack3A_265 : vector<16xf32>
        %mul3A_271 = arith.mulf %unpack3A_266, %unpack3A_266 : vector<16xf32>
        %add3A_272 = arith.addf %mul3A_270, %mul3A_271 : vector<16xf32>
        %add3A_273 = arith.constant 320 : i32
        %add3A_274 = arith.addi %add3A_273, %scan3A_227 : i32
        %get3A_275 = arith.constant 0 : i32
        %get3A_276 = arith.index_cast %get3A_275 : i32 to index
        %get3A_277 = arith.index_cast %add3A_274 : i32 to index
        %get3A_278 = arith.constant 32 : index
        %get3A_279 = tpu.vector_load %arg15[%get3A_276, %get3A_277, %get3A_278] {strides = array<i32>} : memref<2x400x128xbf16, #tpu.memory_space<vmem>>, vector<32xbf16>,
        %get3A_280 = arith.constant 0 : i32
        %get3A_281 = arith.index_cast %get3A_280 : i32 to index
        %get3A_282 = arith.index_cast %scan3A_227 : i32 to index
        %get3A_283 = arith.constant 32 : index
        %get3A_284 = tpu.vector_load %arg15[%get3A_281, %get3A_282, %get3A_283] {strides = array<i32>} : memref<2x400x128xbf16, #tpu.memory_space<vmem>>, vector<32xbf16>,
        %add3A_285 = arith.addf %get3A_284, %get3A_279 : vector<32xbf16>
        %add3A_286 = arith.constant 80 : i32
        %add3A_287 = arith.addi %add3A_286, %scan3A_227 : i32
        %get3A_288 = arith.constant 0 : i32
        %get3A_289 = arith.index_cast %get3A_288 : i32 to index
        %get3A_290 = arith.index_cast %add3A_287 : i32 to index
        %get3A_291 = arith.constant 32 : index
        %get3A_292 = tpu.vector_load %arg15[%get3A_289, %get3A_290, %get3A_291] {strides = array<i32>} : memref<2x400x128xbf16, #tpu.memory_space<vmem>>, vector<32xbf16>,
        %sub3A_293 = arith.subf %add3A_285, %get3A_292 : vector<32xbf16>
        %unpack3A_294 = tpu.unpack_subelements %sub3A_293, 0 {pack_format = #tpu.pack_format<interleaved>} : vector<32xbf16> -> vector<16xf32>
        %unpack3A_295 = tpu.unpack_subelements %sub3A_293, 1 {pack_format = #tpu.pack_format<interleaved>} : vector<32xbf16> -> vector<16xf32>
        %add3A_296 = arith.constant 160 : i32
        %add3A_297 = arith.addi %add3A_296, %scan3A_227 : i32
        %get3A_298 = arith.constant 0 : i32
        %get3A_299 = arith.index_cast %get3A_298 : i32 to index
        %get3A_300 = arith.index_cast %add3A_297 : i32 to index
        %get3A_301 = arith.constant 32 : index
        %get3A_302 = tpu.vector_load %arg15[%get3A_299, %get3A_300, %get3A_301] {strides = array<i32>} : memref<2x400x128xbf16, #tpu.memory_space<vmem>>, vector<32xbf16>,
        %add3A_303 = arith.addf %get3A_302, %get3A_279 : vector<32xbf16>
        %add3A_304 = arith.constant 240 : i32
        %add3A_305 = arith.addi %add3A_304, %scan3A_227 : i32
        %get3A_306 = arith.constant 0 : i32
        %get3A_307 = arith.index_cast %get3A_306 : i32 to index
        %get3A_308 = arith.index_cast %add3A_305 : i32 to index
        %get3A_309 = arith.constant 32 : index
        %get3A_310 = tpu.vector_load %arg15[%get3A_307, %get3A_308, %get3A_309] {strides = array<i32>} : memref<2x400x128xbf16, #tpu.memory_space<vmem>>, vector<32xbf16>,
        %sub3A_311 = arith.subf %add3A_303, %get3A_310 : vector<32xbf16>
        %unpack3A_312 = tpu.unpack_subelements %sub3A_311, 0 {pack_format = #tpu.pack_format<interleaved>} : vector<32xbf16> -> vector<16xf32>
        %unpack3A_313 = tpu.unpack_subelements %sub3A_311, 1 {pack_format = #tpu.pack_format<interleaved>} : vector<32xbf16> -> vector<16xf32>
        %mul3A_314 = arith.mulf %unpack3A_294, %unpack3A_294 : vector<16xf32>
        %add3A_315 = arith.addf %add3A_269, %mul3A_314 : vector<16xf32>
        %mul3A_316 = arith.mulf %unpack3A_295, %unpack3A_295 : vector<16xf32>
        %add3A_317 = arith.addf %add3A_315, %mul3A_316 : vector<16xf32>
        %mul3A_318 = arith.mulf %unpack3A_312, %unpack3A_312 : vector<16xf32>
        %add3A_319 = arith.addf %add3A_272, %mul3A_318 : vector<16xf32>
        %mul3A_320 = arith.mulf %unpack3A_313, %unpack3A_313 : vector<16xf32>
        %add3A_321 = arith.addf %add3A_319, %mul3A_320 : vector<16xf32>
        %add3A_322 = arith.constant 320 : i32
        %add3A_323 = arith.addi %add3A_322, %scan3A_227 : i32
        %get3A_324 = arith.constant 0 : i32
        %get3A_325 = arith.index_cast %get3A_324 : i32 to index
        %get3A_326 = arith.index_cast %add3A_323 : i32 to index
        %get3A_327 = arith.constant 64 : index
        %get3A_328 = tpu.vector_load %arg15[%get3A_325, %get3A_326, %get3A_327] {strides = array<i32>} : memref<2x400x128xbf16, #tpu.memory_space<vmem>>, vector<32xbf16>,
        %get3A_329 = arith.constant 0 : i32
        %get3A_330 = arith.index_cast %get3A_329 : i32 to index
        %get3A_331 = arith.index_cast %scan3A_227 : i32 to index
        %get3A_332 = arith.constant 64 : index
        %get3A_333 = tpu.vector_load %arg15[%get3A_330, %get3A_331, %get3A_332] {strides = array<i32>} : memref<2x400x128xbf16, #tpu.memory_space<vmem>>, vector<32xbf16>,
        %add3A_334 = arith.addf %get3A_333, %get3A_328 : vector<32xbf16>
        %add3A_335 = arith.constant 80 : i32
        %add3A_336 = arith.addi %add3A_335, %scan3A_227 : i32
        %get3A_337 = arith.constant 0 : i32
        %get3A_338 = arith.index_cast %get3A_337 : i32 to index
        %get3A_339 = arith.index_cast %add3A_336 : i32 to index
        %get3A_340 = arith.constant 64 : index
        %get3A_341 = tpu.vector_load %arg15[%get3A_338, %get3A_339, %get3A_340] {strides = array<i32>} : memref<2x400x128xbf16, #tpu.memory_space<vmem>>, vector<32xbf16>,
        %sub3A_342 = arith.subf %add3A_334, %get3A_341 : vector<32xbf16>
        %unpack3A_343 = tpu.unpack_subelements %sub3A_342, 0 {pack_format = #tpu.pack_format<interleaved>} : vector<32xbf16> -> vector<16xf32>
        %unpack3A_344 = tpu.unpack_subelements %sub3A_342, 1 {pack_format = #tpu.pack_format<interleaved>} : vector<32xbf16> -> vector<16xf32>
        %add3A_345 = arith.constant 160 : i32
        %add3A_346 = arith.addi %add3A_345, %scan3A_227 : i32
        %get3A_347 = arith.constant 0 : i32
        %get3A_348 = arith.index_cast %get3A_347 : i32 to index
        %get3A_349 = arith.index_cast %add3A_346 : i32 to index
        %get3A_350 = arith.constant 64 : index
        %get3A_351 = tpu.vector_load %arg15[%get3A_348, %get3A_349, %get3A_350] {strides = array<i32>} : memref<2x400x128xbf16, #tpu.memory_space<vmem>>, vector<32xbf16>,
        %add3A_352 = arith.addf %get3A_351, %get3A_328 : vector<32xbf16>
        %add3A_353 = arith.constant 240 : i32
        %add3A_354 = arith.addi %add3A_353, %scan3A_227 : i32
        %get3A_355 = arith.constant 0 : i32
        %get3A_356 = arith.index_cast %get3A_355 : i32 to index
        %get3A_357 = arith.index_cast %add3A_354 : i32 to index
        %get3A_358 = arith.constant 64 : index
        %get3A_359 = tpu.vector_load %arg15[%get3A_356, %get3A_357, %get3A_358] {strides = array<i32>} : memref<2x400x128xbf16, #tpu.memory_space<vmem>>, vector<32xbf16>,
        %sub3A_360 = arith.subf %add3A_352, %get3A_359 : vector<32xbf16>
        %unpack3A_361 = tpu.unpack_subelements %sub3A_360, 0 {pack_format = #tpu.pack_format<interleaved>} : vector<32xbf16> -> vector<16xf32>
        %unpack3A_362 = tpu.unpack_subelements %sub3A_360, 1 {pack_format = #tpu.pack_format<interleaved>} : vector<32xbf16> -> vector<16xf32>
        %mul3A_363 = arith.mulf %unpack3A_343, %unpack3A_343 : vector<16xf32>
        %add3A_364 = arith.addf %add3A_317, %mul3A_363 : vector<16xf32>
        %mul3A_365 = arith.mulf %unpack3A_344, %unpack3A_344 : vector<16xf32>
        %add3A_366 = arith.addf %add3A_364, %mul3A_365 : vector<16xf32>
        %mul3A_367 = arith.mulf %unpack3A_361, %unpack3A_361 : vector<16xf32>
        %add3A_368 = arith.addf %add3A_321, %mul3A_367 : vector<16xf32>
        %mul3A_369 = arith.mulf %unpack3A_362, %unpack3A_362 : vector<16xf32>
        %add3A_370 = arith.addf %add3A_368, %mul3A_369 : vector<16xf32>
        %add3A_371 = arith.constant 320 : i32
        %add3A_372 = arith.addi %add3A_371, %scan3A_227 : i32
        %get3A_373 = arith.constant 0 : i32
        %get3A_374 = arith.index_cast %get3A_373 : i32 to index
        %get3A_375 = arith.index_cast %add3A_372 : i32 to index
        %get3A_376 = arith.constant 96 : index
        %get3A_377 = tpu.vector_load %arg15[%get3A_374, %get3A_375, %get3A_376] {strides = array<i32>} : memref<2x400x128xbf16, #tpu.memory_space<vmem>>, vector<32xbf16>,
        %get3A_378 = arith.constant 0 : i32
        %get3A_379 = arith.index_cast %get3A_378 : i32 to index
        %get3A_380 = arith.index_cast %scan3A_227 : i32 to index
        %get3A_381 = arith.constant 96 : index
        %get3A_382 = tpu.vector_load %arg15[%get3A_379, %get3A_380, %get3A_381] {strides = array<i32>} : memref<2x400x128xbf16, #tpu.memory_space<vmem>>, vector<32xbf16>,
        %add3A_383 = arith.addf %get3A_382, %get3A_377 : vector<32xbf16>
        %add3A_384 = arith.constant 80 : i32
        %add3A_385 = arith.addi %add3A_384, %scan3A_227 : i32
        %get3A_386 = arith.constant 0 : i32
        %get3A_387 = arith.index_cast %get3A_386 : i32 to index
        %get3A_388 = arith.index_cast %add3A_385 : i32 to index
        %get3A_389 = arith.constant 96 : index
        %get3A_390 = tpu.vector_load %arg15[%get3A_387, %get3A_388, %get3A_389] {strides = array<i32>} : memref<2x400x128xbf16, #tpu.memory_space<vmem>>, vector<32xbf16>,
        %sub3A_391 = arith.subf %add3A_383, %get3A_390 : vector<32xbf16>
        %unpack3A_392 = tpu.unpack_subelements %sub3A_391, 0 {pack_format = #tpu.pack_format<interleaved>} : vector<32xbf16> -> vector<16xf32>
        %unpack3A_393 = tpu.unpack_subelements %sub3A_391, 1 {pack_format = #tpu.pack_format<interleaved>} : vector<32xbf16> -> vector<16xf32>
        %add3A_394 = arith.constant 160 : i32
        %add3A_395 = arith.addi %add3A_394, %scan3A_227 : i32
        %get3A_396 = arith.constant 0 : i32
        %get3A_397 = arith.index_cast %get3A_396 : i32 to index
        %get3A_398 = arith.index_cast %add3A_395 : i32 to index
        %get3A_399 = arith.constant 96 : index
        %get3A_400 = tpu.vector_load %arg15[%get3A_397, %get3A_398, %get3A_399] {strides = array<i32>} : memref<2x400x128xbf16, #tpu.memory_space<vmem>>, vector<32xbf16>,
        %add3A_401 = arith.addf %get3A_400, %get3A_377 : vector<32xbf16>
        %add3A_402 = arith.constant 240 : i32
        %add3A_403 = arith.addi %add3A_402, %scan3A_227 : i32
        %get3A_404 = arith.constant 0 : i32
        %get3A_405 = arith.index_cast %get3A_404 : i32 to index
        %get3A_406 = arith.index_cast %add3A_403 : i32 to index
        %get3A_407 = arith.constant 96 : index
        %get3A_408 = tpu.vector_load %arg15[%get3A_405, %get3A_406, %get3A_407] {strides = array<i32>} : memref<2x400x128xbf16, #tpu.memory_space<vmem>>, vector<32xbf16>,
        %sub3A_409 = arith.subf %add3A_401, %get3A_408 : vector<32xbf16>
        %unpack3A_410 = tpu.unpack_subelements %sub3A_409, 0 {pack_format = #tpu.pack_format<interleaved>} : vector<32xbf16> -> vector<16xf32>
        %unpack3A_411 = tpu.unpack_subelements %sub3A_409, 1 {pack_format = #tpu.pack_format<interleaved>} : vector<32xbf16> -> vector<16xf32>
        %mul3A_412 = arith.mulf %unpack3A_392, %unpack3A_392 : vector<16xf32>
        %add3A_413 = arith.addf %add3A_366, %mul3A_412 : vector<16xf32>
        %mul3A_414 = arith.mulf %unpack3A_393, %unpack3A_393 : vector<16xf32>
        %add3A_415 = arith.addf %add3A_413, %mul3A_414 : vector<16xf32>
        %mul3A_416 = arith.mulf %unpack3A_410, %unpack3A_410 : vector<16xf32>
        %add3A_417 = arith.addf %add3A_370, %mul3A_416 : vector<16xf32>
        %mul3A_418 = arith.mulf %unpack3A_411, %unpack3A_411 : vector<16xf32>
        %add3A_419 = arith.addf %add3A_417, %mul3A_418 : vector<16xf32>
        %reduce_sum3A = arith.constant true
        %reduce_sum3A_420 = vector.broadcast %reduce_sum3A : i1 to vector<16xi1>
        %reduce_sum3A_421 = tpu.scan <sum>, %add3A_415 masked %reduce_sum3A_420 : vector<16xf32>, vector<16xi1> -> vector<16xf32>
        %reduce_sum3A_422 = vector.extract %reduce_sum3A_421[15] : f32 from vector<16xf32>
        %bitcast_convert_type3A = arith.bitcast %reduce_sum3A_422 : f32 to i32
        %shift_right_arithmetic3A = arith.constant 1 : i32
        %shift_right_arithmetic3A_423 = arith.shrsi %bitcast_convert_type3A, %shift_right_arithmetic3A : i32
        %sub3A_424 = arith.constant 1597463007 : i32
        %sub3A_425 = arith.subi %sub3A_424, %shift_right_arithmetic3A_423 : i32
        %bitcast_convert_type3A_426 = arith.bitcast %sub3A_425 : i32 to f32
        %mul3A_427 = arith.constant 5.000000e-01 : f32
        %mul3A_428 = arith.mulf %mul3A_427, %reduce_sum3A_422 : f32
        %mul3A_429 = arith.mulf %mul3A_428, %bitcast_convert_type3A_426 : f32
        %mul3A_430 = arith.mulf %mul3A_429, %bitcast_convert_type3A_426 : f32
        %sub3A_431 = arith.constant 1.500000e+00 : f32
        %sub3A_432 = arith.subf %sub3A_431, %mul3A_430 : f32
        %mul3A_433 = arith.mulf %bitcast_convert_type3A_426, %sub3A_432 : f32
        %mul3A_434 = arith.constant 5.000000e-01 : f32
        %mul3A_435 = arith.mulf %mul3A_434, %reduce_sum3A_422 : f32
        %mul3A_436 = arith.mulf %mul3A_435, %mul3A_433 : f32
        %mul3A_437 = arith.mulf %mul3A_436, %mul3A_433 : f32
        %sub3A_438 = arith.constant 1.500000e+00 : f32
        %sub3A_439 = arith.subf %sub3A_438, %mul3A_437 : f32
        %mul3A_440 = arith.mulf %mul3A_433, %sub3A_439 : f32
        %mul3A_441 = arith.mulf %reduce_sum3A_422, %mul3A_440 : f32
        %reduce_sum3A_442 = arith.constant true
        %reduce_sum3A_443 = vector.broadcast %reduce_sum3A_442 : i1 to vector<16xi1>
        %reduce_sum3A_444 = tpu.scan <sum>, %add3A_419 masked %reduce_sum3A_443 : vector<16xf32>, vector<16xi1> -> vector<16xf32>
        %reduce_sum3A_445 = vector.extract %reduce_sum3A_444[15] : f32 from vector<16xf32>
        %bitcast_convert_type3A_446 = arith.bitcast %reduce_sum3A_445 : f32 to i32
        %shift_right_arithmetic3A_447 = arith.constant 1 : i32
        %shift_right_arithmetic3A_448 = arith.shrsi %bitcast_convert_type3A_446, %shift_right_arithmetic3A_447 : i32
        %sub3A_449 = arith.constant 1597463007 : i32
        %sub3A_450 = arith.subi %sub3A_449, %shift_right_arithmetic3A_448 : i32
        %bitcast_convert_type3A_451 = arith.bitcast %sub3A_450 : i32 to f32
        %mul3A_452 = arith.constant 5.000000e-01 : f32
        %mul3A_453 = arith.mulf %mul3A_452, %reduce_sum3A_445 : f32
        %mul3A_454 = arith.mulf %mul3A_453, %bitcast_convert_type3A_451 : f32
        %mul3A_455 = arith.mulf %mul3A_454, %bitcast_convert_type3A_451 : f32
        %sub3A_456 = arith.constant 1.500000e+00 : f32
        %sub3A_457 = arith.subf %sub3A_456, %mul3A_455 : f32
        %mul3A_458 = arith.mulf %bitcast_convert_type3A_451, %sub3A_457 : f32
        %mul3A_459 = arith.constant 5.000000e-01 : f32
        %mul3A_460 = arith.mulf %mul3A_459, %reduce_sum3A_445 : f32
        %mul3A_461 = arith.mulf %mul3A_460, %mul3A_458 : f32
        %mul3A_462 = arith.mulf %mul3A_461, %mul3A_458 : f32
        %sub3A_463 = arith.constant 1.500000e+00 : f32
        %sub3A_464 = arith.subf %sub3A_463, %mul3A_462 : f32
        %mul3A_465 = arith.mulf %mul3A_458, %sub3A_464 : f32
        %mul3A_466 = arith.mulf %reduce_sum3A_445, %mul3A_465 : f32
        %sub3A_467 = arith.subf %mul3A_441, %mul3A_466 : f32
        %add3A_468 = arith.constant 1.000000e+00 : f32
        %add3A_469 = arith.addf %sub3A_467, %add3A_468 : f32
        %max3A = arith.constant 0.000000e+00 : f32
        %max3A_470 = arith.maximumf %add3A_469, %max3A : f32
        %add3A_471 = arith.addf %scan3A_228, %max3A_470 : f32
        %scan3A_472 = arith.constant 1 : i32
        %scan3A_473 = arith.addi %scan3A_227, %scan3A_472 : i32
        %add3A_474 = arith.constant 320 : i32
        %add3A_475 = arith.addi %add3A_474, %scan3A_473 : i32
        %get3A_476 = arith.constant 0 : i32
        %get3A_477 = arith.index_cast %get3A_476 : i32 to index
        %get3A_478 = arith.index_cast %add3A_475 : i32 to index
        %get3A_479 = arith.constant 0 : index
        %get3A_480 = tpu.vector_load %arg15[%get3A_477, %get3A_478, %get3A_479] {strides = array<i32>} : memref<2x400x128xbf16, #tpu.memory_space<vmem>>, vector<32xbf16>,
        %get3A_481 = arith.constant 0 : i32
        %get3A_482 = arith.index_cast %get3A_481 : i32 to index
        %get3A_483 = arith.index_cast %scan3A_473 : i32 to index
        %get3A_484 = arith.constant 0 : index
        %get3A_485 = tpu.vector_load %arg15[%get3A_482, %get3A_483, %get3A_484] {strides = array<i32>} : memref<2x400x128xbf16, #tpu.memory_space<vmem>>, vector<32xbf16>,
        %add3A_486 = arith.addf %get3A_485, %get3A_480 : vector<32xbf16>
        %add3A_487 = arith.constant 80 : i32
        %add3A_488 = arith.addi %add3A_487, %scan3A_473 : i32
        %get3A_489 = arith.constant 0 : i32
        %get3A_490 = arith.index_cast %get3A_489 : i32 to index
        %get3A_491 = arith.index_cast %add3A_488 : i32 to index
        %get3A_492 = arith.constant 0 : index
        %get3A_493 = tpu.vector_load %arg15[%get3A_490, %get3A_491, %get3A_492] {strides = array<i32>} : memref<2x400x128xbf16, #tpu.memory_space<vmem>>, vector<32xbf16>,
        %sub3A_494 = arith.subf %add3A_486, %get3A_493 : vector<32xbf16>
        %unpack3A_495 = tpu.unpack_subelements %sub3A_494, 0 {pack_format = #tpu.pack_format<interleaved>} : vector<32xbf16> -> vector<16xf32>
        %unpack3A_496 = tpu.unpack_subelements %sub3A_494, 1 {pack_format = #tpu.pack_format<interleaved>} : vector<32xbf16> -> vector<16xf32>
        %add3A_497 = arith.constant 160 : i32
        %add3A_498 = arith.addi %add3A_497, %scan3A_473 : i32
        %get3A_499 = arith.constant 0 : i32
        %get3A_500 = arith.index_cast %get3A_499 : i32 to index
        %get3A_501 = arith.index_cast %add3A_498 : i32 to index
        %get3A_502 = arith.constant 0 : index
        %get3A_503 = tpu.vector_load %arg15[%get3A_500, %get3A_501, %get3A_502] {strides = array<i32>} : memref<2x400x128xbf16, #tpu.memory_space<vmem>>, vector<32xbf16>,
        %add3A_504 = arith.addf %get3A_503, %get3A_480 : vector<32xbf16>
        %add3A_505 = arith.constant 240 : i32
        %add3A_506 = arith.addi %add3A_505, %scan3A_473 : i32
        %get3A_507 = arith.constant 0 : i32
        %get3A_508 = arith.index_cast %get3A_507 : i32 to index
        %get3A_509 = arith.index_cast %add3A_506 : i32 to index
        %get3A_510 = arith.constant 0 : index
        %get3A_511 = tpu.vector_load %arg15[%get3A_508, %get3A_509, %get3A_510] {strides = array<i32>} : memref<2x400x128xbf16, #tpu.memory_space<vmem>>, vector<32xbf16>,
        %sub3A_512 = arith.subf %add3A_504, %get3A_511 : vector<32xbf16>
        %unpack3A_513 = tpu.unpack_subelements %sub3A_512, 0 {pack_format = #tpu.pack_format<interleaved>} : vector<32xbf16> -> vector<16xf32>
        %unpack3A_514 = tpu.unpack_subelements %sub3A_512, 1 {pack_format = #tpu.pack_format<interleaved>} : vector<32xbf16> -> vector<16xf32>
        %mul3A_515 = arith.mulf %unpack3A_495, %unpack3A_495 : vector<16xf32>
        %mul3A_516 = arith.mulf %unpack3A_496, %unpack3A_496 : vector<16xf32>
        %add3A_517 = arith.addf %mul3A_515, %mul3A_516 : vector<16xf32>
        %mul3A_518 = arith.mulf %unpack3A_513, %unpack3A_513 : vector<16xf32>
        %mul3A_519 = arith.mulf %unpack3A_514, %unpack3A_514 : vector<16xf32>
        %add3A_520 = arith.addf %mul3A_518, %mul3A_519 : vector<16xf32>
        %add3A_521 = arith.constant 320 : i32
        %add3A_522 = arith.addi %add3A_521, %scan3A_473 : i32
        %get3A_523 = arith.constant 0 : i32
        %get3A_524 = arith.index_cast %get3A_523 : i32 to index
        %get3A_525 = arith.index_cast %add3A_522 : i32 to index
        %get3A_526 = arith.constant 32 : index
        %get3A_527 = tpu.vector_load %arg15[%get3A_524, %get3A_525, %get3A_526] {strides = array<i32>} : memref<2x400x128xbf16, #tpu.memory_space<vmem>>, vector<32xbf16>,
        %get3A_528 = arith.constant 0 : i32
        %get3A_529 = arith.index_cast %get3A_528 : i32 to index
        %get3A_530 = arith.index_cast %scan3A_473 : i32 to index
        %get3A_531 = arith.constant 32 : index
        %get3A_532 = tpu.vector_load %arg15[%get3A_529, %get3A_530, %get3A_531] {strides = array<i32>} : memref<2x400x128xbf16, #tpu.memory_space<vmem>>, vector<32xbf16>,
        %add3A_533 = arith.addf %get3A_532, %get3A_527 : vector<32xbf16>
        %add3A_534 = arith.constant 80 : i32
        %add3A_535 = arith.addi %add3A_534, %scan3A_473 : i32
        %get3A_536 = arith.constant 0 : i32
        %get3A_537 = arith.index_cast %get3A_536 : i32 to index
        %get3A_538 = arith.index_cast %add3A_535 : i32 to index
        %get3A_539 = arith.constant 32 : index
        %get3A_540 = tpu.vector_load %arg15[%get3A_537, %get3A_538, %get3A_539] {strides = array<i32>} : memref<2x400x128xbf16, #tpu.memory_space<vmem>>, vector<32xbf16>,
        %sub3A_541 = arith.subf %add3A_533, %get3A_540 : vector<32xbf16>
        %unpack3A_542 = tpu.unpack_subelements %sub3A_541, 0 {pack_format = #tpu.pack_format<interleaved>} : vector<32xbf16> -> vector<16xf32>
        %unpack3A_543 = tpu.unpack_subelements %sub3A_541, 1 {pack_format = #tpu.pack_format<interleaved>} : vector<32xbf16> -> vector<16xf32>
        %add3A_544 = arith.constant 160 : i32
        %add3A_545 = arith.addi %add3A_544, %scan3A_473 : i32
        %get3A_546 = arith.constant 0 : i32
        %get3A_547 = arith.index_cast %get3A_546 : i32 to index
        %get3A_548 = arith.index_cast %add3A_545 : i32 to index
        %get3A_549 = arith.constant 32 : index
        %get3A_550 = tpu.vector_load %arg15[%get3A_547, %get3A_548, %get3A_549] {strides = array<i32>} : memref<2x400x128xbf16, #tpu.memory_space<vmem>>, vector<32xbf16>,
        %add3A_551 = arith.addf %get3A_550, %get3A_527 : vector<32xbf16>
        %add3A_552 = arith.constant 240 : i32
        %add3A_553 = arith.addi %add3A_552, %scan3A_473 : i32
        %get3A_554 = arith.constant 0 : i32
        %get3A_555 = arith.index_cast %get3A_554 : i32 to index
        %get3A_556 = arith.index_cast %add3A_553 : i32 to index
        %get3A_557 = arith.constant 32 : index
        %get3A_558 = tpu.vector_load %arg15[%get3A_555, %get3A_556, %get3A_557] {strides = array<i32>} : memref<2x400x128xbf16, #tpu.memory_space<vmem>>, vector<32xbf16>,
        %sub3A_559 = arith.subf %add3A_551, %get3A_558 : vector<32xbf16>
        %unpack3A_560 = tpu.unpack_subelements %sub3A_559, 0 {pack_format = #tpu.pack_format<interleaved>} : vector<32xbf16> -> vector<16xf32>
        %unpack3A_561 = tpu.unpack_subelements %sub3A_559, 1 {pack_format = #tpu.pack_format<interleaved>} : vector<32xbf16> -> vector<16xf32>
        %mul3A_562 = arith.mulf %unpack3A_542, %unpack3A_542 : vector<16xf32>
        %add3A_563 = arith.addf %add3A_517, %mul3A_562 : vector<16xf32>
        %mul3A_564 = arith.mulf %unpack3A_543, %unpack3A_543 : vector<16xf32>
        %add3A_565 = arith.addf %add3A_563, %mul3A_564 : vector<16xf32>
        %mul3A_566 = arith.mulf %unpack3A_560, %unpack3A_560 : vector<16xf32>
        %add3A_567 = arith.addf %add3A_520, %mul3A_566 : vector<16xf32>
        %mul3A_568 = arith.mulf %unpack3A_561, %unpack3A_561 : vector<16xf32>
        %add3A_569 = arith.addf %add3A_567, %mul3A_568 : vector<16xf32>
        %add3A_570 = arith.constant 320 : i32
        %add3A_571 = arith.addi %add3A_570, %scan3A_473 : i32
        %get3A_572 = arith.constant 0 : i32
        %get3A_573 = arith.index_cast %get3A_572 : i32 to index
        %get3A_574 = arith.index_cast %add3A_571 : i32 to index
        %get3A_575 = arith.constant 64 : index
        %get3A_576 = tpu.vector_load %arg15[%get3A_573, %get3A_574, %get3A_575] {strides = array<i32>} : memref<2x400x128xbf16, #tpu.memory_space<vmem>>, vector<32xbf16>,
        %get3A_577 = arith.constant 0 : i32
        %get3A_578 = arith.index_cast %get3A_577 : i32 to index
        %get3A_579 = arith.index_cast %scan3A_473 : i32 to index
        %get3A_580 = arith.constant 64 : index
        %get3A_581 = tpu.vector_load %arg15[%get3A_578, %get3A_579, %get3A_580] {strides = array<i32>} : memref<2x400x128xbf16, #tpu.memory_space<vmem>>, vector<32xbf16>,
        %add3A_582 = arith.addf %get3A_581, %get3A_576 : vector<32xbf16>
        %add3A_583 = arith.constant 80 : i32
        %add3A_584 = arith.addi %add3A_583, %scan3A_473 : i32
        %get3A_585 = arith.constant 0 : i32
        %get3A_586 = arith.index_cast %get3A_585 : i32 to index
        %get3A_587 = arith.index_cast %add3A_584 : i32 to index
        %get3A_588 = arith.constant 64 : index
        %get3A_589 = tpu.vector_load %arg15[%get3A_586, %get3A_587, %get3A_588] {strides = array<i32>} : memref<2x400x128xbf16, #tpu.memory_space<vmem>>, vector<32xbf16>,
        %sub3A_590 = arith.subf %add3A_582, %get3A_589 : vector<32xbf16>
        %unpack3A_591 = tpu.unpack_subelements %sub3A_590, 0 {pack_format = #tpu.pack_format<interleaved>} : vector<32xbf16> -> vector<16xf32>
        %unpack3A_592 = tpu.unpack_subelements %sub3A_590, 1 {pack_format = #tpu.pack_format<interleaved>} : vector<32xbf16> -> vector<16xf32>
        %add3A_593 = arith.constant 160 : i32
        %add3A_594 = arith.addi %add3A_593, %scan3A_473 : i32
        %get3A_595 = arith.constant 0 : i32
        %get3A_596 = arith.index_cast %get3A_595 : i32 to index
        %get3A_597 = arith.index_cast %add3A_594 : i32 to index
        %get3A_598 = arith.constant 64 : index
        %get3A_599 = tpu.vector_load %arg15[%get3A_596, %get3A_597, %get3A_598] {strides = array<i32>} : memref<2x400x128xbf16, #tpu.memory_space<vmem>>, vector<32xbf16>,
        %add3A_600 = arith.addf %get3A_599, %get3A_576 : vector<32xbf16>
        %add3A_601 = arith.constant 240 : i32
        %add3A_602 = arith.addi %add3A_601, %scan3A_473 : i32
        %get3A_603 = arith.constant 0 : i32
        %get3A_604 = arith.index_cast %get3A_603 : i32 to index
        %get3A_605 = arith.index_cast %add3A_602 : i32 to index
        %get3A_606 = arith.constant 64 : index
        %get3A_607 = tpu.vector_load %arg15[%get3A_604, %get3A_605, %get3A_606] {strides = array<i32>} : memref<2x400x128xbf16, #tpu.memory_space<vmem>>, vector<32xbf16>,
        %sub3A_608 = arith.subf %add3A_600, %get3A_607 : vector<32xbf16>
        %unpack3A_609 = tpu.unpack_subelements %sub3A_608, 0 {pack_format = #tpu.pack_format<interleaved>} : vector<32xbf16> -> vector<16xf32>
        %unpack3A_610 = tpu.unpack_subelements %sub3A_608, 1 {pack_format = #tpu.pack_format<interleaved>} : vector<32xbf16> -> vector<16xf32>
        %mul3A_611 = arith.mulf %unpack3A_591, %unpack3A_591 : vector<16xf32>
        %add3A_612 = arith.addf %add3A_565, %mul3A_611 : vector<16xf32>
        %mul3A_613 = arith.mulf %unpack3A_592, %unpack3A_592 : vector<16xf32>
        %add3A_614 = arith.addf %add3A_612, %mul3A_613 : vector<16xf32>
        %mul3A_615 = arith.mulf %unpack3A_609, %unpack3A_609 : vector<16xf32>
        %add3A_616 = arith.addf %add3A_569, %mul3A_615 : vector<16xf32>
        %mul3A_617 = arith.mulf %unpack3A_610, %unpack3A_610 : vector<16xf32>
        %add3A_618 = arith.addf %add3A_616, %mul3A_617 : vector<16xf32>
        %add3A_619 = arith.constant 320 : i32
        %add3A_620 = arith.addi %add3A_619, %scan3A_473 : i32
        %get3A_621 = arith.constant 0 : i32
        %get3A_622 = arith.index_cast %get3A_621 : i32 to index
        %get3A_623 = arith.index_cast %add3A_620 : i32 to index
        %get3A_624 = arith.constant 96 : index
        %get3A_625 = tpu.vector_load %arg15[%get3A_622, %get3A_623, %get3A_624] {strides = array<i32>} : memref<2x400x128xbf16, #tpu.memory_space<vmem>>, vector<32xbf16>,
        %get3A_626 = arith.constant 0 : i32
        %get3A_627 = arith.index_cast %get3A_626 : i32 to index
        %get3A_628 = arith.index_cast %scan3A_473 : i32 to index
        %get3A_629 = arith.constant 96 : index
        %get3A_630 = tpu.vector_load %arg15[%get3A_627, %get3A_628, %get3A_629] {strides = array<i32>} : memref<2x400x128xbf16, #tpu.memory_space<vmem>>, vector<32xbf16>,
        %add3A_631 = arith.addf %get3A_630, %get3A_625 : vector<32xbf16>
        %add3A_632 = arith.constant 80 : i32
        %add3A_633 = arith.addi %add3A_632, %scan3A_473 : i32
        %get3A_634 = arith.constant 0 : i32
        %get3A_635 = arith.index_cast %get3A_634 : i32 to index
        %get3A_636 = arith.index_cast %add3A_633 : i32 to index
        %get3A_637 = arith.constant 96 : index
        %get3A_638 = tpu.vector_load %arg15[%get3A_635, %get3A_636, %get3A_637] {strides = array<i32>} : memref<2x400x128xbf16, #tpu.memory_space<vmem>>, vector<32xbf16>,
        %sub3A_639 = arith.subf %add3A_631, %get3A_638 : vector<32xbf16>
        %unpack3A_640 = tpu.unpack_subelements %sub3A_639, 0 {pack_format = #tpu.pack_format<interleaved>} : vector<32xbf16> -> vector<16xf32>
        %unpack3A_641 = tpu.unpack_subelements %sub3A_639, 1 {pack_format = #tpu.pack_format<interleaved>} : vector<32xbf16> -> vector<16xf32>
        %add3A_642 = arith.constant 160 : i32
        %add3A_643 = arith.addi %add3A_642, %scan3A_473 : i32
        %get3A_644 = arith.constant 0 : i32
        %get3A_645 = arith.index_cast %get3A_644 : i32 to index
        %get3A_646 = arith.index_cast %add3A_643 : i32 to index
        %get3A_647 = arith.constant 96 : index
        %get3A_648 = tpu.vector_load %arg15[%get3A_645, %get3A_646, %get3A_647] {strides = array<i32>} : memref<2x400x128xbf16, #tpu.memory_space<vmem>>, vector<32xbf16>,
        %add3A_649 = arith.addf %get3A_648, %get3A_625 : vector<32xbf16>
        %add3A_650 = arith.constant 240 : i32
        %add3A_651 = arith.addi %add3A_650, %scan3A_473 : i32
        %get3A_652 = arith.constant 0 : i32
        %get3A_653 = arith.index_cast %get3A_652 : i32 to index
        %get3A_654 = arith.index_cast %add3A_651 : i32 to index
        %get3A_655 = arith.constant 96 : index
        %get3A_656 = tpu.vector_load %arg15[%get3A_653, %get3A_654, %get3A_655] {strides = array<i32>} : memref<2x400x128xbf16, #tpu.memory_space<vmem>>, vector<32xbf16>,
        %sub3A_657 = arith.subf %add3A_649, %get3A_656 : vector<32xbf16>
        %unpack3A_658 = tpu.unpack_subelements %sub3A_657, 0 {pack_format = #tpu.pack_format<interleaved>} : vector<32xbf16> -> vector<16xf32>
        %unpack3A_659 = tpu.unpack_subelements %sub3A_657, 1 {pack_format = #tpu.pack_format<interleaved>} : vector<32xbf16> -> vector<16xf32>
        %mul3A_660 = arith.mulf %unpack3A_640, %unpack3A_640 : vector<16xf32>
        %add3A_661 = arith.addf %add3A_614, %mul3A_660 : vector<16xf32>
        %mul3A_662 = arith.mulf %unpack3A_641, %unpack3A_641 : vector<16xf32>
        %add3A_663 = arith.addf %add3A_661, %mul3A_662 : vector<16xf32>
        %mul3A_664 = arith.mulf %unpack3A_658, %unpack3A_658 : vector<16xf32>
        %add3A_665 = arith.addf %add3A_618, %mul3A_664 : vector<16xf32>
        %mul3A_666 = arith.mulf %unpack3A_659, %unpack3A_659 : vector<16xf32>
        %add3A_667 = arith.addf %add3A_665, %mul3A_666 : vector<16xf32>
        %reduce_sum3A_668 = arith.constant true
        %reduce_sum3A_669 = vector.broadcast %reduce_sum3A_668 : i1 to vector<16xi1>
        %reduce_sum3A_670 = tpu.scan <sum>, %add3A_663 masked %reduce_sum3A_669 : vector<16xf32>, vector<16xi1> -> vector<16xf32>
        %reduce_sum3A_671 = vector.extract %reduce_sum3A_670[15] : f32 from vector<16xf32>
        %bitcast_convert_type3A_672 = arith.bitcast %reduce_sum3A_671 : f32 to i32
        %shift_right_arithmetic3A_673 = arith.constant 1 : i32
        %shift_right_arithmetic3A_674 = arith.shrsi %bitcast_convert_type3A_672, %shift_right_arithmetic3A_673 : i32
        %sub3A_675 = arith.constant 1597463007 : i32
        %sub3A_676 = arith.subi %sub3A_675, %shift_right_arithmetic3A_674 : i32
        %bitcast_convert_type3A_677 = arith.bitcast %sub3A_676 : i32 to f32
        %mul3A_678 = arith.constant 5.000000e-01 : f32
        %mul3A_679 = arith.mulf %mul3A_678, %reduce_sum3A_671 : f32
        %mul3A_680 = arith.mulf %mul3A_679, %bitcast_convert_type3A_677 : f32
        %mul3A_681 = arith.mulf %mul3A_680, %bitcast_convert_type3A_677 : f32
        %sub3A_682 = arith.constant 1.500000e+00 : f32
        %sub3A_683 = arith.subf %sub3A_682, %mul3A_681 : f32
        %mul3A_684 = arith.mulf %bitcast_convert_type3A_677, %sub3A_683 : f32
        %mul3A_685 = arith.constant 5.000000e-01 : f32
        %mul3A_686 = arith.mulf %mul3A_685, %reduce_sum3A_671 : f32
        %mul3A_687 = arith.mulf %mul3A_686, %mul3A_684 : f32
        %mul3A_688 = arith.mulf %mul3A_687, %mul3A_684 : f32
        %sub3A_689 = arith.constant 1.500000e+00 : f32
        %sub3A_690 = arith.subf %sub3A_689, %mul3A_688 : f32
        %mul3A_691 = arith.mulf %mul3A_684, %sub3A_690 : f32
        %mul3A_692 = arith.mulf %reduce_sum3A_671, %mul3A_691 : f32
        %reduce_sum3A_693 = arith.constant true
        %reduce_sum3A_694 = vector.broadcast %reduce_sum3A_693 : i1 to vector<16xi1>
        %reduce_sum3A_695 = tpu.scan <sum>, %add3A_667 masked %reduce_sum3A_694 : vector<16xf32>, vector<16xi1> -> vector<16xf32>
        %reduce_sum3A_696 = vector.extract %reduce_sum3A_695[15] : f32 from vector<16xf32>
        %bitcast_convert_type3A_697 = arith.bitcast %reduce_sum3A_696 : f32 to i32
        %shift_right_arithmetic3A_698 = arith.constant 1 : i32
        %shift_right_arithmetic3A_699 = arith.shrsi %bitcast_convert_type3A_697, %shift_right_arithmetic3A_698 : i32
        %sub3A_700 = arith.constant 1597463007 : i32
        %sub3A_701 = arith.subi %sub3A_700, %shift_right_arithmetic3A_699 : i32
        %bitcast_convert_type3A_702 = arith.bitcast %sub3A_701 : i32 to f32
        %mul3A_703 = arith.constant 5.000000e-01 : f32
        %mul3A_704 = arith.mulf %mul3A_703, %reduce_sum3A_696 : f32
        %mul3A_705 = arith.mulf %mul3A_704, %bitcast_convert_type3A_702 : f32
        %mul3A_706 = arith.mulf %mul3A_705, %bitcast_convert_type3A_702 : f32
        %sub3A_707 = arith.constant 1.500000e+00 : f32
        %sub3A_708 = arith.subf %sub3A_707, %mul3A_706 : f32
        %mul3A_709 = arith.mulf %bitcast_convert_type3A_702, %sub3A_708 : f32
        %mul3A_710 = arith.constant 5.000000e-01 : f32
        %mul3A_711 = arith.mulf %mul3A_710, %reduce_sum3A_696 : f32
        %mul3A_712 = arith.mulf %mul3A_711, %mul3A_709 : f32
        %mul3A_713 = arith.mulf %mul3A_712, %mul3A_709 : f32
        %sub3A_714 = arith.constant 1.500000e+00 : f32
        %sub3A_715 = arith.subf %sub3A_714, %mul3A_713 : f32
        %mul3A_716 = arith.mulf %mul3A_709, %sub3A_715 : f32
        %mul3A_717 = arith.mulf %reduce_sum3A_696, %mul3A_716 : f32
        %sub3A_718 = arith.subf %mul3A_692, %mul3A_717 : f32
        %add3A_719 = arith.constant 1.000000e+00 : f32
        %add3A_720 = arith.addf %sub3A_718, %add3A_719 : f32
        %max3A_721 = arith.constant 0.000000e+00 : f32
        %max3A_722 = arith.maximumf %add3A_720, %max3A_721 : f32
        %add3A_723 = arith.addf %add3A_471, %max3A_722 : f32
        %scan3A_724 = arith.constant 2 : i32
        %scan3A_725 = arith.addi %scan3A_227, %scan3A_724 : i32
        %add3A_726 = arith.constant 320 : i32
        %add3A_727 = arith.addi %add3A_726, %scan3A_725 : i32
        %get3A_728 = arith.constant 0 : i32
        %get3A_729 = arith.index_cast %get3A_728 : i32 to index
        %get3A_730 = arith.index_cast %add3A_727 : i32 to index
        %get3A_731 = arith.constant 0 : index
        %get3A_732 = tpu.vector_load %arg15[%get3A_729, %get3A_730, %get3A_731] {strides = array<i32>} : memref<2x400x128xbf16, #tpu.memory_space<vmem>>, vector<32xbf16>,
        %get3A_733 = arith.constant 0 : i32
        %get3A_734 = arith.index_cast %get3A_733 : i32 to index
        %get3A_735 = arith.index_cast %scan3A_725 : i32 to index
        %get3A_736 = arith.constant 0 : index
        %get3A_737 = tpu.vector_load %arg15[%get3A_734, %get3A_735, %get3A_736] {strides = array<i32>} : memref<2x400x128xbf16, #tpu.memory_space<vmem>>, vector<32xbf16>,
        %add3A_738 = arith.addf %get3A_737, %get3A_732 : vector<32xbf16>
        %add3A_739 = arith.constant 80 : i32
        %add3A_740 = arith.addi %add3A_739, %scan3A_725 : i32
        %get3A_741 = arith.constant 0 : i32
        %get3A_742 = arith.index_cast %get3A_741 : i32 to index
        %get3A_743 = arith.index_cast %add3A_740 : i32 to index
        %get3A_744 = arith.constant 0 : index
        %get3A_745 = tpu.vector_load %arg15[%get3A_742, %get3A_743, %get3A_744] {strides = array<i32>} : memref<2x400x128xbf16, #tpu.memory_space<vmem>>, vector<32xbf16>,
        %sub3A_746 = arith.subf %add3A_738, %get3A_745 : vector<32xbf16>
        %unpack3A_747 = tpu.unpack_subelements %sub3A_746, 0 {pack_format = #tpu.pack_format<interleaved>} : vector<32xbf16> -> vector<16xf32>
        %unpack3A_748 = tpu.unpack_subelements %sub3A_746, 1 {pack_format = #tpu.pack_format<interleaved>} : vector<32xbf16> -> vector<16xf32>
        %add3A_749 = arith.constant 160 : i32
        %add3A_750 = arith.addi %add3A_749, %scan3A_725 : i32
        %get3A_751 = arith.constant 0 : i32
        %get3A_752 = arith.index_cast %get3A_751 : i32 to index
        %get3A_753 = arith.index_cast %add3A_750 : i32 to index
        %get3A_754 = arith.constant 0 : index
        %get3A_755 = tpu.vector_load %arg15[%get3A_752, %get3A_753, %get3A_754] {strides = array<i32>} : memref<2x400x128xbf16, #tpu.memory_space<vmem>>, vector<32xbf16>,
        %add3A_756 = arith.addf %get3A_755, %get3A_732 : vector<32xbf16>
        %add3A_757 = arith.constant 240 : i32
        %add3A_758 = arith.addi %add3A_757, %scan3A_725 : i32
        %get3A_759 = arith.constant 0 : i32
        %get3A_760 = arith.index_cast %get3A_759 : i32 to index
        %get3A_761 = arith.index_cast %add3A_758 : i32 to index
        %get3A_762 = arith.constant 0 : index
        %get3A_763 = tpu.vector_load %arg15[%get3A_760, %get3A_761, %get3A_762] {strides = array<i32>} : memref<2x400x128xbf16, #tpu.memory_space<vmem>>, vector<32xbf16>,
        %sub3A_764 = arith.subf %add3A_756, %get3A_763 : vector<32xbf16>
        %unpack3A_765 = tpu.unpack_subelements %sub3A_764, 0 {pack_format = #tpu.pack_format<interleaved>} : vector<32xbf16> -> vector<16xf32>
        %unpack3A_766 = tpu.unpack_subelements %sub3A_764, 1 {pack_format = #tpu.pack_format<interleaved>} : vector<32xbf16> -> vector<16xf32>
        %mul3A_767 = arith.mulf %unpack3A_747, %unpack3A_747 : vector<16xf32>
        %mul3A_768 = arith.mulf %unpack3A_748, %unpack3A_748 : vector<16xf32>
        %add3A_769 = arith.addf %mul3A_767, %mul3A_768 : vector<16xf32>
        %mul3A_770 = arith.mulf %unpack3A_765, %unpack3A_765 : vector<16xf32>
        %mul3A_771 = arith.mulf %unpack3A_766, %unpack3A_766 : vector<16xf32>
        %add3A_772 = arith.addf %mul3A_770, %mul3A_771 : vector<16xf32>
        %add3A_773 = arith.constant 320 : i32
        %add3A_774 = arith.addi %add3A_773, %scan3A_725 : i32
        %get3A_775 = arith.constant 0 : i32
        %get3A_776 = arith.index_cast %get3A_775 : i32 to index
        %get3A_777 = arith.index_cast %add3A_774 : i32 to index
        %get3A_778 = arith.constant 32 : index
        %get3A_779 = tpu.vector_load %arg15[%get3A_776, %get3A_777, %get3A_778] {strides = array<i32>} : memref<2x400x128xbf16, #tpu.memory_space<vmem>>, vector<32xbf16>,
        %get3A_780 = arith.constant 0 : i32
        %get3A_781 = arith.index_cast %get3A_780 : i32 to index
        %get3A_782 = arith.index_cast %scan3A_725 : i32 to index
        %get3A_783 = arith.constant 32 : index
        %get3A_784 = tpu.vector_load %arg15[%get3A_781, %get3A_782, %get3A_783] {strides = array<i32>} : memref<2x400x128xbf16, #tpu.memory_space<vmem>>, vector<32xbf16>,
        %add3A_785 = arith.addf %get3A_784, %get3A_779 : vector<32xbf16>
        %add3A_786 = arith.constant 80 : i32
        %add3A_787 = arith.addi %add3A_786, %scan3A_725 : i32
        %get3A_788 = arith.constant 0 : i32
        %get3A_789 = arith.index_cast %get3A_788 : i32 to index
        %get3A_790 = arith.index_cast %add3A_787 : i32 to index
        %get3A_791 = arith.constant 32 : index
        %get3A_792 = tpu.vector_load %arg15[%get3A_789, %get3A_790, %get3A_791] {strides = array<i32>} : memref<2x400x128xbf16, #tpu.memory_space<vmem>>, vector<32xbf16>,
        %sub3A_793 = arith.subf %add3A_785, %get3A_792 : vector<32xbf16>
        %unpack3A_794 = tpu.unpack_subelements %sub3A_793, 0 {pack_format = #tpu.pack_format<interleaved>} : vector<32xbf16> -> vector<16xf32>
        %unpack3A_795 = tpu.unpack_subelements %sub3A_793, 1 {pack_format = #tpu.pack_format<interleaved>} : vector<32xbf16> -> vector<16xf32>
        %add3A_796 = arith.constant 160 : i32
        %add3A_797 = arith.addi %add3A_796, %scan3A_725 : i32
        %get3A_798 = arith.constant 0 : i32
        %get3A_799 = arith.index_cast %get3A_798 : i32 to index
        %get3A_800 = arith.index_cast %add3A_797 : i32 to index
        %get3A_801 = arith.constant 32 : index
        %get3A_802 = tpu.vector_load %arg15[%get3A_799, %get3A_800, %get3A_801] {strides = array<i32>} : memref<2x400x128xbf16, #tpu.memory_space<vmem>>, vector<32xbf16>,
        %add3A_803 = arith.addf %get3A_802, %get3A_779 : vector<32xbf16>
        %add3A_804 = arith.constant 240 : i32
        %add3A_805 = arith.addi %add3A_804, %scan3A_725 : i32
        %get3A_806 = arith.constant 0 : i32
        %get3A_807 = arith.index_cast %get3A_806 : i32 to index
        %get3A_808 = arith.index_cast %add3A_805 : i32 to index
        %get3A_809 = arith.constant 32 : index
        %get3A_810 = tpu.vector_load %arg15[%get3A_807, %get3A_808, %get3A_809] {strides = array<i32>} : memref<2x400x128xbf16, #tpu.memory_space<vmem>>, vector<32xbf16>,
        %sub3A_811 = arith.subf %add3A_803, %get3A_810 : vector<32xbf16>
        %unpack3A_812 = tpu.unpack_subelements %sub3A_811, 0 {pack_format = #tpu.pack_format<interleaved>} : vector<32xbf16> -> vector<16xf32>
        %unpack3A_813 = tpu.unpack_subelements %sub3A_811, 1 {pack_format = #tpu.pack_format<interleaved>} : vector<32xbf16> -> vector<16xf32>
        %mul3A_814 = arith.mulf %unpack3A_794, %unpack3A_794 : vector<16xf32>
        %add3A_815 = arith.addf %add3A_769, %mul3A_814 : vector<16xf32>
        %mul3A_816 = arith.mulf %unpack3A_795, %unpack3A_795 : vector<16xf32>
        %add3A_817 = arith.addf %add3A_815, %mul3A_816 : vector<16xf32>
        %mul3A_818 = arith.mulf %unpack3A_812, %unpack3A_812 : vector<16xf32>
        %add3A_819 = arith.addf %add3A_772, %mul3A_818 : vector<16xf32>
        %mul3A_820 = arith.mulf %unpack3A_813, %unpack3A_813 : vector<16xf32>
        %add3A_821 = arith.addf %add3A_819, %mul3A_820 : vector<16xf32>
        %add3A_822 = arith.constant 320 : i32
        %add3A_823 = arith.addi %add3A_822, %scan3A_725 : i32
        %get3A_824 = arith.constant 0 : i32
        %get3A_825 = arith.index_cast %get3A_824 : i32 to index
        %get3A_826 = arith.index_cast %add3A_823 : i32 to index
        %get3A_827 = arith.constant 64 : index
        %get3A_828 = tpu.vector_load %arg15[%get3A_825, %get3A_826, %get3A_827] {strides = array<i32>} : memref<2x400x128xbf16, #tpu.memory_space<vmem>>, vector<32xbf16>,
        %get3A_829 = arith.constant 0 : i32
        %get3A_830 = arith.index_cast %get3A_829 : i32 to index
        %get3A_831 = arith.index_cast %scan3A_725 : i32 to index
        %get3A_832 = arith.constant 64 : index
        %get3A_833 = tpu.vector_load %arg15[%get3A_830, %get3A_831, %get3A_832] {strides = array<i32>} : memref<2x400x128xbf16, #tpu.memory_space<vmem>>, vector<32xbf16>,
        %add3A_834 = arith.addf %get3A_833, %get3A_828 : vector<32xbf16>
        %add3A_835 = arith.constant 80 : i32
        %add3A_836 = arith.addi %add3A_835, %scan3A_725 : i32
        %get3A_837 = arith.constant 0 : i32
        %get3A_838 = arith.index_cast %get3A_837 : i32 to index
        %get3A_839 = arith.index_cast %add3A_836 : i32 to index
        %get3A_840 = arith.constant 64 : index
        %get3A_841 = tpu.vector_load %arg15[%get3A_838, %get3A_839, %get3A_840] {strides = array<i32>} : memref<2x400x128xbf16, #tpu.memory_space<vmem>>, vector<32xbf16>,
        %sub3A_842 = arith.subf %add3A_834, %get3A_841 : vector<32xbf16>
        %unpack3A_843 = tpu.unpack_subelements %sub3A_842, 0 {pack_format = #tpu.pack_format<interleaved>} : vector<32xbf16> -> vector<16xf32>
        %unpack3A_844 = tpu.unpack_subelements %sub3A_842, 1 {pack_format = #tpu.pack_format<interleaved>} : vector<32xbf16> -> vector<16xf32>
        %add3A_845 = arith.constant 160 : i32
        %add3A_846 = arith.addi %add3A_845, %scan3A_725 : i32
        %get3A_847 = arith.constant 0 : i32
        %get3A_848 = arith.index_cast %get3A_847 : i32 to index
        %get3A_849 = arith.index_cast %add3A_846 : i32 to index
        %get3A_850 = arith.constant 64 : index
        %get3A_851 = tpu.vector_load %arg15[%get3A_848, %get3A_849, %get3A_850] {strides = array<i32>} : memref<2x400x128xbf16, #tpu.memory_space<vmem>>, vector<32xbf16>,
        %add3A_852 = arith.addf %get3A_851, %get3A_828 : vector<32xbf16>
        %add3A_853 = arith.constant 240 : i32
        %add3A_854 = arith.addi %add3A_853, %scan3A_725 : i32
        %get3A_855 = arith.constant 0 : i32
        %get3A_856 = arith.index_cast %get3A_855 : i32 to index
        %get3A_857 = arith.index_cast %add3A_854 : i32 to index
        %get3A_858 = arith.constant 64 : index
        %get3A_859 = tpu.vector_load %arg15[%get3A_856, %get3A_857, %get3A_858] {strides = array<i32>} : memref<2x400x128xbf16, #tpu.memory_space<vmem>>, vector<32xbf16>,
        %sub3A_860 = arith.subf %add3A_852, %get3A_859 : vector<32xbf16>
        %unpack3A_861 = tpu.unpack_subelements %sub3A_860, 0 {pack_format = #tpu.pack_format<interleaved>} : vector<32xbf16> -> vector<16xf32>
        %unpack3A_862 = tpu.unpack_subelements %sub3A_860, 1 {pack_format = #tpu.pack_format<interleaved>} : vector<32xbf16> -> vector<16xf32>
        %mul3A_863 = arith.mulf %unpack3A_843, %unpack3A_843 : vector<16xf32>
        %add3A_864 = arith.addf %add3A_817, %mul3A_863 : vector<16xf32>
        %mul3A_865 = arith.mulf %unpack3A_844, %unpack3A_844 : vector<16xf32>
        %add3A_866 = arith.addf %add3A_864, %mul3A_865 : vector<16xf32>
        %mul3A_867 = arith.mulf %unpack3A_861, %unpack3A_861 : vector<16xf32>
        %add3A_868 = arith.addf %add3A_821, %mul3A_867 : vector<16xf32>
        %mul3A_869 = arith.mulf %unpack3A_862, %unpack3A_862 : vector<16xf32>
        %add3A_870 = arith.addf %add3A_868, %mul3A_869 : vector<16xf32>
        %add3A_871 = arith.constant 320 : i32
        %add3A_872 = arith.addi %add3A_871, %scan3A_725 : i32
        %get3A_873 = arith.constant 0 : i32
        %get3A_874 = arith.index_cast %get3A_873 : i32 to index
        %get3A_875 = arith.index_cast %add3A_872 : i32 to index
        %get3A_876 = arith.constant 96 : index
        %get3A_877 = tpu.vector_load %arg15[%get3A_874, %get3A_875, %get3A_876] {strides = array<i32>} : memref<2x400x128xbf16, #tpu.memory_space<vmem>>, vector<32xbf16>,
        %get3A_878 = arith.constant 0 : i32
        %get3A_879 = arith.index_cast %get3A_878 : i32 to index
        %get3A_880 = arith.index_cast %scan3A_725 : i32 to index
        %get3A_881 = arith.constant 96 : index
        %get3A_882 = tpu.vector_load %arg15[%get3A_879, %get3A_880, %get3A_881] {strides = array<i32>} : memref<2x400x128xbf16, #tpu.memory_space<vmem>>, vector<32xbf16>,
        %add3A_883 = arith.addf %get3A_882, %get3A_877 : vector<32xbf16>
        %add3A_884 = arith.constant 80 : i32
        %add3A_885 = arith.addi %add3A_884, %scan3A_725 : i32
        %get3A_886 = arith.constant 0 : i32
        %get3A_887 = arith.index_cast %get3A_886 : i32 to index
        %get3A_888 = arith.index_cast %add3A_885 : i32 to index
        %get3A_889 = arith.constant 96 : index
        %get3A_890 = tpu.vector_load %arg15[%get3A_887, %get3A_888, %get3A_889] {strides = array<i32>} : memref<2x400x128xbf16, #tpu.memory_space<vmem>>, vector<32xbf16>,
        %sub3A_891 = arith.subf %add3A_883, %get3A_890 : vector<32xbf16>
        %unpack3A_892 = tpu.unpack_subelements %sub3A_891, 0 {pack_format = #tpu.pack_format<interleaved>} : vector<32xbf16> -> vector<16xf32>
        %unpack3A_893 = tpu.unpack_subelements %sub3A_891, 1 {pack_format = #tpu.pack_format<interleaved>} : vector<32xbf16> -> vector<16xf32>
        %add3A_894 = arith.constant 160 : i32
        %add3A_895 = arith.addi %add3A_894, %scan3A_725 : i32
        %get3A_896 = arith.constant 0 : i32
        %get3A_897 = arith.index_cast %get3A_896 : i32 to index
        %get3A_898 = arith.index_cast %add3A_895 : i32 to index
        %get3A_899 = arith.constant 96 : index
        %get3A_900 = tpu.vector_load %arg15[%get3A_897, %get3A_898, %get3A_899] {strides = array<i32>} : memref<2x400x128xbf16, #tpu.memory_space<vmem>>, vector<32xbf16>,
        %add3A_901 = arith.addf %get3A_900, %get3A_877 : vector<32xbf16>
        %add3A_902 = arith.constant 240 : i32
        %add3A_903 = arith.addi %add3A_902, %scan3A_725 : i32
        %get3A_904 = arith.constant 0 : i32
        %get3A_905 = arith.index_cast %get3A_904 : i32 to index
        %get3A_906 = arith.index_cast %add3A_903 : i32 to index
        %get3A_907 = arith.constant 96 : index
        %get3A_908 = tpu.vector_load %arg15[%get3A_905, %get3A_906, %get3A_907] {strides = array<i32>} : memref<2x400x128xbf16, #tpu.memory_space<vmem>>, vector<32xbf16>,
        %sub3A_909 = arith.subf %add3A_901, %get3A_908 : vector<32xbf16>
        %unpack3A_910 = tpu.unpack_subelements %sub3A_909, 0 {pack_format = #tpu.pack_format<interleaved>} : vector<32xbf16> -> vector<16xf32>
        %unpack3A_911 = tpu.unpack_subelements %sub3A_909, 1 {pack_format = #tpu.pack_format<interleaved>} : vector<32xbf16> -> vector<16xf32>
        %mul3A_912 = arith.mulf %unpack3A_892, %unpack3A_892 : vector<16xf32>
        %add3A_913 = arith.addf %add3A_866, %mul3A_912 : vector<16xf32>
        %mul3A_914 = arith.mulf %unpack3A_893, %unpack3A_893 : vector<16xf32>
        %add3A_915 = arith.addf %add3A_913, %mul3A_914 : vector<16xf32>
        %mul3A_916 = arith.mulf %unpack3A_910, %unpack3A_910 : vector<16xf32>
        %add3A_917 = arith.addf %add3A_870, %mul3A_916 : vector<16xf32>
        %mul3A_918 = arith.mulf %unpack3A_911, %unpack3A_911 : vector<16xf32>
        %add3A_919 = arith.addf %add3A_917, %mul3A_918 : vector<16xf32>
        %reduce_sum3A_920 = arith.constant true
        %reduce_sum3A_921 = vector.broadcast %reduce_sum3A_920 : i1 to vector<16xi1>
        %reduce_sum3A_922 = tpu.scan <sum>, %add3A_915 masked %reduce_sum3A_921 : vector<16xf32>, vector<16xi1> -> vector<16xf32>
        %reduce_sum3A_923 = vector.extract %reduce_sum3A_922[15] : f32 from vector<16xf32>
        %bitcast_convert_type3A_924 = arith.bitcast %reduce_sum3A_923 : f32 to i32
        %shift_right_arithmetic3A_925 = arith.constant 1 : i32
        %shift_right_arithmetic3A_926 = arith.shrsi %bitcast_convert_type3A_924, %shift_right_arithmetic3A_925 : i32
        %sub3A_927 = arith.constant 1597463007 : i32
        %sub3A_928 = arith.subi %sub3A_927, %shift_right_arithmetic3A_926 : i32
        %bitcast_convert_type3A_929 = arith.bitcast %sub3A_928 : i32 to f32
        %mul3A_930 = arith.constant 5.000000e-01 : f32
        %mul3A_931 = arith.mulf %mul3A_930, %reduce_sum3A_923 : f32
        %mul3A_932 = arith.mulf %mul3A_931, %bitcast_convert_type3A_929 : f32
        %mul3A_933 = arith.mulf %mul3A_932, %bitcast_convert_type3A_929 : f32
        %sub3A_934 = arith.constant 1.500000e+00 : f32
        %sub3A_935 = arith.subf %sub3A_934, %mul3A_933 : f32
        %mul3A_936 = arith.mulf %bitcast_convert_type3A_929, %sub3A_935 : f32
        %mul3A_937 = arith.constant 5.000000e-01 : f32
        %mul3A_938 = arith.mulf %mul3A_937, %reduce_sum3A_923 : f32
        %mul3A_939 = arith.mulf %mul3A_938, %mul3A_936 : f32
        %mul3A_940 = arith.mulf %mul3A_939, %mul3A_936 : f32
        %sub3A_941 = arith.constant 1.500000e+00 : f32
        %sub3A_942 = arith.subf %sub3A_941, %mul3A_940 : f32
        %mul3A_943 = arith.mulf %mul3A_936, %sub3A_942 : f32
        %mul3A_944 = arith.mulf %reduce_sum3A_923, %mul3A_943 : f32
        %reduce_sum3A_945 = arith.constant true
        %reduce_sum3A_946 = vector.broadcast %reduce_sum3A_945 : i1 to vector<16xi1>
        %reduce_sum3A_947 = tpu.scan <sum>, %add3A_919 masked %reduce_sum3A_946 : vector<16xf32>, vector<16xi1> -> vector<16xf32>
        %reduce_sum3A_948 = vector.extract %reduce_sum3A_947[15] : f32 from vector<16xf32>
        %bitcast_convert_type3A_949 = arith.bitcast %reduce_sum3A_948 : f32 to i32
        %shift_right_arithmetic3A_950 = arith.constant 1 : i32
        %shift_right_arithmetic3A_951 = arith.shrsi %bitcast_convert_type3A_949, %shift_right_arithmetic3A_950 : i32
        %sub3A_952 = arith.constant 1597463007 : i32
        %sub3A_953 = arith.subi %sub3A_952, %shift_right_arithmetic3A_951 : i32
        %bitcast_convert_type3A_954 = arith.bitcast %sub3A_953 : i32 to f32
        %mul3A_955 = arith.constant 5.000000e-01 : f32
        %mul3A_956 = arith.mulf %mul3A_955, %reduce_sum3A_948 : f32
        %mul3A_957 = arith.mulf %mul3A_956, %bitcast_convert_type3A_954 : f32
        %mul3A_958 = arith.mulf %mul3A_957, %bitcast_convert_type3A_954 : f32
        %sub3A_959 = arith.constant 1.500000e+00 : f32
        %sub3A_960 = arith.subf %sub3A_959, %mul3A_958 : f32
        %mul3A_961 = arith.mulf %bitcast_convert_type3A_954, %sub3A_960 : f32
        %mul3A_962 = arith.constant 5.000000e-01 : f32
        %mul3A_963 = arith.mulf %mul3A_962, %reduce_sum3A_948 : f32
        %mul3A_964 = arith.mulf %mul3A_963, %mul3A_961 : f32
        %mul3A_965 = arith.mulf %mul3A_964, %mul3A_961 : f32
        %sub3A_966 = arith.constant 1.500000e+00 : f32
        %sub3A_967 = arith.subf %sub3A_966, %mul3A_965 : f32
        %mul3A_968 = arith.mulf %mul3A_961, %sub3A_967 : f32
        %mul3A_969 = arith.mulf %reduce_sum3A_948, %mul3A_968 : f32
        %sub3A_970 = arith.subf %mul3A_944, %mul3A_969 : f32
        %add3A_971 = arith.constant 1.000000e+00 : f32
        %add3A_972 = arith.addf %sub3A_970, %add3A_971 : f32
        %max3A_973 = arith.constant 0.000000e+00 : f32
        %max3A_974 = arith.maximumf %add3A_972, %max3A_973 : f32
        %add3A_975 = arith.addf %add3A_723, %max3A_974 : f32
        %scan3A_976 = arith.constant 3 : i32
        %scan3A_977 = arith.addi %scan3A_227, %scan3A_976 : i32
        %add3A_978 = arith.constant 320 : i32
        %add3A_979 = arith.addi %add3A_978, %scan3A_977 : i32
        %get3A_980 = arith.constant 0 : i32
        %get3A_981 = arith.index_cast %get3A_980 : i32 to index
        %get3A_982 = arith.index_cast %add3A_979 : i32 to index
        %get3A_983 = arith.constant 0 : index
        %get3A_984 = tpu.vector_load %arg15[%get3A_981, %get3A_982, %get3A_983] {strides = array<i32>} : memref<2x400x128xbf16, #tpu.memory_space<vmem>>, vector<32xbf16>,
        %get3A_985 = arith.constant 0 : i32
        %get3A_986 = arith.index_cast %get3A_985 : i32 to index
        %get3A_987 = arith.index_cast %scan3A_977 : i32 to index
        %get3A_988 = arith.constant 0 : index
        %get3A_989 = tpu.vector_load %arg15[%get3A_986, %get3A_987, %get3A_988] {strides = array<i32>} : memref<2x400x128xbf16, #tpu.memory_space<vmem>>, vector<32xbf16>,
        %add3A_990 = arith.addf %get3A_989, %get3A_984 : vector<32xbf16>
        %add3A_991 = arith.constant 80 : i32
        %add3A_992 = arith.addi %add3A_991, %scan3A_977 : i32
        %get3A_993 = arith.constant 0 : i32
        %get3A_994 = arith.index_cast %get3A_993 : i32 to index
        %get3A_995 = arith.index_cast %add3A_992 : i32 to index
        %get3A_996 = arith.constant 0 : index
        %get3A_997 = tpu.vector_load %arg15[%get3A_994, %get3A_995, %get3A_996] {strides = array<i32>} : memref<2x400x128xbf16, #tpu.memory_space<vmem>>, vector<32xbf16>,
        %sub3A_998 = arith.subf %add3A_990, %get3A_997 : vector<32xbf16>
        %unpack3A_999 = tpu.unpack_subelements %sub3A_998, 0 {pack_format = #tpu.pack_format<interleaved>} : vector<32xbf16> -> vector<16xf32>
        %unpack3A_1000 = tpu.unpack_subelements %sub3A_998, 1 {pack_format = #tpu.pack_format<interleaved>} : vector<32xbf16> -> vector<16xf32>
        %add3A_1001 = arith.constant 160 : i32
        %add3A_1002 = arith.addi %add3A_1001, %scan3A_977 : i32
        %get3A_1003 = arith.constant 0 : i32
        %get3A_1004 = arith.index_cast %get3A_1003 : i32 to index
        %get3A_1005 = arith.index_cast %add3A_1002 : i32 to index
        %get3A_1006 = arith.constant 0 : index
        %get3A_1007 = tpu.vector_load %arg15[%get3A_1004, %get3A_1005, %get3A_1006] {strides = array<i32>} : memref<2x400x128xbf16, #tpu.memory_space<vmem>>, vector<32xbf16>,
        %add3A_1008 = arith.addf %get3A_1007, %get3A_984 : vector<32xbf16>
        %add3A_1009 = arith.constant 240 : i32
        %add3A_1010 = arith.addi %add3A_1009, %scan3A_977 : i32
        %get3A_1011 = arith.constant 0 : i32
        %get3A_1012 = arith.index_cast %get3A_1011 : i32 to index
        %get3A_1013 = arith.index_cast %add3A_1010 : i32 to index
        %get3A_1014 = arith.constant 0 : index
        %get3A_1015 = tpu.vector_load %arg15[%get3A_1012, %get3A_1013, %get3A_1014] {strides = array<i32>} : memref<2x400x128xbf16, #tpu.memory_space<vmem>>, vector<32xbf16>,
        %sub3A_1016 = arith.subf %add3A_1008, %get3A_1015 : vector<32xbf16>
        %unpack3A_1017 = tpu.unpack_subelements %sub3A_1016, 0 {pack_format = #tpu.pack_format<interleaved>} : vector<32xbf16> -> vector<16xf32>
        %unpack3A_1018 = tpu.unpack_subelements %sub3A_1016, 1 {pack_format = #tpu.pack_format<interleaved>} : vector<32xbf16> -> vector<16xf32>
        %mul3A_1019 = arith.mulf %unpack3A_999, %unpack3A_999 : vector<16xf32>
        %mul3A_1020 = arith.mulf %unpack3A_1000, %unpack3A_1000 : vector<16xf32>
        %add3A_1021 = arith.addf %mul3A_1019, %mul3A_1020 : vector<16xf32>
        %mul3A_1022 = arith.mulf %unpack3A_1017, %unpack3A_1017 : vector<16xf32>
        %mul3A_1023 = arith.mulf %unpack3A_1018, %unpack3A_1018 : vector<16xf32>
        %add3A_1024 = arith.addf %mul3A_1022, %mul3A_1023 : vector<16xf32>
        %add3A_1025 = arith.constant 320 : i32
        %add3A_1026 = arith.addi %add3A_1025, %scan3A_977 : i32
        %get3A_1027 = arith.constant 0 : i32
        %get3A_1028 = arith.index_cast %get3A_1027 : i32 to index
        %get3A_1029 = arith.index_cast %add3A_1026 : i32 to index
        %get3A_1030 = arith.constant 32 : index
        %get3A_1031 = tpu.vector_load %arg15[%get3A_1028, %get3A_1029, %get3A_1030] {strides = array<i32>} : memref<2x400x128xbf16, #tpu.memory_space<vmem>>, vector<32xbf16>,
        %get3A_1032 = arith.constant 0 : i32
        %get3A_1033 = arith.index_cast %get3A_1032 : i32 to index
        %get3A_1034 = arith.index_cast %scan3A_977 : i32 to index
        %get3A_1035 = arith.constant 32 : index
        %get3A_1036 = tpu.vector_load %arg15[%get3A_1033, %get3A_1034, %get3A_1035] {strides = array<i32>} : memref<2x400x128xbf16, #tpu.memory_space<vmem>>, vector<32xbf16>,
        %add3A_1037 = arith.addf %get3A_1036, %get3A_1031 : vector<32xbf16>
        %add3A_1038 = arith.constant 80 : i32
        %add3A_1039 = arith.addi %add3A_1038, %scan3A_977 : i32
        %get3A_1040 = arith.constant 0 : i32
        %get3A_1041 = arith.index_cast %get3A_1040 : i32 to index
        %get3A_1042 = arith.index_cast %add3A_1039 : i32 to index
        %get3A_1043 = arith.constant 32 : index
        %get3A_1044 = tpu.vector_load %arg15[%get3A_1041, %get3A_1042, %get3A_1043] {strides = array<i32>} : memref<2x400x128xbf16, #tpu.memory_space<vmem>>, vector<32xbf16>,
        %sub3A_1045 = arith.subf %add3A_1037, %get3A_1044 : vector<32xbf16>
        %unpack3A_1046 = tpu.unpack_subelements %sub3A_1045, 0 {pack_format = #tpu.pack_format<interleaved>} : vector<32xbf16> -> vector<16xf32>
        %unpack3A_1047 = tpu.unpack_subelements %sub3A_1045, 1 {pack_format = #tpu.pack_format<interleaved>} : vector<32xbf16> -> vector<16xf32>
        %add3A_1048 = arith.constant 160 : i32
        %add3A_1049 = arith.addi %add3A_1048, %scan3A_977 : i32
        %get3A_1050 = arith.constant 0 : i32
        %get3A_1051 = arith.index_cast %get3A_1050 : i32 to index
        %get3A_1052 = arith.index_cast %add3A_1049 : i32 to index
        %get3A_1053 = arith.constant 32 : index
        %get3A_1054 = tpu.vector_load %arg15[%get3A_1051, %get3A_1052, %get3A_1053] {strides = array<i32>} : memref<2x400x128xbf16, #tpu.memory_space<vmem>>, vector<32xbf16>,
        %add3A_1055 = arith.addf %get3A_1054, %get3A_1031 : vector<32xbf16>
        %add3A_1056 = arith.constant 240 : i32
        %add3A_1057 = arith.addi %add3A_1056, %scan3A_977 : i32
        %get3A_1058 = arith.constant 0 : i32
        %get3A_1059 = arith.index_cast %get3A_1058 : i32 to index
        %get3A_1060 = arith.index_cast %add3A_1057 : i32 to index
        %get3A_1061 = arith.constant 32 : index
        %get3A_1062 = tpu.vector_load %arg15[%get3A_1059, %get3A_1060, %get3A_1061] {strides = array<i32>} : memref<2x400x128xbf16, #tpu.memory_space<vmem>>, vector<32xbf16>,
        %sub3A_1063 = arith.subf %add3A_1055, %get3A_1062 : vector<32xbf16>
        %unpack3A_1064 = tpu.unpack_subelements %sub3A_1063, 0 {pack_format = #tpu.pack_format<interleaved>} : vector<32xbf16> -> vector<16xf32>
        %unpack3A_1065 = tpu.unpack_subelements %sub3A_1063, 1 {pack_format = #tpu.pack_format<interleaved>} : vector<32xbf16> -> vector<16xf32>
        %mul3A_1066 = arith.mulf %unpack3A_1046, %unpack3A_1046 : vector<16xf32>
        %add3A_1067 = arith.addf %add3A_1021, %mul3A_1066 : vector<16xf32>
        %mul3A_1068 = arith.mulf %unpack3A_1047, %unpack3A_1047 : vector<16xf32>
        %add3A_1069 = arith.addf %add3A_1067, %mul3A_1068 : vector<16xf32>
        %mul3A_1070 = arith.mulf %unpack3A_1064, %unpack3A_1064 : vector<16xf32>
        %add3A_1071 = arith.addf %add3A_1024, %mul3A_1070 : vector<16xf32>
        %mul3A_1072 = arith.mulf %unpack3A_1065, %unpack3A_1065 : vector<16xf32>
        %add3A_1073 = arith.addf %add3A_1071, %mul3A_1072 : vector<16xf32>
        %add3A_1074 = arith.constant 320 : i32
        %add3A_1075 = arith.addi %add3A_1074, %scan3A_977 : i32
        %get3A_1076 = arith.constant 0 : i32
        %get3A_1077 = arith.index_cast %get3A_1076 : i32 to index
        %get3A_1078 = arith.index_cast %add3A_1075 : i32 to index
        %get3A_1079 = arith.constant 64 : index
        %get3A_1080 = tpu.vector_load %arg15[%get3A_1077, %get3A_1078, %get3A_1079] {strides = array<i32>} : memref<2x400x128xbf16, #tpu.memory_space<vmem>>, vector<32xbf16>,
        %get3A_1081 = arith.constant 0 : i32
        %get3A_1082 = arith.index_cast %get3A_1081 : i32 to index
        %get3A_1083 = arith.index_cast %scan3A_977 : i32 to index
        %get3A_1084 = arith.constant 64 : index
        %get3A_1085 = tpu.vector_load %arg15[%get3A_1082, %get3A_1083, %get3A_1084] {strides = array<i32>} : memref<2x400x128xbf16, #tpu.memory_space<vmem>>, vector<32xbf16>,
        %add3A_1086 = arith.addf %get3A_1085, %get3A_1080 : vector<32xbf16>
        %add3A_1087 = arith.constant 80 : i32
        %add3A_1088 = arith.addi %add3A_1087, %scan3A_977 : i32
        %get3A_1089 = arith.constant 0 : i32
        %get3A_1090 = arith.index_cast %get3A_1089 : i32 to index
        %get3A_1091 = arith.index_cast %add3A_1088 : i32 to index
        %get3A_1092 = arith.constant 64 : index
        %get3A_1093 = tpu.vector_load %arg15[%get3A_1090, %get3A_1091, %get3A_1092] {strides = array<i32>} : memref<2x400x128xbf16, #tpu.memory_space<vmem>>, vector<32xbf16>,
        %sub3A_1094 = arith.subf %add3A_1086, %get3A_1093 : vector<32xbf16>
        %unpack3A_1095 = tpu.unpack_subelements %sub3A_1094, 0 {pack_format = #tpu.pack_format<interleaved>} : vector<32xbf16> -> vector<16xf32>
        %unpack3A_1096 = tpu.unpack_subelements %sub3A_1094, 1 {pack_format = #tpu.pack_format<interleaved>} : vector<32xbf16> -> vector<16xf32>
        %add3A_1097 = arith.constant 160 : i32
        %add3A_1098 = arith.addi %add3A_1097, %scan3A_977 : i32
        %get3A_1099 = arith.constant 0 : i32
        %get3A_1100 = arith.index_cast %get3A_1099 : i32 to index
        %get3A_1101 = arith.index_cast %add3A_1098 : i32 to index
        %get3A_1102 = arith.constant 64 : index
        %get3A_1103 = tpu.vector_load %arg15[%get3A_1100, %get3A_1101, %get3A_1102] {strides = array<i32>} : memref<2x400x128xbf16, #tpu.memory_space<vmem>>, vector<32xbf16>,
        %add3A_1104 = arith.addf %get3A_1103, %get3A_1080 : vector<32xbf16>
        %add3A_1105 = arith.constant 240 : i32
        %add3A_1106 = arith.addi %add3A_1105, %scan3A_977 : i32
        %get3A_1107 = arith.constant 0 : i32
        %get3A_1108 = arith.index_cast %get3A_1107 : i32 to index
        %get3A_1109 = arith.index_cast %add3A_1106 : i32 to index
        %get3A_1110 = arith.constant 64 : index
        %get3A_1111 = tpu.vector_load %arg15[%get3A_1108, %get3A_1109, %get3A_1110] {strides = array<i32>} : memref<2x400x128xbf16, #tpu.memory_space<vmem>>, vector<32xbf16>,
        %sub3A_1112 = arith.subf %add3A_1104, %get3A_1111 : vector<32xbf16>
        %unpack3A_1113 = tpu.unpack_subelements %sub3A_1112, 0 {pack_format = #tpu.pack_format<interleaved>} : vector<32xbf16> -> vector<16xf32>
        %unpack3A_1114 = tpu.unpack_subelements %sub3A_1112, 1 {pack_format = #tpu.pack_format<interleaved>} : vector<32xbf16> -> vector<16xf32>
        %mul3A_1115 = arith.mulf %unpack3A_1095, %unpack3A_1095 : vector<16xf32>
        %add3A_1116 = arith.addf %add3A_1069, %mul3A_1115 : vector<16xf32>
        %mul3A_1117 = arith.mulf %unpack3A_1096, %unpack3A_1096 : vector<16xf32>
        %add3A_1118 = arith.addf %add3A_1116, %mul3A_1117 : vector<16xf32>
        %mul3A_1119 = arith.mulf %unpack3A_1113, %unpack3A_1113 : vector<16xf32>
        %add3A_1120 = arith.addf %add3A_1073, %mul3A_1119 : vector<16xf32>
        %mul3A_1121 = arith.mulf %unpack3A_1114, %unpack3A_1114 : vector<16xf32>
        %add3A_1122 = arith.addf %add3A_1120, %mul3A_1121 : vector<16xf32>
        %add3A_1123 = arith.constant 320 : i32
        %add3A_1124 = arith.addi %add3A_1123, %scan3A_977 : i32
        %get3A_1125 = arith.constant 0 : i32
        %get3A_1126 = arith.index_cast %get3A_1125 : i32 to index
        %get3A_1127 = arith.index_cast %add3A_1124 : i32 to index
        %get3A_1128 = arith.constant 96 : index
        %get3A_1129 = tpu.vector_load %arg15[%get3A_1126, %get3A_1127, %get3A_1128] {strides = array<i32>} : memref<2x400x128xbf16, #tpu.memory_space<vmem>>, vector<32xbf16>,
        %get3A_1130 = arith.constant 0 : i32
        %get3A_1131 = arith.index_cast %get3A_1130 : i32 to index
        %get3A_1132 = arith.index_cast %scan3A_977 : i32 to index
        %get3A_1133 = arith.constant 96 : index
        %get3A_1134 = tpu.vector_load %arg15[%get3A_1131, %get3A_1132, %get3A_1133] {strides = array<i32>} : memref<2x400x128xbf16, #tpu.memory_space<vmem>>, vector<32xbf16>,
        %add3A_1135 = arith.addf %get3A_1134, %get3A_1129 : vector<32xbf16>
        %add3A_1136 = arith.constant 80 : i32
        %add3A_1137 = arith.addi %add3A_1136, %scan3A_977 : i32
        %get3A_1138 = arith.constant 0 : i32
        %get3A_1139 = arith.index_cast %get3A_1138 : i32 to index
        %get3A_1140 = arith.index_cast %add3A_1137 : i32 to index
        %get3A_1141 = arith.constant 96 : index
        %get3A_1142 = tpu.vector_load %arg15[%get3A_1139, %get3A_1140, %get3A_1141] {strides = array<i32>} : memref<2x400x128xbf16, #tpu.memory_space<vmem>>, vector<32xbf16>,
        %sub3A_1143 = arith.subf %add3A_1135, %get3A_1142 : vector<32xbf16>
        %unpack3A_1144 = tpu.unpack_subelements %sub3A_1143, 0 {pack_format = #tpu.pack_format<interleaved>} : vector<32xbf16> -> vector<16xf32>
        %unpack3A_1145 = tpu.unpack_subelements %sub3A_1143, 1 {pack_format = #tpu.pack_format<interleaved>} : vector<32xbf16> -> vector<16xf32>
        %add3A_1146 = arith.constant 160 : i32
        %add3A_1147 = arith.addi %add3A_1146, %scan3A_977 : i32
        %get3A_1148 = arith.constant 0 : i32
        %get3A_1149 = arith.index_cast %get3A_1148 : i32 to index
        %get3A_1150 = arith.index_cast %add3A_1147 : i32 to index
        %get3A_1151 = arith.constant 96 : index
        %get3A_1152 = tpu.vector_load %arg15[%get3A_1149, %get3A_1150, %get3A_1151] {strides = array<i32>} : memref<2x400x128xbf16, #tpu.memory_space<vmem>>, vector<32xbf16>,
        %add3A_1153 = arith.addf %get3A_1152, %get3A_1129 : vector<32xbf16>
        %add3A_1154 = arith.constant 240 : i32
        %add3A_1155 = arith.addi %add3A_1154, %scan3A_977 : i32
        %get3A_1156 = arith.constant 0 : i32
        %get3A_1157 = arith.index_cast %get3A_1156 : i32 to index
        %get3A_1158 = arith.index_cast %add3A_1155 : i32 to index
        %get3A_1159 = arith.constant 96 : index
        %get3A_1160 = tpu.vector_load %arg15[%get3A_1157, %get3A_1158, %get3A_1159] {strides = array<i32>} : memref<2x400x128xbf16, #tpu.memory_space<vmem>>, vector<32xbf16>,
        %sub3A_1161 = arith.subf %add3A_1153, %get3A_1160 : vector<32xbf16>
        %unpack3A_1162 = tpu.unpack_subelements %sub3A_1161, 0 {pack_format = #tpu.pack_format<interleaved>} : vector<32xbf16> -> vector<16xf32>
        %unpack3A_1163 = tpu.unpack_subelements %sub3A_1161, 1 {pack_format = #tpu.pack_format<interleaved>} : vector<32xbf16> -> vector<16xf32>
        %mul3A_1164 = arith.mulf %unpack3A_1144, %unpack3A_1144 : vector<16xf32>
        %add3A_1165 = arith.addf %add3A_1118, %mul3A_1164 : vector<16xf32>
        %mul3A_1166 = arith.mulf %unpack3A_1145, %unpack3A_1145 : vector<16xf32>
        %add3A_1167 = arith.addf %add3A_1165, %mul3A_1166 : vector<16xf32>
        %mul3A_1168 = arith.mulf %unpack3A_1162, %unpack3A_1162 : vector<16xf32>
        %add3A_1169 = arith.addf %add3A_1122, %mul3A_1168 : vector<16xf32>
        %mul3A_1170 = arith.mulf %unpack3A_1163, %unpack3A_1163 : vector<16xf32>
        %add3A_1171 = arith.addf %add3A_1169, %mul3A_1170 : vector<16xf32>
        %reduce_sum3A_1172 = arith.constant true
        %reduce_sum3A_1173 = vector.broadcast %reduce_sum3A_1172 : i1 to vector<16xi1>
        %reduce_sum3A_1174 = tpu.scan <sum>, %add3A_1167 masked %reduce_sum3A_1173 : vector<16xf32>, vector<16xi1> -> vector<16xf32>
        %reduce_sum3A_1175 = vector.extract %reduce_sum3A_1174[15] : f32 from vector<16xf32>
        %bitcast_convert_type3A_1176 = arith.bitcast %reduce_sum3A_1175 : f32 to i32
        %shift_right_arithmetic3A_1177 = arith.constant 1 : i32
        %shift_right_arithmetic3A_1178 = arith.shrsi %bitcast_convert_type3A_1176, %shift_right_arithmetic3A_1177 : i32
        %sub3A_1179 = arith.constant 1597463007 : i32
        %sub3A_1180 = arith.subi %sub3A_1179, %shift_right_arithmetic3A_1178 : i32
        %bitcast_convert_type3A_1181 = arith.bitcast %sub3A_1180 : i32 to f32
        %mul3A_1182 = arith.constant 5.000000e-01 : f32
        %mul3A_1183 = arith.mulf %mul3A_1182, %reduce_sum3A_1175 : f32
        %mul3A_1184 = arith.mulf %mul3A_1183, %bitcast_convert_type3A_1181 : f32
        %mul3A_1185 = arith.mulf %mul3A_1184, %bitcast_convert_type3A_1181 : f32
        %sub3A_1186 = arith.constant 1.500000e+00 : f32
        %sub3A_1187 = arith.subf %sub3A_1186, %mul3A_1185 : f32
        %mul3A_1188 = arith.mulf %bitcast_convert_type3A_1181, %sub3A_1187 : f32
        %mul3A_1189 = arith.constant 5.000000e-01 : f32
        %mul3A_1190 = arith.mulf %mul3A_1189, %reduce_sum3A_1175 : f32
        %mul3A_1191 = arith.mulf %mul3A_1190, %mul3A_1188 : f32
        %mul3A_1192 = arith.mulf %mul3A_1191, %mul3A_1188 : f32
        %sub3A_1193 = arith.constant 1.500000e+00 : f32
        %sub3A_1194 = arith.subf %sub3A_1193, %mul3A_1192 : f32
        %mul3A_1195 = arith.mulf %mul3A_1188, %sub3A_1194 : f32
        %mul3A_1196 = arith.mulf %reduce_sum3A_1175, %mul3A_1195 : f32
        %reduce_sum3A_1197 = arith.constant true
        %reduce_sum3A_1198 = vector.broadcast %reduce_sum3A_1197 : i1 to vector<16xi1>
        %reduce_sum3A_1199 = tpu.scan <sum>, %add3A_1171 masked %reduce_sum3A_1198 : vector<16xf32>, vector<16xi1> -> vector<16xf32>
        %reduce_sum3A_1200 = vector.extract %reduce_sum3A_1199[15] : f32 from vector<16xf32>
        %bitcast_convert_type3A_1201 = arith.bitcast %reduce_sum3A_1200 : f32 to i32
        %shift_right_arithmetic3A_1202 = arith.constant 1 : i32
        %shift_right_arithmetic3A_1203 = arith.shrsi %bitcast_convert_type3A_1201, %shift_right_arithmetic3A_1202 : i32
        %sub3A_1204 = arith.constant 1597463007 : i32
        %sub3A_1205 = arith.subi %sub3A_1204, %shift_right_arithmetic3A_1203 : i32
        %bitcast_convert_type3A_1206 = arith.bitcast %sub3A_1205 : i32 to f32
        %mul3A_1207 = arith.constant 5.000000e-01 : f32
        %mul3A_1208 = arith.mulf %mul3A_1207, %reduce_sum3A_1200 : f32
        %mul3A_1209 = arith.mulf %mul3A_1208, %bitcast_convert_type3A_1206 : f32
        %mul3A_1210 = arith.mulf %mul3A_1209, %bitcast_convert_type3A_1206 : f32
        %sub3A_1211 = arith.constant 1.500000e+00 : f32
        %sub3A_1212 = arith.subf %sub3A_1211, %mul3A_1210 : f32
        %mul3A_1213 = arith.mulf %bitcast_convert_type3A_1206, %sub3A_1212 : f32
        %mul3A_1214 = arith.constant 5.000000e-01 : f32
        %mul3A_1215 = arith.mulf %mul3A_1214, %reduce_sum3A_1200 : f32
        %mul3A_1216 = arith.mulf %mul3A_1215, %mul3A_1213 : f32
        %mul3A_1217 = arith.mulf %mul3A_1216, %mul3A_1213 : f32
        %sub3A_1218 = arith.constant 1.500000e+00 : f32
        %sub3A_1219 = arith.subf %sub3A_1218, %mul3A_1217 : f32
        %mul3A_1220 = arith.mulf %mul3A_1213, %sub3A_1219 : f32
        %mul3A_1221 = arith.mulf %reduce_sum3A_1200, %mul3A_1220 : f32
        %sub3A_1222 = arith.subf %mul3A_1196, %mul3A_1221 : f32
        %add3A_1223 = arith.constant 1.000000e+00 : f32
        %add3A_1224 = arith.addf %sub3A_1222, %add3A_1223 : f32
        %max3A_1225 = arith.constant 0.000000e+00 : f32
        %max3A_1226 = arith.maximumf %add3A_1224, %max3A_1225 : f32
        %add3A_1227 = arith.addf %add3A_975, %max3A_1226 : f32
        scf.yield %add3A_1227 : f32
      }
      %scan3A_153 = arith.constant 80 : i32
      %mul3A_154 = arith.constant 2 : i32
      %mul3A_155 = arith.muli %mul3A_154, %scan3A_79 : i32
      %add3A_156 = arith.constant 2 : i32
      %add3A_157 = arith.addi %mul3A_155, %add3A_156 : i32
      %mul3A_158 = arith.constant 80 : i32
      %mul3A_159 = arith.muli %add3A_157, %mul3A_158 : i32
      %multiple_of3A_160 = tpu.assume_multiple %mul3A_159, 8 : i32
      %dma_start3A_161 = arith.constant 0 : i32
      %dma_start3A_162 = arith.constant 0 : i32
      %dma_start3A_163 = arith.constant 0 : i32
      %dma_start3A_164 = tpu.memref_slice %arg15[%dma_start3A_161, %dma_start3A_162, %dma_start3A_163] : memref<2x400x128xbf16, #tpu.memory_space<vmem>> -> memref<1x80x128xbf16, #tpu.memory_space<vmem>>
      %dma_start3A_165 = tpu.memref_squeeze %dma_start3A_164 : memref<1x80x128xbf16, #tpu.memory_space<vmem>> -> memref<80x128xbf16, #tpu.memory_space<vmem>>
      %dma_start3A_166 = tpu.memref_slice %arg10[%multiple_of3A_160] : memref<10000xi32, #tpu.memory_space<vmem>> -> memref<80xi32, #tpu.memory_space<vmem>>
      %dma_start3A_167 = arith.constant 0 : i32
      %dma_start3A_168 = arith.constant 0 : i32
      %dma_start3A_169 = tpu.memref_slice %arg2[%dma_start3A_167, %dma_start3A_168] : memref<10000x128xbf16, #tpu.memory_space<hbm>> -> memref<10000x128xbf16, #tpu.memory_space<hbm>>
      tpu.enqueue_indirect_dma source(%dma_start3A_169 : memref<10000x128xbf16, #tpu.memory_space<hbm>>) target(%dma_start3A_165 : memref<80x128xbf16, #tpu.memory_space<vmem>>) offsets(%dma_start3A_166 : memref<80xi32, #tpu.memory_space<vmem>>) semaphore(%arg17 : memref<!tpu.dma_semaphore, #tpu.memory_space<semaphore_mem>>)
      %dma_start3A_170 = arith.constant 0 : i32
      %dma_start3A_171 = arith.constant 80 : i32
      %dma_start3A_172 = arith.constant 0 : i32
      %dma_start3A_173 = tpu.memref_slice %arg15[%dma_start3A_170, %dma_start3A_171, %dma_start3A_172] : memref<2x400x128xbf16, #tpu.memory_space<vmem>> -> memref<1x80x128xbf16, #tpu.memory_space<vmem>>
      %dma_start3A_174 = tpu.memref_squeeze %dma_start3A_173 : memref<1x80x128xbf16, #tpu.memory_space<vmem>> -> memref<80x128xbf16, #tpu.memory_space<vmem>>
      %dma_start3A_175 = tpu.memref_slice %arg11[%multiple_of3A_160] : memref<10000xi32, #tpu.memory_space<vmem>> -> memref<80xi32, #tpu.memory_space<vmem>>
      %dma_start3A_176 = arith.constant 0 : i32
      %dma_start3A_177 = arith.constant 0 : i32
      %dma_start3A_178 = tpu.memref_slice %arg2[%dma_start3A_176, %dma_start3A_177] : memref<10000x128xbf16, #tpu.memory_space<hbm>> -> memref<10000x128xbf16, #tpu.memory_space<hbm>>
      tpu.enqueue_indirect_dma source(%dma_start3A_178 : memref<10000x128xbf16, #tpu.memory_space<hbm>>) target(%dma_start3A_174 : memref<80x128xbf16, #tpu.memory_space<vmem>>) offsets(%dma_start3A_175 : memref<80xi32, #tpu.memory_space<vmem>>) semaphore(%arg17 : memref<!tpu.dma_semaphore, #tpu.memory_space<semaphore_mem>>)
      %dma_start3A_179 = arith.constant 0 : i32
      %dma_start3A_180 = arith.constant 160 : i32
      %dma_start3A_181 = arith.constant 0 : i32
      %dma_start3A_182 = tpu.memref_slice %arg15[%dma_start3A_179, %dma_start3A_180, %dma_start3A_181] : memref<2x400x128xbf16, #tpu.memory_space<vmem>> -> memref<1x80x128xbf16, #tpu.memory_space<vmem>>
      %dma_start3A_183 = tpu.memref_squeeze %dma_start3A_182 : memref<1x80x128xbf16, #tpu.memory_space<vmem>> -> memref<80x128xbf16, #tpu.memory_space<vmem>>
      %dma_start3A_184 = tpu.memref_slice %arg12[%multiple_of3A_160] : memref<10000xi32, #tpu.memory_space<vmem>> -> memref<80xi32, #tpu.memory_space<vmem>>
      %dma_start3A_185 = arith.constant 0 : i32
      %dma_start3A_186 = arith.constant 0 : i32
      %dma_start3A_187 = tpu.memref_slice %arg2[%dma_start3A_185, %dma_start3A_186] : memref<10000x128xbf16, #tpu.memory_space<hbm>> -> memref<10000x128xbf16, #tpu.memory_space<hbm>>
      tpu.enqueue_indirect_dma source(%dma_start3A_187 : memref<10000x128xbf16, #tpu.memory_space<hbm>>) target(%dma_start3A_183 : memref<80x128xbf16, #tpu.memory_space<vmem>>) offsets(%dma_start3A_184 : memref<80xi32, #tpu.memory_space<vmem>>) semaphore(%arg17 : memref<!tpu.dma_semaphore, #tpu.memory_space<semaphore_mem>>)
      %dma_start3A_188 = arith.constant 0 : i32
      %dma_start3A_189 = arith.constant 240 : i32
      %dma_start3A_190 = arith.constant 0 : i32
      %dma_start3A_191 = tpu.memref_slice %arg15[%dma_start3A_188, %dma_start3A_189, %dma_start3A_190] : memref<2x400x128xbf16, #tpu.memory_space<vmem>> -> memref<1x80x128xbf16, #tpu.memory_space<vmem>>
      %dma_start3A_192 = tpu.memref_squeeze %dma_start3A_191 : memref<1x80x128xbf16, #tpu.memory_space<vmem>> -> memref<80x128xbf16, #tpu.memory_space<vmem>>
      %dma_start3A_193 = tpu.memref_slice %arg13[%multiple_of3A_160] : memref<10000xi32, #tpu.memory_space<vmem>> -> memref<80xi32, #tpu.memory_space<vmem>>
      %dma_start3A_194 = arith.constant 0 : i32
      %dma_start3A_195 = arith.constant 0 : i32
      %dma_start3A_196 = tpu.memref_slice %arg2[%dma_start3A_194, %dma_start3A_195] : memref<10000x128xbf16, #tpu.memory_space<hbm>> -> memref<10000x128xbf16, #tpu.memory_space<hbm>>
      tpu.enqueue_indirect_dma source(%dma_start3A_196 : memref<10000x128xbf16, #tpu.memory_space<hbm>>) target(%dma_start3A_192 : memref<80x128xbf16, #tpu.memory_space<vmem>>) offsets(%dma_start3A_193 : memref<80xi32, #tpu.memory_space<vmem>>) semaphore(%arg17 : memref<!tpu.dma_semaphore, #tpu.memory_space<semaphore_mem>>)
      %dma_start3A_197 = arith.constant 0 : i32
      %dma_start3A_198 = arith.constant 320 : i32
      %dma_start3A_199 = arith.constant 0 : i32
      %dma_start3A_200 = tpu.memref_slice %arg15[%dma_start3A_197, %dma_start3A_198, %dma_start3A_199] : memref<2x400x128xbf16, #tpu.memory_space<vmem>> -> memref<1x80x128xbf16, #tpu.memory_space<vmem>>
      %dma_start3A_201 = tpu.memref_squeeze %dma_start3A_200 : memref<1x80x128xbf16, #tpu.memory_space<vmem>> -> memref<80x128xbf16, #tpu.memory_space<vmem>>
      %dma_start3A_202 = tpu.memref_slice %arg14[%multiple_of3A_160] : memref<10000xi32, #tpu.memory_space<vmem>> -> memref<80xi32, #tpu.memory_space<vmem>>
      %dma_start3A_203 = arith.constant 0 : i32
      %dma_start3A_204 = arith.constant 0 : i32
      %dma_start3A_205 = tpu.memref_slice %arg3[%dma_start3A_203, %dma_start3A_204] : memref<990x128xbf16, #tpu.memory_space<hbm>> -> memref<990x128xbf16, #tpu.memory_space<hbm>>
      tpu.enqueue_indirect_dma source(%dma_start3A_205 : memref<990x128xbf16, #tpu.memory_space<hbm>>) target(%dma_start3A_201 : memref<80x128xbf16, #tpu.memory_space<vmem>>) offsets(%dma_start3A_202 : memref<80xi32, #tpu.memory_space<vmem>>) semaphore(%arg17 : memref<!tpu.dma_semaphore, #tpu.memory_space<semaphore_mem>>)
      %dma_wait3A_206 = arith.constant 1 : i32
      %dma_wait3A_207 = arith.constant 0 : i32
      %dma_wait3A_208 = arith.constant 0 : i32
      %dma_wait3A_209 = tpu.memref_slice %arg15[%dma_wait3A_206, %dma_wait3A_207, %dma_wait3A_208] : memref<2x400x128xbf16, #tpu.memory_space<vmem>> -> memref<1x400x128xbf16, #tpu.memory_space<vmem>>
      %dma_wait3A_210 = tpu.memref_squeeze %dma_wait3A_209 : memref<1x400x128xbf16, #tpu.memory_space<vmem>> -> memref<400x128xbf16, #tpu.memory_space<vmem>>
      %dma_wait3A_211 = arith.constant 0 : i32
      %dma_wait3A_212 = arith.constant 0 : i32
      %dma_wait3A_213 = tpu.memref_slice %arg2[%dma_wait3A_211, %dma_wait3A_212] : memref<10000x128xbf16, #tpu.memory_space<hbm>> -> memref<400x128xbf16, #tpu.memory_space<hbm>>
      %dma_wait3A_214 = arith.constant 0 : i32
      %dma_wait3A_215 = arith.constant 0 : i32
      %dma_wait3A_216 = tpu.memref_slice %arg15[%dma_wait3A_206, %dma_wait3A_214, %dma_wait3A_215] : memref<2x400x128xbf16, #tpu.memory_space<vmem>> -> memref<1x400x128xbf16, #tpu.memory_space<vmem>>
      %dma_wait3A_217 = tpu.memref_squeeze %dma_wait3A_216 : memref<1x400x128xbf16, #tpu.memory_space<vmem>> -> memref<400x128xbf16, #tpu.memory_space<vmem>>
      %dma_wait3A_218 = arith.constant 0 : i32
      %dma_wait3A_219 = arith.constant 0 : i32
      %dma_wait3A_220 = tpu.memref_slice %arg2[%dma_wait3A_218, %dma_wait3A_219] : memref<10000x128xbf16, #tpu.memory_space<hbm>> -> memref<400x128xbf16, #tpu.memory_space<hbm>>
      tpu.wait_dma2 semaphore(%arg18 : memref<!tpu.dma_semaphore, #tpu.memory_space<semaphore_mem>>) src(%dma_wait3A_220 : memref<400x128xbf16, #tpu.memory_space<hbm>>) dst(%dma_wait3A_217 : memref<400x128xbf16, #tpu.memory_space<vmem>>)
      %scan3A_221 = arith.constant 0 : i32
      %scan3A_222 = arith.constant 80 : i32
      %scan3A_223 = arith.addi %scan3A_221, %scan3A_222 : i32
      %scan3A_224 = arith.constant 4 : i32
      %scan3A_225 = scf.for %scan3A_227 = %scan3A_221 to %scan3A_223 step %scan3A_224 iter_args(%scan3A_228 = %scan3A_152) -> (f32)  : i32 {
        %add3A_229 = arith.constant 320 : i32
        %add3A_230 = arith.addi %add3A_229, %scan3A_227 : i32
        %get3A = arith.constant 1 : i32
        %get3A_231 = arith.index_cast %get3A : i32 to index
        %get3A_232 = arith.index_cast %add3A_230 : i32 to index
        %get3A_233 = arith.constant 0 : index
        %get3A_234 = tpu.vector_load %arg15[%get3A_231, %get3A_232, %get3A_233] {strides = array<i32>} : memref<2x400x128xbf16, #tpu.memory_space<vmem>>, vector<32xbf16>,
        %get3A_235 = arith.constant 1 : i32
        %get3A_236 = arith.index_cast %get3A_235 : i32 to index
        %get3A_237 = arith.index_cast %scan3A_227 : i32 to index
        %get3A_238 = arith.constant 0 : index
        %get3A_239 = tpu.vector_load %arg15[%get3A_236, %get3A_237, %get3A_238] {strides = array<i32>} : memref<2x400x128xbf16, #tpu.memory_space<vmem>>, vector<32xbf16>,
        %add3A_240 = arith.addf %get3A_239, %get3A_234 : vector<32xbf16>
        %add3A_241 = arith.constant 80 : i32
        %add3A_242 = arith.addi %add3A_241, %scan3A_227 : i32
        %get3A_243 = arith.constant 1 : i32
        %get3A_244 = arith.index_cast %get3A_243 : i32 to index
        %get3A_245 = arith.index_cast %add3A_242 : i32 to index
        %get3A_246 = arith.constant 0 : index
        %get3A_247 = tpu.vector_load %arg15[%get3A_244, %get3A_245, %get3A_246] {strides = array<i32>} : memref<2x400x128xbf16, #tpu.memory_space<vmem>>, vector<32xbf16>,
        %sub3A = arith.subf %add3A_240, %get3A_247 : vector<32xbf16>
        %unpack3A = tpu.unpack_subelements %sub3A, 0 {pack_format = #tpu.pack_format<interleaved>} : vector<32xbf16> -> vector<16xf32>
        %unpack3A_248 = tpu.unpack_subelements %sub3A, 1 {pack_format = #tpu.pack_format<interleaved>} : vector<32xbf16> -> vector<16xf32>
        %add3A_249 = arith.constant 160 : i32
        %add3A_250 = arith.addi %add3A_249, %scan3A_227 : i32
        %get3A_251 = arith.constant 1 : i32
        %get3A_252 = arith.index_cast %get3A_251 : i32 to index
        %get3A_253 = arith.index_cast %add3A_250 : i32 to index
        %get3A_254 = arith.constant 0 : index
        %get3A_255 = tpu.vector_load %arg15[%get3A_252, %get3A_253, %get3A_254] {strides = array<i32>} : memref<2x400x128xbf16, #tpu.memory_space<vmem>>, vector<32xbf16>,
        %add3A_256 = arith.addf %get3A_255, %get3A_234 : vector<32xbf16>
        %add3A_257 = arith.constant 240 : i32
        %add3A_258 = arith.addi %add3A_257, %scan3A_227 : i32
        %get3A_259 = arith.constant 1 : i32
        %get3A_260 = arith.index_cast %get3A_259 : i32 to index
        %get3A_261 = arith.index_cast %add3A_258 : i32 to index
        %get3A_262 = arith.constant 0 : index
        %get3A_263 = tpu.vector_load %arg15[%get3A_260, %get3A_261, %get3A_262] {strides = array<i32>} : memref<2x400x128xbf16, #tpu.memory_space<vmem>>, vector<32xbf16>,
        %sub3A_264 = arith.subf %add3A_256, %get3A_263 : vector<32xbf16>
        %unpack3A_265 = tpu.unpack_subelements %sub3A_264, 0 {pack_format = #tpu.pack_format<interleaved>} : vector<32xbf16> -> vector<16xf32>
        %unpack3A_266 = tpu.unpack_subelements %sub3A_264, 1 {pack_format = #tpu.pack_format<interleaved>} : vector<32xbf16> -> vector<16xf32>
        %mul3A_267 = arith.mulf %unpack3A, %unpack3A : vector<16xf32>
        %mul3A_268 = arith.mulf %unpack3A_248, %unpack3A_248 : vector<16xf32>
        %add3A_269 = arith.addf %mul3A_267, %mul3A_268 : vector<16xf32>
        %mul3A_270 = arith.mulf %unpack3A_265, %unpack3A_265 : vector<16xf32>
        %mul3A_271 = arith.mulf %unpack3A_266, %unpack3A_266 : vector<16xf32>
        %add3A_272 = arith.addf %mul3A_270, %mul3A_271 : vector<16xf32>
        %add3A_273 = arith.constant 320 : i32
        %add3A_274 = arith.addi %add3A_273, %scan3A_227 : i32
        %get3A_275 = arith.constant 1 : i32
        %get3A_276 = arith.index_cast %get3A_275 : i32 to index
        %get3A_277 = arith.index_cast %add3A_274 : i32 to index
        %get3A_278 = arith.constant 32 : index
        %get3A_279 = tpu.vector_load %arg15[%get3A_276, %get3A_277, %get3A_278] {strides = array<i32>} : memref<2x400x128xbf16, #tpu.memory_space<vmem>>, vector<32xbf16>,
        %get3A_280 = arith.constant 1 : i32
        %get3A_281 = arith.index_cast %get3A_280 : i32 to index
        %get3A_282 = arith.index_cast %scan3A_227 : i32 to index
        %get3A_283 = arith.constant 32 : index
        %get3A_284 = tpu.vector_load %arg15[%get3A_281, %get3A_282, %get3A_283] {strides = array<i32>} : memref<2x400x128xbf16, #tpu.memory_space<vmem>>, vector<32xbf16>,
        %add3A_285 = arith.addf %get3A_284, %get3A_279 : vector<32xbf16>
        %add3A_286 = arith.constant 80 : i32
        %add3A_287 = arith.addi %add3A_286, %scan3A_227 : i32
        %get3A_288 = arith.constant 1 : i32
        %get3A_289 = arith.index_cast %get3A_288 : i32 to index
        %get3A_290 = arith.index_cast %add3A_287 : i32 to index
        %get3A_291 = arith.constant 32 : index
        %get3A_292 = tpu.vector_load %arg15[%get3A_289, %get3A_290, %get3A_291] {strides = array<i32>} : memref<2x400x128xbf16, #tpu.memory_space<vmem>>, vector<32xbf16>,
        %sub3A_293 = arith.subf %add3A_285, %get3A_292 : vector<32xbf16>
        %unpack3A_294 = tpu.unpack_subelements %sub3A_293, 0 {pack_format = #tpu.pack_format<interleaved>} : vector<32xbf16> -> vector<16xf32>
        %unpack3A_295 = tpu.unpack_subelements %sub3A_293, 1 {pack_format = #tpu.pack_format<interleaved>} : vector<32xbf16> -> vector<16xf32>
        %add3A_296 = arith.constant 160 : i32
        %add3A_297 = arith.addi %add3A_296, %scan3A_227 : i32
        %get3A_298 = arith.constant 1 : i32
        %get3A_299 = arith.index_cast %get3A_298 : i32 to index
        %get3A_300 = arith.index_cast %add3A_297 : i32 to index
        %get3A_301 = arith.constant 32 : index
        %get3A_302 = tpu.vector_load %arg15[%get3A_299, %get3A_300, %get3A_301] {strides = array<i32>} : memref<2x400x128xbf16, #tpu.memory_space<vmem>>, vector<32xbf16>,
        %add3A_303 = arith.addf %get3A_302, %get3A_279 : vector<32xbf16>
        %add3A_304 = arith.constant 240 : i32
        %add3A_305 = arith.addi %add3A_304, %scan3A_227 : i32
        %get3A_306 = arith.constant 1 : i32
        %get3A_307 = arith.index_cast %get3A_306 : i32 to index
        %get3A_308 = arith.index_cast %add3A_305 : i32 to index
        %get3A_309 = arith.constant 32 : index
        %get3A_310 = tpu.vector_load %arg15[%get3A_307, %get3A_308, %get3A_309] {strides = array<i32>} : memref<2x400x128xbf16, #tpu.memory_space<vmem>>, vector<32xbf16>,
        %sub3A_311 = arith.subf %add3A_303, %get3A_310 : vector<32xbf16>
        %unpack3A_312 = tpu.unpack_subelements %sub3A_311, 0 {pack_format = #tpu.pack_format<interleaved>} : vector<32xbf16> -> vector<16xf32>
        %unpack3A_313 = tpu.unpack_subelements %sub3A_311, 1 {pack_format = #tpu.pack_format<interleaved>} : vector<32xbf16> -> vector<16xf32>
        %mul3A_314 = arith.mulf %unpack3A_294, %unpack3A_294 : vector<16xf32>
        %add3A_315 = arith.addf %add3A_269, %mul3A_314 : vector<16xf32>
        %mul3A_316 = arith.mulf %unpack3A_295, %unpack3A_295 : vector<16xf32>
        %add3A_317 = arith.addf %add3A_315, %mul3A_316 : vector<16xf32>
        %mul3A_318 = arith.mulf %unpack3A_312, %unpack3A_312 : vector<16xf32>
        %add3A_319 = arith.addf %add3A_272, %mul3A_318 : vector<16xf32>
        %mul3A_320 = arith.mulf %unpack3A_313, %unpack3A_313 : vector<16xf32>
        %add3A_321 = arith.addf %add3A_319, %mul3A_320 : vector<16xf32>
        %add3A_322 = arith.constant 320 : i32
        %add3A_323 = arith.addi %add3A_322, %scan3A_227 : i32
        %get3A_324 = arith.constant 1 : i32
        %get3A_325 = arith.index_cast %get3A_324 : i32 to index
        %get3A_326 = arith.index_cast %add3A_323 : i32 to index
        %get3A_327 = arith.constant 64 : index
        %get3A_328 = tpu.vector_load %arg15[%get3A_325, %get3A_326, %get3A_327] {strides = array<i32>} : memref<2x400x128xbf16, #tpu.memory_space<vmem>>, vector<32xbf16>,
        %get3A_329 = arith.constant 1 : i32
        %get3A_330 = arith.index_cast %get3A_329 : i32 to index
        %get3A_331 = arith.index_cast %scan3A_227 : i32 to index
        %get3A_332 = arith.constant 64 : index
        %get3A_333 = tpu.vector_load %arg15[%get3A_330, %get3A_331, %get3A_332] {strides = array<i32>} : memref<2x400x128xbf16, #tpu.memory_space<vmem>>, vector<32xbf16>,
        %add3A_334 = arith.addf %get3A_333, %get3A_328 : vector<32xbf16>
        %add3A_335 = arith.constant 80 : i32
        %add3A_336 = arith.addi %add3A_335, %scan3A_227 : i32
        %get3A_337 = arith.constant 1 : i32
        %get3A_338 = arith.index_cast %get3A_337 : i32 to index
        %get3A_339 = arith.index_cast %add3A_336 : i32 to index
        %get3A_340 = arith.constant 64 : index
        %get3A_341 = tpu.vector_load %arg15[%get3A_338, %get3A_339, %get3A_340] {strides = array<i32>} : memref<2x400x128xbf16, #tpu.memory_space<vmem>>, vector<32xbf16>,
        %sub3A_342 = arith.subf %add3A_334, %get3A_341 : vector<32xbf16>
        %unpack3A_343 = tpu.unpack_subelements %sub3A_342, 0 {pack_format = #tpu.pack_format<interleaved>} : vector<32xbf16> -> vector<16xf32>
        %unpack3A_344 = tpu.unpack_subelements %sub3A_342, 1 {pack_format = #tpu.pack_format<interleaved>} : vector<32xbf16> -> vector<16xf32>
        %add3A_345 = arith.constant 160 : i32
        %add3A_346 = arith.addi %add3A_345, %scan3A_227 : i32
        %get3A_347 = arith.constant 1 : i32
        %get3A_348 = arith.index_cast %get3A_347 : i32 to index
        %get3A_349 = arith.index_cast %add3A_346 : i32 to index
        %get3A_350 = arith.constant 64 : index
        %get3A_351 = tpu.vector_load %arg15[%get3A_348, %get3A_349, %get3A_350] {strides = array<i32>} : memref<2x400x128xbf16, #tpu.memory_space<vmem>>, vector<32xbf16>,
        %add3A_352 = arith.addf %get3A_351, %get3A_328 : vector<32xbf16>
        %add3A_353 = arith.constant 240 : i32
        %add3A_354 = arith.addi %add3A_353, %scan3A_227 : i32
        %get3A_355 = arith.constant 1 : i32
        %get3A_356 = arith.index_cast %get3A_355 : i32 to index
        %get3A_357 = arith.index_cast %add3A_354 : i32 to index
        %get3A_358 = arith.constant 64 : index
        %get3A_359 = tpu.vector_load %arg15[%get3A_356, %get3A_357, %get3A_358] {strides = array<i32>} : memref<2x400x128xbf16, #tpu.memory_space<vmem>>, vector<32xbf16>,
        %sub3A_360 = arith.subf %add3A_352, %get3A_359 : vector<32xbf16>
        %unpack3A_361 = tpu.unpack_subelements %sub3A_360, 0 {pack_format = #tpu.pack_format<interleaved>} : vector<32xbf16> -> vector<16xf32>
        %unpack3A_362 = tpu.unpack_subelements %sub3A_360, 1 {pack_format = #tpu.pack_format<interleaved>} : vector<32xbf16> -> vector<16xf32>
        %mul3A_363 = arith.mulf %unpack3A_343, %unpack3A_343 : vector<16xf32>
        %add3A_364 = arith.addf %add3A_317, %mul3A_363 : vector<16xf32>
        %mul3A_365 = arith.mulf %unpack3A_344, %unpack3A_344 : vector<16xf32>
        %add3A_366 = arith.addf %add3A_364, %mul3A_365 : vector<16xf32>
        %mul3A_367 = arith.mulf %unpack3A_361, %unpack3A_361 : vector<16xf32>
        %add3A_368 = arith.addf %add3A_321, %mul3A_367 : vector<16xf32>
        %mul3A_369 = arith.mulf %unpack3A_362, %unpack3A_362 : vector<16xf32>
        %add3A_370 = arith.addf %add3A_368, %mul3A_369 : vector<16xf32>
        %add3A_371 = arith.constant 320 : i32
        %add3A_372 = arith.addi %add3A_371, %scan3A_227 : i32
        %get3A_373 = arith.constant 1 : i32
        %get3A_374 = arith.index_cast %get3A_373 : i32 to index
        %get3A_375 = arith.index_cast %add3A_372 : i32 to index
        %get3A_376 = arith.constant 96 : index
        %get3A_377 = tpu.vector_load %arg15[%get3A_374, %get3A_375, %get3A_376] {strides = array<i32>} : memref<2x400x128xbf16, #tpu.memory_space<vmem>>, vector<32xbf16>,
        %get3A_378 = arith.constant 1 : i32
        %get3A_379 = arith.index_cast %get3A_378 : i32 to index
        %get3A_380 = arith.index_cast %scan3A_227 : i32 to index
        %get3A_381 = arith.constant 96 : index
        %get3A_382 = tpu.vector_load %arg15[%get3A_379, %get3A_380, %get3A_381] {strides = array<i32>} : memref<2x400x128xbf16, #tpu.memory_space<vmem>>, vector<32xbf16>,
        %add3A_383 = arith.addf %get3A_382, %get3A_377 : vector<32xbf16>
        %add3A_384 = arith.constant 80 : i32
        %add3A_385 = arith.addi %add3A_384, %scan3A_227 : i32
        %get3A_386 = arith.constant 1 : i32
        %get3A_387 = arith.index_cast %get3A_386 : i32 to index
        %get3A_388 = arith.index_cast %add3A_385 : i32 to index
        %get3A_389 = arith.constant 96 : index
        %get3A_390 = tpu.vector_load %arg15[%get3A_387, %get3A_388, %get3A_389] {strides = array<i32>} : memref<2x400x128xbf16, #tpu.memory_space<vmem>>, vector<32xbf16>,
        %sub3A_391 = arith.subf %add3A_383, %get3A_390 : vector<32xbf16>
        %unpack3A_392 = tpu.unpack_subelements %sub3A_391, 0 {pack_format = #tpu.pack_format<interleaved>} : vector<32xbf16> -> vector<16xf32>
        %unpack3A_393 = tpu.unpack_subelements %sub3A_391, 1 {pack_format = #tpu.pack_format<interleaved>} : vector<32xbf16> -> vector<16xf32>
        %add3A_394 = arith.constant 160 : i32
        %add3A_395 = arith.addi %add3A_394, %scan3A_227 : i32
        %get3A_396 = arith.constant 1 : i32
        %get3A_397 = arith.index_cast %get3A_396 : i32 to index
        %get3A_398 = arith.index_cast %add3A_395 : i32 to index
        %get3A_399 = arith.constant 96 : index
        %get3A_400 = tpu.vector_load %arg15[%get3A_397, %get3A_398, %get3A_399] {strides = array<i32>} : memref<2x400x128xbf16, #tpu.memory_space<vmem>>, vector<32xbf16>,
        %add3A_401 = arith.addf %get3A_400, %get3A_377 : vector<32xbf16>
        %add3A_402 = arith.constant 240 : i32
        %add3A_403 = arith.addi %add3A_402, %scan3A_227 : i32
        %get3A_404 = arith.constant 1 : i32
        %get3A_405 = arith.index_cast %get3A_404 : i32 to index
        %get3A_406 = arith.index_cast %add3A_403 : i32 to index
        %get3A_407 = arith.constant 96 : index
        %get3A_408 = tpu.vector_load %arg15[%get3A_405, %get3A_406, %get3A_407] {strides = array<i32>} : memref<2x400x128xbf16, #tpu.memory_space<vmem>>, vector<32xbf16>,
        %sub3A_409 = arith.subf %add3A_401, %get3A_408 : vector<32xbf16>
        %unpack3A_410 = tpu.unpack_subelements %sub3A_409, 0 {pack_format = #tpu.pack_format<interleaved>} : vector<32xbf16> -> vector<16xf32>
        %unpack3A_411 = tpu.unpack_subelements %sub3A_409, 1 {pack_format = #tpu.pack_format<interleaved>} : vector<32xbf16> -> vector<16xf32>
        %mul3A_412 = arith.mulf %unpack3A_392, %unpack3A_392 : vector<16xf32>
        %add3A_413 = arith.addf %add3A_366, %mul3A_412 : vector<16xf32>
        %mul3A_414 = arith.mulf %unpack3A_393, %unpack3A_393 : vector<16xf32>
        %add3A_415 = arith.addf %add3A_413, %mul3A_414 : vector<16xf32>
        %mul3A_416 = arith.mulf %unpack3A_410, %unpack3A_410 : vector<16xf32>
        %add3A_417 = arith.addf %add3A_370, %mul3A_416 : vector<16xf32>
        %mul3A_418 = arith.mulf %unpack3A_411, %unpack3A_411 : vector<16xf32>
        %add3A_419 = arith.addf %add3A_417, %mul3A_418 : vector<16xf32>
        %reduce_sum3A = arith.constant true
        %reduce_sum3A_420 = vector.broadcast %reduce_sum3A : i1 to vector<16xi1>
        %reduce_sum3A_421 = tpu.scan <sum>, %add3A_415 masked %reduce_sum3A_420 : vector<16xf32>, vector<16xi1> -> vector<16xf32>
        %reduce_sum3A_422 = vector.extract %reduce_sum3A_421[15] : f32 from vector<16xf32>
        %bitcast_convert_type3A = arith.bitcast %reduce_sum3A_422 : f32 to i32
        %shift_right_arithmetic3A = arith.constant 1 : i32
        %shift_right_arithmetic3A_423 = arith.shrsi %bitcast_convert_type3A, %shift_right_arithmetic3A : i32
        %sub3A_424 = arith.constant 1597463007 : i32
        %sub3A_425 = arith.subi %sub3A_424, %shift_right_arithmetic3A_423 : i32
        %bitcast_convert_type3A_426 = arith.bitcast %sub3A_425 : i32 to f32
        %mul3A_427 = arith.constant 5.000000e-01 : f32
        %mul3A_428 = arith.mulf %mul3A_427, %reduce_sum3A_422 : f32
        %mul3A_429 = arith.mulf %mul3A_428, %bitcast_convert_type3A_426 : f32
        %mul3A_430 = arith.mulf %mul3A_429, %bitcast_convert_type3A_426 : f32
        %sub3A_431 = arith.constant 1.500000e+00 : f32
        %sub3A_432 = arith.subf %sub3A_431, %mul3A_430 : f32
        %mul3A_433 = arith.mulf %bitcast_convert_type3A_426, %sub3A_432 : f32
        %mul3A_434 = arith.constant 5.000000e-01 : f32
        %mul3A_435 = arith.mulf %mul3A_434, %reduce_sum3A_422 : f32
        %mul3A_436 = arith.mulf %mul3A_435, %mul3A_433 : f32
        %mul3A_437 = arith.mulf %mul3A_436, %mul3A_433 : f32
        %sub3A_438 = arith.constant 1.500000e+00 : f32
        %sub3A_439 = arith.subf %sub3A_438, %mul3A_437 : f32
        %mul3A_440 = arith.mulf %mul3A_433, %sub3A_439 : f32
        %mul3A_441 = arith.mulf %reduce_sum3A_422, %mul3A_440 : f32
        %reduce_sum3A_442 = arith.constant true
        %reduce_sum3A_443 = vector.broadcast %reduce_sum3A_442 : i1 to vector<16xi1>
        %reduce_sum3A_444 = tpu.scan <sum>, %add3A_419 masked %reduce_sum3A_443 : vector<16xf32>, vector<16xi1> -> vector<16xf32>
        %reduce_sum3A_445 = vector.extract %reduce_sum3A_444[15] : f32 from vector<16xf32>
        %bitcast_convert_type3A_446 = arith.bitcast %reduce_sum3A_445 : f32 to i32
        %shift_right_arithmetic3A_447 = arith.constant 1 : i32
        %shift_right_arithmetic3A_448 = arith.shrsi %bitcast_convert_type3A_446, %shift_right_arithmetic3A_447 : i32
        %sub3A_449 = arith.constant 1597463007 : i32
        %sub3A_450 = arith.subi %sub3A_449, %shift_right_arithmetic3A_448 : i32
        %bitcast_convert_type3A_451 = arith.bitcast %sub3A_450 : i32 to f32
        %mul3A_452 = arith.constant 5.000000e-01 : f32
        %mul3A_453 = arith.mulf %mul3A_452, %reduce_sum3A_445 : f32
        %mul3A_454 = arith.mulf %mul3A_453, %bitcast_convert_type3A_451 : f32
        %mul3A_455 = arith.mulf %mul3A_454, %bitcast_convert_type3A_451 : f32
        %sub3A_456 = arith.constant 1.500000e+00 : f32
        %sub3A_457 = arith.subf %sub3A_456, %mul3A_455 : f32
        %mul3A_458 = arith.mulf %bitcast_convert_type3A_451, %sub3A_457 : f32
        %mul3A_459 = arith.constant 5.000000e-01 : f32
        %mul3A_460 = arith.mulf %mul3A_459, %reduce_sum3A_445 : f32
        %mul3A_461 = arith.mulf %mul3A_460, %mul3A_458 : f32
        %mul3A_462 = arith.mulf %mul3A_461, %mul3A_458 : f32
        %sub3A_463 = arith.constant 1.500000e+00 : f32
        %sub3A_464 = arith.subf %sub3A_463, %mul3A_462 : f32
        %mul3A_465 = arith.mulf %mul3A_458, %sub3A_464 : f32
        %mul3A_466 = arith.mulf %reduce_sum3A_445, %mul3A_465 : f32
        %sub3A_467 = arith.subf %mul3A_441, %mul3A_466 : f32
        %add3A_468 = arith.constant 1.000000e+00 : f32
        %add3A_469 = arith.addf %sub3A_467, %add3A_468 : f32
        %max3A = arith.constant 0.000000e+00 : f32
        %max3A_470 = arith.maximumf %add3A_469, %max3A : f32
        %add3A_471 = arith.addf %scan3A_228, %max3A_470 : f32
        %scan3A_472 = arith.constant 1 : i32
        %scan3A_473 = arith.addi %scan3A_227, %scan3A_472 : i32
        %add3A_474 = arith.constant 320 : i32
        %add3A_475 = arith.addi %add3A_474, %scan3A_473 : i32
        %get3A_476 = arith.constant 1 : i32
        %get3A_477 = arith.index_cast %get3A_476 : i32 to index
        %get3A_478 = arith.index_cast %add3A_475 : i32 to index
        %get3A_479 = arith.constant 0 : index
        %get3A_480 = tpu.vector_load %arg15[%get3A_477, %get3A_478, %get3A_479] {strides = array<i32>} : memref<2x400x128xbf16, #tpu.memory_space<vmem>>, vector<32xbf16>,
        %get3A_481 = arith.constant 1 : i32
        %get3A_482 = arith.index_cast %get3A_481 : i32 to index
        %get3A_483 = arith.index_cast %scan3A_473 : i32 to index
        %get3A_484 = arith.constant 0 : index
        %get3A_485 = tpu.vector_load %arg15[%get3A_482, %get3A_483, %get3A_484] {strides = array<i32>} : memref<2x400x128xbf16, #tpu.memory_space<vmem>>, vector<32xbf16>,
        %add3A_486 = arith.addf %get3A_485, %get3A_480 : vector<32xbf16>
        %add3A_487 = arith.constant 80 : i32
        %add3A_488 = arith.addi %add3A_487, %scan3A_473 : i32
        %get3A_489 = arith.constant 1 : i32
        %get3A_490 = arith.index_cast %get3A_489 : i32 to index
        %get3A_491 = arith.index_cast %add3A_488 : i32 to index
        %get3A_492 = arith.constant 0 : index
        %get3A_493 = tpu.vector_load %arg15[%get3A_490, %get3A_491, %get3A_492] {strides = array<i32>} : memref<2x400x128xbf16, #tpu.memory_space<vmem>>, vector<32xbf16>,
        %sub3A_494 = arith.subf %add3A_486, %get3A_493 : vector<32xbf16>
        %unpack3A_495 = tpu.unpack_subelements %sub3A_494, 0 {pack_format = #tpu.pack_format<interleaved>} : vector<32xbf16> -> vector<16xf32>
        %unpack3A_496 = tpu.unpack_subelements %sub3A_494, 1 {pack_format = #tpu.pack_format<interleaved>} : vector<32xbf16> -> vector<16xf32>
        %add3A_497 = arith.constant 160 : i32
        %add3A_498 = arith.addi %add3A_497, %scan3A_473 : i32
        %get3A_499 = arith.constant 1 : i32
        %get3A_500 = arith.index_cast %get3A_499 : i32 to index
        %get3A_501 = arith.index_cast %add3A_498 : i32 to index
        %get3A_502 = arith.constant 0 : index
        %get3A_503 = tpu.vector_load %arg15[%get3A_500, %get3A_501, %get3A_502] {strides = array<i32>} : memref<2x400x128xbf16, #tpu.memory_space<vmem>>, vector<32xbf16>,
        %add3A_504 = arith.addf %get3A_503, %get3A_480 : vector<32xbf16>
        %add3A_505 = arith.constant 240 : i32
        %add3A_506 = arith.addi %add3A_505, %scan3A_473 : i32
        %get3A_507 = arith.constant 1 : i32
        %get3A_508 = arith.index_cast %get3A_507 : i32 to index
        %get3A_509 = arith.index_cast %add3A_506 : i32 to index
        %get3A_510 = arith.constant 0 : index
        %get3A_511 = tpu.vector_load %arg15[%get3A_508, %get3A_509, %get3A_510] {strides = array<i32>} : memref<2x400x128xbf16, #tpu.memory_space<vmem>>, vector<32xbf16>,
        %sub3A_512 = arith.subf %add3A_504, %get3A_511 : vector<32xbf16>
        %unpack3A_513 = tpu.unpack_subelements %sub3A_512, 0 {pack_format = #tpu.pack_format<interleaved>} : vector<32xbf16> -> vector<16xf32>
        %unpack3A_514 = tpu.unpack_subelements %sub3A_512, 1 {pack_format = #tpu.pack_format<interleaved>} : vector<32xbf16> -> vector<16xf32>
        %mul3A_515 = arith.mulf %unpack3A_495, %unpack3A_495 : vector<16xf32>
        %mul3A_516 = arith.mulf %unpack3A_496, %unpack3A_496 : vector<16xf32>
        %add3A_517 = arith.addf %mul3A_515, %mul3A_516 : vector<16xf32>
        %mul3A_518 = arith.mulf %unpack3A_513, %unpack3A_513 : vector<16xf32>
        %mul3A_519 = arith.mulf %unpack3A_514, %unpack3A_514 : vector<16xf32>
        %add3A_520 = arith.addf %mul3A_518, %mul3A_519 : vector<16xf32>
        %add3A_521 = arith.constant 320 : i32
        %add3A_522 = arith.addi %add3A_521, %scan3A_473 : i32
        %get3A_523 = arith.constant 1 : i32
        %get3A_524 = arith.index_cast %get3A_523 : i32 to index
        %get3A_525 = arith.index_cast %add3A_522 : i32 to index
        %get3A_526 = arith.constant 32 : index
        %get3A_527 = tpu.vector_load %arg15[%get3A_524, %get3A_525, %get3A_526] {strides = array<i32>} : memref<2x400x128xbf16, #tpu.memory_space<vmem>>, vector<32xbf16>,
        %get3A_528 = arith.constant 1 : i32
        %get3A_529 = arith.index_cast %get3A_528 : i32 to index
        %get3A_530 = arith.index_cast %scan3A_473 : i32 to index
        %get3A_531 = arith.constant 32 : index
        %get3A_532 = tpu.vector_load %arg15[%get3A_529, %get3A_530, %get3A_531] {strides = array<i32>} : memref<2x400x128xbf16, #tpu.memory_space<vmem>>, vector<32xbf16>,
        %add3A_533 = arith.addf %get3A_532, %get3A_527 : vector<32xbf16>
        %add3A_534 = arith.constant 80 : i32
        %add3A_535 = arith.addi %add3A_534, %scan3A_473 : i32
        %get3A_536 = arith.constant 1 : i32
        %get3A_537 = arith.index_cast %get3A_536 : i32 to index
        %get3A_538 = arith.index_cast %add3A_535 : i32 to index
        %get3A_539 = arith.constant 32 : index
        %get3A_540 = tpu.vector_load %arg15[%get3A_537, %get3A_538, %get3A_539] {strides = array<i32>} : memref<2x400x128xbf16, #tpu.memory_space<vmem>>, vector<32xbf16>,
        %sub3A_541 = arith.subf %add3A_533, %get3A_540 : vector<32xbf16>
        %unpack3A_542 = tpu.unpack_subelements %sub3A_541, 0 {pack_format = #tpu.pack_format<interleaved>} : vector<32xbf16> -> vector<16xf32>
        %unpack3A_543 = tpu.unpack_subelements %sub3A_541, 1 {pack_format = #tpu.pack_format<interleaved>} : vector<32xbf16> -> vector<16xf32>
        %add3A_544 = arith.constant 160 : i32
        %add3A_545 = arith.addi %add3A_544, %scan3A_473 : i32
        %get3A_546 = arith.constant 1 : i32
        %get3A_547 = arith.index_cast %get3A_546 : i32 to index
        %get3A_548 = arith.index_cast %add3A_545 : i32 to index
        %get3A_549 = arith.constant 32 : index
        %get3A_550 = tpu.vector_load %arg15[%get3A_547, %get3A_548, %get3A_549] {strides = array<i32>} : memref<2x400x128xbf16, #tpu.memory_space<vmem>>, vector<32xbf16>,
        %add3A_551 = arith.addf %get3A_550, %get3A_527 : vector<32xbf16>
        %add3A_552 = arith.constant 240 : i32
        %add3A_553 = arith.addi %add3A_552, %scan3A_473 : i32
        %get3A_554 = arith.constant 1 : i32
        %get3A_555 = arith.index_cast %get3A_554 : i32 to index
        %get3A_556 = arith.index_cast %add3A_553 : i32 to index
        %get3A_557 = arith.constant 32 : index
        %get3A_558 = tpu.vector_load %arg15[%get3A_555, %get3A_556, %get3A_557] {strides = array<i32>} : memref<2x400x128xbf16, #tpu.memory_space<vmem>>, vector<32xbf16>,
        %sub3A_559 = arith.subf %add3A_551, %get3A_558 : vector<32xbf16>
        %unpack3A_560 = tpu.unpack_subelements %sub3A_559, 0 {pack_format = #tpu.pack_format<interleaved>} : vector<32xbf16> -> vector<16xf32>
        %unpack3A_561 = tpu.unpack_subelements %sub3A_559, 1 {pack_format = #tpu.pack_format<interleaved>} : vector<32xbf16> -> vector<16xf32>
        %mul3A_562 = arith.mulf %unpack3A_542, %unpack3A_542 : vector<16xf32>
        %add3A_563 = arith.addf %add3A_517, %mul3A_562 : vector<16xf32>
        %mul3A_564 = arith.mulf %unpack3A_543, %unpack3A_543 : vector<16xf32>
        %add3A_565 = arith.addf %add3A_563, %mul3A_564 : vector<16xf32>
        %mul3A_566 = arith.mulf %unpack3A_560, %unpack3A_560 : vector<16xf32>
        %add3A_567 = arith.addf %add3A_520, %mul3A_566 : vector<16xf32>
        %mul3A_568 = arith.mulf %unpack3A_561, %unpack3A_561 : vector<16xf32>
        %add3A_569 = arith.addf %add3A_567, %mul3A_568 : vector<16xf32>
        %add3A_570 = arith.constant 320 : i32
        %add3A_571 = arith.addi %add3A_570, %scan3A_473 : i32
        %get3A_572 = arith.constant 1 : i32
        %get3A_573 = arith.index_cast %get3A_572 : i32 to index
        %get3A_574 = arith.index_cast %add3A_571 : i32 to index
        %get3A_575 = arith.constant 64 : index
        %get3A_576 = tpu.vector_load %arg15[%get3A_573, %get3A_574, %get3A_575] {strides = array<i32>} : memref<2x400x128xbf16, #tpu.memory_space<vmem>>, vector<32xbf16>,
        %get3A_577 = arith.constant 1 : i32
        %get3A_578 = arith.index_cast %get3A_577 : i32 to index
        %get3A_579 = arith.index_cast %scan3A_473 : i32 to index
        %get3A_580 = arith.constant 64 : index
        %get3A_581 = tpu.vector_load %arg15[%get3A_578, %get3A_579, %get3A_580] {strides = array<i32>} : memref<2x400x128xbf16, #tpu.memory_space<vmem>>, vector<32xbf16>,
        %add3A_582 = arith.addf %get3A_581, %get3A_576 : vector<32xbf16>
        %add3A_583 = arith.constant 80 : i32
        %add3A_584 = arith.addi %add3A_583, %scan3A_473 : i32
        %get3A_585 = arith.constant 1 : i32
        %get3A_586 = arith.index_cast %get3A_585 : i32 to index
        %get3A_587 = arith.index_cast %add3A_584 : i32 to index
        %get3A_588 = arith.constant 64 : index
        %get3A_589 = tpu.vector_load %arg15[%get3A_586, %get3A_587, %get3A_588] {strides = array<i32>} : memref<2x400x128xbf16, #tpu.memory_space<vmem>>, vector<32xbf16>,
        %sub3A_590 = arith.subf %add3A_582, %get3A_589 : vector<32xbf16>
        %unpack3A_591 = tpu.unpack_subelements %sub3A_590, 0 {pack_format = #tpu.pack_format<interleaved>} : vector<32xbf16> -> vector<16xf32>
        %unpack3A_592 = tpu.unpack_subelements %sub3A_590, 1 {pack_format = #tpu.pack_format<interleaved>} : vector<32xbf16> -> vector<16xf32>
        %add3A_593 = arith.constant 160 : i32
        %add3A_594 = arith.addi %add3A_593, %scan3A_473 : i32
        %get3A_595 = arith.constant 1 : i32
        %get3A_596 = arith.index_cast %get3A_595 : i32 to index
        %get3A_597 = arith.index_cast %add3A_594 : i32 to index
        %get3A_598 = arith.constant 64 : index
        %get3A_599 = tpu.vector_load %arg15[%get3A_596, %get3A_597, %get3A_598] {strides = array<i32>} : memref<2x400x128xbf16, #tpu.memory_space<vmem>>, vector<32xbf16>,
        %add3A_600 = arith.addf %get3A_599, %get3A_576 : vector<32xbf16>
        %add3A_601 = arith.constant 240 : i32
        %add3A_602 = arith.addi %add3A_601, %scan3A_473 : i32
        %get3A_603 = arith.constant 1 : i32
        %get3A_604 = arith.index_cast %get3A_603 : i32 to index
        %get3A_605 = arith.index_cast %add3A_602 : i32 to index
        %get3A_606 = arith.constant 64 : index
        %get3A_607 = tpu.vector_load %arg15[%get3A_604, %get3A_605, %get3A_606] {strides = array<i32>} : memref<2x400x128xbf16, #tpu.memory_space<vmem>>, vector<32xbf16>,
        %sub3A_608 = arith.subf %add3A_600, %get3A_607 : vector<32xbf16>
        %unpack3A_609 = tpu.unpack_subelements %sub3A_608, 0 {pack_format = #tpu.pack_format<interleaved>} : vector<32xbf16> -> vector<16xf32>
        %unpack3A_610 = tpu.unpack_subelements %sub3A_608, 1 {pack_format = #tpu.pack_format<interleaved>} : vector<32xbf16> -> vector<16xf32>
        %mul3A_611 = arith.mulf %unpack3A_591, %unpack3A_591 : vector<16xf32>
        %add3A_612 = arith.addf %add3A_565, %mul3A_611 : vector<16xf32>
        %mul3A_613 = arith.mulf %unpack3A_592, %unpack3A_592 : vector<16xf32>
        %add3A_614 = arith.addf %add3A_612, %mul3A_613 : vector<16xf32>
        %mul3A_615 = arith.mulf %unpack3A_609, %unpack3A_609 : vector<16xf32>
        %add3A_616 = arith.addf %add3A_569, %mul3A_615 : vector<16xf32>
        %mul3A_617 = arith.mulf %unpack3A_610, %unpack3A_610 : vector<16xf32>
        %add3A_618 = arith.addf %add3A_616, %mul3A_617 : vector<16xf32>
        %add3A_619 = arith.constant 320 : i32
        %add3A_620 = arith.addi %add3A_619, %scan3A_473 : i32
        %get3A_621 = arith.constant 1 : i32
        %get3A_622 = arith.index_cast %get3A_621 : i32 to index
        %get3A_623 = arith.index_cast %add3A_620 : i32 to index
        %get3A_624 = arith.constant 96 : index
        %get3A_625 = tpu.vector_load %arg15[%get3A_622, %get3A_623, %get3A_624] {strides = array<i32>} : memref<2x400x128xbf16, #tpu.memory_space<vmem>>, vector<32xbf16>,
        %get3A_626 = arith.constant 1 : i32
        %get3A_627 = arith.index_cast %get3A_626 : i32 to index
        %get3A_628 = arith.index_cast %scan3A_473 : i32 to index
        %get3A_629 = arith.constant 96 : index
        %get3A_630 = tpu.vector_load %arg15[%get3A_627, %get3A_628, %get3A_629] {strides = array<i32>} : memref<2x400x128xbf16, #tpu.memory_space<vmem>>, vector<32xbf16>,
        %add3A_631 = arith.addf %get3A_630, %get3A_625 : vector<32xbf16>
        %add3A_632 = arith.constant 80 : i32
        %add3A_633 = arith.addi %add3A_632, %scan3A_473 : i32
        %get3A_634 = arith.constant 1 : i32
        %get3A_635 = arith.index_cast %get3A_634 : i32 to index
        %get3A_636 = arith.index_cast %add3A_633 : i32 to index
        %get3A_637 = arith.constant 96 : index
        %get3A_638 = tpu.vector_load %arg15[%get3A_635, %get3A_636, %get3A_637] {strides = array<i32>} : memref<2x400x128xbf16, #tpu.memory_space<vmem>>, vector<32xbf16>,
        %sub3A_639 = arith.subf %add3A_631, %get3A_638 : vector<32xbf16>
        %unpack3A_640 = tpu.unpack_subelements %sub3A_639, 0 {pack_format = #tpu.pack_format<interleaved>} : vector<32xbf16> -> vector<16xf32>
        %unpack3A_641 = tpu.unpack_subelements %sub3A_639, 1 {pack_format = #tpu.pack_format<interleaved>} : vector<32xbf16> -> vector<16xf32>
        %add3A_642 = arith.constant 160 : i32
        %add3A_643 = arith.addi %add3A_642, %scan3A_473 : i32
        %get3A_644 = arith.constant 1 : i32
        %get3A_645 = arith.index_cast %get3A_644 : i32 to index
        %get3A_646 = arith.index_cast %add3A_643 : i32 to index
        %get3A_647 = arith.constant 96 : index
        %get3A_648 = tpu.vector_load %arg15[%get3A_645, %get3A_646, %get3A_647] {strides = array<i32>} : memref<2x400x128xbf16, #tpu.memory_space<vmem>>, vector<32xbf16>,
        %add3A_649 = arith.addf %get3A_648, %get3A_625 : vector<32xbf16>
        %add3A_650 = arith.constant 240 : i32
        %add3A_651 = arith.addi %add3A_650, %scan3A_473 : i32
        %get3A_652 = arith.constant 1 : i32
        %get3A_653 = arith.index_cast %get3A_652 : i32 to index
        %get3A_654 = arith.index_cast %add3A_651 : i32 to index
        %get3A_655 = arith.constant 96 : index
        %get3A_656 = tpu.vector_load %arg15[%get3A_653, %get3A_654, %get3A_655] {strides = array<i32>} : memref<2x400x128xbf16, #tpu.memory_space<vmem>>, vector<32xbf16>,
        %sub3A_657 = arith.subf %add3A_649, %get3A_656 : vector<32xbf16>
        %unpack3A_658 = tpu.unpack_subelements %sub3A_657, 0 {pack_format = #tpu.pack_format<interleaved>} : vector<32xbf16> -> vector<16xf32>
        %unpack3A_659 = tpu.unpack_subelements %sub3A_657, 1 {pack_format = #tpu.pack_format<interleaved>} : vector<32xbf16> -> vector<16xf32>
        %mul3A_660 = arith.mulf %unpack3A_640, %unpack3A_640 : vector<16xf32>
        %add3A_661 = arith.addf %add3A_614, %mul3A_660 : vector<16xf32>
        %mul3A_662 = arith.mulf %unpack3A_641, %unpack3A_641 : vector<16xf32>
        %add3A_663 = arith.addf %add3A_661, %mul3A_662 : vector<16xf32>
        %mul3A_664 = arith.mulf %unpack3A_658, %unpack3A_658 : vector<16xf32>
        %add3A_665 = arith.addf %add3A_618, %mul3A_664 : vector<16xf32>
        %mul3A_666 = arith.mulf %unpack3A_659, %unpack3A_659 : vector<16xf32>
        %add3A_667 = arith.addf %add3A_665, %mul3A_666 : vector<16xf32>
        %reduce_sum3A_668 = arith.constant true
        %reduce_sum3A_669 = vector.broadcast %reduce_sum3A_668 : i1 to vector<16xi1>
        %reduce_sum3A_670 = tpu.scan <sum>, %add3A_663 masked %reduce_sum3A_669 : vector<16xf32>, vector<16xi1> -> vector<16xf32>
        %reduce_sum3A_671 = vector.extract %reduce_sum3A_670[15] : f32 from vector<16xf32>
        %bitcast_convert_type3A_672 = arith.bitcast %reduce_sum3A_671 : f32 to i32
        %shift_right_arithmetic3A_673 = arith.constant 1 : i32
        %shift_right_arithmetic3A_674 = arith.shrsi %bitcast_convert_type3A_672, %shift_right_arithmetic3A_673 : i32
        %sub3A_675 = arith.constant 1597463007 : i32
        %sub3A_676 = arith.subi %sub3A_675, %shift_right_arithmetic3A_674 : i32
        %bitcast_convert_type3A_677 = arith.bitcast %sub3A_676 : i32 to f32
        %mul3A_678 = arith.constant 5.000000e-01 : f32
        %mul3A_679 = arith.mulf %mul3A_678, %reduce_sum3A_671 : f32
        %mul3A_680 = arith.mulf %mul3A_679, %bitcast_convert_type3A_677 : f32
        %mul3A_681 = arith.mulf %mul3A_680, %bitcast_convert_type3A_677 : f32
        %sub3A_682 = arith.constant 1.500000e+00 : f32
        %sub3A_683 = arith.subf %sub3A_682, %mul3A_681 : f32
        %mul3A_684 = arith.mulf %bitcast_convert_type3A_677, %sub3A_683 : f32
        %mul3A_685 = arith.constant 5.000000e-01 : f32
        %mul3A_686 = arith.mulf %mul3A_685, %reduce_sum3A_671 : f32
        %mul3A_687 = arith.mulf %mul3A_686, %mul3A_684 : f32
        %mul3A_688 = arith.mulf %mul3A_687, %mul3A_684 : f32
        %sub3A_689 = arith.constant 1.500000e+00 : f32
        %sub3A_690 = arith.subf %sub3A_689, %mul3A_688 : f32
        %mul3A_691 = arith.mulf %mul3A_684, %sub3A_690 : f32
        %mul3A_692 = arith.mulf %reduce_sum3A_671, %mul3A_691 : f32
        %reduce_sum3A_693 = arith.constant true
        %reduce_sum3A_694 = vector.broadcast %reduce_sum3A_693 : i1 to vector<16xi1>
        %reduce_sum3A_695 = tpu.scan <sum>, %add3A_667 masked %reduce_sum3A_694 : vector<16xf32>, vector<16xi1> -> vector<16xf32>
        %reduce_sum3A_696 = vector.extract %reduce_sum3A_695[15] : f32 from vector<16xf32>
        %bitcast_convert_type3A_697 = arith.bitcast %reduce_sum3A_696 : f32 to i32
        %shift_right_arithmetic3A_698 = arith.constant 1 : i32
        %shift_right_arithmetic3A_699 = arith.shrsi %bitcast_convert_type3A_697, %shift_right_arithmetic3A_698 : i32
        %sub3A_700 = arith.constant 1597463007 : i32
        %sub3A_701 = arith.subi %sub3A_700, %shift_right_arithmetic3A_699 : i32
        %bitcast_convert_type3A_702 = arith.bitcast %sub3A_701 : i32 to f32
        %mul3A_703 = arith.constant 5.000000e-01 : f32
        %mul3A_704 = arith.mulf %mul3A_703, %reduce_sum3A_696 : f32
        %mul3A_705 = arith.mulf %mul3A_704, %bitcast_convert_type3A_702 : f32
        %mul3A_706 = arith.mulf %mul3A_705, %bitcast_convert_type3A_702 : f32
        %sub3A_707 = arith.constant 1.500000e+00 : f32
        %sub3A_708 = arith.subf %sub3A_707, %mul3A_706 : f32
        %mul3A_709 = arith.mulf %bitcast_convert_type3A_702, %sub3A_708 : f32
        %mul3A_710 = arith.constant 5.000000e-01 : f32
        %mul3A_711 = arith.mulf %mul3A_710, %reduce_sum3A_696 : f32
        %mul3A_712 = arith.mulf %mul3A_711, %mul3A_709 : f32
        %mul3A_713 = arith.mulf %mul3A_712, %mul3A_709 : f32
        %sub3A_714 = arith.constant 1.500000e+00 : f32
        %sub3A_715 = arith.subf %sub3A_714, %mul3A_713 : f32
        %mul3A_716 = arith.mulf %mul3A_709, %sub3A_715 : f32
        %mul3A_717 = arith.mulf %reduce_sum3A_696, %mul3A_716 : f32
        %sub3A_718 = arith.subf %mul3A_692, %mul3A_717 : f32
        %add3A_719 = arith.constant 1.000000e+00 : f32
        %add3A_720 = arith.addf %sub3A_718, %add3A_719 : f32
        %max3A_721 = arith.constant 0.000000e+00 : f32
        %max3A_722 = arith.maximumf %add3A_720, %max3A_721 : f32
        %add3A_723 = arith.addf %add3A_471, %max3A_722 : f32
        %scan3A_724 = arith.constant 2 : i32
        %scan3A_725 = arith.addi %scan3A_227, %scan3A_724 : i32
        %add3A_726 = arith.constant 320 : i32
        %add3A_727 = arith.addi %add3A_726, %scan3A_725 : i32
        %get3A_728 = arith.constant 1 : i32
        %get3A_729 = arith.index_cast %get3A_728 : i32 to index
        %get3A_730 = arith.index_cast %add3A_727 : i32 to index
        %get3A_731 = arith.constant 0 : index
        %get3A_732 = tpu.vector_load %arg15[%get3A_729, %get3A_730, %get3A_731] {strides = array<i32>} : memref<2x400x128xbf16, #tpu.memory_space<vmem>>, vector<32xbf16>,
        %get3A_733 = arith.constant 1 : i32
        %get3A_734 = arith.index_cast %get3A_733 : i32 to index
        %get3A_735 = arith.index_cast %scan3A_725 : i32 to index
        %get3A_736 = arith.constant 0 : index
        %get3A_737 = tpu.vector_load %arg15[%get3A_734, %get3A_735, %get3A_736] {strides = array<i32>} : memref<2x400x128xbf16, #tpu.memory_space<vmem>>, vector<32xbf16>,
        %add3A_738 = arith.addf %get3A_737, %get3A_732 : vector<32xbf16>
        %add3A_739 = arith.constant 80 : i32
        %add3A_740 = arith.addi %add3A_739, %scan3A_725 : i32
        %get3A_741 = arith.constant 1 : i32
        %get3A_742 = arith.index_cast %get3A_741 : i32 to index
        %get3A_743 = arith.index_cast %add3A_740 : i32 to index
        %get3A_744 = arith.constant 0 : index
        %get3A_745 = tpu.vector_load %arg15[%get3A_742, %get3A_743, %get3A_744] {strides = array<i32>} : memref<2x400x128xbf16, #tpu.memory_space<vmem>>, vector<32xbf16>,
        %sub3A_746 = arith.subf %add3A_738, %get3A_745 : vector<32xbf16>
        %unpack3A_747 = tpu.unpack_subelements %sub3A_746, 0 {pack_format = #tpu.pack_format<interleaved>} : vector<32xbf16> -> vector<16xf32>
        %unpack3A_748 = tpu.unpack_subelements %sub3A_746, 1 {pack_format = #tpu.pack_format<interleaved>} : vector<32xbf16> -> vector<16xf32>
        %add3A_749 = arith.constant 160 : i32
        %add3A_750 = arith.addi %add3A_749, %scan3A_725 : i32
        %get3A_751 = arith.constant 1 : i32
        %get3A_752 = arith.index_cast %get3A_751 : i32 to index
        %get3A_753 = arith.index_cast %add3A_750 : i32 to index
        %get3A_754 = arith.constant 0 : index
        %get3A_755 = tpu.vector_load %arg15[%get3A_752, %get3A_753, %get3A_754] {strides = array<i32>} : memref<2x400x128xbf16, #tpu.memory_space<vmem>>, vector<32xbf16>,
        %add3A_756 = arith.addf %get3A_755, %get3A_732 : vector<32xbf16>
        %add3A_757 = arith.constant 240 : i32
        %add3A_758 = arith.addi %add3A_757, %scan3A_725 : i32
        %get3A_759 = arith.constant 1 : i32
        %get3A_760 = arith.index_cast %get3A_759 : i32 to index
        %get3A_761 = arith.index_cast %add3A_758 : i32 to index
        %get3A_762 = arith.constant 0 : index
        %get3A_763 = tpu.vector_load %arg15[%get3A_760, %get3A_761, %get3A_762] {strides = array<i32>} : memref<2x400x128xbf16, #tpu.memory_space<vmem>>, vector<32xbf16>,
        %sub3A_764 = arith.subf %add3A_756, %get3A_763 : vector<32xbf16>
        %unpack3A_765 = tpu.unpack_subelements %sub3A_764, 0 {pack_format = #tpu.pack_format<interleaved>} : vector<32xbf16> -> vector<16xf32>
        %unpack3A_766 = tpu.unpack_subelements %sub3A_764, 1 {pack_format = #tpu.pack_format<interleaved>} : vector<32xbf16> -> vector<16xf32>
        %mul3A_767 = arith.mulf %unpack3A_747, %unpack3A_747 : vector<16xf32>
        %mul3A_768 = arith.mulf %unpack3A_748, %unpack3A_748 : vector<16xf32>
        %add3A_769 = arith.addf %mul3A_767, %mul3A_768 : vector<16xf32>
        %mul3A_770 = arith.mulf %unpack3A_765, %unpack3A_765 : vector<16xf32>
        %mul3A_771 = arith.mulf %unpack3A_766, %unpack3A_766 : vector<16xf32>
        %add3A_772 = arith.addf %mul3A_770, %mul3A_771 : vector<16xf32>
        %add3A_773 = arith.constant 320 : i32
        %add3A_774 = arith.addi %add3A_773, %scan3A_725 : i32
        %get3A_775 = arith.constant 1 : i32
        %get3A_776 = arith.index_cast %get3A_775 : i32 to index
        %get3A_777 = arith.index_cast %add3A_774 : i32 to index
        %get3A_778 = arith.constant 32 : index
        %get3A_779 = tpu.vector_load %arg15[%get3A_776, %get3A_777, %get3A_778] {strides = array<i32>} : memref<2x400x128xbf16, #tpu.memory_space<vmem>>, vector<32xbf16>,
        %get3A_780 = arith.constant 1 : i32
        %get3A_781 = arith.index_cast %get3A_780 : i32 to index
        %get3A_782 = arith.index_cast %scan3A_725 : i32 to index
        %get3A_783 = arith.constant 32 : index
        %get3A_784 = tpu.vector_load %arg15[%get3A_781, %get3A_782, %get3A_783] {strides = array<i32>} : memref<2x400x128xbf16, #tpu.memory_space<vmem>>, vector<32xbf16>,
        %add3A_785 = arith.addf %get3A_784, %get3A_779 : vector<32xbf16>
        %add3A_786 = arith.constant 80 : i32
        %add3A_787 = arith.addi %add3A_786, %scan3A_725 : i32
        %get3A_788 = arith.constant 1 : i32
        %get3A_789 = arith.index_cast %get3A_788 : i32 to index
        %get3A_790 = arith.index_cast %add3A_787 : i32 to index
        %get3A_791 = arith.constant 32 : index
        %get3A_792 = tpu.vector_load %arg15[%get3A_789, %get3A_790, %get3A_791] {strides = array<i32>} : memref<2x400x128xbf16, #tpu.memory_space<vmem>>, vector<32xbf16>,
        %sub3A_793 = arith.subf %add3A_785, %get3A_792 : vector<32xbf16>
        %unpack3A_794 = tpu.unpack_subelements %sub3A_793, 0 {pack_format = #tpu.pack_format<interleaved>} : vector<32xbf16> -> vector<16xf32>
        %unpack3A_795 = tpu.unpack_subelements %sub3A_793, 1 {pack_format = #tpu.pack_format<interleaved>} : vector<32xbf16> -> vector<16xf32>
        %add3A_796 = arith.constant 160 : i32
        %add3A_797 = arith.addi %add3A_796, %scan3A_725 : i32
        %get3A_798 = arith.constant 1 : i32
        %get3A_799 = arith.index_cast %get3A_798 : i32 to index
        %get3A_800 = arith.index_cast %add3A_797 : i32 to index
        %get3A_801 = arith.constant 32 : index
        %get3A_802 = tpu.vector_load %arg15[%get3A_799, %get3A_800, %get3A_801] {strides = array<i32>} : memref<2x400x128xbf16, #tpu.memory_space<vmem>>, vector<32xbf16>,
        %add3A_803 = arith.addf %get3A_802, %get3A_779 : vector<32xbf16>
        %add3A_804 = arith.constant 240 : i32
        %add3A_805 = arith.addi %add3A_804, %scan3A_725 : i32
        %get3A_806 = arith.constant 1 : i32
        %get3A_807 = arith.index_cast %get3A_806 : i32 to index
        %get3A_808 = arith.index_cast %add3A_805 : i32 to index
        %get3A_809 = arith.constant 32 : index
        %get3A_810 = tpu.vector_load %arg15[%get3A_807, %get3A_808, %get3A_809] {strides = array<i32>} : memref<2x400x128xbf16, #tpu.memory_space<vmem>>, vector<32xbf16>,
        %sub3A_811 = arith.subf %add3A_803, %get3A_810 : vector<32xbf16>
        %unpack3A_812 = tpu.unpack_subelements %sub3A_811, 0 {pack_format = #tpu.pack_format<interleaved>} : vector<32xbf16> -> vector<16xf32>
        %unpack3A_813 = tpu.unpack_subelements %sub3A_811, 1 {pack_format = #tpu.pack_format<interleaved>} : vector<32xbf16> -> vector<16xf32>
        %mul3A_814 = arith.mulf %unpack3A_794, %unpack3A_794 : vector<16xf32>
        %add3A_815 = arith.addf %add3A_769, %mul3A_814 : vector<16xf32>
        %mul3A_816 = arith.mulf %unpack3A_795, %unpack3A_795 : vector<16xf32>
        %add3A_817 = arith.addf %add3A_815, %mul3A_816 : vector<16xf32>
        %mul3A_818 = arith.mulf %unpack3A_812, %unpack3A_812 : vector<16xf32>
        %add3A_819 = arith.addf %add3A_772, %mul3A_818 : vector<16xf32>
        %mul3A_820 = arith.mulf %unpack3A_813, %unpack3A_813 : vector<16xf32>
        %add3A_821 = arith.addf %add3A_819, %mul3A_820 : vector<16xf32>
        %add3A_822 = arith.constant 320 : i32
        %add3A_823 = arith.addi %add3A_822, %scan3A_725 : i32
        %get3A_824 = arith.constant 1 : i32
        %get3A_825 = arith.index_cast %get3A_824 : i32 to index
        %get3A_826 = arith.index_cast %add3A_823 : i32 to index
        %get3A_827 = arith.constant 64 : index
        %get3A_828 = tpu.vector_load %arg15[%get3A_825, %get3A_826, %get3A_827] {strides = array<i32>} : memref<2x400x128xbf16, #tpu.memory_space<vmem>>, vector<32xbf16>,
        %get3A_829 = arith.constant 1 : i32
        %get3A_830 = arith.index_cast %get3A_829 : i32 to index
        %get3A_831 = arith.index_cast %scan3A_725 : i32 to index
        %get3A_832 = arith.constant 64 : index
        %get3A_833 = tpu.vector_load %arg15[%get3A_830, %get3A_831, %get3A_832] {strides = array<i32>} : memref<2x400x128xbf16, #tpu.memory_space<vmem>>, vector<32xbf16>,
        %add3A_834 = arith.addf %get3A_833, %get3A_828 : vector<32xbf16>
        %add3A_835 = arith.constant 80 : i32
        %add3A_836 = arith.addi %add3A_835, %scan3A_725 : i32
        %get3A_837 = arith.constant 1 : i32
        %get3A_838 = arith.index_cast %get3A_837 : i32 to index
        %get3A_839 = arith.index_cast %add3A_836 : i32 to index
        %get3A_840 = arith.constant 64 : index
        %get3A_841 = tpu.vector_load %arg15[%get3A_838, %get3A_839, %get3A_840] {strides = array<i32>} : memref<2x400x128xbf16, #tpu.memory_space<vmem>>, vector<32xbf16>,
        %sub3A_842 = arith.subf %add3A_834, %get3A_841 : vector<32xbf16>
        %unpack3A_843 = tpu.unpack_subelements %sub3A_842, 0 {pack_format = #tpu.pack_format<interleaved>} : vector<32xbf16> -> vector<16xf32>
        %unpack3A_844 = tpu.unpack_subelements %sub3A_842, 1 {pack_format = #tpu.pack_format<interleaved>} : vector<32xbf16> -> vector<16xf32>
        %add3A_845 = arith.constant 160 : i32
        %add3A_846 = arith.addi %add3A_845, %scan3A_725 : i32
        %get3A_847 = arith.constant 1 : i32
        %get3A_848 = arith.index_cast %get3A_847 : i32 to index
        %get3A_849 = arith.index_cast %add3A_846 : i32 to index
        %get3A_850 = arith.constant 64 : index
        %get3A_851 = tpu.vector_load %arg15[%get3A_848, %get3A_849, %get3A_850] {strides = array<i32>} : memref<2x400x128xbf16, #tpu.memory_space<vmem>>, vector<32xbf16>,
        %add3A_852 = arith.addf %get3A_851, %get3A_828 : vector<32xbf16>
        %add3A_853 = arith.constant 240 : i32
        %add3A_854 = arith.addi %add3A_853, %scan3A_725 : i32
        %get3A_855 = arith.constant 1 : i32
        %get3A_856 = arith.index_cast %get3A_855 : i32 to index
        %get3A_857 = arith.index_cast %add3A_854 : i32 to index
        %get3A_858 = arith.constant 64 : index
        %get3A_859 = tpu.vector_load %arg15[%get3A_856, %get3A_857, %get3A_858] {strides = array<i32>} : memref<2x400x128xbf16, #tpu.memory_space<vmem>>, vector<32xbf16>,
        %sub3A_860 = arith.subf %add3A_852, %get3A_859 : vector<32xbf16>
        %unpack3A_861 = tpu.unpack_subelements %sub3A_860, 0 {pack_format = #tpu.pack_format<interleaved>} : vector<32xbf16> -> vector<16xf32>
        %unpack3A_862 = tpu.unpack_subelements %sub3A_860, 1 {pack_format = #tpu.pack_format<interleaved>} : vector<32xbf16> -> vector<16xf32>
        %mul3A_863 = arith.mulf %unpack3A_843, %unpack3A_843 : vector<16xf32>
        %add3A_864 = arith.addf %add3A_817, %mul3A_863 : vector<16xf32>
        %mul3A_865 = arith.mulf %unpack3A_844, %unpack3A_844 : vector<16xf32>
        %add3A_866 = arith.addf %add3A_864, %mul3A_865 : vector<16xf32>
        %mul3A_867 = arith.mulf %unpack3A_861, %unpack3A_861 : vector<16xf32>
        %add3A_868 = arith.addf %add3A_821, %mul3A_867 : vector<16xf32>
        %mul3A_869 = arith.mulf %unpack3A_862, %unpack3A_862 : vector<16xf32>
        %add3A_870 = arith.addf %add3A_868, %mul3A_869 : vector<16xf32>
        %add3A_871 = arith.constant 320 : i32
        %add3A_872 = arith.addi %add3A_871, %scan3A_725 : i32
        %get3A_873 = arith.constant 1 : i32
        %get3A_874 = arith.index_cast %get3A_873 : i32 to index
        %get3A_875 = arith.index_cast %add3A_872 : i32 to index
        %get3A_876 = arith.constant 96 : index
        %get3A_877 = tpu.vector_load %arg15[%get3A_874, %get3A_875, %get3A_876] {strides = array<i32>} : memref<2x400x128xbf16, #tpu.memory_space<vmem>>, vector<32xbf16>,
        %get3A_878 = arith.constant 1 : i32
        %get3A_879 = arith.index_cast %get3A_878 : i32 to index
        %get3A_880 = arith.index_cast %scan3A_725 : i32 to index
        %get3A_881 = arith.constant 96 : index
        %get3A_882 = tpu.vector_load %arg15[%get3A_879, %get3A_880, %get3A_881] {strides = array<i32>} : memref<2x400x128xbf16, #tpu.memory_space<vmem>>, vector<32xbf16>,
        %add3A_883 = arith.addf %get3A_882, %get3A_877 : vector<32xbf16>
        %add3A_884 = arith.constant 80 : i32
        %add3A_885 = arith.addi %add3A_884, %scan3A_725 : i32
        %get3A_886 = arith.constant 1 : i32
        %get3A_887 = arith.index_cast %get3A_886 : i32 to index
        %get3A_888 = arith.index_cast %add3A_885 : i32 to index
        %get3A_889 = arith.constant 96 : index
        %get3A_890 = tpu.vector_load %arg15[%get3A_887, %get3A_888, %get3A_889] {strides = array<i32>} : memref<2x400x128xbf16, #tpu.memory_space<vmem>>, vector<32xbf16>,
        %sub3A_891 = arith.subf %add3A_883, %get3A_890 : vector<32xbf16>
        %unpack3A_892 = tpu.unpack_subelements %sub3A_891, 0 {pack_format = #tpu.pack_format<interleaved>} : vector<32xbf16> -> vector<16xf32>
        %unpack3A_893 = tpu.unpack_subelements %sub3A_891, 1 {pack_format = #tpu.pack_format<interleaved>} : vector<32xbf16> -> vector<16xf32>
        %add3A_894 = arith.constant 160 : i32
        %add3A_895 = arith.addi %add3A_894, %scan3A_725 : i32
        %get3A_896 = arith.constant 1 : i32
        %get3A_897 = arith.index_cast %get3A_896 : i32 to index
        %get3A_898 = arith.index_cast %add3A_895 : i32 to index
        %get3A_899 = arith.constant 96 : index
        %get3A_900 = tpu.vector_load %arg15[%get3A_897, %get3A_898, %get3A_899] {strides = array<i32>} : memref<2x400x128xbf16, #tpu.memory_space<vmem>>, vector<32xbf16>,
        %add3A_901 = arith.addf %get3A_900, %get3A_877 : vector<32xbf16>
        %add3A_902 = arith.constant 240 : i32
        %add3A_903 = arith.addi %add3A_902, %scan3A_725 : i32
        %get3A_904 = arith.constant 1 : i32
        %get3A_905 = arith.index_cast %get3A_904 : i32 to index
        %get3A_906 = arith.index_cast %add3A_903 : i32 to index
        %get3A_907 = arith.constant 96 : index
        %get3A_908 = tpu.vector_load %arg15[%get3A_905, %get3A_906, %get3A_907] {strides = array<i32>} : memref<2x400x128xbf16, #tpu.memory_space<vmem>>, vector<32xbf16>,
        %sub3A_909 = arith.subf %add3A_901, %get3A_908 : vector<32xbf16>
        %unpack3A_910 = tpu.unpack_subelements %sub3A_909, 0 {pack_format = #tpu.pack_format<interleaved>} : vector<32xbf16> -> vector<16xf32>
        %unpack3A_911 = tpu.unpack_subelements %sub3A_909, 1 {pack_format = #tpu.pack_format<interleaved>} : vector<32xbf16> -> vector<16xf32>
        %mul3A_912 = arith.mulf %unpack3A_892, %unpack3A_892 : vector<16xf32>
        %add3A_913 = arith.addf %add3A_866, %mul3A_912 : vector<16xf32>
        %mul3A_914 = arith.mulf %unpack3A_893, %unpack3A_893 : vector<16xf32>
        %add3A_915 = arith.addf %add3A_913, %mul3A_914 : vector<16xf32>
        %mul3A_916 = arith.mulf %unpack3A_910, %unpack3A_910 : vector<16xf32>
        %add3A_917 = arith.addf %add3A_870, %mul3A_916 : vector<16xf32>
        %mul3A_918 = arith.mulf %unpack3A_911, %unpack3A_911 : vector<16xf32>
        %add3A_919 = arith.addf %add3A_917, %mul3A_918 : vector<16xf32>
        %reduce_sum3A_920 = arith.constant true
        %reduce_sum3A_921 = vector.broadcast %reduce_sum3A_920 : i1 to vector<16xi1>
        %reduce_sum3A_922 = tpu.scan <sum>, %add3A_915 masked %reduce_sum3A_921 : vector<16xf32>, vector<16xi1> -> vector<16xf32>
        %reduce_sum3A_923 = vector.extract %reduce_sum3A_922[15] : f32 from vector<16xf32>
        %bitcast_convert_type3A_924 = arith.bitcast %reduce_sum3A_923 : f32 to i32
        %shift_right_arithmetic3A_925 = arith.constant 1 : i32
        %shift_right_arithmetic3A_926 = arith.shrsi %bitcast_convert_type3A_924, %shift_right_arithmetic3A_925 : i32
        %sub3A_927 = arith.constant 1597463007 : i32
        %sub3A_928 = arith.subi %sub3A_927, %shift_right_arithmetic3A_926 : i32
        %bitcast_convert_type3A_929 = arith.bitcast %sub3A_928 : i32 to f32
        %mul3A_930 = arith.constant 5.000000e-01 : f32
        %mul3A_931 = arith.mulf %mul3A_930, %reduce_sum3A_923 : f32
        %mul3A_932 = arith.mulf %mul3A_931, %bitcast_convert_type3A_929 : f32
        %mul3A_933 = arith.mulf %mul3A_932, %bitcast_convert_type3A_929 : f32
        %sub3A_934 = arith.constant 1.500000e+00 : f32
        %sub3A_935 = arith.subf %sub3A_934, %mul3A_933 : f32
        %mul3A_936 = arith.mulf %bitcast_convert_type3A_929, %sub3A_935 : f32
        %mul3A_937 = arith.constant 5.000000e-01 : f32
        %mul3A_938 = arith.mulf %mul3A_937, %reduce_sum3A_923 : f32
        %mul3A_939 = arith.mulf %mul3A_938, %mul3A_936 : f32
        %mul3A_940 = arith.mulf %mul3A_939, %mul3A_936 : f32
        %sub3A_941 = arith.constant 1.500000e+00 : f32
        %sub3A_942 = arith.subf %sub3A_941, %mul3A_940 : f32
        %mul3A_943 = arith.mulf %mul3A_936, %sub3A_942 : f32
        %mul3A_944 = arith.mulf %reduce_sum3A_923, %mul3A_943 : f32
        %reduce_sum3A_945 = arith.constant true
        %reduce_sum3A_946 = vector.broadcast %reduce_sum3A_945 : i1 to vector<16xi1>
        %reduce_sum3A_947 = tpu.scan <sum>, %add3A_919 masked %reduce_sum3A_946 : vector<16xf32>, vector<16xi1> -> vector<16xf32>
        %reduce_sum3A_948 = vector.extract %reduce_sum3A_947[15] : f32 from vector<16xf32>
        %bitcast_convert_type3A_949 = arith.bitcast %reduce_sum3A_948 : f32 to i32
        %shift_right_arithmetic3A_950 = arith.constant 1 : i32
        %shift_right_arithmetic3A_951 = arith.shrsi %bitcast_convert_type3A_949, %shift_right_arithmetic3A_950 : i32
        %sub3A_952 = arith.constant 1597463007 : i32
        %sub3A_953 = arith.subi %sub3A_952, %shift_right_arithmetic3A_951 : i32
        %bitcast_convert_type3A_954 = arith.bitcast %sub3A_953 : i32 to f32
        %mul3A_955 = arith.constant 5.000000e-01 : f32
        %mul3A_956 = arith.mulf %mul3A_955, %reduce_sum3A_948 : f32
        %mul3A_957 = arith.mulf %mul3A_956, %bitcast_convert_type3A_954 : f32
        %mul3A_958 = arith.mulf %mul3A_957, %bitcast_convert_type3A_954 : f32
        %sub3A_959 = arith.constant 1.500000e+00 : f32
        %sub3A_960 = arith.subf %sub3A_959, %mul3A_958 : f32
        %mul3A_961 = arith.mulf %bitcast_convert_type3A_954, %sub3A_960 : f32
        %mul3A_962 = arith.constant 5.000000e-01 : f32
        %mul3A_963 = arith.mulf %mul3A_962, %reduce_sum3A_948 : f32
        %mul3A_964 = arith.mulf %mul3A_963, %mul3A_961 : f32
        %mul3A_965 = arith.mulf %mul3A_964, %mul3A_961 : f32
        %sub3A_966 = arith.constant 1.500000e+00 : f32
        %sub3A_967 = arith.subf %sub3A_966, %mul3A_965 : f32
        %mul3A_968 = arith.mulf %mul3A_961, %sub3A_967 : f32
        %mul3A_969 = arith.mulf %reduce_sum3A_948, %mul3A_968 : f32
        %sub3A_970 = arith.subf %mul3A_944, %mul3A_969 : f32
        %add3A_971 = arith.constant 1.000000e+00 : f32
        %add3A_972 = arith.addf %sub3A_970, %add3A_971 : f32
        %max3A_973 = arith.constant 0.000000e+00 : f32
        %max3A_974 = arith.maximumf %add3A_972, %max3A_973 : f32
        %add3A_975 = arith.addf %add3A_723, %max3A_974 : f32
        %scan3A_976 = arith.constant 3 : i32
        %scan3A_977 = arith.addi %scan3A_227, %scan3A_976 : i32
        %add3A_978 = arith.constant 320 : i32
        %add3A_979 = arith.addi %add3A_978, %scan3A_977 : i32
        %get3A_980 = arith.constant 1 : i32
        %get3A_981 = arith.index_cast %get3A_980 : i32 to index
        %get3A_982 = arith.index_cast %add3A_979 : i32 to index
        %get3A_983 = arith.constant 0 : index
        %get3A_984 = tpu.vector_load %arg15[%get3A_981, %get3A_982, %get3A_983] {strides = array<i32>} : memref<2x400x128xbf16, #tpu.memory_space<vmem>>, vector<32xbf16>,
        %get3A_985 = arith.constant 1 : i32
        %get3A_986 = arith.index_cast %get3A_985 : i32 to index
        %get3A_987 = arith.index_cast %scan3A_977 : i32 to index
        %get3A_988 = arith.constant 0 : index
        %get3A_989 = tpu.vector_load %arg15[%get3A_986, %get3A_987, %get3A_988] {strides = array<i32>} : memref<2x400x128xbf16, #tpu.memory_space<vmem>>, vector<32xbf16>,
        %add3A_990 = arith.addf %get3A_989, %get3A_984 : vector<32xbf16>
        %add3A_991 = arith.constant 80 : i32
        %add3A_992 = arith.addi %add3A_991, %scan3A_977 : i32
        %get3A_993 = arith.constant 1 : i32
        %get3A_994 = arith.index_cast %get3A_993 : i32 to index
        %get3A_995 = arith.index_cast %add3A_992 : i32 to index
        %get3A_996 = arith.constant 0 : index
        %get3A_997 = tpu.vector_load %arg15[%get3A_994, %get3A_995, %get3A_996] {strides = array<i32>} : memref<2x400x128xbf16, #tpu.memory_space<vmem>>, vector<32xbf16>,
        %sub3A_998 = arith.subf %add3A_990, %get3A_997 : vector<32xbf16>
        %unpack3A_999 = tpu.unpack_subelements %sub3A_998, 0 {pack_format = #tpu.pack_format<interleaved>} : vector<32xbf16> -> vector<16xf32>
        %unpack3A_1000 = tpu.unpack_subelements %sub3A_998, 1 {pack_format = #tpu.pack_format<interleaved>} : vector<32xbf16> -> vector<16xf32>
        %add3A_1001 = arith.constant 160 : i32
        %add3A_1002 = arith.addi %add3A_1001, %scan3A_977 : i32
        %get3A_1003 = arith.constant 1 : i32
        %get3A_1004 = arith.index_cast %get3A_1003 : i32 to index
        %get3A_1005 = arith.index_cast %add3A_1002 : i32 to index
        %get3A_1006 = arith.constant 0 : index
        %get3A_1007 = tpu.vector_load %arg15[%get3A_1004, %get3A_1005, %get3A_1006] {strides = array<i32>} : memref<2x400x128xbf16, #tpu.memory_space<vmem>>, vector<32xbf16>,
        %add3A_1008 = arith.addf %get3A_1007, %get3A_984 : vector<32xbf16>
        %add3A_1009 = arith.constant 240 : i32
        %add3A_1010 = arith.addi %add3A_1009, %scan3A_977 : i32
        %get3A_1011 = arith.constant 1 : i32
        %get3A_1012 = arith.index_cast %get3A_1011 : i32 to index
        %get3A_1013 = arith.index_cast %add3A_1010 : i32 to index
        %get3A_1014 = arith.constant 0 : index
        %get3A_1015 = tpu.vector_load %arg15[%get3A_1012, %get3A_1013, %get3A_1014] {strides = array<i32>} : memref<2x400x128xbf16, #tpu.memory_space<vmem>>, vector<32xbf16>,
        %sub3A_1016 = arith.subf %add3A_1008, %get3A_1015 : vector<32xbf16>
        %unpack3A_1017 = tpu.unpack_subelements %sub3A_1016, 0 {pack_format = #tpu.pack_format<interleaved>} : vector<32xbf16> -> vector<16xf32>
        %unpack3A_1018 = tpu.unpack_subelements %sub3A_1016, 1 {pack_format = #tpu.pack_format<interleaved>} : vector<32xbf16> -> vector<16xf32>
        %mul3A_1019 = arith.mulf %unpack3A_999, %unpack3A_999 : vector<16xf32>
        %mul3A_1020 = arith.mulf %unpack3A_1000, %unpack3A_1000 : vector<16xf32>
        %add3A_1021 = arith.addf %mul3A_1019, %mul3A_1020 : vector<16xf32>
        %mul3A_1022 = arith.mulf %unpack3A_1017, %unpack3A_1017 : vector<16xf32>
        %mul3A_1023 = arith.mulf %unpack3A_1018, %unpack3A_1018 : vector<16xf32>
        %add3A_1024 = arith.addf %mul3A_1022, %mul3A_1023 : vector<16xf32>
        %add3A_1025 = arith.constant 320 : i32
        %add3A_1026 = arith.addi %add3A_1025, %scan3A_977 : i32
        %get3A_1027 = arith.constant 1 : i32
        %get3A_1028 = arith.index_cast %get3A_1027 : i32 to index
        %get3A_1029 = arith.index_cast %add3A_1026 : i32 to index
        %get3A_1030 = arith.constant 32 : index
        %get3A_1031 = tpu.vector_load %arg15[%get3A_1028, %get3A_1029, %get3A_1030] {strides = array<i32>} : memref<2x400x128xbf16, #tpu.memory_space<vmem>>, vector<32xbf16>,
        %get3A_1032 = arith.constant 1 : i32
        %get3A_1033 = arith.index_cast %get3A_1032 : i32 to index
        %get3A_1034 = arith.index_cast %scan3A_977 : i32 to index
        %get3A_1035 = arith.constant 32 : index
        %get3A_1036 = tpu.vector_load %arg15[%get3A_1033, %get3A_1034, %get3A_1035] {strides = array<i32>} : memref<2x400x128xbf16, #tpu.memory_space<vmem>>, vector<32xbf16>,
        %add3A_1037 = arith.addf %get3A_1036, %get3A_1031 : vector<32xbf16>
        %add3A_1038 = arith.constant 80 : i32
        %add3A_1039 = arith.addi %add3A_1038, %scan3A_977 : i32
        %get3A_1040 = arith.constant 1 : i32
        %get3A_1041 = arith.index_cast %get3A_1040 : i32 to index
        %get3A_1042 = arith.index_cast %add3A_1039 : i32 to index
        %get3A_1043 = arith.constant 32 : index
        %get3A_1044 = tpu.vector_load %arg15[%get3A_1041, %get3A_1042, %get3A_1043] {strides = array<i32>} : memref<2x400x128xbf16, #tpu.memory_space<vmem>>, vector<32xbf16>,
        %sub3A_1045 = arith.subf %add3A_1037, %get3A_1044 : vector<32xbf16>
        %unpack3A_1046 = tpu.unpack_subelements %sub3A_1045, 0 {pack_format = #tpu.pack_format<interleaved>} : vector<32xbf16> -> vector<16xf32>
        %unpack3A_1047 = tpu.unpack_subelements %sub3A_1045, 1 {pack_format = #tpu.pack_format<interleaved>} : vector<32xbf16> -> vector<16xf32>
        %add3A_1048 = arith.constant 160 : i32
        %add3A_1049 = arith.addi %add3A_1048, %scan3A_977 : i32
        %get3A_1050 = arith.constant 1 : i32
        %get3A_1051 = arith.index_cast %get3A_1050 : i32 to index
        %get3A_1052 = arith.index_cast %add3A_1049 : i32 to index
        %get3A_1053 = arith.constant 32 : index
        %get3A_1054 = tpu.vector_load %arg15[%get3A_1051, %get3A_1052, %get3A_1053] {strides = array<i32>} : memref<2x400x128xbf16, #tpu.memory_space<vmem>>, vector<32xbf16>,
        %add3A_1055 = arith.addf %get3A_1054, %get3A_1031 : vector<32xbf16>
        %add3A_1056 = arith.constant 240 : i32
        %add3A_1057 = arith.addi %add3A_1056, %scan3A_977 : i32
        %get3A_1058 = arith.constant 1 : i32
        %get3A_1059 = arith.index_cast %get3A_1058 : i32 to index
        %get3A_1060 = arith.index_cast %add3A_1057 : i32 to index
        %get3A_1061 = arith.constant 32 : index
        %get3A_1062 = tpu.vector_load %arg15[%get3A_1059, %get3A_1060, %get3A_1061] {strides = array<i32>} : memref<2x400x128xbf16, #tpu.memory_space<vmem>>, vector<32xbf16>,
        %sub3A_1063 = arith.subf %add3A_1055, %get3A_1062 : vector<32xbf16>
        %unpack3A_1064 = tpu.unpack_subelements %sub3A_1063, 0 {pack_format = #tpu.pack_format<interleaved>} : vector<32xbf16> -> vector<16xf32>
        %unpack3A_1065 = tpu.unpack_subelements %sub3A_1063, 1 {pack_format = #tpu.pack_format<interleaved>} : vector<32xbf16> -> vector<16xf32>
        %mul3A_1066 = arith.mulf %unpack3A_1046, %unpack3A_1046 : vector<16xf32>
        %add3A_1067 = arith.addf %add3A_1021, %mul3A_1066 : vector<16xf32>
        %mul3A_1068 = arith.mulf %unpack3A_1047, %unpack3A_1047 : vector<16xf32>
        %add3A_1069 = arith.addf %add3A_1067, %mul3A_1068 : vector<16xf32>
        %mul3A_1070 = arith.mulf %unpack3A_1064, %unpack3A_1064 : vector<16xf32>
        %add3A_1071 = arith.addf %add3A_1024, %mul3A_1070 : vector<16xf32>
        %mul3A_1072 = arith.mulf %unpack3A_1065, %unpack3A_1065 : vector<16xf32>
        %add3A_1073 = arith.addf %add3A_1071, %mul3A_1072 : vector<16xf32>
        %add3A_1074 = arith.constant 320 : i32
        %add3A_1075 = arith.addi %add3A_1074, %scan3A_977 : i32
        %get3A_1076 = arith.constant 1 : i32
        %get3A_1077 = arith.index_cast %get3A_1076 : i32 to index
        %get3A_1078 = arith.index_cast %add3A_1075 : i32 to index
        %get3A_1079 = arith.constant 64 : index
        %get3A_1080 = tpu.vector_load %arg15[%get3A_1077, %get3A_1078, %get3A_1079] {strides = array<i32>} : memref<2x400x128xbf16, #tpu.memory_space<vmem>>, vector<32xbf16>,
        %get3A_1081 = arith.constant 1 : i32
        %get3A_1082 = arith.index_cast %get3A_1081 : i32 to index
        %get3A_1083 = arith.index_cast %scan3A_977 : i32 to index
        %get3A_1084 = arith.constant 64 : index
        %get3A_1085 = tpu.vector_load %arg15[%get3A_1082, %get3A_1083, %get3A_1084] {strides = array<i32>} : memref<2x400x128xbf16, #tpu.memory_space<vmem>>, vector<32xbf16>,
        %add3A_1086 = arith.addf %get3A_1085, %get3A_1080 : vector<32xbf16>
        %add3A_1087 = arith.constant 80 : i32
        %add3A_1088 = arith.addi %add3A_1087, %scan3A_977 : i32
        %get3A_1089 = arith.constant 1 : i32
        %get3A_1090 = arith.index_cast %get3A_1089 : i32 to index
        %get3A_1091 = arith.index_cast %add3A_1088 : i32 to index
        %get3A_1092 = arith.constant 64 : index
        %get3A_1093 = tpu.vector_load %arg15[%get3A_1090, %get3A_1091, %get3A_1092] {strides = array<i32>} : memref<2x400x128xbf16, #tpu.memory_space<vmem>>, vector<32xbf16>,
        %sub3A_1094 = arith.subf %add3A_1086, %get3A_1093 : vector<32xbf16>
        %unpack3A_1095 = tpu.unpack_subelements %sub3A_1094, 0 {pack_format = #tpu.pack_format<interleaved>} : vector<32xbf16> -> vector<16xf32>
        %unpack3A_1096 = tpu.unpack_subelements %sub3A_1094, 1 {pack_format = #tpu.pack_format<interleaved>} : vector<32xbf16> -> vector<16xf32>
        %add3A_1097 = arith.constant 160 : i32
        %add3A_1098 = arith.addi %add3A_1097, %scan3A_977 : i32
        %get3A_1099 = arith.constant 1 : i32
        %get3A_1100 = arith.index_cast %get3A_1099 : i32 to index
        %get3A_1101 = arith.index_cast %add3A_1098 : i32 to index
        %get3A_1102 = arith.constant 64 : index
        %get3A_1103 = tpu.vector_load %arg15[%get3A_1100, %get3A_1101, %get3A_1102] {strides = array<i32>} : memref<2x400x128xbf16, #tpu.memory_space<vmem>>, vector<32xbf16>,
        %add3A_1104 = arith.addf %get3A_1103, %get3A_1080 : vector<32xbf16>
        %add3A_1105 = arith.constant 240 : i32
        %add3A_1106 = arith.addi %add3A_1105, %scan3A_977 : i32
        %get3A_1107 = arith.constant 1 : i32
        %get3A_1108 = arith.index_cast %get3A_1107 : i32 to index
        %get3A_1109 = arith.index_cast %add3A_1106 : i32 to index
        %get3A_1110 = arith.constant 64 : index
        %get3A_1111 = tpu.vector_load %arg15[%get3A_1108, %get3A_1109, %get3A_1110] {strides = array<i32>} : memref<2x400x128xbf16, #tpu.memory_space<vmem>>, vector<32xbf16>,
        %sub3A_1112 = arith.subf %add3A_1104, %get3A_1111 : vector<32xbf16>
        %unpack3A_1113 = tpu.unpack_subelements %sub3A_1112, 0 {pack_format = #tpu.pack_format<interleaved>} : vector<32xbf16> -> vector<16xf32>
        %unpack3A_1114 = tpu.unpack_subelements %sub3A_1112, 1 {pack_format = #tpu.pack_format<interleaved>} : vector<32xbf16> -> vector<16xf32>
        %mul3A_1115 = arith.mulf %unpack3A_1095, %unpack3A_1095 : vector<16xf32>
        %add3A_1116 = arith.addf %add3A_1069, %mul3A_1115 : vector<16xf32>
        %mul3A_1117 = arith.mulf %unpack3A_1096, %unpack3A_1096 : vector<16xf32>
        %add3A_1118 = arith.addf %add3A_1116, %mul3A_1117 : vector<16xf32>
        %mul3A_1119 = arith.mulf %unpack3A_1113, %unpack3A_1113 : vector<16xf32>
        %add3A_1120 = arith.addf %add3A_1073, %mul3A_1119 : vector<16xf32>
        %mul3A_1121 = arith.mulf %unpack3A_1114, %unpack3A_1114 : vector<16xf32>
        %add3A_1122 = arith.addf %add3A_1120, %mul3A_1121 : vector<16xf32>
        %add3A_1123 = arith.constant 320 : i32
        %add3A_1124 = arith.addi %add3A_1123, %scan3A_977 : i32
        %get3A_1125 = arith.constant 1 : i32
        %get3A_1126 = arith.index_cast %get3A_1125 : i32 to index
        %get3A_1127 = arith.index_cast %add3A_1124 : i32 to index
        %get3A_1128 = arith.constant 96 : index
        %get3A_1129 = tpu.vector_load %arg15[%get3A_1126, %get3A_1127, %get3A_1128] {strides = array<i32>} : memref<2x400x128xbf16, #tpu.memory_space<vmem>>, vector<32xbf16>,
        %get3A_1130 = arith.constant 1 : i32
        %get3A_1131 = arith.index_cast %get3A_1130 : i32 to index
        %get3A_1132 = arith.index_cast %scan3A_977 : i32 to index
        %get3A_1133 = arith.constant 96 : index
        %get3A_1134 = tpu.vector_load %arg15[%get3A_1131, %get3A_1132, %get3A_1133] {strides = array<i32>} : memref<2x400x128xbf16, #tpu.memory_space<vmem>>, vector<32xbf16>,
        %add3A_1135 = arith.addf %get3A_1134, %get3A_1129 : vector<32xbf16>
        %add3A_1136 = arith.constant 80 : i32
        %add3A_1137 = arith.addi %add3A_1136, %scan3A_977 : i32
        %get3A_1138 = arith.constant 1 : i32
        %get3A_1139 = arith.index_cast %get3A_1138 : i32 to index
        %get3A_1140 = arith.index_cast %add3A_1137 : i32 to index
        %get3A_1141 = arith.constant 96 : index
        %get3A_1142 = tpu.vector_load %arg15[%get3A_1139, %get3A_1140, %get3A_1141] {strides = array<i32>} : memref<2x400x128xbf16, #tpu.memory_space<vmem>>, vector<32xbf16>,
        %sub3A_1143 = arith.subf %add3A_1135, %get3A_1142 : vector<32xbf16>
        %unpack3A_1144 = tpu.unpack_subelements %sub3A_1143, 0 {pack_format = #tpu.pack_format<interleaved>} : vector<32xbf16> -> vector<16xf32>
        %unpack3A_1145 = tpu.unpack_subelements %sub3A_1143, 1 {pack_format = #tpu.pack_format<interleaved>} : vector<32xbf16> -> vector<16xf32>
        %add3A_1146 = arith.constant 160 : i32
        %add3A_1147 = arith.addi %add3A_1146, %scan3A_977 : i32
        %get3A_1148 = arith.constant 1 : i32
        %get3A_1149 = arith.index_cast %get3A_1148 : i32 to index
        %get3A_1150 = arith.index_cast %add3A_1147 : i32 to index
        %get3A_1151 = arith.constant 96 : index
        %get3A_1152 = tpu.vector_load %arg15[%get3A_1149, %get3A_1150, %get3A_1151] {strides = array<i32>} : memref<2x400x128xbf16, #tpu.memory_space<vmem>>, vector<32xbf16>,
        %add3A_1153 = arith.addf %get3A_1152, %get3A_1129 : vector<32xbf16>
        %add3A_1154 = arith.constant 240 : i32
        %add3A_1155 = arith.addi %add3A_1154, %scan3A_977 : i32
        %get3A_1156 = arith.constant 1 : i32
        %get3A_1157 = arith.index_cast %get3A_1156 : i32 to index
        %get3A_1158 = arith.index_cast %add3A_1155 : i32 to index
        %get3A_1159 = arith.constant 96 : index
        %get3A_1160 = tpu.vector_load %arg15[%get3A_1157, %get3A_1158, %get3A_1159] {strides = array<i32>} : memref<2x400x128xbf16, #tpu.memory_space<vmem>>, vector<32xbf16>,
        %sub3A_1161 = arith.subf %add3A_1153, %get3A_1160 : vector<32xbf16>
        %unpack3A_1162 = tpu.unpack_subelements %sub3A_1161, 0 {pack_format = #tpu.pack_format<interleaved>} : vector<32xbf16> -> vector<16xf32>
        %unpack3A_1163 = tpu.unpack_subelements %sub3A_1161, 1 {pack_format = #tpu.pack_format<interleaved>} : vector<32xbf16> -> vector<16xf32>
        %mul3A_1164 = arith.mulf %unpack3A_1144, %unpack3A_1144 : vector<16xf32>
        %add3A_1165 = arith.addf %add3A_1118, %mul3A_1164 : vector<16xf32>
        %mul3A_1166 = arith.mulf %unpack3A_1145, %unpack3A_1145 : vector<16xf32>
        %add3A_1167 = arith.addf %add3A_1165, %mul3A_1166 : vector<16xf32>
        %mul3A_1168 = arith.mulf %unpack3A_1162, %unpack3A_1162 : vector<16xf32>
        %add3A_1169 = arith.addf %add3A_1122, %mul3A_1168 : vector<16xf32>
        %mul3A_1170 = arith.mulf %unpack3A_1163, %unpack3A_1163 : vector<16xf32>
        %add3A_1171 = arith.addf %add3A_1169, %mul3A_1170 : vector<16xf32>
        %reduce_sum3A_1172 = arith.constant true
        %reduce_sum3A_1173 = vector.broadcast %reduce_sum3A_1172 : i1 to vector<16xi1>
        %reduce_sum3A_1174 = tpu.scan <sum>, %add3A_1167 masked %reduce_sum3A_1173 : vector<16xf32>, vector<16xi1> -> vector<16xf32>
        %reduce_sum3A_1175 = vector.extract %reduce_sum3A_1174[15] : f32 from vector<16xf32>
        %bitcast_convert_type3A_1176 = arith.bitcast %reduce_sum3A_1175 : f32 to i32
        %shift_right_arithmetic3A_1177 = arith.constant 1 : i32
        %shift_right_arithmetic3A_1178 = arith.shrsi %bitcast_convert_type3A_1176, %shift_right_arithmetic3A_1177 : i32
        %sub3A_1179 = arith.constant 1597463007 : i32
        %sub3A_1180 = arith.subi %sub3A_1179, %shift_right_arithmetic3A_1178 : i32
        %bitcast_convert_type3A_1181 = arith.bitcast %sub3A_1180 : i32 to f32
        %mul3A_1182 = arith.constant 5.000000e-01 : f32
        %mul3A_1183 = arith.mulf %mul3A_1182, %reduce_sum3A_1175 : f32
        %mul3A_1184 = arith.mulf %mul3A_1183, %bitcast_convert_type3A_1181 : f32
        %mul3A_1185 = arith.mulf %mul3A_1184, %bitcast_convert_type3A_1181 : f32
        %sub3A_1186 = arith.constant 1.500000e+00 : f32
        %sub3A_1187 = arith.subf %sub3A_1186, %mul3A_1185 : f32
        %mul3A_1188 = arith.mulf %bitcast_convert_type3A_1181, %sub3A_1187 : f32
        %mul3A_1189 = arith.constant 5.000000e-01 : f32
        %mul3A_1190 = arith.mulf %mul3A_1189, %reduce_sum3A_1175 : f32
        %mul3A_1191 = arith.mulf %mul3A_1190, %mul3A_1188 : f32
        %mul3A_1192 = arith.mulf %mul3A_1191, %mul3A_1188 : f32
        %sub3A_1193 = arith.constant 1.500000e+00 : f32
        %sub3A_1194 = arith.subf %sub3A_1193, %mul3A_1192 : f32
        %mul3A_1195 = arith.mulf %mul3A_1188, %sub3A_1194 : f32
        %mul3A_1196 = arith.mulf %reduce_sum3A_1175, %mul3A_1195 : f32
        %reduce_sum3A_1197 = arith.constant true
        %reduce_sum3A_1198 = vector.broadcast %reduce_sum3A_1197 : i1 to vector<16xi1>
        %reduce_sum3A_1199 = tpu.scan <sum>, %add3A_1171 masked %reduce_sum3A_1198 : vector<16xf32>, vector<16xi1> -> vector<16xf32>
        %reduce_sum3A_1200 = vector.extract %reduce_sum3A_1199[15] : f32 from vector<16xf32>
        %bitcast_convert_type3A_1201 = arith.bitcast %reduce_sum3A_1200 : f32 to i32
        %shift_right_arithmetic3A_1202 = arith.constant 1 : i32
        %shift_right_arithmetic3A_1203 = arith.shrsi %bitcast_convert_type3A_1201, %shift_right_arithmetic3A_1202 : i32
        %sub3A_1204 = arith.constant 1597463007 : i32
        %sub3A_1205 = arith.subi %sub3A_1204, %shift_right_arithmetic3A_1203 : i32
        %bitcast_convert_type3A_1206 = arith.bitcast %sub3A_1205 : i32 to f32
        %mul3A_1207 = arith.constant 5.000000e-01 : f32
        %mul3A_1208 = arith.mulf %mul3A_1207, %reduce_sum3A_1200 : f32
        %mul3A_1209 = arith.mulf %mul3A_1208, %bitcast_convert_type3A_1206 : f32
        %mul3A_1210 = arith.mulf %mul3A_1209, %bitcast_convert_type3A_1206 : f32
        %sub3A_1211 = arith.constant 1.500000e+00 : f32
        %sub3A_1212 = arith.subf %sub3A_1211, %mul3A_1210 : f32
        %mul3A_1213 = arith.mulf %bitcast_convert_type3A_1206, %sub3A_1212 : f32
        %mul3A_1214 = arith.constant 5.000000e-01 : f32
        %mul3A_1215 = arith.mulf %mul3A_1214, %reduce_sum3A_1200 : f32
        %mul3A_1216 = arith.mulf %mul3A_1215, %mul3A_1213 : f32
        %mul3A_1217 = arith.mulf %mul3A_1216, %mul3A_1213 : f32
        %sub3A_1218 = arith.constant 1.500000e+00 : f32
        %sub3A_1219 = arith.subf %sub3A_1218, %mul3A_1217 : f32
        %mul3A_1220 = arith.mulf %mul3A_1213, %sub3A_1219 : f32
        %mul3A_1221 = arith.mulf %reduce_sum3A_1200, %mul3A_1220 : f32
        %sub3A_1222 = arith.subf %mul3A_1196, %mul3A_1221 : f32
        %add3A_1223 = arith.constant 1.000000e+00 : f32
        %add3A_1224 = arith.addf %sub3A_1222, %add3A_1223 : f32
        %max3A_1225 = arith.constant 0.000000e+00 : f32
        %max3A_1226 = arith.maximumf %add3A_1224, %max3A_1225 : f32
        %add3A_1227 = arith.addf %add3A_975, %max3A_1226 : f32
        scf.yield %add3A_1227 : f32
      }
      %scan3A_226 = arith.constant 80 : i32
      scf.yield %scan3A_225 : f32
    }
    %scan3A_54 = arith.constant 62 : i32
    %dma_wait3A = arith.constant 0 : i32
    %dma_wait3A_55 = arith.constant 0 : i32
    %dma_wait3A_56 = arith.constant 0 : i32
    %dma_wait3A_57 = tpu.memref_slice %arg15[%dma_wait3A, %dma_wait3A_55, %dma_wait3A_56] : memref<2x400x128xbf16, #tpu.memory_space<vmem>> -> memref<1x400x128xbf16, #tpu.memory_space<vmem>>
    %dma_wait3A_58 = tpu.memref_squeeze %dma_wait3A_57 : memref<1x400x128xbf16, #tpu.memory_space<vmem>> -> memref<400x128xbf16, #tpu.memory_space<vmem>>
    %dma_wait3A_59 = arith.constant 0 : i32
    %dma_wait3A_60 = arith.constant 0 : i32
    %dma_wait3A_61 = tpu.memref_slice %arg2[%dma_wait3A_59, %dma_wait3A_60] : memref<10000x128xbf16, #tpu.memory_space<hbm>> -> memref<400x128xbf16, #tpu.memory_space<hbm>>
    %dma_wait3A_62 = arith.constant 0 : i32
    %dma_wait3A_63 = arith.constant 0 : i32
    %dma_wait3A_64 = tpu.memref_slice %arg15[%dma_wait3A, %dma_wait3A_62, %dma_wait3A_63] : memref<2x400x128xbf16, #tpu.memory_space<vmem>> -> memref<1x400x128xbf16, #tpu.memory_space<vmem>>
    %dma_wait3A_65 = tpu.memref_squeeze %dma_wait3A_64 : memref<1x400x128xbf16, #tpu.memory_space<vmem>> -> memref<400x128xbf16, #tpu.memory_space<vmem>>
    %dma_wait3A_66 = arith.constant 0 : i32
    %dma_wait3A_67 = arith.constant 0 : i32
    %dma_wait3A_68 = tpu.memref_slice %arg2[%dma_wait3A_66, %dma_wait3A_67] : memref<10000x128xbf16, #tpu.memory_space<hbm>> -> memref<400x128xbf16, #tpu.memory_space<hbm>>
    tpu.wait_dma2 semaphore(%arg17 : memref<!tpu.dma_semaphore, #tpu.memory_space<semaphore_mem>>) src(%dma_wait3A_68 : memref<400x128xbf16, #tpu.memory_space<hbm>>) dst(%dma_wait3A_65 : memref<400x128xbf16, #tpu.memory_space<vmem>>)
    %scan3A_69 = arith.constant 0 : i32
    %scan3A_70 = arith.constant 80 : i32
    %scan3A_71 = arith.addi %scan3A_69, %scan3A_70 : i32
    %scan3A_72 = arith.constant 4 : i32
    %scan3A_73 = scf.for %scan3A_79 = %scan3A_69 to %scan3A_71 step %scan3A_72 iter_args(%scan3A_80 = %scan3A_53) -> (f32)  : i32 {
      %add3A_81 = arith.constant 320 : i32
      %add3A_82 = arith.addi %add3A_81, %scan3A_79 : i32
      %get3A = arith.constant 0 : i32
      %get3A_83 = arith.index_cast %get3A : i32 to index
      %get3A_84 = arith.index_cast %add3A_82 : i32 to index
      %get3A_85 = arith.constant 0 : index
      %get3A_86 = tpu.vector_load %arg15[%get3A_83, %get3A_84, %get3A_85] {strides = array<i32>} : memref<2x400x128xbf16, #tpu.memory_space<vmem>>, vector<32xbf16>,
      %get3A_87 = arith.constant 0 : i32
      %get3A_88 = arith.index_cast %get3A_87 : i32 to index
      %get3A_89 = arith.index_cast %scan3A_79 : i32 to index
      %get3A_90 = arith.constant 0 : index
      %get3A_91 = tpu.vector_load %arg15[%get3A_88, %get3A_89, %get3A_90] {strides = array<i32>} : memref<2x400x128xbf16, #tpu.memory_space<vmem>>, vector<32xbf16>,
      %add3A_92 = arith.addf %get3A_91, %get3A_86 : vector<32xbf16>
      %add3A_93 = arith.constant 80 : i32
      %add3A_94 = arith.addi %add3A_93, %scan3A_79 : i32
      %get3A_95 = arith.constant 0 : i32
      %get3A_96 = arith.index_cast %get3A_95 : i32 to index
      %get3A_97 = arith.index_cast %add3A_94 : i32 to index
      %get3A_98 = arith.constant 0 : index
      %get3A_99 = tpu.vector_load %arg15[%get3A_96, %get3A_97, %get3A_98] {strides = array<i32>} : memref<2x400x128xbf16, #tpu.memory_space<vmem>>, vector<32xbf16>,
      %sub3A = arith.subf %add3A_92, %get3A_99 : vector<32xbf16>
      %unpack3A = tpu.unpack_subelements %sub3A, 0 {pack_format = #tpu.pack_format<interleaved>} : vector<32xbf16> -> vector<16xf32>
      %unpack3A_100 = tpu.unpack_subelements %sub3A, 1 {pack_format = #tpu.pack_format<interleaved>} : vector<32xbf16> -> vector<16xf32>
      %add3A_101 = arith.constant 160 : i32
      %add3A_102 = arith.addi %add3A_101, %scan3A_79 : i32
      %get3A_103 = arith.constant 0 : i32
      %get3A_104 = arith.index_cast %get3A_103 : i32 to index
      %get3A_105 = arith.index_cast %add3A_102 : i32 to index
      %get3A_106 = arith.constant 0 : index
      %get3A_107 = tpu.vector_load %arg15[%get3A_104, %get3A_105, %get3A_106] {strides = array<i32>} : memref<2x400x128xbf16, #tpu.memory_space<vmem>>, vector<32xbf16>,
      %add3A_108 = arith.addf %get3A_107, %get3A_86 : vector<32xbf16>
      %add3A_109 = arith.constant 240 : i32
      %add3A_110 = arith.addi %add3A_109, %scan3A_79 : i32
      %get3A_111 = arith.constant 0 : i32
      %get3A_112 = arith.index_cast %get3A_111 : i32 to index
      %get3A_113 = arith.index_cast %add3A_110 : i32 to index
      %get3A_114 = arith.constant 0 : index
      %get3A_115 = tpu.vector_load %arg15[%get3A_112, %get3A_113, %get3A_114] {strides = array<i32>} : memref<2x400x128xbf16, #tpu.memory_space<vmem>>, vector<32xbf16>,
      %sub3A_116 = arith.subf %add3A_108, %get3A_115 : vector<32xbf16>
      %unpack3A_117 = tpu.unpack_subelements %sub3A_116, 0 {pack_format = #tpu.pack_format<interleaved>} : vector<32xbf16> -> vector<16xf32>
      %unpack3A_118 = tpu.unpack_subelements %sub3A_116, 1 {pack_format = #tpu.pack_format<interleaved>} : vector<32xbf16> -> vector<16xf32>
      %mul3A_119 = arith.mulf %unpack3A, %unpack3A : vector<16xf32>
      %mul3A_120 = arith.mulf %unpack3A_100, %unpack3A_100 : vector<16xf32>
      %add3A_121 = arith.addf %mul3A_119, %mul3A_120 : vector<16xf32>
      %mul3A_122 = arith.mulf %unpack3A_117, %unpack3A_117 : vector<16xf32>
      %mul3A_123 = arith.mulf %unpack3A_118, %unpack3A_118 : vector<16xf32>
      %add3A_124 = arith.addf %mul3A_122, %mul3A_123 : vector<16xf32>
      %add3A_125 = arith.constant 320 : i32
      %add3A_126 = arith.addi %add3A_125, %scan3A_79 : i32
      %get3A_127 = arith.constant 0 : i32
      %get3A_128 = arith.index_cast %get3A_127 : i32 to index
      %get3A_129 = arith.index_cast %add3A_126 : i32 to index
      %get3A_130 = arith.constant 32 : index
      %get3A_131 = tpu.vector_load %arg15[%get3A_128, %get3A_129, %get3A_130] {strides = array<i32>} : memref<2x400x128xbf16, #tpu.memory_space<vmem>>, vector<32xbf16>,
      %get3A_132 = arith.constant 0 : i32
      %get3A_133 = arith.index_cast %get3A_132 : i32 to index
      %get3A_134 = arith.index_cast %scan3A_79 : i32 to index
      %get3A_135 = arith.constant 32 : index
      %get3A_136 = tpu.vector_load %arg15[%get3A_133, %get3A_134, %get3A_135] {strides = array<i32>} : memref<2x400x128xbf16, #tpu.memory_space<vmem>>, vector<32xbf16>,
      %add3A_137 = arith.addf %get3A_136, %get3A_131 : vector<32xbf16>
      %add3A_138 = arith.constant 80 : i32
      %add3A_139 = arith.addi %add3A_138, %scan3A_79 : i32
      %get3A_140 = arith.constant 0 : i32
      %get3A_141 = arith.index_cast %get3A_140 : i32 to index
      %get3A_142 = arith.index_cast %add3A_139 : i32 to index
      %get3A_143 = arith.constant 32 : index
      %get3A_144 = tpu.vector_load %arg15[%get3A_141, %get3A_142, %get3A_143] {strides = array<i32>} : memref<2x400x128xbf16, #tpu.memory_space<vmem>>, vector<32xbf16>,
      %sub3A_145 = arith.subf %add3A_137, %get3A_144 : vector<32xbf16>
      %unpack3A_146 = tpu.unpack_subelements %sub3A_145, 0 {pack_format = #tpu.pack_format<interleaved>} : vector<32xbf16> -> vector<16xf32>
      %unpack3A_147 = tpu.unpack_subelements %sub3A_145, 1 {pack_format = #tpu.pack_format<interleaved>} : vector<32xbf16> -> vector<16xf32>
      %add3A_148 = arith.constant 160 : i32
      %add3A_149 = arith.addi %add3A_148, %scan3A_79 : i32
      %get3A_150 = arith.constant 0 : i32
      %get3A_151 = arith.index_cast %get3A_150 : i32 to index
      %get3A_152 = arith.index_cast %add3A_149 : i32 to index
      %get3A_153 = arith.constant 32 : index
      %get3A_154 = tpu.vector_load %arg15[%get3A_151, %get3A_152, %get3A_153] {strides = array<i32>} : memref<2x400x128xbf16, #tpu.memory_space<vmem>>, vector<32xbf16>,
      %add3A_155 = arith.addf %get3A_154, %get3A_131 : vector<32xbf16>
      %add3A_156 = arith.constant 240 : i32
      %add3A_157 = arith.addi %add3A_156, %scan3A_79 : i32
      %get3A_158 = arith.constant 0 : i32
      %get3A_159 = arith.index_cast %get3A_158 : i32 to index
      %get3A_160 = arith.index_cast %add3A_157 : i32 to index
      %get3A_161 = arith.constant 32 : index
      %get3A_162 = tpu.vector_load %arg15[%get3A_159, %get3A_160, %get3A_161] {strides = array<i32>} : memref<2x400x128xbf16, #tpu.memory_space<vmem>>, vector<32xbf16>,
      %sub3A_163 = arith.subf %add3A_155, %get3A_162 : vector<32xbf16>
      %unpack3A_164 = tpu.unpack_subelements %sub3A_163, 0 {pack_format = #tpu.pack_format<interleaved>} : vector<32xbf16> -> vector<16xf32>
      %unpack3A_165 = tpu.unpack_subelements %sub3A_163, 1 {pack_format = #tpu.pack_format<interleaved>} : vector<32xbf16> -> vector<16xf32>
      %mul3A_166 = arith.mulf %unpack3A_146, %unpack3A_146 : vector<16xf32>
      %add3A_167 = arith.addf %add3A_121, %mul3A_166 : vector<16xf32>
      %mul3A_168 = arith.mulf %unpack3A_147, %unpack3A_147 : vector<16xf32>
      %add3A_169 = arith.addf %add3A_167, %mul3A_168 : vector<16xf32>
      %mul3A_170 = arith.mulf %unpack3A_164, %unpack3A_164 : vector<16xf32>
      %add3A_171 = arith.addf %add3A_124, %mul3A_170 : vector<16xf32>
      %mul3A_172 = arith.mulf %unpack3A_165, %unpack3A_165 : vector<16xf32>
      %add3A_173 = arith.addf %add3A_171, %mul3A_172 : vector<16xf32>
      %add3A_174 = arith.constant 320 : i32
      %add3A_175 = arith.addi %add3A_174, %scan3A_79 : i32
      %get3A_176 = arith.constant 0 : i32
      %get3A_177 = arith.index_cast %get3A_176 : i32 to index
      %get3A_178 = arith.index_cast %add3A_175 : i32 to index
      %get3A_179 = arith.constant 64 : index
      %get3A_180 = tpu.vector_load %arg15[%get3A_177, %get3A_178, %get3A_179] {strides = array<i32>} : memref<2x400x128xbf16, #tpu.memory_space<vmem>>, vector<32xbf16>,
      %get3A_181 = arith.constant 0 : i32
      %get3A_182 = arith.index_cast %get3A_181 : i32 to index
      %get3A_183 = arith.index_cast %scan3A_79 : i32 to index
      %get3A_184 = arith.constant 64 : index
      %get3A_185 = tpu.vector_load %arg15[%get3A_182, %get3A_183, %get3A_184] {strides = array<i32>} : memref<2x400x128xbf16, #tpu.memory_space<vmem>>, vector<32xbf16>,
      %add3A_186 = arith.addf %get3A_185, %get3A_180 : vector<32xbf16>
      %add3A_187 = arith.constant 80 : i32
      %add3A_188 = arith.addi %add3A_187, %scan3A_79 : i32
      %get3A_189 = arith.constant 0 : i32
      %get3A_190 = arith.index_cast %get3A_189 : i32 to index
      %get3A_191 = arith.index_cast %add3A_188 : i32 to index
      %get3A_192 = arith.constant 64 : index
      %get3A_193 = tpu.vector_load %arg15[%get3A_190, %get3A_191, %get3A_192] {strides = array<i32>} : memref<2x400x128xbf16, #tpu.memory_space<vmem>>, vector<32xbf16>,
      %sub3A_194 = arith.subf %add3A_186, %get3A_193 : vector<32xbf16>
      %unpack3A_195 = tpu.unpack_subelements %sub3A_194, 0 {pack_format = #tpu.pack_format<interleaved>} : vector<32xbf16> -> vector<16xf32>
      %unpack3A_196 = tpu.unpack_subelements %sub3A_194, 1 {pack_format = #tpu.pack_format<interleaved>} : vector<32xbf16> -> vector<16xf32>
      %add3A_197 = arith.constant 160 : i32
      %add3A_198 = arith.addi %add3A_197, %scan3A_79 : i32
      %get3A_199 = arith.constant 0 : i32
      %get3A_200 = arith.index_cast %get3A_199 : i32 to index
      %get3A_201 = arith.index_cast %add3A_198 : i32 to index
      %get3A_202 = arith.constant 64 : index
      %get3A_203 = tpu.vector_load %arg15[%get3A_200, %get3A_201, %get3A_202] {strides = array<i32>} : memref<2x400x128xbf16, #tpu.memory_space<vmem>>, vector<32xbf16>,
      %add3A_204 = arith.addf %get3A_203, %get3A_180 : vector<32xbf16>
      %add3A_205 = arith.constant 240 : i32
      %add3A_206 = arith.addi %add3A_205, %scan3A_79 : i32
      %get3A_207 = arith.constant 0 : i32
      %get3A_208 = arith.index_cast %get3A_207 : i32 to index
      %get3A_209 = arith.index_cast %add3A_206 : i32 to index
      %get3A_210 = arith.constant 64 : index
      %get3A_211 = tpu.vector_load %arg15[%get3A_208, %get3A_209, %get3A_210] {strides = array<i32>} : memref<2x400x128xbf16, #tpu.memory_space<vmem>>, vector<32xbf16>,
      %sub3A_212 = arith.subf %add3A_204, %get3A_211 : vector<32xbf16>
      %unpack3A_213 = tpu.unpack_subelements %sub3A_212, 0 {pack_format = #tpu.pack_format<interleaved>} : vector<32xbf16> -> vector<16xf32>
      %unpack3A_214 = tpu.unpack_subelements %sub3A_212, 1 {pack_format = #tpu.pack_format<interleaved>} : vector<32xbf16> -> vector<16xf32>
      %mul3A_215 = arith.mulf %unpack3A_195, %unpack3A_195 : vector<16xf32>
      %add3A_216 = arith.addf %add3A_169, %mul3A_215 : vector<16xf32>
      %mul3A_217 = arith.mulf %unpack3A_196, %unpack3A_196 : vector<16xf32>
      %add3A_218 = arith.addf %add3A_216, %mul3A_217 : vector<16xf32>
      %mul3A_219 = arith.mulf %unpack3A_213, %unpack3A_213 : vector<16xf32>
      %add3A_220 = arith.addf %add3A_173, %mul3A_219 : vector<16xf32>
      %mul3A_221 = arith.mulf %unpack3A_214, %unpack3A_214 : vector<16xf32>
      %add3A_222 = arith.addf %add3A_220, %mul3A_221 : vector<16xf32>
      %add3A_223 = arith.constant 320 : i32
      %add3A_224 = arith.addi %add3A_223, %scan3A_79 : i32
      %get3A_225 = arith.constant 0 : i32
      %get3A_226 = arith.index_cast %get3A_225 : i32 to index
      %get3A_227 = arith.index_cast %add3A_224 : i32 to index
      %get3A_228 = arith.constant 96 : index
      %get3A_229 = tpu.vector_load %arg15[%get3A_226, %get3A_227, %get3A_228] {strides = array<i32>} : memref<2x400x128xbf16, #tpu.memory_space<vmem>>, vector<32xbf16>,
      %get3A_230 = arith.constant 0 : i32
      %get3A_231 = arith.index_cast %get3A_230 : i32 to index
      %get3A_232 = arith.index_cast %scan3A_79 : i32 to index
      %get3A_233 = arith.constant 96 : index
      %get3A_234 = tpu.vector_load %arg15[%get3A_231, %get3A_232, %get3A_233] {strides = array<i32>} : memref<2x400x128xbf16, #tpu.memory_space<vmem>>, vector<32xbf16>,
      %add3A_235 = arith.addf %get3A_234, %get3A_229 : vector<32xbf16>
      %add3A_236 = arith.constant 80 : i32
      %add3A_237 = arith.addi %add3A_236, %scan3A_79 : i32
      %get3A_238 = arith.constant 0 : i32
      %get3A_239 = arith.index_cast %get3A_238 : i32 to index
      %get3A_240 = arith.index_cast %add3A_237 : i32 to index
      %get3A_241 = arith.constant 96 : index
      %get3A_242 = tpu.vector_load %arg15[%get3A_239, %get3A_240, %get3A_241] {strides = array<i32>} : memref<2x400x128xbf16, #tpu.memory_space<vmem>>, vector<32xbf16>,
      %sub3A_243 = arith.subf %add3A_235, %get3A_242 : vector<32xbf16>
      %unpack3A_244 = tpu.unpack_subelements %sub3A_243, 0 {pack_format = #tpu.pack_format<interleaved>} : vector<32xbf16> -> vector<16xf32>
      %unpack3A_245 = tpu.unpack_subelements %sub3A_243, 1 {pack_format = #tpu.pack_format<interleaved>} : vector<32xbf16> -> vector<16xf32>
      %add3A_246 = arith.constant 160 : i32
      %add3A_247 = arith.addi %add3A_246, %scan3A_79 : i32
      %get3A_248 = arith.constant 0 : i32
      %get3A_249 = arith.index_cast %get3A_248 : i32 to index
      %get3A_250 = arith.index_cast %add3A_247 : i32 to index
      %get3A_251 = arith.constant 96 : index
      %get3A_252 = tpu.vector_load %arg15[%get3A_249, %get3A_250, %get3A_251] {strides = array<i32>} : memref<2x400x128xbf16, #tpu.memory_space<vmem>>, vector<32xbf16>,
      %add3A_253 = arith.addf %get3A_252, %get3A_229 : vector<32xbf16>
      %add3A_254 = arith.constant 240 : i32
      %add3A_255 = arith.addi %add3A_254, %scan3A_79 : i32
      %get3A_256 = arith.constant 0 : i32
      %get3A_257 = arith.index_cast %get3A_256 : i32 to index
      %get3A_258 = arith.index_cast %add3A_255 : i32 to index
      %get3A_259 = arith.constant 96 : index
      %get3A_260 = tpu.vector_load %arg15[%get3A_257, %get3A_258, %get3A_259] {strides = array<i32>} : memref<2x400x128xbf16, #tpu.memory_space<vmem>>, vector<32xbf16>,
      %sub3A_261 = arith.subf %add3A_253, %get3A_260 : vector<32xbf16>
      %unpack3A_262 = tpu.unpack_subelements %sub3A_261, 0 {pack_format = #tpu.pack_format<interleaved>} : vector<32xbf16> -> vector<16xf32>
      %unpack3A_263 = tpu.unpack_subelements %sub3A_261, 1 {pack_format = #tpu.pack_format<interleaved>} : vector<32xbf16> -> vector<16xf32>
      %mul3A_264 = arith.mulf %unpack3A_244, %unpack3A_244 : vector<16xf32>
      %add3A_265 = arith.addf %add3A_218, %mul3A_264 : vector<16xf32>
      %mul3A_266 = arith.mulf %unpack3A_245, %unpack3A_245 : vector<16xf32>
      %add3A_267 = arith.addf %add3A_265, %mul3A_266 : vector<16xf32>
      %mul3A_268 = arith.mulf %unpack3A_262, %unpack3A_262 : vector<16xf32>
      %add3A_269 = arith.addf %add3A_222, %mul3A_268 : vector<16xf32>
      %mul3A_270 = arith.mulf %unpack3A_263, %unpack3A_263 : vector<16xf32>
      %add3A_271 = arith.addf %add3A_269, %mul3A_270 : vector<16xf32>
      %reduce_sum3A = arith.constant true
      %reduce_sum3A_272 = vector.broadcast %reduce_sum3A : i1 to vector<16xi1>
      %reduce_sum3A_273 = tpu.scan <sum>, %add3A_267 masked %reduce_sum3A_272 : vector<16xf32>, vector<16xi1> -> vector<16xf32>
      %reduce_sum3A_274 = vector.extract %reduce_sum3A_273[15] : f32 from vector<16xf32>
      %bitcast_convert_type3A = arith.bitcast %reduce_sum3A_274 : f32 to i32
      %shift_right_arithmetic3A = arith.constant 1 : i32
      %shift_right_arithmetic3A_275 = arith.shrsi %bitcast_convert_type3A, %shift_right_arithmetic3A : i32
      %sub3A_276 = arith.constant 1597463007 : i32
      %sub3A_277 = arith.subi %sub3A_276, %shift_right_arithmetic3A_275 : i32
      %bitcast_convert_type3A_278 = arith.bitcast %sub3A_277 : i32 to f32
      %mul3A_279 = arith.constant 5.000000e-01 : f32
      %mul3A_280 = arith.mulf %mul3A_279, %reduce_sum3A_274 : f32
      %mul3A_281 = arith.mulf %mul3A_280, %bitcast_convert_type3A_278 : f32
      %mul3A_282 = arith.mulf %mul3A_281, %bitcast_convert_type3A_278 : f32
      %sub3A_283 = arith.constant 1.500000e+00 : f32
      %sub3A_284 = arith.subf %sub3A_283, %mul3A_282 : f32
      %mul3A_285 = arith.mulf %bitcast_convert_type3A_278, %sub3A_284 : f32
      %mul3A_286 = arith.constant 5.000000e-01 : f32
      %mul3A_287 = arith.mulf %mul3A_286, %reduce_sum3A_274 : f32
      %mul3A_288 = arith.mulf %mul3A_287, %mul3A_285 : f32
      %mul3A_289 = arith.mulf %mul3A_288, %mul3A_285 : f32
      %sub3A_290 = arith.constant 1.500000e+00 : f32
      %sub3A_291 = arith.subf %sub3A_290, %mul3A_289 : f32
      %mul3A_292 = arith.mulf %mul3A_285, %sub3A_291 : f32
      %mul3A_293 = arith.mulf %reduce_sum3A_274, %mul3A_292 : f32
      %reduce_sum3A_294 = arith.constant true
      %reduce_sum3A_295 = vector.broadcast %reduce_sum3A_294 : i1 to vector<16xi1>
      %reduce_sum3A_296 = tpu.scan <sum>, %add3A_271 masked %reduce_sum3A_295 : vector<16xf32>, vector<16xi1> -> vector<16xf32>
      %reduce_sum3A_297 = vector.extract %reduce_sum3A_296[15] : f32 from vector<16xf32>
      %bitcast_convert_type3A_298 = arith.bitcast %reduce_sum3A_297 : f32 to i32
      %shift_right_arithmetic3A_299 = arith.constant 1 : i32
      %shift_right_arithmetic3A_300 = arith.shrsi %bitcast_convert_type3A_298, %shift_right_arithmetic3A_299 : i32
      %sub3A_301 = arith.constant 1597463007 : i32
      %sub3A_302 = arith.subi %sub3A_301, %shift_right_arithmetic3A_300 : i32
      %bitcast_convert_type3A_303 = arith.bitcast %sub3A_302 : i32 to f32
      %mul3A_304 = arith.constant 5.000000e-01 : f32
      %mul3A_305 = arith.mulf %mul3A_304, %reduce_sum3A_297 : f32
      %mul3A_306 = arith.mulf %mul3A_305, %bitcast_convert_type3A_303 : f32
      %mul3A_307 = arith.mulf %mul3A_306, %bitcast_convert_type3A_303 : f32
      %sub3A_308 = arith.constant 1.500000e+00 : f32
      %sub3A_309 = arith.subf %sub3A_308, %mul3A_307 : f32
      %mul3A_310 = arith.mulf %bitcast_convert_type3A_303, %sub3A_309 : f32
      %mul3A_311 = arith.constant 5.000000e-01 : f32
      %mul3A_312 = arith.mulf %mul3A_311, %reduce_sum3A_297 : f32
      %mul3A_313 = arith.mulf %mul3A_312, %mul3A_310 : f32
      %mul3A_314 = arith.mulf %mul3A_313, %mul3A_310 : f32
      %sub3A_315 = arith.constant 1.500000e+00 : f32
      %sub3A_316 = arith.subf %sub3A_315, %mul3A_314 : f32
      %mul3A_317 = arith.mulf %mul3A_310, %sub3A_316 : f32
      %mul3A_318 = arith.mulf %reduce_sum3A_297, %mul3A_317 : f32
      %sub3A_319 = arith.subf %mul3A_293, %mul3A_318 : f32
      %add3A_320 = arith.constant 1.000000e+00 : f32
      %add3A_321 = arith.addf %sub3A_319, %add3A_320 : f32
      %max3A = arith.constant 0.000000e+00 : f32
      %max3A_322 = arith.maximumf %add3A_321, %max3A : f32
      %add3A_323 = arith.addf %scan3A_80, %max3A_322 : f32
      %scan3A_324 = arith.constant 1 : i32
      %scan3A_325 = arith.addi %scan3A_79, %scan3A_324 : i32
      %add3A_326 = arith.constant 320 : i32
      %add3A_327 = arith.addi %add3A_326, %scan3A_325 : i32
      %get3A_328 = arith.constant 0 : i32
      %get3A_329 = arith.index_cast %get3A_328 : i32 to index
      %get3A_330 = arith.index_cast %add3A_327 : i32 to index
      %get3A_331 = arith.constant 0 : index
      %get3A_332 = tpu.vector_load %arg15[%get3A_329, %get3A_330, %get3A_331] {strides = array<i32>} : memref<2x400x128xbf16, #tpu.memory_space<vmem>>, vector<32xbf16>,
      %get3A_333 = arith.constant 0 : i32
      %get3A_334 = arith.index_cast %get3A_333 : i32 to index
      %get3A_335 = arith.index_cast %scan3A_325 : i32 to index
      %get3A_336 = arith.constant 0 : index
      %get3A_337 = tpu.vector_load %arg15[%get3A_334, %get3A_335, %get3A_336] {strides = array<i32>} : memref<2x400x128xbf16, #tpu.memory_space<vmem>>, vector<32xbf16>,
      %add3A_338 = arith.addf %get3A_337, %get3A_332 : vector<32xbf16>
      %add3A_339 = arith.constant 80 : i32
      %add3A_340 = arith.addi %add3A_339, %scan3A_325 : i32
      %get3A_341 = arith.constant 0 : i32
      %get3A_342 = arith.index_cast %get3A_341 : i32 to index
      %get3A_343 = arith.index_cast %add3A_340 : i32 to index
      %get3A_344 = arith.constant 0 : index
      %get3A_345 = tpu.vector_load %arg15[%get3A_342, %get3A_343, %get3A_344] {strides = array<i32>} : memref<2x400x128xbf16, #tpu.memory_space<vmem>>, vector<32xbf16>,
      %sub3A_346 = arith.subf %add3A_338, %get3A_345 : vector<32xbf16>
      %unpack3A_347 = tpu.unpack_subelements %sub3A_346, 0 {pack_format = #tpu.pack_format<interleaved>} : vector<32xbf16> -> vector<16xf32>
      %unpack3A_348 = tpu.unpack_subelements %sub3A_346, 1 {pack_format = #tpu.pack_format<interleaved>} : vector<32xbf16> -> vector<16xf32>
      %add3A_349 = arith.constant 160 : i32
      %add3A_350 = arith.addi %add3A_349, %scan3A_325 : i32
      %get3A_351 = arith.constant 0 : i32
      %get3A_352 = arith.index_cast %get3A_351 : i32 to index
      %get3A_353 = arith.index_cast %add3A_350 : i32 to index
      %get3A_354 = arith.constant 0 : index
      %get3A_355 = tpu.vector_load %arg15[%get3A_352, %get3A_353, %get3A_354] {strides = array<i32>} : memref<2x400x128xbf16, #tpu.memory_space<vmem>>, vector<32xbf16>,
      %add3A_356 = arith.addf %get3A_355, %get3A_332 : vector<32xbf16>
      %add3A_357 = arith.constant 240 : i32
      %add3A_358 = arith.addi %add3A_357, %scan3A_325 : i32
      %get3A_359 = arith.constant 0 : i32
      %get3A_360 = arith.index_cast %get3A_359 : i32 to index
      %get3A_361 = arith.index_cast %add3A_358 : i32 to index
      %get3A_362 = arith.constant 0 : index
      %get3A_363 = tpu.vector_load %arg15[%get3A_360, %get3A_361, %get3A_362] {strides = array<i32>} : memref<2x400x128xbf16, #tpu.memory_space<vmem>>, vector<32xbf16>,
      %sub3A_364 = arith.subf %add3A_356, %get3A_363 : vector<32xbf16>
      %unpack3A_365 = tpu.unpack_subelements %sub3A_364, 0 {pack_format = #tpu.pack_format<interleaved>} : vector<32xbf16> -> vector<16xf32>
      %unpack3A_366 = tpu.unpack_subelements %sub3A_364, 1 {pack_format = #tpu.pack_format<interleaved>} : vector<32xbf16> -> vector<16xf32>
      %mul3A_367 = arith.mulf %unpack3A_347, %unpack3A_347 : vector<16xf32>
      %mul3A_368 = arith.mulf %unpack3A_348, %unpack3A_348 : vector<16xf32>
      %add3A_369 = arith.addf %mul3A_367, %mul3A_368 : vector<16xf32>
      %mul3A_370 = arith.mulf %unpack3A_365, %unpack3A_365 : vector<16xf32>
      %mul3A_371 = arith.mulf %unpack3A_366, %unpack3A_366 : vector<16xf32>
      %add3A_372 = arith.addf %mul3A_370, %mul3A_371 : vector<16xf32>
      %add3A_373 = arith.constant 320 : i32
      %add3A_374 = arith.addi %add3A_373, %scan3A_325 : i32
      %get3A_375 = arith.constant 0 : i32
      %get3A_376 = arith.index_cast %get3A_375 : i32 to index
      %get3A_377 = arith.index_cast %add3A_374 : i32 to index
      %get3A_378 = arith.constant 32 : index
      %get3A_379 = tpu.vector_load %arg15[%get3A_376, %get3A_377, %get3A_378] {strides = array<i32>} : memref<2x400x128xbf16, #tpu.memory_space<vmem>>, vector<32xbf16>,
      %get3A_380 = arith.constant 0 : i32
      %get3A_381 = arith.index_cast %get3A_380 : i32 to index
      %get3A_382 = arith.index_cast %scan3A_325 : i32 to index
      %get3A_383 = arith.constant 32 : index
      %get3A_384 = tpu.vector_load %arg15[%get3A_381, %get3A_382, %get3A_383] {strides = array<i32>} : memref<2x400x128xbf16, #tpu.memory_space<vmem>>, vector<32xbf16>,
      %add3A_385 = arith.addf %get3A_384, %get3A_379 : vector<32xbf16>
      %add3A_386 = arith.constant 80 : i32
      %add3A_387 = arith.addi %add3A_386, %scan3A_325 : i32
      %get3A_388 = arith.constant 0 : i32
      %get3A_389 = arith.index_cast %get3A_388 : i32 to index
      %get3A_390 = arith.index_cast %add3A_387 : i32 to index
      %get3A_391 = arith.constant 32 : index
      %get3A_392 = tpu.vector_load %arg15[%get3A_389, %get3A_390, %get3A_391] {strides = array<i32>} : memref<2x400x128xbf16, #tpu.memory_space<vmem>>, vector<32xbf16>,
      %sub3A_393 = arith.subf %add3A_385, %get3A_392 : vector<32xbf16>
      %unpack3A_394 = tpu.unpack_subelements %sub3A_393, 0 {pack_format = #tpu.pack_format<interleaved>} : vector<32xbf16> -> vector<16xf32>
      %unpack3A_395 = tpu.unpack_subelements %sub3A_393, 1 {pack_format = #tpu.pack_format<interleaved>} : vector<32xbf16> -> vector<16xf32>
      %add3A_396 = arith.constant 160 : i32
      %add3A_397 = arith.addi %add3A_396, %scan3A_325 : i32
      %get3A_398 = arith.constant 0 : i32
      %get3A_399 = arith.index_cast %get3A_398 : i32 to index
      %get3A_400 = arith.index_cast %add3A_397 : i32 to index
      %get3A_401 = arith.constant 32 : index
      %get3A_402 = tpu.vector_load %arg15[%get3A_399, %get3A_400, %get3A_401] {strides = array<i32>} : memref<2x400x128xbf16, #tpu.memory_space<vmem>>, vector<32xbf16>,
      %add3A_403 = arith.addf %get3A_402, %get3A_379 : vector<32xbf16>
      %add3A_404 = arith.constant 240 : i32
      %add3A_405 = arith.addi %add3A_404, %scan3A_325 : i32
      %get3A_406 = arith.constant 0 : i32
      %get3A_407 = arith.index_cast %get3A_406 : i32 to index
      %get3A_408 = arith.index_cast %add3A_405 : i32 to index
      %get3A_409 = arith.constant 32 : index
      %get3A_410 = tpu.vector_load %arg15[%get3A_407, %get3A_408, %get3A_409] {strides = array<i32>} : memref<2x400x128xbf16, #tpu.memory_space<vmem>>, vector<32xbf16>,
      %sub3A_411 = arith.subf %add3A_403, %get3A_410 : vector<32xbf16>
      %unpack3A_412 = tpu.unpack_subelements %sub3A_411, 0 {pack_format = #tpu.pack_format<interleaved>} : vector<32xbf16> -> vector<16xf32>
      %unpack3A_413 = tpu.unpack_subelements %sub3A_411, 1 {pack_format = #tpu.pack_format<interleaved>} : vector<32xbf16> -> vector<16xf32>
      %mul3A_414 = arith.mulf %unpack3A_394, %unpack3A_394 : vector<16xf32>
      %add3A_415 = arith.addf %add3A_369, %mul3A_414 : vector<16xf32>
      %mul3A_416 = arith.mulf %unpack3A_395, %unpack3A_395 : vector<16xf32>
      %add3A_417 = arith.addf %add3A_415, %mul3A_416 : vector<16xf32>
      %mul3A_418 = arith.mulf %unpack3A_412, %unpack3A_412 : vector<16xf32>
      %add3A_419 = arith.addf %add3A_372, %mul3A_418 : vector<16xf32>
      %mul3A_420 = arith.mulf %unpack3A_413, %unpack3A_413 : vector<16xf32>
      %add3A_421 = arith.addf %add3A_419, %mul3A_420 : vector<16xf32>
      %add3A_422 = arith.constant 320 : i32
      %add3A_423 = arith.addi %add3A_422, %scan3A_325 : i32
      %get3A_424 = arith.constant 0 : i32
      %get3A_425 = arith.index_cast %get3A_424 : i32 to index
      %get3A_426 = arith.index_cast %add3A_423 : i32 to index
      %get3A_427 = arith.constant 64 : index
      %get3A_428 = tpu.vector_load %arg15[%get3A_425, %get3A_426, %get3A_427] {strides = array<i32>} : memref<2x400x128xbf16, #tpu.memory_space<vmem>>, vector<32xbf16>,
      %get3A_429 = arith.constant 0 : i32
      %get3A_430 = arith.index_cast %get3A_429 : i32 to index
      %get3A_431 = arith.index_cast %scan3A_325 : i32 to index
      %get3A_432 = arith.constant 64 : index
      %get3A_433 = tpu.vector_load %arg15[%get3A_430, %get3A_431, %get3A_432] {strides = array<i32>} : memref<2x400x128xbf16, #tpu.memory_space<vmem>>, vector<32xbf16>,
      %add3A_434 = arith.addf %get3A_433, %get3A_428 : vector<32xbf16>
      %add3A_435 = arith.constant 80 : i32
      %add3A_436 = arith.addi %add3A_435, %scan3A_325 : i32
      %get3A_437 = arith.constant 0 : i32
      %get3A_438 = arith.index_cast %get3A_437 : i32 to index
      %get3A_439 = arith.index_cast %add3A_436 : i32 to index
      %get3A_440 = arith.constant 64 : index
      %get3A_441 = tpu.vector_load %arg15[%get3A_438, %get3A_439, %get3A_440] {strides = array<i32>} : memref<2x400x128xbf16, #tpu.memory_space<vmem>>, vector<32xbf16>,
      %sub3A_442 = arith.subf %add3A_434, %get3A_441 : vector<32xbf16>
      %unpack3A_443 = tpu.unpack_subelements %sub3A_442, 0 {pack_format = #tpu.pack_format<interleaved>} : vector<32xbf16> -> vector<16xf32>
      %unpack3A_444 = tpu.unpack_subelements %sub3A_442, 1 {pack_format = #tpu.pack_format<interleaved>} : vector<32xbf16> -> vector<16xf32>
      %add3A_445 = arith.constant 160 : i32
      %add3A_446 = arith.addi %add3A_445, %scan3A_325 : i32
      %get3A_447 = arith.constant 0 : i32
      %get3A_448 = arith.index_cast %get3A_447 : i32 to index
      %get3A_449 = arith.index_cast %add3A_446 : i32 to index
      %get3A_450 = arith.constant 64 : index
      %get3A_451 = tpu.vector_load %arg15[%get3A_448, %get3A_449, %get3A_450] {strides = array<i32>} : memref<2x400x128xbf16, #tpu.memory_space<vmem>>, vector<32xbf16>,
      %add3A_452 = arith.addf %get3A_451, %get3A_428 : vector<32xbf16>
      %add3A_453 = arith.constant 240 : i32
      %add3A_454 = arith.addi %add3A_453, %scan3A_325 : i32
      %get3A_455 = arith.constant 0 : i32
      %get3A_456 = arith.index_cast %get3A_455 : i32 to index
      %get3A_457 = arith.index_cast %add3A_454 : i32 to index
      %get3A_458 = arith.constant 64 : index
      %get3A_459 = tpu.vector_load %arg15[%get3A_456, %get3A_457, %get3A_458] {strides = array<i32>} : memref<2x400x128xbf16, #tpu.memory_space<vmem>>, vector<32xbf16>,
      %sub3A_460 = arith.subf %add3A_452, %get3A_459 : vector<32xbf16>
      %unpack3A_461 = tpu.unpack_subelements %sub3A_460, 0 {pack_format = #tpu.pack_format<interleaved>} : vector<32xbf16> -> vector<16xf32>
      %unpack3A_462 = tpu.unpack_subelements %sub3A_460, 1 {pack_format = #tpu.pack_format<interleaved>} : vector<32xbf16> -> vector<16xf32>
      %mul3A_463 = arith.mulf %unpack3A_443, %unpack3A_443 : vector<16xf32>
      %add3A_464 = arith.addf %add3A_417, %mul3A_463 : vector<16xf32>
      %mul3A_465 = arith.mulf %unpack3A_444, %unpack3A_444 : vector<16xf32>
      %add3A_466 = arith.addf %add3A_464, %mul3A_465 : vector<16xf32>
      %mul3A_467 = arith.mulf %unpack3A_461, %unpack3A_461 : vector<16xf32>
      %add3A_468 = arith.addf %add3A_421, %mul3A_467 : vector<16xf32>
      %mul3A_469 = arith.mulf %unpack3A_462, %unpack3A_462 : vector<16xf32>
      %add3A_470 = arith.addf %add3A_468, %mul3A_469 : vector<16xf32>
      %add3A_471 = arith.constant 320 : i32
      %add3A_472 = arith.addi %add3A_471, %scan3A_325 : i32
      %get3A_473 = arith.constant 0 : i32
      %get3A_474 = arith.index_cast %get3A_473 : i32 to index
      %get3A_475 = arith.index_cast %add3A_472 : i32 to index
      %get3A_476 = arith.constant 96 : index
      %get3A_477 = tpu.vector_load %arg15[%get3A_474, %get3A_475, %get3A_476] {strides = array<i32>} : memref<2x400x128xbf16, #tpu.memory_space<vmem>>, vector<32xbf16>,
      %get3A_478 = arith.constant 0 : i32
      %get3A_479 = arith.index_cast %get3A_478 : i32 to index
      %get3A_480 = arith.index_cast %scan3A_325 : i32 to index
      %get3A_481 = arith.constant 96 : index
      %get3A_482 = tpu.vector_load %arg15[%get3A_479, %get3A_480, %get3A_481] {strides = array<i32>} : memref<2x400x128xbf16, #tpu.memory_space<vmem>>, vector<32xbf16>,
      %add3A_483 = arith.addf %get3A_482, %get3A_477 : vector<32xbf16>
      %add3A_484 = arith.constant 80 : i32
      %add3A_485 = arith.addi %add3A_484, %scan3A_325 : i32
      %get3A_486 = arith.constant 0 : i32
      %get3A_487 = arith.index_cast %get3A_486 : i32 to index
      %get3A_488 = arith.index_cast %add3A_485 : i32 to index
      %get3A_489 = arith.constant 96 : index
      %get3A_490 = tpu.vector_load %arg15[%get3A_487, %get3A_488, %get3A_489] {strides = array<i32>} : memref<2x400x128xbf16, #tpu.memory_space<vmem>>, vector<32xbf16>,
      %sub3A_491 = arith.subf %add3A_483, %get3A_490 : vector<32xbf16>
      %unpack3A_492 = tpu.unpack_subelements %sub3A_491, 0 {pack_format = #tpu.pack_format<interleaved>} : vector<32xbf16> -> vector<16xf32>
      %unpack3A_493 = tpu.unpack_subelements %sub3A_491, 1 {pack_format = #tpu.pack_format<interleaved>} : vector<32xbf16> -> vector<16xf32>
      %add3A_494 = arith.constant 160 : i32
      %add3A_495 = arith.addi %add3A_494, %scan3A_325 : i32
      %get3A_496 = arith.constant 0 : i32
      %get3A_497 = arith.index_cast %get3A_496 : i32 to index
      %get3A_498 = arith.index_cast %add3A_495 : i32 to index
      %get3A_499 = arith.constant 96 : index
      %get3A_500 = tpu.vector_load %arg15[%get3A_497, %get3A_498, %get3A_499] {strides = array<i32>} : memref<2x400x128xbf16, #tpu.memory_space<vmem>>, vector<32xbf16>,
      %add3A_501 = arith.addf %get3A_500, %get3A_477 : vector<32xbf16>
      %add3A_502 = arith.constant 240 : i32
      %add3A_503 = arith.addi %add3A_502, %scan3A_325 : i32
      %get3A_504 = arith.constant 0 : i32
      %get3A_505 = arith.index_cast %get3A_504 : i32 to index
      %get3A_506 = arith.index_cast %add3A_503 : i32 to index
      %get3A_507 = arith.constant 96 : index
      %get3A_508 = tpu.vector_load %arg15[%get3A_505, %get3A_506, %get3A_507] {strides = array<i32>} : memref<2x400x128xbf16, #tpu.memory_space<vmem>>, vector<32xbf16>,
      %sub3A_509 = arith.subf %add3A_501, %get3A_508 : vector<32xbf16>
      %unpack3A_510 = tpu.unpack_subelements %sub3A_509, 0 {pack_format = #tpu.pack_format<interleaved>} : vector<32xbf16> -> vector<16xf32>
      %unpack3A_511 = tpu.unpack_subelements %sub3A_509, 1 {pack_format = #tpu.pack_format<interleaved>} : vector<32xbf16> -> vector<16xf32>
      %mul3A_512 = arith.mulf %unpack3A_492, %unpack3A_492 : vector<16xf32>
      %add3A_513 = arith.addf %add3A_466, %mul3A_512 : vector<16xf32>
      %mul3A_514 = arith.mulf %unpack3A_493, %unpack3A_493 : vector<16xf32>
      %add3A_515 = arith.addf %add3A_513, %mul3A_514 : vector<16xf32>
      %mul3A_516 = arith.mulf %unpack3A_510, %unpack3A_510 : vector<16xf32>
      %add3A_517 = arith.addf %add3A_470, %mul3A_516 : vector<16xf32>
      %mul3A_518 = arith.mulf %unpack3A_511, %unpack3A_511 : vector<16xf32>
      %add3A_519 = arith.addf %add3A_517, %mul3A_518 : vector<16xf32>
      %reduce_sum3A_520 = arith.constant true
      %reduce_sum3A_521 = vector.broadcast %reduce_sum3A_520 : i1 to vector<16xi1>
      %reduce_sum3A_522 = tpu.scan <sum>, %add3A_515 masked %reduce_sum3A_521 : vector<16xf32>, vector<16xi1> -> vector<16xf32>
      %reduce_sum3A_523 = vector.extract %reduce_sum3A_522[15] : f32 from vector<16xf32>
      %bitcast_convert_type3A_524 = arith.bitcast %reduce_sum3A_523 : f32 to i32
      %shift_right_arithmetic3A_525 = arith.constant 1 : i32
      %shift_right_arithmetic3A_526 = arith.shrsi %bitcast_convert_type3A_524, %shift_right_arithmetic3A_525 : i32
      %sub3A_527 = arith.constant 1597463007 : i32
      %sub3A_528 = arith.subi %sub3A_527, %shift_right_arithmetic3A_526 : i32
      %bitcast_convert_type3A_529 = arith.bitcast %sub3A_528 : i32 to f32
      %mul3A_530 = arith.constant 5.000000e-01 : f32
      %mul3A_531 = arith.mulf %mul3A_530, %reduce_sum3A_523 : f32
      %mul3A_532 = arith.mulf %mul3A_531, %bitcast_convert_type3A_529 : f32
      %mul3A_533 = arith.mulf %mul3A_532, %bitcast_convert_type3A_529 : f32
      %sub3A_534 = arith.constant 1.500000e+00 : f32
      %sub3A_535 = arith.subf %sub3A_534, %mul3A_533 : f32
      %mul3A_536 = arith.mulf %bitcast_convert_type3A_529, %sub3A_535 : f32
      %mul3A_537 = arith.constant 5.000000e-01 : f32
      %mul3A_538 = arith.mulf %mul3A_537, %reduce_sum3A_523 : f32
      %mul3A_539 = arith.mulf %mul3A_538, %mul3A_536 : f32
      %mul3A_540 = arith.mulf %mul3A_539, %mul3A_536 : f32
      %sub3A_541 = arith.constant 1.500000e+00 : f32
      %sub3A_542 = arith.subf %sub3A_541, %mul3A_540 : f32
      %mul3A_543 = arith.mulf %mul3A_536, %sub3A_542 : f32
      %mul3A_544 = arith.mulf %reduce_sum3A_523, %mul3A_543 : f32
      %reduce_sum3A_545 = arith.constant true
      %reduce_sum3A_546 = vector.broadcast %reduce_sum3A_545 : i1 to vector<16xi1>
      %reduce_sum3A_547 = tpu.scan <sum>, %add3A_519 masked %reduce_sum3A_546 : vector<16xf32>, vector<16xi1> -> vector<16xf32>
      %reduce_sum3A_548 = vector.extract %reduce_sum3A_547[15] : f32 from vector<16xf32>
      %bitcast_convert_type3A_549 = arith.bitcast %reduce_sum3A_548 : f32 to i32
      %shift_right_arithmetic3A_550 = arith.constant 1 : i32
      %shift_right_arithmetic3A_551 = arith.shrsi %bitcast_convert_type3A_549, %shift_right_arithmetic3A_550 : i32
      %sub3A_552 = arith.constant 1597463007 : i32
      %sub3A_553 = arith.subi %sub3A_552, %shift_right_arithmetic3A_551 : i32
      %bitcast_convert_type3A_554 = arith.bitcast %sub3A_553 : i32 to f32
      %mul3A_555 = arith.constant 5.000000e-01 : f32
      %mul3A_556 = arith.mulf %mul3A_555, %reduce_sum3A_548 : f32
      %mul3A_557 = arith.mulf %mul3A_556, %bitcast_convert_type3A_554 : f32
      %mul3A_558 = arith.mulf %mul3A_557, %bitcast_convert_type3A_554 : f32
      %sub3A_559 = arith.constant 1.500000e+00 : f32
      %sub3A_560 = arith.subf %sub3A_559, %mul3A_558 : f32
      %mul3A_561 = arith.mulf %bitcast_convert_type3A_554, %sub3A_560 : f32
      %mul3A_562 = arith.constant 5.000000e-01 : f32
      %mul3A_563 = arith.mulf %mul3A_562, %reduce_sum3A_548 : f32
      %mul3A_564 = arith.mulf %mul3A_563, %mul3A_561 : f32
      %mul3A_565 = arith.mulf %mul3A_564, %mul3A_561 : f32
      %sub3A_566 = arith.constant 1.500000e+00 : f32
      %sub3A_567 = arith.subf %sub3A_566, %mul3A_565 : f32
      %mul3A_568 = arith.mulf %mul3A_561, %sub3A_567 : f32
      %mul3A_569 = arith.mulf %reduce_sum3A_548, %mul3A_568 : f32
      %sub3A_570 = arith.subf %mul3A_544, %mul3A_569 : f32
      %add3A_571 = arith.constant 1.000000e+00 : f32
      %add3A_572 = arith.addf %sub3A_570, %add3A_571 : f32
      %max3A_573 = arith.constant 0.000000e+00 : f32
      %max3A_574 = arith.maximumf %add3A_572, %max3A_573 : f32
      %add3A_575 = arith.addf %add3A_323, %max3A_574 : f32
      %scan3A_576 = arith.constant 2 : i32
      %scan3A_577 = arith.addi %scan3A_79, %scan3A_576 : i32
      %add3A_578 = arith.constant 320 : i32
      %add3A_579 = arith.addi %add3A_578, %scan3A_577 : i32
      %get3A_580 = arith.constant 0 : i32
      %get3A_581 = arith.index_cast %get3A_580 : i32 to index
      %get3A_582 = arith.index_cast %add3A_579 : i32 to index
      %get3A_583 = arith.constant 0 : index
      %get3A_584 = tpu.vector_load %arg15[%get3A_581, %get3A_582, %get3A_583] {strides = array<i32>} : memref<2x400x128xbf16, #tpu.memory_space<vmem>>, vector<32xbf16>,
      %get3A_585 = arith.constant 0 : i32
      %get3A_586 = arith.index_cast %get3A_585 : i32 to index
      %get3A_587 = arith.index_cast %scan3A_577 : i32 to index
      %get3A_588 = arith.constant 0 : index
      %get3A_589 = tpu.vector_load %arg15[%get3A_586, %get3A_587, %get3A_588] {strides = array<i32>} : memref<2x400x128xbf16, #tpu.memory_space<vmem>>, vector<32xbf16>,
      %add3A_590 = arith.addf %get3A_589, %get3A_584 : vector<32xbf16>
      %add3A_591 = arith.constant 80 : i32
      %add3A_592 = arith.addi %add3A_591, %scan3A_577 : i32
      %get3A_593 = arith.constant 0 : i32
      %get3A_594 = arith.index_cast %get3A_593 : i32 to index
      %get3A_595 = arith.index_cast %add3A_592 : i32 to index
      %get3A_596 = arith.constant 0 : index
      %get3A_597 = tpu.vector_load %arg15[%get3A_594, %get3A_595, %get3A_596] {strides = array<i32>} : memref<2x400x128xbf16, #tpu.memory_space<vmem>>, vector<32xbf16>,
      %sub3A_598 = arith.subf %add3A_590, %get3A_597 : vector<32xbf16>
      %unpack3A_599 = tpu.unpack_subelements %sub3A_598, 0 {pack_format = #tpu.pack_format<interleaved>} : vector<32xbf16> -> vector<16xf32>
      %unpack3A_600 = tpu.unpack_subelements %sub3A_598, 1 {pack_format = #tpu.pack_format<interleaved>} : vector<32xbf16> -> vector<16xf32>
      %add3A_601 = arith.constant 160 : i32
      %add3A_602 = arith.addi %add3A_601, %scan3A_577 : i32
      %get3A_603 = arith.constant 0 : i32
      %get3A_604 = arith.index_cast %get3A_603 : i32 to index
      %get3A_605 = arith.index_cast %add3A_602 : i32 to index
      %get3A_606 = arith.constant 0 : index
      %get3A_607 = tpu.vector_load %arg15[%get3A_604, %get3A_605, %get3A_606] {strides = array<i32>} : memref<2x400x128xbf16, #tpu.memory_space<vmem>>, vector<32xbf16>,
      %add3A_608 = arith.addf %get3A_607, %get3A_584 : vector<32xbf16>
      %add3A_609 = arith.constant 240 : i32
      %add3A_610 = arith.addi %add3A_609, %scan3A_577 : i32
      %get3A_611 = arith.constant 0 : i32
      %get3A_612 = arith.index_cast %get3A_611 : i32 to index
      %get3A_613 = arith.index_cast %add3A_610 : i32 to index
      %get3A_614 = arith.constant 0 : index
      %get3A_615 = tpu.vector_load %arg15[%get3A_612, %get3A_613, %get3A_614] {strides = array<i32>} : memref<2x400x128xbf16, #tpu.memory_space<vmem>>, vector<32xbf16>,
      %sub3A_616 = arith.subf %add3A_608, %get3A_615 : vector<32xbf16>
      %unpack3A_617 = tpu.unpack_subelements %sub3A_616, 0 {pack_format = #tpu.pack_format<interleaved>} : vector<32xbf16> -> vector<16xf32>
      %unpack3A_618 = tpu.unpack_subelements %sub3A_616, 1 {pack_format = #tpu.pack_format<interleaved>} : vector<32xbf16> -> vector<16xf32>
      %mul3A_619 = arith.mulf %unpack3A_599, %unpack3A_599 : vector<16xf32>
      %mul3A_620 = arith.mulf %unpack3A_600, %unpack3A_600 : vector<16xf32>
      %add3A_621 = arith.addf %mul3A_619, %mul3A_620 : vector<16xf32>
      %mul3A_622 = arith.mulf %unpack3A_617, %unpack3A_617 : vector<16xf32>
      %mul3A_623 = arith.mulf %unpack3A_618, %unpack3A_618 : vector<16xf32>
      %add3A_624 = arith.addf %mul3A_622, %mul3A_623 : vector<16xf32>
      %add3A_625 = arith.constant 320 : i32
      %add3A_626 = arith.addi %add3A_625, %scan3A_577 : i32
      %get3A_627 = arith.constant 0 : i32
      %get3A_628 = arith.index_cast %get3A_627 : i32 to index
      %get3A_629 = arith.index_cast %add3A_626 : i32 to index
      %get3A_630 = arith.constant 32 : index
      %get3A_631 = tpu.vector_load %arg15[%get3A_628, %get3A_629, %get3A_630] {strides = array<i32>} : memref<2x400x128xbf16, #tpu.memory_space<vmem>>, vector<32xbf16>,
      %get3A_632 = arith.constant 0 : i32
      %get3A_633 = arith.index_cast %get3A_632 : i32 to index
      %get3A_634 = arith.index_cast %scan3A_577 : i32 to index
      %get3A_635 = arith.constant 32 : index
      %get3A_636 = tpu.vector_load %arg15[%get3A_633, %get3A_634, %get3A_635] {strides = array<i32>} : memref<2x400x128xbf16, #tpu.memory_space<vmem>>, vector<32xbf16>,
      %add3A_637 = arith.addf %get3A_636, %get3A_631 : vector<32xbf16>
      %add3A_638 = arith.constant 80 : i32
      %add3A_639 = arith.addi %add3A_638, %scan3A_577 : i32
      %get3A_640 = arith.constant 0 : i32
      %get3A_641 = arith.index_cast %get3A_640 : i32 to index
      %get3A_642 = arith.index_cast %add3A_639 : i32 to index
      %get3A_643 = arith.constant 32 : index
      %get3A_644 = tpu.vector_load %arg15[%get3A_641, %get3A_642, %get3A_643] {strides = array<i32>} : memref<2x400x128xbf16, #tpu.memory_space<vmem>>, vector<32xbf16>,
      %sub3A_645 = arith.subf %add3A_637, %get3A_644 : vector<32xbf16>
      %unpack3A_646 = tpu.unpack_subelements %sub3A_645, 0 {pack_format = #tpu.pack_format<interleaved>} : vector<32xbf16> -> vector<16xf32>
      %unpack3A_647 = tpu.unpack_subelements %sub3A_645, 1 {pack_format = #tpu.pack_format<interleaved>} : vector<32xbf16> -> vector<16xf32>
      %add3A_648 = arith.constant 160 : i32
      %add3A_649 = arith.addi %add3A_648, %scan3A_577 : i32
      %get3A_650 = arith.constant 0 : i32
      %get3A_651 = arith.index_cast %get3A_650 : i32 to index
      %get3A_652 = arith.index_cast %add3A_649 : i32 to index
      %get3A_653 = arith.constant 32 : index
      %get3A_654 = tpu.vector_load %arg15[%get3A_651, %get3A_652, %get3A_653] {strides = array<i32>} : memref<2x400x128xbf16, #tpu.memory_space<vmem>>, vector<32xbf16>,
      %add3A_655 = arith.addf %get3A_654, %get3A_631 : vector<32xbf16>
      %add3A_656 = arith.constant 240 : i32
      %add3A_657 = arith.addi %add3A_656, %scan3A_577 : i32
      %get3A_658 = arith.constant 0 : i32
      %get3A_659 = arith.index_cast %get3A_658 : i32 to index
      %get3A_660 = arith.index_cast %add3A_657 : i32 to index
      %get3A_661 = arith.constant 32 : index
      %get3A_662 = tpu.vector_load %arg15[%get3A_659, %get3A_660, %get3A_661] {strides = array<i32>} : memref<2x400x128xbf16, #tpu.memory_space<vmem>>, vector<32xbf16>,
      %sub3A_663 = arith.subf %add3A_655, %get3A_662 : vector<32xbf16>
      %unpack3A_664 = tpu.unpack_subelements %sub3A_663, 0 {pack_format = #tpu.pack_format<interleaved>} : vector<32xbf16> -> vector<16xf32>
      %unpack3A_665 = tpu.unpack_subelements %sub3A_663, 1 {pack_format = #tpu.pack_format<interleaved>} : vector<32xbf16> -> vector<16xf32>
      %mul3A_666 = arith.mulf %unpack3A_646, %unpack3A_646 : vector<16xf32>
      %add3A_667 = arith.addf %add3A_621, %mul3A_666 : vector<16xf32>
      %mul3A_668 = arith.mulf %unpack3A_647, %unpack3A_647 : vector<16xf32>
      %add3A_669 = arith.addf %add3A_667, %mul3A_668 : vector<16xf32>
      %mul3A_670 = arith.mulf %unpack3A_664, %unpack3A_664 : vector<16xf32>
      %add3A_671 = arith.addf %add3A_624, %mul3A_670 : vector<16xf32>
      %mul3A_672 = arith.mulf %unpack3A_665, %unpack3A_665 : vector<16xf32>
      %add3A_673 = arith.addf %add3A_671, %mul3A_672 : vector<16xf32>
      %add3A_674 = arith.constant 320 : i32
      %add3A_675 = arith.addi %add3A_674, %scan3A_577 : i32
      %get3A_676 = arith.constant 0 : i32
      %get3A_677 = arith.index_cast %get3A_676 : i32 to index
      %get3A_678 = arith.index_cast %add3A_675 : i32 to index
      %get3A_679 = arith.constant 64 : index
      %get3A_680 = tpu.vector_load %arg15[%get3A_677, %get3A_678, %get3A_679] {strides = array<i32>} : memref<2x400x128xbf16, #tpu.memory_space<vmem>>, vector<32xbf16>,
      %get3A_681 = arith.constant 0 : i32
      %get3A_682 = arith.index_cast %get3A_681 : i32 to index
      %get3A_683 = arith.index_cast %scan3A_577 : i32 to index
      %get3A_684 = arith.constant 64 : index
      %get3A_685 = tpu.vector_load %arg15[%get3A_682, %get3A_683, %get3A_684] {strides = array<i32>} : memref<2x400x128xbf16, #tpu.memory_space<vmem>>, vector<32xbf16>,
      %add3A_686 = arith.addf %get3A_685, %get3A_680 : vector<32xbf16>
      %add3A_687 = arith.constant 80 : i32
      %add3A_688 = arith.addi %add3A_687, %scan3A_577 : i32
      %get3A_689 = arith.constant 0 : i32
      %get3A_690 = arith.index_cast %get3A_689 : i32 to index
      %get3A_691 = arith.index_cast %add3A_688 : i32 to index
      %get3A_692 = arith.constant 64 : index
      %get3A_693 = tpu.vector_load %arg15[%get3A_690, %get3A_691, %get3A_692] {strides = array<i32>} : memref<2x400x128xbf16, #tpu.memory_space<vmem>>, vector<32xbf16>,
      %sub3A_694 = arith.subf %add3A_686, %get3A_693 : vector<32xbf16>
      %unpack3A_695 = tpu.unpack_subelements %sub3A_694, 0 {pack_format = #tpu.pack_format<interleaved>} : vector<32xbf16> -> vector<16xf32>
      %unpack3A_696 = tpu.unpack_subelements %sub3A_694, 1 {pack_format = #tpu.pack_format<interleaved>} : vector<32xbf16> -> vector<16xf32>
      %add3A_697 = arith.constant 160 : i32
      %add3A_698 = arith.addi %add3A_697, %scan3A_577 : i32
      %get3A_699 = arith.constant 0 : i32
      %get3A_700 = arith.index_cast %get3A_699 : i32 to index
      %get3A_701 = arith.index_cast %add3A_698 : i32 to index
      %get3A_702 = arith.constant 64 : index
      %get3A_703 = tpu.vector_load %arg15[%get3A_700, %get3A_701, %get3A_702] {strides = array<i32>} : memref<2x400x128xbf16, #tpu.memory_space<vmem>>, vector<32xbf16>,
      %add3A_704 = arith.addf %get3A_703, %get3A_680 : vector<32xbf16>
      %add3A_705 = arith.constant 240 : i32
      %add3A_706 = arith.addi %add3A_705, %scan3A_577 : i32
      %get3A_707 = arith.constant 0 : i32
      %get3A_708 = arith.index_cast %get3A_707 : i32 to index
      %get3A_709 = arith.index_cast %add3A_706 : i32 to index
      %get3A_710 = arith.constant 64 : index
      %get3A_711 = tpu.vector_load %arg15[%get3A_708, %get3A_709, %get3A_710] {strides = array<i32>} : memref<2x400x128xbf16, #tpu.memory_space<vmem>>, vector<32xbf16>,
      %sub3A_712 = arith.subf %add3A_704, %get3A_711 : vector<32xbf16>
      %unpack3A_713 = tpu.unpack_subelements %sub3A_712, 0 {pack_format = #tpu.pack_format<interleaved>} : vector<32xbf16> -> vector<16xf32>
      %unpack3A_714 = tpu.unpack_subelements %sub3A_712, 1 {pack_format = #tpu.pack_format<interleaved>} : vector<32xbf16> -> vector<16xf32>
      %mul3A_715 = arith.mulf %unpack3A_695, %unpack3A_695 : vector<16xf32>
      %add3A_716 = arith.addf %add3A_669, %mul3A_715 : vector<16xf32>
      %mul3A_717 = arith.mulf %unpack3A_696, %unpack3A_696 : vector<16xf32>
      %add3A_718 = arith.addf %add3A_716, %mul3A_717 : vector<16xf32>
      %mul3A_719 = arith.mulf %unpack3A_713, %unpack3A_713 : vector<16xf32>
      %add3A_720 = arith.addf %add3A_673, %mul3A_719 : vector<16xf32>
      %mul3A_721 = arith.mulf %unpack3A_714, %unpack3A_714 : vector<16xf32>
      %add3A_722 = arith.addf %add3A_720, %mul3A_721 : vector<16xf32>
      %add3A_723 = arith.constant 320 : i32
      %add3A_724 = arith.addi %add3A_723, %scan3A_577 : i32
      %get3A_725 = arith.constant 0 : i32
      %get3A_726 = arith.index_cast %get3A_725 : i32 to index
      %get3A_727 = arith.index_cast %add3A_724 : i32 to index
      %get3A_728 = arith.constant 96 : index
      %get3A_729 = tpu.vector_load %arg15[%get3A_726, %get3A_727, %get3A_728] {strides = array<i32>} : memref<2x400x128xbf16, #tpu.memory_space<vmem>>, vector<32xbf16>,
      %get3A_730 = arith.constant 0 : i32
      %get3A_731 = arith.index_cast %get3A_730 : i32 to index
      %get3A_732 = arith.index_cast %scan3A_577 : i32 to index
      %get3A_733 = arith.constant 96 : index
      %get3A_734 = tpu.vector_load %arg15[%get3A_731, %get3A_732, %get3A_733] {strides = array<i32>} : memref<2x400x128xbf16, #tpu.memory_space<vmem>>, vector<32xbf16>,
      %add3A_735 = arith.addf %get3A_734, %get3A_729 : vector<32xbf16>
      %add3A_736 = arith.constant 80 : i32
      %add3A_737 = arith.addi %add3A_736, %scan3A_577 : i32
      %get3A_738 = arith.constant 0 : i32
      %get3A_739 = arith.index_cast %get3A_738 : i32 to index
      %get3A_740 = arith.index_cast %add3A_737 : i32 to index
      %get3A_741 = arith.constant 96 : index
      %get3A_742 = tpu.vector_load %arg15[%get3A_739, %get3A_740, %get3A_741] {strides = array<i32>} : memref<2x400x128xbf16, #tpu.memory_space<vmem>>, vector<32xbf16>,
      %sub3A_743 = arith.subf %add3A_735, %get3A_742 : vector<32xbf16>
      %unpack3A_744 = tpu.unpack_subelements %sub3A_743, 0 {pack_format = #tpu.pack_format<interleaved>} : vector<32xbf16> -> vector<16xf32>
      %unpack3A_745 = tpu.unpack_subelements %sub3A_743, 1 {pack_format = #tpu.pack_format<interleaved>} : vector<32xbf16> -> vector<16xf32>
      %add3A_746 = arith.constant 160 : i32
      %add3A_747 = arith.addi %add3A_746, %scan3A_577 : i32
      %get3A_748 = arith.constant 0 : i32
      %get3A_749 = arith.index_cast %get3A_748 : i32 to index
      %get3A_750 = arith.index_cast %add3A_747 : i32 to index
      %get3A_751 = arith.constant 96 : index
      %get3A_752 = tpu.vector_load %arg15[%get3A_749, %get3A_750, %get3A_751] {strides = array<i32>} : memref<2x400x128xbf16, #tpu.memory_space<vmem>>, vector<32xbf16>,
      %add3A_753 = arith.addf %get3A_752, %get3A_729 : vector<32xbf16>
      %add3A_754 = arith.constant 240 : i32
      %add3A_755 = arith.addi %add3A_754, %scan3A_577 : i32
      %get3A_756 = arith.constant 0 : i32
      %get3A_757 = arith.index_cast %get3A_756 : i32 to index
      %get3A_758 = arith.index_cast %add3A_755 : i32 to index
      %get3A_759 = arith.constant 96 : index
      %get3A_760 = tpu.vector_load %arg15[%get3A_757, %get3A_758, %get3A_759] {strides = array<i32>} : memref<2x400x128xbf16, #tpu.memory_space<vmem>>, vector<32xbf16>,
      %sub3A_761 = arith.subf %add3A_753, %get3A_760 : vector<32xbf16>
      %unpack3A_762 = tpu.unpack_subelements %sub3A_761, 0 {pack_format = #tpu.pack_format<interleaved>} : vector<32xbf16> -> vector<16xf32>
      %unpack3A_763 = tpu.unpack_subelements %sub3A_761, 1 {pack_format = #tpu.pack_format<interleaved>} : vector<32xbf16> -> vector<16xf32>
      %mul3A_764 = arith.mulf %unpack3A_744, %unpack3A_744 : vector<16xf32>
      %add3A_765 = arith.addf %add3A_718, %mul3A_764 : vector<16xf32>
      %mul3A_766 = arith.mulf %unpack3A_745, %unpack3A_745 : vector<16xf32>
      %add3A_767 = arith.addf %add3A_765, %mul3A_766 : vector<16xf32>
      %mul3A_768 = arith.mulf %unpack3A_762, %unpack3A_762 : vector<16xf32>
      %add3A_769 = arith.addf %add3A_722, %mul3A_768 : vector<16xf32>
      %mul3A_770 = arith.mulf %unpack3A_763, %unpack3A_763 : vector<16xf32>
      %add3A_771 = arith.addf %add3A_769, %mul3A_770 : vector<16xf32>
      %reduce_sum3A_772 = arith.constant true
      %reduce_sum3A_773 = vector.broadcast %reduce_sum3A_772 : i1 to vector<16xi1>
      %reduce_sum3A_774 = tpu.scan <sum>, %add3A_767 masked %reduce_sum3A_773 : vector<16xf32>, vector<16xi1> -> vector<16xf32>
      %reduce_sum3A_775 = vector.extract %reduce_sum3A_774[15] : f32 from vector<16xf32>
      %bitcast_convert_type3A_776 = arith.bitcast %reduce_sum3A_775 : f32 to i32
      %shift_right_arithmetic3A_777 = arith.constant 1 : i32
      %shift_right_arithmetic3A_778 = arith.shrsi %bitcast_convert_type3A_776, %shift_right_arithmetic3A_777 : i32
      %sub3A_779 = arith.constant 1597463007 : i32
      %sub3A_780 = arith.subi %sub3A_779, %shift_right_arithmetic3A_778 : i32
      %bitcast_convert_type3A_781 = arith.bitcast %sub3A_780 : i32 to f32
      %mul3A_782 = arith.constant 5.000000e-01 : f32
      %mul3A_783 = arith.mulf %mul3A_782, %reduce_sum3A_775 : f32
      %mul3A_784 = arith.mulf %mul3A_783, %bitcast_convert_type3A_781 : f32
      %mul3A_785 = arith.mulf %mul3A_784, %bitcast_convert_type3A_781 : f32
      %sub3A_786 = arith.constant 1.500000e+00 : f32
      %sub3A_787 = arith.subf %sub3A_786, %mul3A_785 : f32
      %mul3A_788 = arith.mulf %bitcast_convert_type3A_781, %sub3A_787 : f32
      %mul3A_789 = arith.constant 5.000000e-01 : f32
      %mul3A_790 = arith.mulf %mul3A_789, %reduce_sum3A_775 : f32
      %mul3A_791 = arith.mulf %mul3A_790, %mul3A_788 : f32
      %mul3A_792 = arith.mulf %mul3A_791, %mul3A_788 : f32
      %sub3A_793 = arith.constant 1.500000e+00 : f32
      %sub3A_794 = arith.subf %sub3A_793, %mul3A_792 : f32
      %mul3A_795 = arith.mulf %mul3A_788, %sub3A_794 : f32
      %mul3A_796 = arith.mulf %reduce_sum3A_775, %mul3A_795 : f32
      %reduce_sum3A_797 = arith.constant true
      %reduce_sum3A_798 = vector.broadcast %reduce_sum3A_797 : i1 to vector<16xi1>
      %reduce_sum3A_799 = tpu.scan <sum>, %add3A_771 masked %reduce_sum3A_798 : vector<16xf32>, vector<16xi1> -> vector<16xf32>
      %reduce_sum3A_800 = vector.extract %reduce_sum3A_799[15] : f32 from vector<16xf32>
      %bitcast_convert_type3A_801 = arith.bitcast %reduce_sum3A_800 : f32 to i32
      %shift_right_arithmetic3A_802 = arith.constant 1 : i32
      %shift_right_arithmetic3A_803 = arith.shrsi %bitcast_convert_type3A_801, %shift_right_arithmetic3A_802 : i32
      %sub3A_804 = arith.constant 1597463007 : i32
      %sub3A_805 = arith.subi %sub3A_804, %shift_right_arithmetic3A_803 : i32
      %bitcast_convert_type3A_806 = arith.bitcast %sub3A_805 : i32 to f32
      %mul3A_807 = arith.constant 5.000000e-01 : f32
      %mul3A_808 = arith.mulf %mul3A_807, %reduce_sum3A_800 : f32
      %mul3A_809 = arith.mulf %mul3A_808, %bitcast_convert_type3A_806 : f32
      %mul3A_810 = arith.mulf %mul3A_809, %bitcast_convert_type3A_806 : f32
      %sub3A_811 = arith.constant 1.500000e+00 : f32
      %sub3A_812 = arith.subf %sub3A_811, %mul3A_810 : f32
      %mul3A_813 = arith.mulf %bitcast_convert_type3A_806, %sub3A_812 : f32
      %mul3A_814 = arith.constant 5.000000e-01 : f32
      %mul3A_815 = arith.mulf %mul3A_814, %reduce_sum3A_800 : f32
      %mul3A_816 = arith.mulf %mul3A_815, %mul3A_813 : f32
      %mul3A_817 = arith.mulf %mul3A_816, %mul3A_813 : f32
      %sub3A_818 = arith.constant 1.500000e+00 : f32
      %sub3A_819 = arith.subf %sub3A_818, %mul3A_817 : f32
      %mul3A_820 = arith.mulf %mul3A_813, %sub3A_819 : f32
      %mul3A_821 = arith.mulf %reduce_sum3A_800, %mul3A_820 : f32
      %sub3A_822 = arith.subf %mul3A_796, %mul3A_821 : f32
      %add3A_823 = arith.constant 1.000000e+00 : f32
      %add3A_824 = arith.addf %sub3A_822, %add3A_823 : f32
      %max3A_825 = arith.constant 0.000000e+00 : f32
      %max3A_826 = arith.maximumf %add3A_824, %max3A_825 : f32
      %add3A_827 = arith.addf %add3A_575, %max3A_826 : f32
      %scan3A_828 = arith.constant 3 : i32
      %scan3A_829 = arith.addi %scan3A_79, %scan3A_828 : i32
      %add3A_830 = arith.constant 320 : i32
      %add3A_831 = arith.addi %add3A_830, %scan3A_829 : i32
      %get3A_832 = arith.constant 0 : i32
      %get3A_833 = arith.index_cast %get3A_832 : i32 to index
      %get3A_834 = arith.index_cast %add3A_831 : i32 to index
      %get3A_835 = arith.constant 0 : index
      %get3A_836 = tpu.vector_load %arg15[%get3A_833, %get3A_834, %get3A_835] {strides = array<i32>} : memref<2x400x128xbf16, #tpu.memory_space<vmem>>, vector<32xbf16>,
      %get3A_837 = arith.constant 0 : i32
      %get3A_838 = arith.index_cast %get3A_837 : i32 to index
      %get3A_839 = arith.index_cast %scan3A_829 : i32 to index
      %get3A_840 = arith.constant 0 : index
      %get3A_841 = tpu.vector_load %arg15[%get3A_838, %get3A_839, %get3A_840] {strides = array<i32>} : memref<2x400x128xbf16, #tpu.memory_space<vmem>>, vector<32xbf16>,
      %add3A_842 = arith.addf %get3A_841, %get3A_836 : vector<32xbf16>
      %add3A_843 = arith.constant 80 : i32
      %add3A_844 = arith.addi %add3A_843, %scan3A_829 : i32
      %get3A_845 = arith.constant 0 : i32
      %get3A_846 = arith.index_cast %get3A_845 : i32 to index
      %get3A_847 = arith.index_cast %add3A_844 : i32 to index
      %get3A_848 = arith.constant 0 : index
      %get3A_849 = tpu.vector_load %arg15[%get3A_846, %get3A_847, %get3A_848] {strides = array<i32>} : memref<2x400x128xbf16, #tpu.memory_space<vmem>>, vector<32xbf16>,
      %sub3A_850 = arith.subf %add3A_842, %get3A_849 : vector<32xbf16>
      %unpack3A_851 = tpu.unpack_subelements %sub3A_850, 0 {pack_format = #tpu.pack_format<interleaved>} : vector<32xbf16> -> vector<16xf32>
      %unpack3A_852 = tpu.unpack_subelements %sub3A_850, 1 {pack_format = #tpu.pack_format<interleaved>} : vector<32xbf16> -> vector<16xf32>
      %add3A_853 = arith.constant 160 : i32
      %add3A_854 = arith.addi %add3A_853, %scan3A_829 : i32
      %get3A_855 = arith.constant 0 : i32
      %get3A_856 = arith.index_cast %get3A_855 : i32 to index
      %get3A_857 = arith.index_cast %add3A_854 : i32 to index
      %get3A_858 = arith.constant 0 : index
      %get3A_859 = tpu.vector_load %arg15[%get3A_856, %get3A_857, %get3A_858] {strides = array<i32>} : memref<2x400x128xbf16, #tpu.memory_space<vmem>>, vector<32xbf16>,
      %add3A_860 = arith.addf %get3A_859, %get3A_836 : vector<32xbf16>
      %add3A_861 = arith.constant 240 : i32
      %add3A_862 = arith.addi %add3A_861, %scan3A_829 : i32
      %get3A_863 = arith.constant 0 : i32
      %get3A_864 = arith.index_cast %get3A_863 : i32 to index
      %get3A_865 = arith.index_cast %add3A_862 : i32 to index
      %get3A_866 = arith.constant 0 : index
      %get3A_867 = tpu.vector_load %arg15[%get3A_864, %get3A_865, %get3A_866] {strides = array<i32>} : memref<2x400x128xbf16, #tpu.memory_space<vmem>>, vector<32xbf16>,
      %sub3A_868 = arith.subf %add3A_860, %get3A_867 : vector<32xbf16>
      %unpack3A_869 = tpu.unpack_subelements %sub3A_868, 0 {pack_format = #tpu.pack_format<interleaved>} : vector<32xbf16> -> vector<16xf32>
      %unpack3A_870 = tpu.unpack_subelements %sub3A_868, 1 {pack_format = #tpu.pack_format<interleaved>} : vector<32xbf16> -> vector<16xf32>
      %mul3A_871 = arith.mulf %unpack3A_851, %unpack3A_851 : vector<16xf32>
      %mul3A_872 = arith.mulf %unpack3A_852, %unpack3A_852 : vector<16xf32>
      %add3A_873 = arith.addf %mul3A_871, %mul3A_872 : vector<16xf32>
      %mul3A_874 = arith.mulf %unpack3A_869, %unpack3A_869 : vector<16xf32>
      %mul3A_875 = arith.mulf %unpack3A_870, %unpack3A_870 : vector<16xf32>
      %add3A_876 = arith.addf %mul3A_874, %mul3A_875 : vector<16xf32>
      %add3A_877 = arith.constant 320 : i32
      %add3A_878 = arith.addi %add3A_877, %scan3A_829 : i32
      %get3A_879 = arith.constant 0 : i32
      %get3A_880 = arith.index_cast %get3A_879 : i32 to index
      %get3A_881 = arith.index_cast %add3A_878 : i32 to index
      %get3A_882 = arith.constant 32 : index
      %get3A_883 = tpu.vector_load %arg15[%get3A_880, %get3A_881, %get3A_882] {strides = array<i32>} : memref<2x400x128xbf16, #tpu.memory_space<vmem>>, vector<32xbf16>,
      %get3A_884 = arith.constant 0 : i32
      %get3A_885 = arith.index_cast %get3A_884 : i32 to index
      %get3A_886 = arith.index_cast %scan3A_829 : i32 to index
      %get3A_887 = arith.constant 32 : index
      %get3A_888 = tpu.vector_load %arg15[%get3A_885, %get3A_886, %get3A_887] {strides = array<i32>} : memref<2x400x128xbf16, #tpu.memory_space<vmem>>, vector<32xbf16>,
      %add3A_889 = arith.addf %get3A_888, %get3A_883 : vector<32xbf16>
      %add3A_890 = arith.constant 80 : i32
      %add3A_891 = arith.addi %add3A_890, %scan3A_829 : i32
      %get3A_892 = arith.constant 0 : i32
      %get3A_893 = arith.index_cast %get3A_892 : i32 to index
      %get3A_894 = arith.index_cast %add3A_891 : i32 to index
      %get3A_895 = arith.constant 32 : index
      %get3A_896 = tpu.vector_load %arg15[%get3A_893, %get3A_894, %get3A_895] {strides = array<i32>} : memref<2x400x128xbf16, #tpu.memory_space<vmem>>, vector<32xbf16>,
      %sub3A_897 = arith.subf %add3A_889, %get3A_896 : vector<32xbf16>
      %unpack3A_898 = tpu.unpack_subelements %sub3A_897, 0 {pack_format = #tpu.pack_format<interleaved>} : vector<32xbf16> -> vector<16xf32>
      %unpack3A_899 = tpu.unpack_subelements %sub3A_897, 1 {pack_format = #tpu.pack_format<interleaved>} : vector<32xbf16> -> vector<16xf32>
      %add3A_900 = arith.constant 160 : i32
      %add3A_901 = arith.addi %add3A_900, %scan3A_829 : i32
      %get3A_902 = arith.constant 0 : i32
      %get3A_903 = arith.index_cast %get3A_902 : i32 to index
      %get3A_904 = arith.index_cast %add3A_901 : i32 to index
      %get3A_905 = arith.constant 32 : index
      %get3A_906 = tpu.vector_load %arg15[%get3A_903, %get3A_904, %get3A_905] {strides = array<i32>} : memref<2x400x128xbf16, #tpu.memory_space<vmem>>, vector<32xbf16>,
      %add3A_907 = arith.addf %get3A_906, %get3A_883 : vector<32xbf16>
      %add3A_908 = arith.constant 240 : i32
      %add3A_909 = arith.addi %add3A_908, %scan3A_829 : i32
      %get3A_910 = arith.constant 0 : i32
      %get3A_911 = arith.index_cast %get3A_910 : i32 to index
      %get3A_912 = arith.index_cast %add3A_909 : i32 to index
      %get3A_913 = arith.constant 32 : index
      %get3A_914 = tpu.vector_load %arg15[%get3A_911, %get3A_912, %get3A_913] {strides = array<i32>} : memref<2x400x128xbf16, #tpu.memory_space<vmem>>, vector<32xbf16>,
      %sub3A_915 = arith.subf %add3A_907, %get3A_914 : vector<32xbf16>
      %unpack3A_916 = tpu.unpack_subelements %sub3A_915, 0 {pack_format = #tpu.pack_format<interleaved>} : vector<32xbf16> -> vector<16xf32>
      %unpack3A_917 = tpu.unpack_subelements %sub3A_915, 1 {pack_format = #tpu.pack_format<interleaved>} : vector<32xbf16> -> vector<16xf32>
      %mul3A_918 = arith.mulf %unpack3A_898, %unpack3A_898 : vector<16xf32>
      %add3A_919 = arith.addf %add3A_873, %mul3A_918 : vector<16xf32>
      %mul3A_920 = arith.mulf %unpack3A_899, %unpack3A_899 : vector<16xf32>
      %add3A_921 = arith.addf %add3A_919, %mul3A_920 : vector<16xf32>
      %mul3A_922 = arith.mulf %unpack3A_916, %unpack3A_916 : vector<16xf32>
      %add3A_923 = arith.addf %add3A_876, %mul3A_922 : vector<16xf32>
      %mul3A_924 = arith.mulf %unpack3A_917, %unpack3A_917 : vector<16xf32>
      %add3A_925 = arith.addf %add3A_923, %mul3A_924 : vector<16xf32>
      %add3A_926 = arith.constant 320 : i32
      %add3A_927 = arith.addi %add3A_926, %scan3A_829 : i32
      %get3A_928 = arith.constant 0 : i32
      %get3A_929 = arith.index_cast %get3A_928 : i32 to index
      %get3A_930 = arith.index_cast %add3A_927 : i32 to index
      %get3A_931 = arith.constant 64 : index
      %get3A_932 = tpu.vector_load %arg15[%get3A_929, %get3A_930, %get3A_931] {strides = array<i32>} : memref<2x400x128xbf16, #tpu.memory_space<vmem>>, vector<32xbf16>,
      %get3A_933 = arith.constant 0 : i32
      %get3A_934 = arith.index_cast %get3A_933 : i32 to index
      %get3A_935 = arith.index_cast %scan3A_829 : i32 to index
      %get3A_936 = arith.constant 64 : index
      %get3A_937 = tpu.vector_load %arg15[%get3A_934, %get3A_935, %get3A_936] {strides = array<i32>} : memref<2x400x128xbf16, #tpu.memory_space<vmem>>, vector<32xbf16>,
      %add3A_938 = arith.addf %get3A_937, %get3A_932 : vector<32xbf16>
      %add3A_939 = arith.constant 80 : i32
      %add3A_940 = arith.addi %add3A_939, %scan3A_829 : i32
      %get3A_941 = arith.constant 0 : i32
      %get3A_942 = arith.index_cast %get3A_941 : i32 to index
      %get3A_943 = arith.index_cast %add3A_940 : i32 to index
      %get3A_944 = arith.constant 64 : index
      %get3A_945 = tpu.vector_load %arg15[%get3A_942, %get3A_943, %get3A_944] {strides = array<i32>} : memref<2x400x128xbf16, #tpu.memory_space<vmem>>, vector<32xbf16>,
      %sub3A_946 = arith.subf %add3A_938, %get3A_945 : vector<32xbf16>
      %unpack3A_947 = tpu.unpack_subelements %sub3A_946, 0 {pack_format = #tpu.pack_format<interleaved>} : vector<32xbf16> -> vector<16xf32>
      %unpack3A_948 = tpu.unpack_subelements %sub3A_946, 1 {pack_format = #tpu.pack_format<interleaved>} : vector<32xbf16> -> vector<16xf32>
      %add3A_949 = arith.constant 160 : i32
      %add3A_950 = arith.addi %add3A_949, %scan3A_829 : i32
      %get3A_951 = arith.constant 0 : i32
      %get3A_952 = arith.index_cast %get3A_951 : i32 to index
      %get3A_953 = arith.index_cast %add3A_950 : i32 to index
      %get3A_954 = arith.constant 64 : index
      %get3A_955 = tpu.vector_load %arg15[%get3A_952, %get3A_953, %get3A_954] {strides = array<i32>} : memref<2x400x128xbf16, #tpu.memory_space<vmem>>, vector<32xbf16>,
      %add3A_956 = arith.addf %get3A_955, %get3A_932 : vector<32xbf16>
      %add3A_957 = arith.constant 240 : i32
      %add3A_958 = arith.addi %add3A_957, %scan3A_829 : i32
      %get3A_959 = arith.constant 0 : i32
      %get3A_960 = arith.index_cast %get3A_959 : i32 to index
      %get3A_961 = arith.index_cast %add3A_958 : i32 to index
      %get3A_962 = arith.constant 64 : index
      %get3A_963 = tpu.vector_load %arg15[%get3A_960, %get3A_961, %get3A_962] {strides = array<i32>} : memref<2x400x128xbf16, #tpu.memory_space<vmem>>, vector<32xbf16>,
      %sub3A_964 = arith.subf %add3A_956, %get3A_963 : vector<32xbf16>
      %unpack3A_965 = tpu.unpack_subelements %sub3A_964, 0 {pack_format = #tpu.pack_format<interleaved>} : vector<32xbf16> -> vector<16xf32>
      %unpack3A_966 = tpu.unpack_subelements %sub3A_964, 1 {pack_format = #tpu.pack_format<interleaved>} : vector<32xbf16> -> vector<16xf32>
      %mul3A_967 = arith.mulf %unpack3A_947, %unpack3A_947 : vector<16xf32>
      %add3A_968 = arith.addf %add3A_921, %mul3A_967 : vector<16xf32>
      %mul3A_969 = arith.mulf %unpack3A_948, %unpack3A_948 : vector<16xf32>
      %add3A_970 = arith.addf %add3A_968, %mul3A_969 : vector<16xf32>
      %mul3A_971 = arith.mulf %unpack3A_965, %unpack3A_965 : vector<16xf32>
      %add3A_972 = arith.addf %add3A_925, %mul3A_971 : vector<16xf32>
      %mul3A_973 = arith.mulf %unpack3A_966, %unpack3A_966 : vector<16xf32>
      %add3A_974 = arith.addf %add3A_972, %mul3A_973 : vector<16xf32>
      %add3A_975 = arith.constant 320 : i32
      %add3A_976 = arith.addi %add3A_975, %scan3A_829 : i32
      %get3A_977 = arith.constant 0 : i32
      %get3A_978 = arith.index_cast %get3A_977 : i32 to index
      %get3A_979 = arith.index_cast %add3A_976 : i32 to index
      %get3A_980 = arith.constant 96 : index
      %get3A_981 = tpu.vector_load %arg15[%get3A_978, %get3A_979, %get3A_980] {strides = array<i32>} : memref<2x400x128xbf16, #tpu.memory_space<vmem>>, vector<32xbf16>,
      %get3A_982 = arith.constant 0 : i32
      %get3A_983 = arith.index_cast %get3A_982 : i32 to index
      %get3A_984 = arith.index_cast %scan3A_829 : i32 to index
      %get3A_985 = arith.constant 96 : index
      %get3A_986 = tpu.vector_load %arg15[%get3A_983, %get3A_984, %get3A_985] {strides = array<i32>} : memref<2x400x128xbf16, #tpu.memory_space<vmem>>, vector<32xbf16>,
      %add3A_987 = arith.addf %get3A_986, %get3A_981 : vector<32xbf16>
      %add3A_988 = arith.constant 80 : i32
      %add3A_989 = arith.addi %add3A_988, %scan3A_829 : i32
      %get3A_990 = arith.constant 0 : i32
      %get3A_991 = arith.index_cast %get3A_990 : i32 to index
      %get3A_992 = arith.index_cast %add3A_989 : i32 to index
      %get3A_993 = arith.constant 96 : index
      %get3A_994 = tpu.vector_load %arg15[%get3A_991, %get3A_992, %get3A_993] {strides = array<i32>} : memref<2x400x128xbf16, #tpu.memory_space<vmem>>, vector<32xbf16>,
      %sub3A_995 = arith.subf %add3A_987, %get3A_994 : vector<32xbf16>
      %unpack3A_996 = tpu.unpack_subelements %sub3A_995, 0 {pack_format = #tpu.pack_format<interleaved>} : vector<32xbf16> -> vector<16xf32>
      %unpack3A_997 = tpu.unpack_subelements %sub3A_995, 1 {pack_format = #tpu.pack_format<interleaved>} : vector<32xbf16> -> vector<16xf32>
      %add3A_998 = arith.constant 160 : i32
      %add3A_999 = arith.addi %add3A_998, %scan3A_829 : i32
      %get3A_1000 = arith.constant 0 : i32
      %get3A_1001 = arith.index_cast %get3A_1000 : i32 to index
      %get3A_1002 = arith.index_cast %add3A_999 : i32 to index
      %get3A_1003 = arith.constant 96 : index
      %get3A_1004 = tpu.vector_load %arg15[%get3A_1001, %get3A_1002, %get3A_1003] {strides = array<i32>} : memref<2x400x128xbf16, #tpu.memory_space<vmem>>, vector<32xbf16>,
      %add3A_1005 = arith.addf %get3A_1004, %get3A_981 : vector<32xbf16>
      %add3A_1006 = arith.constant 240 : i32
      %add3A_1007 = arith.addi %add3A_1006, %scan3A_829 : i32
      %get3A_1008 = arith.constant 0 : i32
      %get3A_1009 = arith.index_cast %get3A_1008 : i32 to index
      %get3A_1010 = arith.index_cast %add3A_1007 : i32 to index
      %get3A_1011 = arith.constant 96 : index
      %get3A_1012 = tpu.vector_load %arg15[%get3A_1009, %get3A_1010, %get3A_1011] {strides = array<i32>} : memref<2x400x128xbf16, #tpu.memory_space<vmem>>, vector<32xbf16>,
      %sub3A_1013 = arith.subf %add3A_1005, %get3A_1012 : vector<32xbf16>
      %unpack3A_1014 = tpu.unpack_subelements %sub3A_1013, 0 {pack_format = #tpu.pack_format<interleaved>} : vector<32xbf16> -> vector<16xf32>
      %unpack3A_1015 = tpu.unpack_subelements %sub3A_1013, 1 {pack_format = #tpu.pack_format<interleaved>} : vector<32xbf16> -> vector<16xf32>
      %mul3A_1016 = arith.mulf %unpack3A_996, %unpack3A_996 : vector<16xf32>
      %add3A_1017 = arith.addf %add3A_970, %mul3A_1016 : vector<16xf32>
      %mul3A_1018 = arith.mulf %unpack3A_997, %unpack3A_997 : vector<16xf32>
      %add3A_1019 = arith.addf %add3A_1017, %mul3A_1018 : vector<16xf32>
      %mul3A_1020 = arith.mulf %unpack3A_1014, %unpack3A_1014 : vector<16xf32>
      %add3A_1021 = arith.addf %add3A_974, %mul3A_1020 : vector<16xf32>
      %mul3A_1022 = arith.mulf %unpack3A_1015, %unpack3A_1015 : vector<16xf32>
      %add3A_1023 = arith.addf %add3A_1021, %mul3A_1022 : vector<16xf32>
      %reduce_sum3A_1024 = arith.constant true
      %reduce_sum3A_1025 = vector.broadcast %reduce_sum3A_1024 : i1 to vector<16xi1>
      %reduce_sum3A_1026 = tpu.scan <sum>, %add3A_1019 masked %reduce_sum3A_1025 : vector<16xf32>, vector<16xi1> -> vector<16xf32>
      %reduce_sum3A_1027 = vector.extract %reduce_sum3A_1026[15] : f32 from vector<16xf32>
      %bitcast_convert_type3A_1028 = arith.bitcast %reduce_sum3A_1027 : f32 to i32
      %shift_right_arithmetic3A_1029 = arith.constant 1 : i32
      %shift_right_arithmetic3A_1030 = arith.shrsi %bitcast_convert_type3A_1028, %shift_right_arithmetic3A_1029 : i32
      %sub3A_1031 = arith.constant 1597463007 : i32
      %sub3A_1032 = arith.subi %sub3A_1031, %shift_right_arithmetic3A_1030 : i32
      %bitcast_convert_type3A_1033 = arith.bitcast %sub3A_1032 : i32 to f32
      %mul3A_1034 = arith.constant 5.000000e-01 : f32
      %mul3A_1035 = arith.mulf %mul3A_1034, %reduce_sum3A_1027 : f32
      %mul3A_1036 = arith.mulf %mul3A_1035, %bitcast_convert_type3A_1033 : f32
      %mul3A_1037 = arith.mulf %mul3A_1036, %bitcast_convert_type3A_1033 : f32
      %sub3A_1038 = arith.constant 1.500000e+00 : f32
      %sub3A_1039 = arith.subf %sub3A_1038, %mul3A_1037 : f32
      %mul3A_1040 = arith.mulf %bitcast_convert_type3A_1033, %sub3A_1039 : f32
      %mul3A_1041 = arith.constant 5.000000e-01 : f32
      %mul3A_1042 = arith.mulf %mul3A_1041, %reduce_sum3A_1027 : f32
      %mul3A_1043 = arith.mulf %mul3A_1042, %mul3A_1040 : f32
      %mul3A_1044 = arith.mulf %mul3A_1043, %mul3A_1040 : f32
      %sub3A_1045 = arith.constant 1.500000e+00 : f32
      %sub3A_1046 = arith.subf %sub3A_1045, %mul3A_1044 : f32
      %mul3A_1047 = arith.mulf %mul3A_1040, %sub3A_1046 : f32
      %mul3A_1048 = arith.mulf %reduce_sum3A_1027, %mul3A_1047 : f32
      %reduce_sum3A_1049 = arith.constant true
      %reduce_sum3A_1050 = vector.broadcast %reduce_sum3A_1049 : i1 to vector<16xi1>
      %reduce_sum3A_1051 = tpu.scan <sum>, %add3A_1023 masked %reduce_sum3A_1050 : vector<16xf32>, vector<16xi1> -> vector<16xf32>
      %reduce_sum3A_1052 = vector.extract %reduce_sum3A_1051[15] : f32 from vector<16xf32>
      %bitcast_convert_type3A_1053 = arith.bitcast %reduce_sum3A_1052 : f32 to i32
      %shift_right_arithmetic3A_1054 = arith.constant 1 : i32
      %shift_right_arithmetic3A_1055 = arith.shrsi %bitcast_convert_type3A_1053, %shift_right_arithmetic3A_1054 : i32
      %sub3A_1056 = arith.constant 1597463007 : i32
      %sub3A_1057 = arith.subi %sub3A_1056, %shift_right_arithmetic3A_1055 : i32
      %bitcast_convert_type3A_1058 = arith.bitcast %sub3A_1057 : i32 to f32
      %mul3A_1059 = arith.constant 5.000000e-01 : f32
      %mul3A_1060 = arith.mulf %mul3A_1059, %reduce_sum3A_1052 : f32
      %mul3A_1061 = arith.mulf %mul3A_1060, %bitcast_convert_type3A_1058 : f32
      %mul3A_1062 = arith.mulf %mul3A_1061, %bitcast_convert_type3A_1058 : f32
      %sub3A_1063 = arith.constant 1.500000e+00 : f32
      %sub3A_1064 = arith.subf %sub3A_1063, %mul3A_1062 : f32
      %mul3A_1065 = arith.mulf %bitcast_convert_type3A_1058, %sub3A_1064 : f32
      %mul3A_1066 = arith.constant 5.000000e-01 : f32
      %mul3A_1067 = arith.mulf %mul3A_1066, %reduce_sum3A_1052 : f32
      %mul3A_1068 = arith.mulf %mul3A_1067, %mul3A_1065 : f32
      %mul3A_1069 = arith.mulf %mul3A_1068, %mul3A_1065 : f32
      %sub3A_1070 = arith.constant 1.500000e+00 : f32
      %sub3A_1071 = arith.subf %sub3A_1070, %mul3A_1069 : f32
      %mul3A_1072 = arith.mulf %mul3A_1065, %sub3A_1071 : f32
      %mul3A_1073 = arith.mulf %reduce_sum3A_1052, %mul3A_1072 : f32
      %sub3A_1074 = arith.subf %mul3A_1048, %mul3A_1073 : f32
      %add3A_1075 = arith.constant 1.000000e+00 : f32
      %add3A_1076 = arith.addf %sub3A_1074, %add3A_1075 : f32
      %max3A_1077 = arith.constant 0.000000e+00 : f32
      %max3A_1078 = arith.maximumf %add3A_1076, %max3A_1077 : f32
      %add3A_1079 = arith.addf %add3A_827, %max3A_1078 : f32
      scf.yield %add3A_1079 : f32
    }
    %scan3A_74 = arith.constant 80 : i32
    %iota3A = tpu.iota {dimensions = array<i32: 0>} : vector<16xi32>
    %eq3A = arith.constant 0 : i32
    %eq3A_75 = vector.broadcast %eq3A : i32 to vector<16xi32>
    %eq3A_76 = arith.cmpi eq, %iota3A, %eq3A_75 : vector<16xi32>
    %jit3A = arith.constant 0.000000e+00 : f32
    %broadcast_in_dim3A = vector.broadcast %scan3A_73 : f32 to vector<16xf32>
    %broadcast_in_dim3A_77 = vector.broadcast %jit3A : f32 to vector<16xf32>
    %select_n3A = arith.select %eq3A_76, %broadcast_in_dim3A, %broadcast_in_dim3A_77 : vector<16xi1>, vector<16xf32>
    %swap3A = arith.constant 0 : index
    %swap3A_78 = tpu.vector_load %arg16[%swap3A] {strides = array<i32>} : memref<16xf32, #tpu.memory_space<vmem>>, vector<16xf32>,
    tpu.vector_store %arg16[%swap3A], %select_n3A {strides = array<i32>} : memref<16xf32, #tpu.memory_space<vmem>>, vector<16xf32>,
    "tpu.region"() ({
      %run_scoped3A = tpu.sem_alloc : memref<!tpu.dma_semaphore, #tpu.memory_space<semaphore_mem>>
      %dma_start3A_79 = arith.constant 0 : i32
      %dma_start3A_80 = tpu.memref_slice %arg9[%add3A, %dma_start3A_79] : memref<32x16xf32, #tpu.memory_space<hbm>> -> memref<1x16xf32, #tpu.memory_space<hbm>>
      %dma_start3A_81 = tpu.memref_squeeze %dma_start3A_80 : memref<1x16xf32, #tpu.memory_space<hbm>> -> memref<16xf32, #tpu.memory_space<hbm>>
      %dma_start3A_82 = arith.constant 0 : i32
      %dma_start3A_83 = tpu.memref_slice %arg9[%add3A, %dma_start3A_82] : memref<32x16xf32, #tpu.memory_space<hbm>> -> memref<1x16xf32, #tpu.memory_space<hbm>>
      %dma_start3A_84 = tpu.memref_squeeze %dma_start3A_83 : memref<1x16xf32, #tpu.memory_space<hbm>> -> memref<16xf32, #tpu.memory_space<hbm>>
      tpu.enqueue_dma source(%arg16 : memref<16xf32, #tpu.memory_space<vmem>>) target(%dma_start3A_84 : memref<16xf32, #tpu.memory_space<hbm>>) target_semaphore(%run_scoped3A : memref<!tpu.dma_semaphore, #tpu.memory_space<semaphore_mem>>)
      %dma_wait3A_85 = arith.constant 0 : i32
      %dma_wait3A_86 = tpu.memref_slice %arg9[%add3A, %dma_wait3A_85] : memref<32x16xf32, #tpu.memory_space<hbm>> -> memref<1x16xf32, #tpu.memory_space<hbm>>
      %dma_wait3A_87 = tpu.memref_squeeze %dma_wait3A_86 : memref<1x16xf32, #tpu.memory_space<hbm>> -> memref<16xf32, #tpu.memory_space<hbm>>
      %dma_wait3A_88 = arith.constant 0 : i32
      %dma_wait3A_89 = tpu.memref_slice %arg9[%add3A, %dma_wait3A_88] : memref<32x16xf32, #tpu.memory_space<hbm>> -> memref<1x16xf32, #tpu.memory_space<hbm>>
      %dma_wait3A_90 = tpu.memref_squeeze %dma_wait3A_89 : memref<1x16xf32, #tpu.memory_space<hbm>> -> memref<16xf32, #tpu.memory_space<hbm>>
      tpu.wait_dma2 semaphore(%run_scoped3A : memref<!tpu.dma_semaphore, #tpu.memory_space<semaphore_mem>>) src(%arg16 : memref<16xf32, #tpu.memory_space<vmem>>) dst(%dma_wait3A_90 : memref<16xf32, #tpu.memory_space<hbm>>)
      tpu.yield
    }) : () -> ()
    return
  }
}

</mosaic_0001>

<sc_bundles>
// kernel: _loss_sc.3.cloned.1.call-start
scs
__scs_entry_jumppad:
0x0: {  	(pc) =	sbr.rel $0x88, $3  }
0x1: {  	(tag) =	ssettag $0x0;
	lr =	simm.s32 $0x1  }
0x2: {  	[smem:$0x3F9A] =	sst lr;
	_ =	strace $0xD0000000  }
0x3: {  	_ = 	snop  }
0x4: {  	_ = 	snop  }
0x5: {  	_ = 	snop  }
0x6: {  	_ = 	snop  }
0x7: {  	_ = 	snop  }
__scs_overlays_trampoline_lowered:
0x8: {  	[smem:$0x3FA9] =	sst s0  }
0x9: {  	[smem:$0x3FAA] =	sst s1  }
0xa: {  	[smem:$0x3FAB] =	sst s2  }
0xb: {  	[smem:$0x3FAC] =	sst s3  }
0xc: {  	[smem:$0x3FAD] =	sst s4  }
0xd: {  	[smem:$0x3FAE] =	sst s5  }
0xe: {  	[smem:$0x3FAF] =	sst s6  }
0xf: {  	[smem:$0x3FB0] =	sst s7  }
0x10: {  	[smem:$0x3FB1] =	sst s8  }
0x11: {  	[smem:$0x3FB2] =	sst s9;
	s0 =	simm.s32 @!p0 $0x0  }
0x12: {  	s1 =	sld [smem:$0x3F98];
	s0 =	simm.s32 @p0 $0x1  }
0x13: {  	[smem:$0x3FB3] =	sst s0;
	s0 =	simm.s32 @!p1 $0x0  }
0x14: {  	s2 =	sld [smem:$0x3F97];
	s0 =	simm.s32 @p1 $0x1  }
0x15: {  	[smem:$0x3FB4] =	sst s0;
	s0 =	simm.s32 @!p2 $0x0  }
0x16: {  	s3 =	sld [smem:$0x3FDB];
	s0 =	simm.s32 @p2 $0x1  }
0x17: {  	s4 =	simm.s32 $0x1BF5;
	[smem:$0x3FB6] =	sst s0  }
0x18: {  	s0 =	sld [smem:$0x3F99];
	_ =	swait.ge [sflag:s4], $0x0  }
0x19: {  	s7 =	sld [smem:$0x3F9A]  }
0x1a: {  	s8 =	sadd.s32 $0xFFFFE003, lr  }
0x1b: {  	s9 =	sadd.s32 $0xFFFFFEF7, lr;
	s5 =	simm.s32 $0xFFFFFFFF;
	p2 =	slt.u32 s8, $0xFFFFF086  }
0x1c: {  	p1 =	slt.u32 s9, $0xF7A;
	s5 =	simm.s32 @!p2 $0x0  }
0x1d: {  	s5 =	simm.s32 @p1 $0x1;
	p0 =	seq.s32 s7, s2  }
0x1e: {  	s7 =	smul.u32 @!p0 $0xF7A, s2;
	p2 =	seq.s32 @!p0 s5, $0x0  }
0x1f: {  	s9 =	smul.u32 $0xF7A, s1;
	s8 =	simm.s32 @!p0 $0x1BF5;
	p2 =	por !p2, p0  }
0x20: {  	[sflag:s8] =	ssyncset.s32 @!p0 $0xFFFFF086;
	s6 =	sadd.s32 @!p0 s3, s7;
	s7 =	simm.s32 @!p0 $0x108  }
0x21: {  	s3 =	sadd.s32 s3, s9;
	s6 =	sadd.s32 @!p0 $0x88, s6;
	s7 =	simm.s32 @p2 $0x1082  }
0x22: {  	[simem:s7], [sflag:s8] =	dma.local @!p0 [hbm:s6], $0xF7A  }
0x23: {  	s9 =	sor.u32 $0xD0000000, s2;
	s6 =	simm.s32 $0x108;
	_ =	swait.ge @!p0 [sflag:s8], $0x0  }
0x24: {  	s3 =	sadd.s32 $0x88, s3;
	s6 =	simm.s32 @!p1 $0x1082;
	[sflag:s4] =	ssyncset.s32 $0xFFFFF086  }
0x25: {  	[simem:s6], [sflag:s4] =	dma.local [hbm:s3], $0xF7A  }
0x26: {  	[smem:$0x3F9A] =	sst s1;
	(tag) =	ssettag s2;
	_ =	strace s9  }
0x27: {  	s1 =	sld [smem:$0x3FAA]  }
0x28: {  	s2 =	sld [smem:$0x3FAB]  }
0x29: {  	s4 =	sld [smem:$0x3FAD]  }
0x2a: {  	p0 =	seq.s32 s5, $0x0;
	s5 =	sld [smem:$0x3FAE]  }
0x2b: {  	s6 =	sld [smem:$0x3FAF]  }
0x2c: {  	s7 =	sld [smem:$0x3FB0]  }
0x2d: {  	s3 =	simm.s32 $0x108;
	s8 =	sld [smem:$0x3FB1]  }
0x2e: {  	s3 =	simm.s32 @!p0 $0x1082;
	s9 =	sld [smem:$0x3FB2]  }
0x2f: {  	lr =	sadd.s32 s0, s3;
	s0 =	sld [smem:$0x3FA9]  }
0x30: {  	s3 =	sld [smem:$0x3FAC]  }
0x31: {  	[smem:$0x3FB5] =	sst s10  }
0x32: {  	s10 =	sld [smem:$0x3FB3];
	_ =	sdelay $0x3  }
0x33: {  	p0 =	seq.s32 s10, $0x1;
	s10 =	sld [smem:$0x3FB5];
	_ =	sdelay $0x3  }
0x34: {  	[smem:$0x3FB5] =	sst s10  }
0x35: {  	s10 =	sld [smem:$0x3FB4];
	_ =	sdelay $0x3  }
0x36: {  	p1 =	seq.s32 s10, $0x1;
	s10 =	sld [smem:$0x3FB5];
	_ =	sdelay $0x3  }
0x37: {  	[smem:$0x3FB5] =	sst s10  }
0x38: {  	s10 =	sld [smem:$0x3FB6]  }
0x39: {  	_ = 	snop;
	(pc) =	sbr.ind lr, $3  }
0x3a: {  	_ = 	snop  }
0x3b: {  	_ = 	snop  }
0x3c: {  	p2 =	seq.s32 s10, $0x1;
	s10 =	sld [smem:$0x3FB5]  }
0x3d: {  	_ =	shalt  }
0x3e: {  	_ =	shalt  }
0x3f: {  	_ =	shalt  }
0x40: {  	_ =	shalt  }
0x41: {  	_ =	shalt  }
0x42: {  	_ =	shalt  }
0x43: {  	_ =	shalt  }
0x44: {  	_ =	shalt  }
0x45: {  	_ =	shalt  }
0x46: {  	_ =	shalt  }
0x47: {  	_ =	shalt  }
0x48: {  	_ =	shalt  }
0x49: {  	_ =	shalt  }
0x4a: {  	_ =	shalt  }
0x4b: {  	_ =	shalt  }
0x4c: {  	_ =	shalt  }
0x4d: {  	_ =	shalt  }
0x4e: {  	_ =	shalt  }
0x4f: {  	_ =	shalt  }
0x50: {  	_ =	shalt  }
0x51: {  	_ =	shalt  }
0x52: {  	_ =	shalt  }
0x53: {  	_ =	shalt  }
0x54: {  	_ =	shalt  }
0x55: {  	_ =	shalt  }
0x56: {  	_ =	shalt  }
0x57: {  	_ =	shalt  }
0x58: {  	_ =	shalt  }
0x59: {  	_ =	shalt  }
0x5a: {  	_ =	shalt  }
0x5b: {  	_ =	shalt  }
0x5c: {  	_ =	shalt  }
0x5d: {  	_ =	shalt  }
0x5e: {  	_ =	shalt  }
0x5f: {  	_ =	shalt  }
0x60: {  	_ =	shalt  }
0x61: {  	_ =	shalt  }
0x62: {  	_ =	shalt  }
0x63: {  	_ =	shalt  }
0x64: {  	_ =	shalt  }
0x65: {  	_ =	shalt  }
0x66: {  	_ =	shalt  }
0x67: {  	_ =	shalt  }
0x68: {  	_ =	shalt  }
0x69: {  	_ =	shalt  }
0x6a: {  	_ =	shalt  }
0x6b: {  	_ =	shalt  }
0x6c: {  	_ =	shalt  }
0x6d: {  	_ =	shalt  }
0x6e: {  	_ =	shalt  }
0x6f: {  	_ =	shalt  }
0x70: {  	_ =	shalt  }
0x71: {  	_ =	shalt  }
0x72: {  	_ =	shalt  }
0x73: {  	_ =	shalt  }
0x74: {  	_ =	shalt  }
0x75: {  	_ =	shalt  }
0x76: {  	_ =	shalt  }
0x77: {  	_ =	shalt  }
0x78: {  	_ =	shalt  }
0x79: {  	_ =	shalt  }
0x7a: {  	_ =	shalt  }
0x7b: {  	_ =	shalt  }
0x7c: {  	_ =	shalt  }
0x7d: {  	_ =	shalt  }
0x7e: {  	_ =	shalt  }
0x7f: {  	_ =	shalt  }
0x80: {  	_ =	shalt  }
0x81: {  	_ =	shalt  }
0x82: {  	_ =	shalt  }
0x83: {  	_ =	shalt  }
0x84: {  	_ =	shalt  }
0x85: {  	_ =	shalt  }
0x86: {  	_ =	shalt  }
0x87: {  	_ =	shalt  }
.Lfunc_end0:
.L_simem_size_0:
called_computation_lowered:
.L_overlay_start_0:
0x88: {  	s2 =	sld [smem:$0x3FD9]  }
0x89: {  	s3 =	sld [smem:$0x3FFE];
	_ =	sdelay $0x1  }
0x8a: {  	s1 =	srdreg.scid  }
0x8b: {  	s0 =	sand.u32 $0x1, s1  }
0x8c: {  	s17 =	sshll.u32 s0, $0xA;
	s2 =	sadd.s32 s3, s2  }
0x8d: {  	s2 =	sadd.s32 s2, s17  }
0x8e: {  	[smem:$0x3FC1] =	sst s2  }
0x8f: {  	_ = 	snop  }
0x90: {  	s2 =	sld [smem:$0x3FC7]  }
0x91: {  	s18 =	sld [smem:$0x3FC6]  }
0x92: {  	s4 =	sld [smem:$0x3FC5]  }
0x93: {  	s5 =	sld [smem:$0x3FC4]  }
0x94: {  	s6 =	sld [smem:$0x3FC3]  }
0x95: {  	s7 =	sld [smem:$0x3FD0];
	(tm) =	ssettm $0x1  }
0x96: {  	s8 =	sld [smem:$0x3FFB];
	_ =	sdelay $0x3  }
0x97: {  	_ =	strace s8  }
0x98: {  	s8 =	sld [smem:$0x3FFC];
	_ =	sdelay $0x3  }
0x99: {  	_ =	strace s8  }
0x9a: {  	s8 =	sld [smem:$0x3FFD];
	_ =	sdelay $0x3  }
0x9b: {  	_ =	strace s8  }
0x9c: {  	_ =	strace $0x8FFFFFFF  }
0x9d: {  	s19 =	sld [smem:$0x3FDB];
	_ =	sdelay $0x1  }
0x9e: {  	s9 =	simm.s32 $_scs_section_size  }
0x9f: {  	s10 =	simm.s32 $_size__tile_overlayer_lowered;
	s11 =	simm.s32 $_tile_overlayer_lowered  }
0xa0: {  	s22 =	simm.s32 $0x1BFF;
	s21 =	sshll.u32 s11, $0x1;
	s8 =	sadd.s32 s9, s19  }
0xa1: {  	s12 =	simm.s32 $0x0;
	s20 =	sshll.u32 s10, $0x1;
	s10 =	sadd.s32 s21, s8  }
0xa2: {  	[timem:s12], [sflag:s22] =	dma.local [hbm:s10], s20  }
0xa3: {  	_ =	swait.ge [sflag:s22], s20  }
0xa4: {  	s9 =	ssub.s32 $0x0, s20;
	[sflag:s22] =	ssyncset.done $0x0  }
0xa5: {  	[sflag:s22] =	ssyncadd.s32 s9;
	_ =	sdelay $0x1  }
0xa6: {  	s23 =	simm.s32 $0x1B8B  }
0xa7: {  	_ =	swait.ge [sflag:s23], $0x1  }
0xa8: {  	[sflag:s23] =	ssyncset.done $0x0  }
0xa9: {  	s25 =	simm.s32 $0x1B8E;
	s24 =	sld [smem:$0x3FFE];
	[sflag:s23] =	ssyncadd.s32 $0xFFFFFFFF  }
0xaa: {  	s26 =	simm.s32 $execute0_lowered;
	[smem:$0x3FD2] =	sst s25  }
0xab: {  	s10 =	sshll.u32 s26, $0x1;
	_ =	strace $0x80000046;
	[dreg:$0x1] =	wrdreg $0xFFFFFFFF  }
0xac: {  	s28 =	simm.s32 $_size_execute0_lowered;
	s8 =	sadd.s32 s8, s10;
	[dreg:$0x0] =	wrdreg $0x0  }
0xad: {  	s10 =	sshll.u32 s28, $0x1;
	[dreg:$0x2] =	wrdreg s8  }
0xae: {  	[dreg:$0x3] =	wrdreg s10  }
0xaf: {  	[dreg:$0x4] =	wrdreg $0xC0  }
0xb0: {  	_ =	task [dreg:s12], $0x5FFFF  }
0xb1: {  	[dreg:$0x1] =	wrdreg $0xFFFFFFFF  }
0xb2: {  	[dreg:$0x0] =	wrdreg $0x60  }
0xb3: {  	[dreg:$0x2] =	wrdreg s24  }
0xb4: {  	[dreg:$0x3] =	wrdreg s2  }
0xb5: {  	[dreg:$0x4] =	wrdreg s18  }
0xb6: {  	[dreg:$0x5] =	wrdreg s4  }
0xb7: {  	[dreg:$0x6] =	wrdreg s5  }
0xb8: {  	[dreg:$0x7] =	wrdreg s6  }
0xb9: {  	[dreg:$0x8] =	wrdreg s7  }
0xba: {  	[dreg:$0x9] =	wrdreg $0x9  }
0xbb: {  	_ =	task.clear_ibuf [dreg:s12], $0xAFFFF;
	_ =	strace $0x90000046  }
0xbc: {  	s29 =	simm.s32 $0x9;
	_ =	strace $0x80000048  }
0xbd: {  	_ =	swait.ge [sflag:s29], $0x1  }
0xbe: {  	[sflag:s29] =	ssyncadd.s32 $0xFFFFFFFF  }
0xbf: {  	_ =	strace $0x90000048  }
0xc0: {  	_ =	sfence  }
0xc1: {  	s30 =	sld [smem:$0x0];
	_ =	sdelay $0x2  }
0xc2: {  	s31 =	sshll.u32 s1, $0xD;
	s1 =	sshrl.u32 s1, $0x2  }
0xc3: {  	s3 =	sand.u32 $0x4000, s31;
	s1 =	sadd.s32 s1, s30  }
0xc4: {  	s0 =	sor.u32 s3, s0;
	s1 =	sshll.u32 s1, $0x11  }
0xc5: {  	s0 =	sor.u32 s1, s0  }
0xc6: {  	s0 =	sadd.s32 $0x8F2B, s0  }
0xc7: {  	[sflag:s0] =	ssyncadd.remote.s32 $0x1  }
0xc8: {  	_ =	sfence.sel $0xFFFF  }
0xc9: {  	[dreg:$0x0] =	wrdreg $0xFFFFFFFF;
	(pc) =	sbr.abs _section_cstart, $3  }
0xca: {  	[dreg:$0x1] =	wrdreg $0xFFFFFFFF  }
0xcb: {  	_ =	task.clear_ibuf [dreg:s12], $0x2FFFF;
	_ =	strace $0x9FFFFFFF  }
0xcc: {  	(tm) =	ssettm $0x7FFFFFFF  }
0xcd: {  	_ =	shalt  }
tec
execute0_lowered:
.L_overlay_start_1:
0x0: {  	(tag) =	ssettag $0x1  }
0x1: {  	s0 =	rddreg [dreg:$0x0]  }
0x2: {  	s1 =	rddreg [dreg:$0x1]  }
0x3: {  	s2 =	rddreg [dreg:$0x2]  }
0x4: {  	s4 =	rddreg [dreg:$0x3]  }
0x5: {  	s5 =	rddreg [dreg:$0x4]  }
0x6: {  	s3 =	srdreg.scid;
	s8 =	stileid.u32  }
0x7: {  	s6 =	rddreg [dreg:$0x5];
	s3 =	sand.u32 $0x1, s3;
	s8 =	sshll.u32 s8, $0x1  }
0x8: {  	s7 =	rddreg [dreg:$0x6];
	s12 =	simm.s32 $0x0;
	s8 =	sor.u32 s3, s8  }
0x9: {  	[smem:$0x7FF] =	sst s12;
	s24 =	sadd.s32 $0x600, s0;
	s10 =	smul.u32 $0x4E2, s8  }
0xa: {  	s0 =	sadd.s32 $0x14000, s0;
	_ =	strace $0x80000047;
	[dreg:$0x13] =	wrdreg s24  }
0xb: {  	[dreg:$0x14] =	wrdreg s0;
	s1 =	sadd.s32 s1, s10  }
0xc: {  	s26 =	sadd.s32 s2, s10;
	[dreg:$0x15] =	wrdreg s1  }
0xd: {  	s9 =	ssub.s32 $0x2, s3;
	s28 =	sadd.s32 s4, s10;
	[dreg:$0x16] =	wrdreg s26  }
0xe: {  	s11 =	sshrl.u32 s9, $0x1;
	s30 =	sadd.s32 s5, s10;
	[dreg:$0x17] =	wrdreg s28  }
0xf: {  	s25 =	ssub.s32 s9, s11;
	s31 =	sadd.s32 s6, s10;
	[dreg:$0x18] =	wrdreg s30  }
0x10: {  	s29 =	sshll.u32 s8, $0x1;
	s0 =	smax.u32 s25, $0x1;
	[dreg:$0x19] =	wrdreg s31  }
0x11: {  	s1 =	sadd.s32 s7, s29;
	[dreg:$0x1b] =	wrdreg s0  }
0x12: {  	vm0 =	vcmask $0x300;
	s2 =	simm.s32 $0x0;
	[dreg:$0x1a] =	wrdreg s1;
	s1 =	simm.s32 $0x3  }
.LBB2_1:
0x13: {  	[dreg:$0x1c] =	wrdreg s2  }
0x14: {  	s0 =	rddreg [dreg:$0x15]  }
0x15: {  	[tilespmem:s12], [sflag:$0x3] =	stream.linear.gather [hbm4b:s0+s12], $0x2710, $0x38;
	[tilespmem:$0x18B60] =	vst v63  }
0x16: {  	_ =	swait.ge [sflag:s1], $0x2710  }
0x17: {  	[sflag:s1] =	ssyncset.done $0x0  }
0x18: {  	s19 =	simm.s32 $0x2710;
	s18 =	rddreg [dreg:$0x16];
	[sflag:s1] =	ssyncadd.s32 $0xFFFFD8F0  }
0x19: {  	[tilespmem:s19], [sflag:$0x3] =	stream.linear.gather [hbm4b:s18+s12], $0x2710, $0x38;
	[tilespmem:$0x18B60] =	vst v63  }
0x1a: {  	_ =	swait.ge [sflag:s1], $0x2710  }
0x1b: {  	[sflag:s1] =	ssyncset.done $0x0  }
0x1c: {  	s3 =	simm.s32 $0x4E20;
	s20 =	rddreg [dreg:$0x17];
	[sflag:s1] =	ssyncadd.s32 $0xFFFFD8F0  }
0x1d: {  	[tilespmem:s3], [sflag:$0x3] =	stream.linear.gather [hbm4b:s20+s12], $0x2710, $0x38;
	[tilespmem:$0x18B60] =	vst v63  }
0x1e: {  	_ =	swait.ge [sflag:s1], $0x2710  }
0x1f: {  	[sflag:s1] =	ssyncset.done $0x0  }
0x20: {  	s4 =	simm.s32 $0x7530;
	s21 =	rddreg [dreg:$0x18];
	[sflag:s1] =	ssyncadd.s32 $0xFFFFD8F0  }
0x21: {  	[tilespmem:s4], [sflag:$0x3] =	stream.linear.gather [hbm4b:s21+s12], $0x2710, $0x38;
	[tilespmem:$0x18B60] =	vst v63  }
0x22: {  	_ =	swait.ge [sflag:s1], $0x2710  }
0x23: {  	[sflag:s1] =	ssyncset.done $0x0  }
0x24: {  	s5 =	simm.s32 $0x9C40;
	s22 =	rddreg [dreg:$0x19];
	[sflag:s1] =	ssyncadd.s32 $0xFFFFD8F0  }
0x25: {  	[tilespmem:s5], [sflag:$0x3] =	stream.linear.gather [hbm4b:s22+s12], $0x2710, $0x38;
	[tilespmem:$0x18B60] =	vst v63  }
0x26: {  	_ =	swait.ge [sflag:s1], $0x2710  }
0x27: {  	s24 =	simm.s32 $0x50;
	[sflag:s1] =	ssyncset.done $0x0  }
0x28: {  	s6 =	simm.s32 $0xC350;
	s23 =	rddreg [dreg:$0x13];
	[sflag:s1] =	ssyncadd.s32 $0xFFFFD8F0  }
0x29: {  	[tilespmem:s6], [sflag:$0x1] =	stream.indirect.gather [hbm4b:s23+s24], $0x40, s12, s24, $0xb8;
	[tilespmem:$0x18B60] =	vst v63  }
0x2a: {  	s25 =	simm.s32 $0xD750  }
0x2b: {  	[tilespmem:s25], [sflag:$0x1] =	stream.indirect.gather [hbm4b:s23+s24], $0x40, s19, s24, $0xb8;
	[tilespmem:$0x18B60] =	vst v63  }
0x2c: {  	s26 =	simm.s32 $0xEB50  }
0x2d: {  	[tilespmem:s26], [sflag:$0x1] =	stream.indirect.gather [hbm4b:s23+s24], $0x40, s3, s24, $0xb8;
	[tilespmem:$0x18B60] =	vst v63  }
0x2e: {  	s28 =	simm.s32 $0xFF50;
	s31 =	simm.s32 $0x11350  }
0x2f: {  	[tilespmem:s28], [sflag:$0x1] =	stream.indirect.gather [hbm4b:s23+s24], $0x40, s4, s24, $0xb8;
	[tilespmem:$0x18B60] =	vst v63  }
0x30: {  	s30 =	simm.f32 $0.0e+00;
	s2 =	simm.s32 $0x0;
	s29 =	rddreg [dreg:$0x14]  }
0x31: {  	[tilespmem:s31], [sflag:$0x1] =	stream.indirect.gather [hbm4b:s29+s24], $0x40, s5, s24, $0xb8;
	[tilespmem:$0x18B60] =	vst v63  }
.LBB2_2:
0x32: {  	s4 =	smul.u32 $0xA0, s2  }
0x33: {  	s0 =	rddreg [dreg:$0x13]  }
0x34: {  	s18 =	simm.s32 $0x50;
	s3 =	simm.s32 $0x12750;
	s1 =	sadd.s32 $0x50, s4  }
0x35: {  	[tilespmem:s3], [sflag:$0x2] =	stream.indirect.gather [hbm4b:s0+s18], $0x40, s1, s18, $0xb8;
	[tilespmem:$0x18B60] =	vst v63  }
0x36: {  	[dreg:$0x1d] =	wrdreg s2;
	s20 =	simm.s32 $0x13B50;
	s19 =	sadd.s32 $0x2760, s4  }
0x37: {  	[tilespmem:s20], [sflag:$0x2] =	stream.indirect.gather [hbm4b:s0+s18], $0x40, s19, s18, $0xb8;
	[tilespmem:$0x18B60] =	vst v63  }
0x38: {  	s22 =	simm.s32 $0x14F50;
	s24 =	simm.s32 $0x16350;
	s21 =	sadd.s32 $0x4E70, s4  }
0x39: {  	[tilespmem:s22], [sflag:$0x2] =	stream.indirect.gather [hbm4b:s0+s18], $0x40, s21, s18, $0xb8;
	[tilespmem:$0x18B60] =	vst v63  }
0x3a: {  	s26 =	rddreg [dreg:$0x14];
	s28 =	simm.s32 $0x17750;
	s23 =	sadd.s32 $0x7580, s4  }
0x3b: {  	[tilespmem:s24], [sflag:$0x2] =	stream.indirect.gather [hbm4b:s0+s18], $0x40, s23, s18, $0xb8;
	[tilespmem:$0x18B60] =	vst v63  }
0x3c: {  	s29 =	simm.s32 $0x1;
	[dreg:$0x1e] =	wrdreg s4;
	s25 =	sadd.s32 $0x9C90, s4  }
0x3d: {  	[tilespmem:s28], [sflag:$0x2] =	stream.indirect.gather [hbm4b:s26+s18], $0x40, s25, s18, $0xb8;
	[tilespmem:$0x18B60] =	vst v63  }
0x3e: {  	_ =	swait.ge [sflag:s29], $0x6400  }
0x3f: {  	[sflag:s29] =	ssyncset.done $0x0  }
0x40: {  	s31 =	simm.s32 $0xC350;
	[sflag:s29] =	ssyncadd.s32 $0xFFFF9C00  }
0x41: {  	v0 =	vld [tilespmem:s31+$0x14F0]  }
0x42: {  	v1 =	vld [tilespmem:s31+$0x3CF0]  }
0x43: {  	v2 =	vld [tilespmem:s31+$0x14B0]  }
0x44: {  	v3 =	vld [tilespmem:s31+$0x3CB0]  }
0x45: {  	v4 =	vld [tilespmem:s31+$0x50F0]  }
0x46: {  	v5 =	vld [tilespmem:s31+$0xF0]  }
0x47: {  	v6 =	vld [tilespmem:s31+$0x28F0]  }
0x48: {  	v7 =	vld [tilespmem:s31+$0x1470]  }
0x49: {  	v8 =	vld [tilespmem:s31+$0x3C70]  }
0x4a: {  	v9 =	vld [tilespmem:s31+$0x50B0]  }
0x4b: {  	v10 =	vld [tilespmem:s31+$0xB0]  }
0x4c: {  	v11 =	vld [tilespmem:s31+$0x28B0]  }
0x4d: {  	v12 =	vld [tilespmem:s31+$0x14E0]  }
0x4e: {  	v13 =	vld [tilespmem:s31+$0x3CE0]  }
0x4f: {  	v14 =	vld [tilespmem:s31+$0x1430]  }
0x50: {  	v15 =	vld [tilespmem:s31+$0x3C30]  }
0x51: {  	v16 =	vld [tilespmem:s31+$0x5070]  }
0x52: {  	v17 =	vld [tilespmem:s31+$0x70]  }
0x53: {  	v18 =	vld [tilespmem:s31+$0x2870]  }
0x54: {  	v19 =	vld [tilespmem:s31+$0x14A0]  }
0x55: {  	v20 =	vld [tilespmem:s31+$0x3CA0]  }
0x56: {  	v21 =	vld [tilespmem:s31+$0x50E0]  }
0x57: {  	v22 =	vld [tilespmem:s31+$0xE0]  }
0x58: {  	v23 =	vld [tilespmem:s31+$0x28E0]  }
0x59: {  	v24 =	vld [tilespmem:s31+$0x5030]  }
0x5a: {  	v25 =	vld [tilespmem:s31+$0x30]  }
0x5b: {  	v26 =	vld [tilespmem:s31+$0x2830]  }
0x5c: {  	v29 =	vld [tilespmem:s31+$0x50A0]  }
0x5d: {  	v30 =	vld [tilespmem:s31+$0xA0]  }
0x5e: {  	v31 =	vld [tilespmem:s31+$0x28A0]  }
0x5f: {  	v34 =	vld [tilespmem:s31+$0x5060]  }
0x60: {  	v35 =	vld [tilespmem:s31+$0x60]  }
0x61: {  	v36 =	vld [tilespmem:s31+$0x2860]  }
0x62: {  	v37 =	vld [tilespmem:s31+$0x50D0]  }
0x63: {  	v38 =	vld [tilespmem:s31+$0xD0]  }
0x64: {  	v39 =	vld [tilespmem:s31+$0x28D0]  }
0x65: {  	v40 =	vld [tilespmem:s31+$0x5020]  }
0x66: {  	v41 =	vld [tilespmem:s31+$0x20]  }
0x67: {  	v42 =	vld [tilespmem:s31+$0x2820]  }
0x68: {  	v43 =	vld [tilespmem:s31+$0x5090]  }
0x69: {  	v44 =	vld [tilespmem:s31+$0x90]  }
0x6a: {  	v45 =	vld [tilespmem:s31+$0x2890]  }
0x6b: {  	v46 =	vld [tilespmem:s31+$0x50C0]  }
0x6c: {  	v47 =	vld [tilespmem:s31+$0xC0]  }
0x6d: {  	v48 =	vld [tilespmem:s31+$0x28C0];
	v5 =	vadd.bf16 v5, v4  }
0x6e: {  	v49 =	vld [tilespmem:s31+$0x5050];
	v4 =	vadd.bf16 v6, v4;
	v6 =	vadd.bf16 v10, v9  }
0x6f: {  	v50 =	vld [tilespmem:s31+$0x50];
	v9 =	vadd.bf16 v11, v9;
	v11 =	vadd.bf16 v17, v16  }
0x70: {  	v51 =	vld [tilespmem:s31+$0x2850];
	v16 =	vadd.bf16 v18, v16;
	v18 =	vadd.bf16 v22, v21  }
0x71: {  	v52 =	vld [tilespmem:s31+$0x5080];
	v21 =	vadd.bf16 v23, v21;
	v23 =	vadd.bf16 v25, v24  }
0x72: {  	v53 =	vld [tilespmem:s31+$0x80];
	v24 =	vadd.bf16 v26, v24;
	v26 =	vadd.bf16 v30, v29  }
0x73: {  	v59 =	vld [tilespmem:s31+$0x5000];
	v29 =	vadd.bf16 v31, v29;
	v31 =	vadd.bf16 v35, v34  }
0x74: {  	v60 =	vld [tilespmem:s31+$0x0];
	v34 =	vadd.bf16 v36, v34;
	v63 =	vadd.bf16 v38, v37  }
0x75: {  	v61 =	vld [tilespmem:s31+$0x2800];
	v37 =	vadd.bf16 v39, v37;
	v39 =	vadd.bf16 v41, v40  }
0x76: {  	v27 =	vld [tilespmem:s31+$0x1460];
	v40 =	vadd.bf16 v42, v40;
	v42 =	vadd.bf16 v44, v43  }
0x77: {  	v28 =	vld [tilespmem:s31+$0x3C60];
	v43 =	vadd.bf16 v45, v43;
	v45 =	vadd.bf16 v47, v46  }
0x78: {  	v32 =	vld [tilespmem:s31+$0x14D0];
	v46 =	vadd.bf16 v48, v46;
	v48 =	vadd.bf16 v50, v49  }
0x79: {  	v33 =	vld [tilespmem:s31+$0x3CD0];
	v49 =	vadd.bf16 v51, v49;
	v51 =	vadd.bf16 v53, v52  }
0x7a: {  	v57 =	vld [tilespmem:s31+$0x2810];
	v44 =	vadd.bf16 v60, v59;
	v41 =	vadd.bf16 v61, v59  }
0x7b: {  	v58 =	vld [tilespmem:s31+$0x2840];
	v5 =	vsub.bf16 v5, v0;
	v4 =	vsub.bf16 v4, v1  }
0x7c: {  	v62 =	vld [tilespmem:s31+$0x1420];
	v2 =	vsub.bf16 v6, v2;
	v3 =	vsub.bf16 v9, v3  }
0x7d: {  	v56 =	vld [tilespmem:s31+$0x3C20];
	v7 =	vsub.bf16 v11, v7;
	v8 =	vsub.bf16 v16, v8  }
0x7e: {  	v10 =	vld [tilespmem:s31+$0x2880];
	v11 =	vsub.bf16 v18, v12;
	v13 =	vsub.bf16 v21, v13  }
0x7f: {  	v17 =	vld [tilespmem:s31+$0x5010];
	v14 =	vsub.bf16 v23, v14;
	v0 =	vsub.bf16 v24, v15  }
0x80: {  	v22 =	vld [tilespmem:s31+$0x10];
	v16 =	vsub.bf16 v26, v19;
	v19 =	vsub.bf16 v29, v20  }
0x81: {  	v30 =	vld [tilespmem:s31+$0x5040];
	v20 =	vsub.bf16 v31, v27;
	v23 =	vsub.bf16 v34, v28  }
0x82: {  	v35 =	vld [tilespmem:s31+$0x40];
	v24 =	vsub.bf16 v63, v32;
	v54 =	vsub.bf16 v37, v33  }
0x83: {  	v59 =	vld [tilespmem:s31+$0x14C0];
	v55 =	vsub.bf16 v39, v62;
	v1 =	vsub.bf16 v40, v56  }
0x84: {  	v60 =	vld [tilespmem:s31+$0x1410];
	v29 =	vunpack.i.u.bf16.f32 v2;
	v31 =	vunpack.i.u.bf16.f32 v4;
	v34 =	vunpack.i.u.bf16.f32 v3  }
0x85: {  	v61 =	vld [tilespmem:s31+$0x3C10];
	v37 =	vunpack.i.l.bf16.f32 v4;
	v38 =	vunpack.i.u.bf16.f32 v7;
	v39 =	vunpack.i.u.bf16.f32 v8  }
0x86: {  	v6 =	vld [tilespmem:s31+$0x1450];
	v40 =	vunpack.i.l.bf16.f32 v2;
	v2 =	vunpack.i.u.bf16.f32 v14;
	v7 =	vunpack.i.l.bf16.f32 v7  }
0x87: {  	v9 =	vld [tilespmem:s31+$0x3C50];
	v8 =	vunpack.i.l.bf16.f32 v8;
	v4 =	vunpack.i.u.bf16.f32 v55;
	v10 =	vadd.bf16 v10, v52  }
0x88: {  	v12 =	vld [tilespmem:s31+$0x1480];
	v27 =	vunpack.i.l.bf16.f32 v54;
	v22 =	vadd.bf16 v22, v17;
	v17 =	vadd.bf16 v57, v17  }
0x89: {  	v15 =	vld [tilespmem:s31+$0x3C80];
	v28 =	vunpack.i.l.bf16.f32 v55;
	v35 =	vadd.bf16 v35, v30;
	v30 =	vadd.bf16 v58, v30  }
0x8a: {  	v63 =	vld [tilespmem:s31+$0x1440];
	v59 =	vsub.bf16 v45, v59;
	v31 =	vmul.f32 v31, v31;
	v29 =	vmul.f32 v29, v29  }
0x8b: {  	v56 =	vld [tilespmem:s31+$0x3C40];
	v45 =	vunpack.i.u.bf16.f32 v19;
	v34 =	vmul.f32 v34, v34;
	v37 =	vmul.f32 v37, v37  }
0x8c: {  	v62 =	vld [tilespmem:s31+$0x3C00];
	v19 =	vunpack.i.l.bf16.f32 v19;
	v38 =	vmul.f32 v38, v38;
	v39 =	vmul.f32 v39, v39  }
0x8d: {  	v40 =	vmul.f32 v40, v40;
	v7 =	vmul.f32 v7, v7;
	v6 =	vsub.bf16 v48, v6  }
0x8e: {  	v8 =	vmul.f32 v8, v8;
	v9 =	vsub.bf16 v49, v9;
	v12 =	vsub.bf16 v51, v12  }
0x8f: {  	v27 =	vmul.f32 v27, v27;
	v10 =	vsub.bf16 v10, v15;
	v15 =	vsub.bf16 v22, v60  }
0x90: {  	v45 =	vmul.f32 v45, v45;
	v17 =	vsub.bf16 v17, v61;
	v18 =	vsub.bf16 v35, v63  }
0x91: {  	v21 =	vsub.bf16 v30, v56;
	v26 =	vsub.bf16 v41, v62;
	v30 =	vunpack.i.u.bf16.f32 v5  }
0x92: {  	v35 =	vunpack.i.l.bf16.f32 v5;
	v41 =	vunpack.i.l.bf16.f32 v3;
	v3 =	vunpack.i.l.bf16.f32 v14  }
0x93: {  	v63 =	vunpack.i.u.bf16.f32 v20;
	v60 =	vunpack.i.u.bf16.f32 v23;
	v61 =	vunpack.i.u.bf16.f32 v24  }
0x94: {  	v62 =	vunpack.i.u.bf16.f32 v54;
	v24 =	vunpack.i.l.bf16.f32 v24;
	v30 =	vmul.f32 v30, v30  }
0x95: {  	v5 =	vunpack.i.l.bf16.f32 v1;
	v35 =	vmul.f32 v35, v35;
	v14 =	vmul.f32 v63, v63  }
0x96: {  	v57 =	vld [tilespmem:s31+$0x1490];
	v33 =	vunpack.i.l.bf16.f32 v59;
	v47 =	vmul.f32 v61, v61;
	v48 =	vmul.f32 v62, v62  }
0x97: {  	v58 =	vld [tilespmem:s31+$0x3C90];
	v53 =	vunpack.i.u.bf16.f32 v59;
	v24 =	vmul.f32 v24, v24;
	v33 =	vmul.f32 v33, v33  }
0x98: {  	v52 =	vld [tilespmem:s31+$0x3CC0];
	v23 =	vunpack.i.l.bf16.f32 v23;
	v53 =	vmul.f32 v53, v53;
	v5 =	vmul.f32 v5, v5  }
0x99: {  	v51 =	vunpack.i.u.bf16.f32 v6;
	v55 =	vunpack.i.u.bf16.f32 v15;
	v56 =	vunpack.i.u.bf16.f32 v17  }
0x9a: {  	v6 =	vunpack.i.l.bf16.f32 v6;
	v15 =	vunpack.i.l.bf16.f32 v15;
	v17 =	vunpack.i.l.bf16.f32 v17  }
0x9b: {  	v59 =	vunpack.i.u.bf16.f32 v18;
	v18 =	vunpack.i.l.bf16.f32 v18;
	v62 =	vunpack.i.u.bf16.f32 v26  }
0x9c: {  	v26 =	vunpack.i.l.bf16.f32 v26;
	v25 =	vsub.bf16 v42, v57;
	v58 =	vsub.bf16 v43, v58  }
0x9d: {  	v36 =	vsub.bf16 v46, v52;
	v42 =	vunpack.i.u.bf16.f32 v11;
	v43 =	vunpack.i.u.bf16.f32 v13  }
0x9e: {  	v11 =	vunpack.i.l.bf16.f32 v11;
	v46 =	vmul.f32 v60, v60;
	v18 =	vmul.f32 v18, v18  }
0x9f: {  	v13 =	vunpack.i.l.bf16.f32 v13;
	v26 =	vmul.f32 v26, v26;
	v6 =	vmul.f32 v6, v6  }
0xa0: {  	v33 =	vadd.f32 v33, v53;
	v15 =	vmul.f32 v15, v15;
	v53 =	vmul.f32 v23, v23  }
0xa1: {  	v52 =	vunpack.i.u.bf16.f32 v9;
	v17 =	vmul.f32 v17, v17;
	v56 =	vmul.f32 v56, v56  }
0xa2: {  	v60 =	vunpack.i.u.bf16.f32 v21;
	v42 =	vmul.f32 v42, v42;
	v43 =	vmul.f32 v43, v43  }
0xa3: {  	v21 =	vunpack.i.l.bf16.f32 v21;
	v11 =	vmul.f32 v11, v11;
	v13 =	vmul.f32 v13, v13  }
0xa4: {  	v9 =	vunpack.i.l.bf16.f32 v9;
	v21 =	vmul.f32 v21, v21;
	v60 =	vmul.f32 v60, v60  }
0xa5: {  	v20 =	vunpack.i.l.bf16.f32 v20;
	v9 =	vmul.f32 v9, v9;
	v52 =	vmul.f32 v52, v52  }
0xa6: {  	v49 =	vunpack.i.u.bf16.f32 v25;
	v50 =	vunpack.i.u.bf16.f32 v58;
	v25 =	vunpack.i.l.bf16.f32 v25  }
0xa7: {  	v57 =	vld [tilespmem:s31+$0x1400];
	v32 =	vunpack.i.l.bf16.f32 v58;
	v54 =	vunpack.i.u.bf16.f32 v36;
	v36 =	vunpack.i.l.bf16.f32 v36  }
0xa8: {  	v58 =	vunpack.i.u.bf16.f32 v10;
	v24 =	vadd.f32 v24, v33;
	v33 =	vmul.f32 v62, v62  }
0xa9: {  	v10 =	vunpack.i.l.bf16.f32 v10;
	v25 =	vmul.f32 v25, v25;
	v36 =	vmul.f32 v36, v36  }
0xaa: {  	v1 =	vunpack.i.u.bf16.f32 v1;
	v54 =	vmul.f32 v54, v54;
	v10 =	vmul.f32 v10, v10  }
0xab: {  	v63 =	vmul.f32 v58, v58;
	v58 =	vmul.f32 v59, v59;
	v21 =	vadd.f32 v21, v60  }
0xac: {  	v24 =	vadd.f32 v24, v47;
	v47 =	vmul.f32 v32, v32;
	v22 =	vsub.bf16 v44, v57  }
0xad: {  	v44 =	vunpack.i.u.bf16.f32 v16;
	v57 =	vunpack.i.u.bf16.f32 v12;
	v36 =	vadd.f32 v36, v54  }
0xae: {  	v12 =	vunpack.i.l.bf16.f32 v12;
	v10 =	vadd.f32 v10, v63;
	v18 =	vadd.f32 v18, v58  }
0xaf: {  	v9 =	vadd.f32 v9, v21;
	v12 =	vmul.f32 v12, v12;
	v11 =	vadd.f32 v11, v24  }
0xb0: {  	v57 =	vmul.f32 v57, v57;
	v24 =	vadd.f32 v26, v33;
	v27 =	vadd.f32 v27, v36  }
0xb1: {  	v61 =	vunpack.i.u.bf16.f32 v22;
	v10 =	vadd.f32 v47, v10;
	v6 =	vadd.f32 v6, v18  }
0xb2: {  	v22 =	vunpack.i.l.bf16.f32 v22;
	v9 =	vadd.f32 v9, v52;
	v12 =	vadd.f32 v12, v57  }
0xb3: {  	v22 =	vmul.f32 v22, v22;
	v63 =	vmul.f32 v61, v61;
	v11 =	vadd.f32 v11, v42  }
0xb4: {  	v54 =	vmul.f32 v55, v55;
	v55 =	vadd.f32 v17, v24;
	v27 =	vadd.f32 v27, v48  }
0xb5: {  	v48 =	vmul.f32 v50, v50;
	v9 =	vadd.f32 v53, v9;
	v22 =	vadd.f32 v22, v63  }
0xb6: {  	v50 =	vmul.f32 v51, v51;
	v12 =	vadd.f32 v25, v12;
	v11 =	vadd.f32 v35, v11  }
0xb7: {  	v36 =	vmul.f32 v49, v49;
	v59 =	vadd.f32 v55, v56;
	v13 =	vadd.f32 v13, v27  }
0xb8: {  	v16 =	vunpack.i.l.bf16.f32 v16;
	v10 =	vadd.f32 v10, v48;
	v6 =	vadd.f32 v6, v50  }
0xb9: {  	v49 =	vmul.f32 v19, v19;
	v58 =	vadd.f32 v9, v46;
	v12 =	vadd.f32 v12, v36  }
0xba: {  	v51 =	vmul.f32 v20, v20;
	v11 =	vadd.f32 v11, v30;
	v15 =	vadd.f32 v15, v22  }
0xbb: {  	v16 =	vmul.f32 v16, v16;
	v5 =	vadd.f32 v5, v59;
	v13 =	vadd.f32 v13, v43  }
0xbc: {  	v1 =	vmul.f32 v1, v1;
	v10 =	vadd.f32 v49, v10;
	v6 =	vadd.f32 v51, v6  }
0xbd: {  	v44 =	vmul.f32 v44, v44;
	v12 =	vadd.f32 v16, v12;
	v15 =	vadd.f32 v15, v54  }
0xbe: {  	v57 =	vmul.f32 v28, v28;
	v1 =	vadd.f32 v5, v1;
	v13 =	vadd.f32 v37, v13  }
0xbf: {  	v4 =	vmul.f32 v4, v4;
	v10 =	vadd.f32 v10, v45;
	v12 =	vadd.f32 v12, v44  }
0xc0: {  	v41 =	vmul.f32 v41, v41;
	v6 =	vadd.f32 v6, v14;
	v60 =	vadd.f32 v57, v15  }
0xc1: {  	v2 =	vmul.f32 v2, v2;
	v13 =	vadd.f32 v13, v31;
	v12 =	vadd.f32 v40, v12  }
0xc2: {  	v3 =	vmul.f32 v3, v3;
	v10 =	vadd.f32 v41, v10;
	v6 =	vadd.f32 v7, v6  }
0xc3: {  	v61 =	vunpack.i.l.bf16.f32 v0;
	(xrf2) =	vadd.scan.msk.f32 $0xffff, v11;
	v4 =	vadd.f32 v60, v4;
	v12 =	vadd.f32 v12, v29  }
0xc4: {  	v62 =	vmul.f32 v61, v61;
	v7 =	vadd.f32 v8, v58;
	v10 =	vadd.f32 v10, v34;
	(xrf2) =	vadd.scan.msk.f32 $0xffff, v13  }
0xc5: {  	v0 =	vunpack.i.u.bf16.f32 v0;
	v6 =	vadd.f32 v6, v38;
	v3 =	vadd.f32 v3, v4;
	(xrf2) =	vadd.scan.msk.f32 $0xffff, v12  }
0xc6: {  	v0 =	vmul.f32 v0, v0;
	v1 =	vadd.f32 v62, v1;
	v63 =	vadd.f32 v7, v39;
	(xrf2) =	vadd.scan.msk.f32 $0xffff, v10  }
0xc7: {  	v2 =	vadd.f32 v3, v2;
	(xrf2) =	vadd.scan.msk.f32 $0xffff, v6  }
0xc8: {  	v0 =	vadd.f32 v1, v0;
	(xrf2) =	vadd.scan.msk.f32 $0xffff, v63  }
0xc9: {  	(xrf2) =	vadd.scan.msk.f32 $0xffff, v2  }
0xca: {  	(xrf2) =	vadd.scan.msk.f32 $0xffff, v0;
	_ =	sdelay $0x2  }
0xcb: {  	v0, _, _ =	vpop (xrf2)  }
0xcc: {  	(v2sf) =	vpush v0, $0xF;
	v1, _, _ =	vpop (xrf2)  }
0xcd: {  	(v2sf) =	vpush v1, $0xF;
	v0, _, _ =	vpop (xrf2)  }
0xce: {  	v1, _, _ =	vpop (xrf2);
	(v2sf) =	vpush v0, $0xF  }
0xcf: {  	v0, _, _ =	vpop (xrf2);
	(v2sf) =	vpush v1, $0xF  }
0xd0: {  	v1, _, _ =	vpop (xrf2);
	(v2sf) =	vpush v0, $0xF  }
0xd1: {  	v0, _, _ =	vpop (xrf2);
	(v2sf) =	vpush v1, $0xF  }
0xd2: {  	s15 =	simm.s32 $0xC450;
	s0 =	simm.s32 $0x0;
	(v2sf) =	vpush v0, $0xF;
	v0, _, _ =	vpop (xrf2)  }
.LBB2_3:
0xd3: {  	v1 =	vld [tilespmem:s15+$0x14F0]  }
0xd4: {  	v3 =	vld [tilespmem:s15+$0x3CF0]  }
0xd5: {  	(v2sf) =	vpush v0, $0xF;
	v0 =	vld [tilespmem:s15+$0x14B0]  }
0xd6: {  	v2 =	vld [tilespmem:s15+$0x3CB0]  }
0xd7: {  	v16 =	vld [tilespmem:s15+$0x50F0]  }
0xd8: {  	v17 =	vld [tilespmem:s15+$0xF0]  }
0xd9: {  	v18 =	vld [tilespmem:s15+$0x28F0]  }
0xda: {  	v4 =	vld [tilespmem:s15+$0x1470]  }
0xdb: {  	v5 =	vld [tilespmem:s15+$0x3C70]  }
0xdc: {  	v19 =	vld [tilespmem:s15+$0x50B0]  }
0xdd: {  	v20 =	vld [tilespmem:s15+$0xB0]  }
0xde: {  	v21 =	vld [tilespmem:s15+$0x28B0]  }
0xdf: {  	v6 =	vld [tilespmem:s15+$0x14E0]  }
0xe0: {  	v8 =	vld [tilespmem:s15+$0x3CE0]  }
0xe1: {  	v7 =	vld [tilespmem:s15+$0x1430]  }
0xe2: {  	v9 =	vld [tilespmem:s15+$0x3C30]  }
0xe3: {  	v22 =	vld [tilespmem:s15+$0x5070]  }
0xe4: {  	v23 =	vld [tilespmem:s15+$0x70]  }
0xe5: {  	v24 =	vld [tilespmem:s15+$0x2870]  }
0xe6: {  	v10 =	vld [tilespmem:s15+$0x14A0]  }
0xe7: {  	v11 =	vld [tilespmem:s15+$0x3CA0]  }
0xe8: {  	v25 =	vld [tilespmem:s15+$0x50E0]  }
0xe9: {  	v26 =	vld [tilespmem:s15+$0xE0]  }
0xea: {  	v27 =	vld [tilespmem:s15+$0x28E0]  }
0xeb: {  	v28 =	vld [tilespmem:s15+$0x5030]  }
0xec: {  	v29 =	vld [tilespmem:s15+$0x30]  }
0xed: {  	v30 =	vld [tilespmem:s15+$0x2830]  }
0xee: {  	v12 =	vld [tilespmem:s15+$0x1460]  }
0xef: {  	v13 =	vld [tilespmem:s15+$0x3C60]  }
0xf0: {  	v31 =	vld [tilespmem:s15+$0x50A0]  }
0xf1: {  	v32 =	vld [tilespmem:s15+$0xA0]  }
0xf2: {  	v33 =	vld [tilespmem:s15+$0x28A0]  }
0xf3: {  	v34 =	vld [tilespmem:s15+$0x5060]  }
0xf4: {  	v35 =	vld [tilespmem:s15+$0x60]  }
0xf5: {  	v36 =	vld [tilespmem:s15+$0x2860]  }
0xf6: {  	v37 =	vld [tilespmem:s15+$0x50D0]  }
0xf7: {  	v38 =	vld [tilespmem:s15+$0xD0]  }
0xf8: {  	v39 =	vld [tilespmem:s15+$0x28D0]  }
0xf9: {  	v40 =	vld [tilespmem:s15+$0x5020]  }
0xfa: {  	v41 =	vld [tilespmem:s15+$0x20]  }
0xfb: {  	v42 =	vld [tilespmem:s15+$0x2820]  }
0xfc: {  	v43 =	vld [tilespmem:s15+$0x5090]  }
0xfd: {  	v44 =	vld [tilespmem:s15+$0x90]  }
0xfe: {  	v45 =	vld [tilespmem:s15+$0x2890]  }
0xff: {  	v46 =	vld [tilespmem:s15+$0x50C0]  }
0x100: {  	v47 =	vld [tilespmem:s15+$0xC0]  }
0x101: {  	v48 =	vld [tilespmem:s15+$0x28C0];
	v17 =	vadd.bf16 v17, v16;
	v16 =	vadd.bf16 v18, v16  }
0x102: {  	v49 =	vld [tilespmem:s15+$0x5050];
	v20 =	vadd.bf16 v20, v19;
	v19 =	vadd.bf16 v21, v19  }
0x103: {  	v50 =	vld [tilespmem:s15+$0x50];
	v23 =	vadd.bf16 v23, v22;
	v22 =	vadd.bf16 v24, v22  }
0x104: {  	v51 =	vld [tilespmem:s15+$0x2850];
	v26 =	vadd.bf16 v26, v25;
	v25 =	vadd.bf16 v27, v25  }
0x105: {  	v52 =	vld [tilespmem:s15+$0x5080];
	v29 =	vadd.bf16 v29, v28;
	v28 =	vadd.bf16 v30, v28  }
0x106: {  	v53 =	vld [tilespmem:s15+$0x80];
	v32 =	vadd.bf16 v32, v31;
	v31 =	vadd.bf16 v33, v31  }
0x107: {  	v62 =	vld [tilespmem:s15+$0x5000];
	v35 =	vadd.bf16 v35, v34;
	v34 =	vadd.bf16 v36, v34  }
0x108: {  	v56 =	vld [tilespmem:s15+$0x0];
	v38 =	vadd.bf16 v38, v37;
	v37 =	vadd.bf16 v39, v37  }
0x109: {  	v57 =	vld [tilespmem:s15+$0x2800];
	v41 =	vadd.bf16 v41, v40;
	v40 =	vadd.bf16 v42, v40  }
0x10a: {  	v14 =	vld [tilespmem:s15+$0x14D0];
	v44 =	vadd.bf16 v44, v43;
	v43 =	vadd.bf16 v45, v43  }
0x10b: {  	v15 =	vld [tilespmem:s15+$0x3CD0];
	v47 =	vadd.bf16 v47, v46;
	v46 =	vadd.bf16 v48, v46  }
0x10c: {  	v63 =	vld [tilespmem:s15+$0x2810];
	v50 =	vadd.bf16 v50, v49;
	v49 =	vadd.bf16 v51, v49  }
0x10d: {  	v60 =	vld [tilespmem:s15+$0x40];
	v53 =	vadd.bf16 v53, v52;
	v42 =	vadd.bf16 v56, v62  }
0x10e: {  	v61 =	vld [tilespmem:s15+$0x2840];
	v39 =	vadd.bf16 v57, v62;
	v17 =	vsub.bf16 v17, v1  }
0x10f: {  	v58 =	vld [tilespmem:s15+$0x1420];
	v3 =	vsub.bf16 v16, v3;
	v20 =	vsub.bf16 v20, v0  }
0x110: {  	v59 =	vld [tilespmem:s15+$0x3C20];
	v2 =	vsub.bf16 v19, v2;
	v4 =	vsub.bf16 v23, v4  }
0x111: {  	v54 =	vld [tilespmem:s15+$0x3C80];
	v5 =	vsub.bf16 v22, v5;
	v6 =	vsub.bf16 v26, v6  }
0x112: {  	v55 =	vld [tilespmem:s15+$0x1410];
	v8 =	vsub.bf16 v25, v8;
	v7 =	vsub.bf16 v29, v7  }
0x113: {  	v18 =	vld [tilespmem:s15+$0x2880];
	v0 =	vsub.bf16 v28, v9;
	v10 =	vsub.bf16 v32, v10  }
0x114: {  	v21 =	vld [tilespmem:s15+$0x5010];
	v11 =	vsub.bf16 v31, v11;
	v12 =	vsub.bf16 v35, v12  }
0x115: {  	v24 =	vld [tilespmem:s15+$0x10];
	v26 =	vsub.bf16 v34, v13;
	v14 =	vsub.bf16 v38, v14  }
0x116: {  	v30 =	vld [tilespmem:s15+$0x5040];
	v15 =	vsub.bf16 v37, v15;
	v28 =	vsub.bf16 v41, v58  }
0x117: {  	v62 =	vld [tilespmem:s15+$0x3CC0];
	v1 =	vsub.bf16 v40, v59;
	v31 =	vunpack.i.u.bf16.f32 v20;
	v34 =	vunpack.i.u.bf16.f32 v3  }
0x118: {  	v56 =	vld [tilespmem:s15+$0x3C10];
	s9 =	spop (v2sf);
	v38 =	vunpack.i.u.bf16.f32 v2;
	v40 =	vunpack.i.l.bf16.f32 v3;
	v41 =	vunpack.i.u.bf16.f32 v4  }
0x119: {  	v16 =	vld [tilespmem:s15+$0x1450];
	s6 =	smul.f32 $5.000000000e-01, s9;
	s8 =	spop (v2sf);
	v20 =	vunpack.i.l.bf16.f32 v20;
	v45 =	vunpack.i.u.bf16.f32 v8;
	v48 =	vunpack.i.u.bf16.f32 v10  }
0x11a: {  	v19 =	vld [tilespmem:s15+$0x3C50];
	s4 =	sshra.s32 s9, $0x1;
	v3 =	vunpack.i.l.bf16.f32 v7;
	s5 =	smul.f32 $5.000000000e-01, s8;
	s1 =	spop (v2sf);
	v18 =	vadd.bf16 v18, v52;
	v24 =	vadd.bf16 v24, v21  }
0x11b: {  	v22 =	vld [tilespmem:s15+$0x1480];
	v51 =	vunpack.i.u.bf16.f32 v12;
	s4 =	ssub.s32 $0x5F3759DF, s4;
	v21 =	vadd.bf16 v63, v21;
	v33 =	vadd.bf16 v60, v30;
	s12 =	smul.f32 $5.000000000e-01, s1  }
0x11c: {  	v57 =	vld [tilespmem:s15+$0x1440];
	v13 =	vunpack.i.l.bf16.f32 v11;
	s18 =	sshra.s32 s8, $0x1;
	v30 =	vadd.bf16 v61, v30;
	v62 =	vsub.bf16 v46, v62;
	s2 =	spop (v2sf);
	s22 =	smul.f32 s4, s6  }
0x11d: {  	v58 =	vld [tilespmem:s15+$0x3C40];
	v46 =	vunpack.i.l.bf16.f32 v4;
	v52 =	vunpack.i.l.bf16.f32 v8;
	v4 =	vunpack.i.u.bf16.f32 v28;
	s19 =	ssub.s32 $0x5F3759DF, s18;
	s23 =	smul.f32 $5.000000000e-01, s2  }
0x11e: {  	v59 =	vld [tilespmem:s15+$0x1400];
	v8 =	vunpack.i.l.bf16.f32 v26;
	v34 =	vmul.f32 v34, v34;
	v20 =	vmul.f32 v20, v20;
	s20 =	sshra.s32 s1, $0x1;
	s16 =	spop (v2sf);
	s29 =	smul.f32 s19, s5  }
0x11f: {  	v13 =	vmul.f32 v13, v13;
	s18 =	ssub.s32 $0x5F3759DF, s20;
	v16 =	vsub.bf16 v50, v16;
	v19 =	vsub.bf16 v49, v19;
	s24 =	smul.f32 $5.000000000e-01, s16  }
0x120: {  	v3 =	vmul.f32 v3, v3;
	v22 =	vsub.bf16 v53, v22;
	v37 =	vsub.bf16 v18, v54;
	s17 =	smul.f32 s18, s12  }
0x121: {  	v8 =	vmul.f32 v8, v8;
	s3 =	sshra.s32 s2, $0x1;
	v23 =	vsub.bf16 v24, v55;
	v21 =	vsub.bf16 v21, v56;
	s7 =	spop (v2sf);
	s22 =	smul.f32 s4, s22  }
0x122: {  	v4 =	vmul.f32 v4, v4;
	v24 =	vsub.bf16 v33, v57;
	v25 =	vsub.bf16 v30, v58;
	s21 =	ssub.s32 $0x5F3759DF, s3;
	s25 =	smul.f32 $5.000000000e-01, s7  }
0x123: {  	[dreg:$0xb] =	wrdreg s30;
	v63 =	vld [tilespmem:s15+$0x1490];
	v29 =	vsub.bf16 v42, v59;
	v33 =	vunpack.i.u.bf16.f32 v17;
	v42 =	vunpack.i.u.bf16.f32 v5;
	s3 =	smul.f32 s21, s23  }
0x124: {  	v60 =	vld [tilespmem:s15+$0x3C90];
	v49 =	vunpack.i.u.bf16.f32 v11;
	v50 =	vunpack.i.l.bf16.f32 v6;
	v53 =	vunpack.i.u.bf16.f32 v26;
	s30 =	sshra.s32 s16, $0x1;
	s10 =	spop (v2sf);
	s29 =	smul.f32 s19, s29  }
0x125: {  	v54 =	vunpack.i.u.bf16.f32 v14;
	v55 =	vunpack.i.u.bf16.f32 v15;
	v57 =	vunpack.i.l.bf16.f32 v14;
	s20 =	ssub.s32 $0x5F3759DF, s30;
	s26 =	smul.f32 $5.000000000e-01, s10  }
0x126: {  	v58 =	vunpack.i.l.bf16.f32 v15;
	v36 =	vunpack.i.l.bf16.f32 v62;
	v14 =	vmul.f32 v38, v38;
	s13 =	smul.f32 s20, s24  }
0x127: {  	v59 =	vunpack.i.u.bf16.f32 v62;
	v11 =	vmul.f32 v41, v41;
	v36 =	vmul.f32 v36, v36;
	s30 =	sshra.s32 s7, $0x1;
	s11 =	spop (v2sf);
	s17 =	smul.f32 s18, s17  }
0x128: {  	[dreg:$0x8] =	wrdreg s0;
	v61 =	vld [tilespmem:s15+$0x14C0];
	v59 =	vmul.f32 v59, v59;
	v18 =	vunpack.i.u.bf16.f32 v16;
	v15 =	vunpack.i.u.bf16.f32 v19;
	s0 =	ssub.s32 $0x5F3759DF, s30;
	s28 =	smul.f32 $5.000000000e-01, s11  }
0x129: {  	s31 =	sshra.s32 s10, $0x1;
	v27 =	vsub.bf16 v44, v63;
	v63 =	vsub.bf16 v43, v60;
	v43 =	vunpack.i.l.bf16.f32 v2;
	s14 =	smul.f32 s0, s25  }
0x12a: {  	[dreg:$0x10] =	wrdreg s1;
	v44 =	vunpack.i.u.bf16.f32 v6;
	v2 =	vunpack.i.u.bf16.f32 v7;
	v7 =	vmul.f32 v42, v42;
	s31 =	ssub.s32 $0x5F3759DF, s31;
	s3 =	smul.f32 s21, s3  }
0x12b: {  	v9 =	vunpack.i.u.bf16.f32 v21;
	s22 =	ssub.f32 $1.500000000e+00, s22;
	v41 =	vmul.f32 v43, v43;
	v42 =	vmul.f32 v44, v44;
	s1 =	smul.f32 s31, s26  }
0x12c: {  	v21 =	vunpack.i.l.bf16.f32 v21;
	s30 =	sshra.s32 s11, $0x1;
	v43 =	vmul.f32 v45, v45;
	v44 =	vmul.f32 v46, v46;
	s13 =	smul.f32 s20, s13  }
0x12d: {  	[dreg:$0xd] =	wrdreg s2;
	v61 =	vsub.bf16 v47, v61;
	v45 =	vmul.f32 v48, v48;
	v46 =	vmul.f32 v49, v49;
	s30 =	ssub.s32 $0x5F3759DF, s30;
	s4 =	smul.f32 s4, s22  }
0x12e: {  	v47 =	vunpack.i.l.bf16.f32 v5;
	s29 =	ssub.f32 $1.500000000e+00, s29;
	v48 =	vmul.f32 v50, v50;
	v49 =	vmul.f32 v52, v52;
	s2 =	smul.f32 s30, s28  }
0x12f: {  	v6 =	vunpack.i.l.bf16.f32 v28;
	v50 =	vmul.f32 v51, v51;
	v51 =	vmul.f32 v53, v53;
	s14 =	smul.f32 s0, s14  }
0x130: {  	v52 =	vunpack.i.u.bf16.f32 v25;
	v53 =	vmul.f32 v54, v54;
	v54 =	vmul.f32 v55, v55;
	s17 =	ssub.f32 $1.500000000e+00, s17;
	s29 =	smul.f32 s19, s29  }
0x131: {  	v25 =	vunpack.i.l.bf16.f32 v25;
	v55 =	vmul.f32 v57, v57;
	v57 =	vmul.f32 v58, v58;
	s1 =	smul.f32 s31, s1  }
0x132: {  	v58 =	vunpack.i.u.bf16.f32 v29;
	v29 =	vunpack.i.l.bf16.f32 v29;
	v26 =	vunpack.i.u.bf16.f32 v27;
	s22 =	ssub.f32 $1.500000000e+00, s3;
	s3 =	smul.f32 s18, s17  }
0x133: {  	v27 =	vunpack.i.l.bf16.f32 v27;
	v32 =	vunpack.i.u.bf16.f32 v61;
	v35 =	vunpack.i.l.bf16.f32 v61;
	s13 =	ssub.f32 $1.500000000e+00, s13;
	s2 =	smul.f32 s30, s2  }
0x134: {  	v60 =	vld [tilespmem:s15+$0x3C00];
	v61 =	vunpack.i.l.bf16.f32 v19;
	v19 =	vmul.f32 v31, v31;
	v25 =	vmul.f32 v25, v25;
	s22 =	smul.f32 s21, s22  }
0x135: {  	v31 =	vunpack.i.u.bf16.f32 v22;
	v52 =	vmul.f32 v52, v52;
	v29 =	vmul.f32 v29, v29;
	s21 =	smul.f32 s20, s13  }
0x136: {  	v22 =	vunpack.i.l.bf16.f32 v22;
	v27 =	vmul.f32 v27, v27;
	v35 =	vmul.f32 v35, v35;
	s14 =	ssub.f32 $1.500000000e+00, s14;
	s13 =	smul.f32 s4, s6  }
0x137: {  	v56 =	vunpack.i.u.bf16.f32 v63;
	v32 =	vmul.f32 v32, v32;
	v22 =	vmul.f32 v22, v22;
	s17 =	smul.f32 s3, s12  }
0x138: {  	v28 =	vunpack.i.l.bf16.f32 v63;
	v31 =	vmul.f32 v31, v31;
	v26 =	vmul.f32 v26, v26;
	s20 =	smul.f32 s0, s14  }
0x139: {  	v28 =	vmul.f32 v28, v28;
	v25 =	vadd.f32 v25, v52;
	v30 =	vsub.bf16 v39, v60;
	s1 =	ssub.f32 $1.500000000e+00, s1;
	s14 =	smul.f32 s29, s5  }
0x13a: {  	v39 =	vunpack.i.l.bf16.f32 v17;
	v17 =	vunpack.i.l.bf16.f32 v10;
	v10 =	vunpack.i.l.bf16.f32 v12;
	s23 =	smul.f32 s22, s23  }
0x13b: {  	v60 =	vunpack.i.l.bf16.f32 v16;
	v16 =	vmul.f32 v47, v47;
	v47 =	vunpack.i.u.bf16.f32 v24;
	s19 =	smul.f32 s31, s1  }
0x13c: {  	v24 =	vunpack.i.l.bf16.f32 v24;
	v32 =	vadd.f32 v35, v32;
	v22 =	vadd.f32 v22, v31;
	s2 =	ssub.f32 $1.500000000e+00, s2;
	s24 =	smul.f32 s21, s24  }
0x13d: {  	v38 =	vmul.f32 v39, v39;
	v39 =	vmul.f32 v40, v40;
	v40 =	vunpack.i.u.bf16.f32 v37;
	s0 =	smul.f32 s13, s4  }
0x13e: {  	v37 =	vunpack.i.l.bf16.f32 v37;
	v24 =	vmul.f32 v24, v24;
	v63 =	vmul.f32 v47, v47;
	s18 =	smul.f32 s30, s2  }
0x13f: {  	v17 =	vmul.f32 v17, v17;
	v62 =	vunpack.i.u.bf16.f32 v30;
	v37 =	vmul.f32 v37, v37;
	s25 =	smul.f32 s20, s25  }
0x140: {  	v30 =	vunpack.i.l.bf16.f32 v30;
	v35 =	vmul.f32 v40, v40;
	v32 =	vadd.f32 v55, v32;
	s1 =	smul.f32 s14, s29  }
0x141: {  	v55 =	vadd.f32 v36, v59;
	v59 =	vmul.f32 v58, v58;
	v22 =	vadd.f32 v27, v22;
	s2 =	smul.f32 s17, s3  }
0x142: {  	v24 =	vadd.f32 v24, v63;
	v30 =	vmul.f32 v30, v30;
	s5 =	smul.f32 s23, s22;
	v32 =	vadd.f32 v32, v53  }
0x143: {  	v62 =	vmul.f32 v62, v62;
	v35 =	vadd.f32 v37, v35;
	v31 =	vadd.f32 v57, v55;
	s26 =	smul.f32 s19, s26  }
0x144: {  	v40 =	vmul.f32 v56, v56;
	v29 =	vadd.f32 v29, v59;
	s6 =	smul.f32 s24, s21;
	v32 =	vadd.f32 v48, v32  }
0x145: {  	v56 =	vmul.f32 v21, v21;
	v22 =	vadd.f32 v22, v26;
	v30 =	vadd.f32 v30, v62;
	s28 =	smul.f32 s18, s28  }
0x146: {  	v12 =	vunpack.i.u.bf16.f32 v23;
	s0 =	ssub.f32 $1.500000000e+00, s0;
	s12 =	smul.f32 s25, s20;
	v31 =	vadd.f32 v31, v54;
	v63 =	vadd.f32 v32, v42  }
0x147: {  	v23 =	vunpack.i.l.bf16.f32 v23;
	v17 =	vadd.f32 v17, v22;
	s13 =	smul.f32 s26, s19;
	v57 =	vadd.f32 v56, v30  }
0x148: {  	s1 =	ssub.f32 $1.500000000e+00, s1;
	v54 =	vmul.f32 v23, v23;
	s0 =	smul.f32 s0, s4;
	v37 =	vadd.f32 v38, v63;
	v38 =	vadd.f32 v28, v35  }
0x149: {  	s2 =	ssub.f32 $1.500000000e+00, s2;
	s14 =	smul.f32 s28, s18;
	v31 =	vadd.f32 v49, v31;
	v42 =	vmul.f32 v60, v60;
	v17 =	vadd.f32 v17, v45  }
0x14a: {  	v33 =	vmul.f32 v33, v33;
	s31 =	ssub.f32 $1.500000000e+00, s5;
	s1 =	smul.f32 s1, s29;
	v55 =	vadd.f32 v54, v29;
	v47 =	vadd.f32 v38, v40  }
0x14b: {  	s6 =	ssub.f32 $1.500000000e+00, s6;
	s2 =	smul.f32 s2, s3;
	v49 =	vmul.f32 v61, v61;
	v31 =	vadd.f32 v31, v43;
	v24 =	vadd.f32 v42, v24  }
0x14c: {  	v5 =	vunpack.i.l.bf16.f32 v1;
	s17 =	smul.f32 s31, s22;
	v17 =	vadd.f32 v20, v17;
	v13 =	vadd.f32 v13, v47  }
0x14d: {  	v18 =	vmul.f32 v18, v18;
	s12 =	ssub.f32 $1.500000000e+00, s12;
	s6 =	smul.f32 s6, s21;
	v53 =	vadd.f32 v49, v25;
	v48 =	vadd.f32 v39, v31  }
0x14e: {  	v15 =	vmul.f32 v15, v15;
	s0 =	smul.f32 s0, s9;
	v43 =	vadd.f32 v37, v33;
	v13 =	vadd.f32 v13, v46  }
0x14f: {  	v12 =	vmul.f32 v12, v12;
	s22 =	ssub.f32 $1.500000000e+00, s13;
	s3 =	smul.f32 s12, s20;
	v18 =	vadd.f32 v24, v18;
	v52 =	vadd.f32 v48, v34  }
0x150: {  	v10 =	vmul.f32 v10, v10;
	s5 =	smul.f32 s1, s8;
	v17 =	vadd.f32 v17, v19;
	(xrf2) =	vadd.scan.msk.f32 $0xffff, v43;
	v13 =	vadd.f32 v41, v13  }
0x151: {  	v9 =	vmul.f32 v9, v9;
	s23 =	ssub.f32 $1.500000000e+00, s14;
	v12 =	vadd.f32 v55, v12;
	s4 =	smul.f32 s22, s19;
	v15 =	vadd.f32 v53, v15;
	(xrf2) =	vadd.scan.msk.f32 $0xffff, v52  }
0x152: {  	v6 =	vmul.f32 v6, v6;
	s6 =	smul.f32 s6, s16;
	v10 =	vadd.f32 v10, v18;
	(xrf2) =	vadd.scan.msk.f32 $0xffff, v17;
	v13 =	vadd.f32 v13, v14  }
0x153: {  	v5 =	vmul.f32 v5, v5;
	s25 =	rddreg [dreg:$0x10];
	v9 =	vadd.f32 v57, v9;
	s12 =	smul.f32 s23, s18;
	v8 =	vadd.f32 v8, v15  }
0x154: {  	v1 =	vunpack.i.u.bf16.f32 v1;
	s26 =	rddreg [dreg:$0xd];
	v6 =	vadd.f32 v6, v12;
	s4 =	smul.f32 s4, s10;
	v10 =	vadd.f32 v10, v50;
	(xrf2) =	vadd.scan.msk.f32 $0xffff, v13  }
0x155: {  	v1 =	vmul.f32 v1, v1;
	s29 =	rddreg [dreg:$0xb];
	v5 =	vadd.f32 v5, v9;
	s24 =	smul.f32 s12, s11;
	v8 =	vadd.f32 v8, v51  }
0x156: {  	v2 =	vmul.f32 v2, v2;
	s3 =	smul.f32 s3, s7;
	s0 =	ssub.f32 s0, s5;
	v4 =	vadd.f32 v6, v4;
	v10 =	vadd.f32 v44, v10  }
0x157: {  	v61 =	vunpack.i.l.bf16.f32 v0;
	s1 =	smul.f32 s2, s25;
	v1 =	vadd.f32 v5, v1;
	s4 =	ssub.f32 s4, s24;
	v8 =	vadd.f32 v16, v8  }
0x158: {  	s2 =	smul.f32 s17, s26;
	v63 =	vmul.f32 v61, v61;
	s3 =	ssub.f32 s6, s3;
	v62 =	vadd.f32 v3, v4;
	v10 =	vadd.f32 v10, v11  }
0x159: {  	v0 =	vunpack.i.u.bf16.f32 v0;
	s4 =	sadd.f32 $1.000000000e+00, s4;
	v59 =	vadd.f32 v8, v7  }
0x15a: {  	v0 =	vmul.f32 v0, v0;
	s1 =	ssub.f32 s1, s2;
	v4 =	vadd.f32 v63, v1;
	v2 =	vadd.f32 v62, v2;
	v58, _, _ =	vpop (xrf2);
	(xrf2) =	vadd.scan.msk.f32 $0xffff, v10  }
0x15b: {  	s3 =	sadd.f32 $1.000000000e+00, s3;
	s28 =	smax.f32 s4, $0.0e+00;
	v60, _, _ =	vpop (xrf2);
	(xrf2) =	vadd.scan.msk.f32 $0xffff, v59  }
0x15c: {  	s2 =	sadd.f32 s28, s29;
	v3, _, _ =	vpop (xrf2);
	(xrf2) =	vadd.scan.msk.f32 $0xffff, v2;
	v2 =	vadd.f32 v4, v0  }
0x15d: {  	s1 =	sadd.f32 $1.000000000e+00, s1;
	s3 =	smax.f32 s3, $0.0e+00  }
0x15e: {  	s2 =	sadd.f32 s3, s2;
	v1, _, _ =	vpop (xrf2);
	(xrf2) =	vadd.scan.msk.f32 $0xffff, v2  }
0x15f: {  	s0 =	sadd.f32 $1.000000000e+00, s0;
	s1 =	smax.f32 s1, $0.0e+00  }
0x160: {  	s1 =	sadd.f32 s1, s2  }
0x161: {  	s31 =	rddreg [dreg:$0x8];
	s0 =	smax.f32 s0, $0.0e+00  }
0x162: {  	(v2sf) =	vpush v58, $0xF;
	s30 =	sadd.f32 s0, s1;
	s0 =	sadd.s32 $0x4, s31  }
0x163: {  	(v2sf) =	vpush v60, $0xF;
	p0 =	slt.u32 s0, $0x4C  }
.Ltmp0:
0x164: {  	(v2sf) =	vpush v3, $0xF;
	(pc) =	sbr.rel @p0 .LBB2_3-.Ltmp0, $4  }
0x165: {  	(v2sf) =	vpush v1, $0xF;
	v0, _, _ =	vpop (xrf2)  }
0x166: {  	(v2sf) =	vpush v0, $0xF;
	v2, _, _ =	vpop (xrf2)  }
0x167: {  	v3, _, _ =	vpop (xrf2);
	(v2sf) =	vpush v2, $0xF  }
0x168: {  	s15 =	sadd.s32 $0x100, s15;
	(v2sf) =	vpush v3, $0xF;
	v0, _, _ =	vpop (xrf2)  }
0x169: {  	s4 =	rddreg [dreg:$0x1e]  }
0x16a: {  	s1 =	rddreg [dreg:$0x13]  }
0x16b: {  	(v2sf) =	vpush v0, $0xF;
	s2 =	simm.s32 $0x50;
	s3 =	simm.s32 $0xC350;
	s0 =	sadd.s32 $0xA0, s4  }
0x16c: {  	[tilespmem:s3], [sflag:$0x1] =	stream.indirect.gather [hbm4b:s1+s2], $0x40, s0, s2, $0xb8;
	[tilespmem:$0x18B60] =	vst v63  }
0x16d: {  	s24 =	simm.s32 $0xD750;
	s23 =	sadd.s32 $0x27B0, s4  }
0x16e: {  	[tilespmem:s24], [sflag:$0x1] =	stream.indirect.gather [hbm4b:s1+s2], $0x40, s23, s2, $0xb8;
	[tilespmem:$0x18B60] =	vst v63  }
0x16f: {  	s26 =	simm.s32 $0xEB50;
	s25 =	sadd.s32 $0x4EC0, s4  }
0x170: {  	[tilespmem:s26], [sflag:$0x1] =	stream.indirect.gather [hbm4b:s1+s2], $0x40, s25, s2, $0xb8;
	[tilespmem:$0x18B60] =	vst v63  }
0x171: {  	s31 =	simm.s32 $0xFF50;
	s28 =	sadd.s32 $0x75D0, s4;
	s9 =	spop (v2sf)  }
0x172: {  	[tilespmem:s31], [sflag:$0x1] =	stream.indirect.gather [hbm4b:s1+s2], $0x40, s28, s2, $0xb8;
	[tilespmem:$0x18B60] =	vst v63  }
0x173: {  	s10 =	rddreg [dreg:$0x14];
	s6 =	spop (v2sf)  }
0x174: {  	s11 =	simm.s32 $0x11350;
	s4 =	sadd.s32 $0x9CE0, s4;
	s15 =	spop (v2sf)  }
0x175: {  	[tilespmem:s11], [sflag:$0x1] =	stream.indirect.gather [hbm4b:s10+s2], $0x40, s4, s2, $0xb8;
	[tilespmem:$0x18B60] =	vst v63  }
0x176: {  	s14 =	spop (v2sf)  }
0x177: {  	s7 =	spop (v2sf)  }
0x178: {  	s16 =	spop (v2sf)  }
0x179: {  	s8 =	spop (v2sf)  }
0x17a: {  	s12 =	simm.s32 $0x2;
	s5 =	spop (v2sf)  }
0x17b: {  	_ =	swait.ge [sflag:s12], $0x6400  }
0x17c: {  	[sflag:s12] =	ssyncset.done $0x0  }
0x17d: {  	s13 =	simm.s32 $0x12750;
	[sflag:s12] =	ssyncadd.s32 $0xFFFF9C00  }
0x17e: {  	v0 =	vld [tilespmem:s13+$0x14F0]  }
0x17f: {  	v1 =	vld [tilespmem:s13+$0x3CF0]  }
0x180: {  	v2 =	vld [tilespmem:s13+$0x14B0]  }
0x181: {  	v3 =	vld [tilespmem:s13+$0x3CB0]  }
0x182: {  	v4 =	vld [tilespmem:s13+$0x50F0]  }
0x183: {  	v5 =	vld [tilespmem:s13+$0xF0]  }
0x184: {  	v6 =	vld [tilespmem:s13+$0x28F0]  }
0x185: {  	v7 =	vld [tilespmem:s13+$0x1470]  }
0x186: {  	v8 =	vld [tilespmem:s13+$0x3C70]  }
0x187: {  	v9 =	vld [tilespmem:s13+$0x50B0]  }
0x188: {  	v10 =	vld [tilespmem:s13+$0xB0]  }
0x189: {  	v11 =	vld [tilespmem:s13+$0x28B0]  }
0x18a: {  	v12 =	vld [tilespmem:s13+$0x14E0]  }
0x18b: {  	v13 =	vld [tilespmem:s13+$0x3CE0]  }
0x18c: {  	v14 =	vld [tilespmem:s13+$0x1430]  }
0x18d: {  	v15 =	vld [tilespmem:s13+$0x3C30]  }
0x18e: {  	v16 =	vld [tilespmem:s13+$0x5070]  }
0x18f: {  	v17 =	vld [tilespmem:s13+$0x70]  }
0x190: {  	v18 =	vld [tilespmem:s13+$0x2870]  }
0x191: {  	v19 =	vld [tilespmem:s13+$0x14A0]  }
0x192: {  	v20 =	vld [tilespmem:s13+$0x3CA0]  }
0x193: {  	v21 =	vld [tilespmem:s13+$0x50E0]  }
0x194: {  	v22 =	vld [tilespmem:s13+$0xE0]  }
0x195: {  	v23 =	vld [tilespmem:s13+$0x28E0]  }
0x196: {  	v24 =	vld [tilespmem:s13+$0x5030]  }
0x197: {  	v25 =	vld [tilespmem:s13+$0x30]  }
0x198: {  	v26 =	vld [tilespmem:s13+$0x2830]  }
0x199: {  	v27 =	vld [tilespmem:s13+$0x1460]  }
0x19a: {  	v28 =	vld [tilespmem:s13+$0x3C60]  }
0x19b: {  	v29 =	vld [tilespmem:s13+$0x50A0]  }
0x19c: {  	v30 =	vld [tilespmem:s13+$0xA0]  }
0x19d: {  	v31 =	vld [tilespmem:s13+$0x28A0]  }
0x19e: {  	v34 =	vld [tilespmem:s13+$0x5060]  }
0x19f: {  	v35 =	vld [tilespmem:s13+$0x60]  }
0x1a0: {  	v36 =	vld [tilespmem:s13+$0x2860]  }
0x1a1: {  	v37 =	vld [tilespmem:s13+$0x50D0]  }
0x1a2: {  	v38 =	vld [tilespmem:s13+$0xD0]  }
0x1a3: {  	v39 =	vld [tilespmem:s13+$0x28D0]  }
0x1a4: {  	v40 =	vld [tilespmem:s13+$0x5020]  }
0x1a5: {  	v41 =	vld [tilespmem:s13+$0x20]  }
0x1a6: {  	v42 =	vld [tilespmem:s13+$0x2820]  }
0x1a7: {  	v43 =	vld [tilespmem:s13+$0x5090]  }
0x1a8: {  	v44 =	vld [tilespmem:s13+$0x90]  }
0x1a9: {  	v45 =	vld [tilespmem:s13+$0x2890]  }
0x1aa: {  	v46 =	vld [tilespmem:s13+$0x50C0]  }
0x1ab: {  	v47 =	vld [tilespmem:s13+$0xC0]  }
0x1ac: {  	v48 =	vld [tilespmem:s13+$0x28C0]  }
0x1ad: {  	v49 =	vld [tilespmem:s13+$0x5050]  }
0x1ae: {  	v50 =	vld [tilespmem:s13+$0x50];
	v5 =	vadd.bf16 v5, v4  }
0x1af: {  	v51 =	vld [tilespmem:s13+$0x2850];
	v4 =	vadd.bf16 v6, v4;
	v6 =	vadd.bf16 v10, v9  }
0x1b0: {  	v52 =	vld [tilespmem:s13+$0x5080];
	v9 =	vadd.bf16 v11, v9;
	v11 =	vadd.bf16 v17, v16  }
0x1b1: {  	v53 =	vld [tilespmem:s13+$0x80];
	v16 =	vadd.bf16 v18, v16;
	v18 =	vadd.bf16 v22, v21  }
0x1b2: {  	v61 =	vld [tilespmem:s13+$0x5040];
	v21 =	vadd.bf16 v23, v21;
	v23 =	vadd.bf16 v25, v24  }
0x1b3: {  	v62 =	vld [tilespmem:s13+$0x40];
	v24 =	vadd.bf16 v26, v24;
	v26 =	vadd.bf16 v30, v29  }
0x1b4: {  	v63 =	vld [tilespmem:s13+$0x2840];
	v29 =	vadd.bf16 v31, v29;
	v31 =	vadd.bf16 v35, v34  }
0x1b5: {  	v56 =	vld [tilespmem:s13+$0x5000];
	v34 =	vadd.bf16 v36, v34;
	v36 =	vadd.bf16 v38, v37  }
0x1b6: {  	v57 =	vld [tilespmem:s13+$0x0];
	v37 =	vadd.bf16 v39, v37;
	v39 =	vadd.bf16 v41, v40  }
0x1b7: {  	v58 =	vld [tilespmem:s13+$0x2800];
	v40 =	vadd.bf16 v42, v40;
	v42 =	vadd.bf16 v44, v43  }
0x1b8: {  	v32 =	vld [tilespmem:s13+$0x14D0];
	v43 =	vadd.bf16 v45, v43;
	v45 =	vadd.bf16 v47, v46  }
0x1b9: {  	v33 =	vld [tilespmem:s13+$0x3CD0];
	v46 =	vadd.bf16 v48, v46;
	v48 =	vadd.bf16 v50, v49  }
0x1ba: {  	v60 =	vld [tilespmem:s13+$0x2810];
	v49 =	vadd.bf16 v51, v49;
	v51 =	vadd.bf16 v53, v52  }
0x1bb: {  	v59 =	vld [tilespmem:s13+$0x3C20];
	v35 =	vadd.bf16 v62, v61;
	v30 =	vadd.bf16 v63, v61  }
0x1bc: {  	v54 =	vld [tilespmem:s13+$0x3C50];
	v44 =	vadd.bf16 v57, v56;
	v41 =	vadd.bf16 v58, v56  }
0x1bd: {  	v55 =	vld [tilespmem:s13+$0x1480];
	v5 =	vsub.bf16 v5, v0;
	v4 =	vsub.bf16 v4, v1  }
0x1be: {  	v10 =	vld [tilespmem:s13+$0x2880];
	v2 =	vsub.bf16 v6, v2;
	v3 =	vsub.bf16 v9, v3  }
0x1bf: {  	v17 =	vld [tilespmem:s13+$0x5010];
	v7 =	vsub.bf16 v11, v7;
	v8 =	vsub.bf16 v16, v8  }
0x1c0: {  	v22 =	vld [tilespmem:s13+$0x10];
	v11 =	vsub.bf16 v18, v12;
	v13 =	vsub.bf16 v21, v13  }
0x1c1: {  	v50 =	vld [tilespmem:s13+$0x1420];
	v14 =	vsub.bf16 v23, v14;
	v0 =	vsub.bf16 v24, v15  }
0x1c2: {  	v38 =	vld [tilespmem:s13+$0x3C90];
	v16 =	vsub.bf16 v26, v19;
	v63 =	vsub.bf16 v29, v20  }
0x1c3: {  	v61 =	vld [tilespmem:s13+$0x14C0];
	v20 =	vsub.bf16 v31, v27;
	v23 =	vsub.bf16 v34, v28  }
0x1c4: {  	v58 =	vld [tilespmem:s13+$0x1440];
	v26 =	vsub.bf16 v36, v32;
	v29 =	vsub.bf16 v37, v33  }
0x1c5: {  	v56 =	vld [tilespmem:s13+$0x3C80];
	v1 =	vsub.bf16 v40, v59;
	v15 =	vunpack.i.u.bf16.f32 v2;
	v10 =	vadd.bf16 v10, v52  }
0x1c6: {  	v57 =	vld [tilespmem:s13+$0x3C10];
	v34 =	vunpack.i.u.bf16.f32 v3;
	v22 =	vadd.bf16 v22, v17;
	v17 =	vadd.bf16 v60, v17  }
0x1c7: {  	v6 =	vld [tilespmem:s13+$0x1450];
	v47 =	vunpack.i.l.bf16.f32 v2;
	v31 =	vsub.bf16 v39, v50;
	v32 =	vsub.bf16 v43, v38  }
0x1c8: {  	v59 =	vld [tilespmem:s13+$0x3C40];
	v2 =	vunpack.i.u.bf16.f32 v14;
	v33 =	vsub.bf16 v45, v61;
	v38 =	vsub.bf16 v49, v54  }
0x1c9: {  	v53 =	vunpack.i.u.bf16.f32 v16;
	v39 =	vsub.bf16 v51, v55;
	v35 =	vsub.bf16 v35, v58  }
0x1ca: {  	v45 =	vunpack.i.u.bf16.f32 v7;
	v49 =	vunpack.i.u.bf16.f32 v11;
	v50 =	vunpack.i.u.bf16.f32 v13  }
0x1cb: {  	v51 =	vunpack.i.l.bf16.f32 v7;
	v54 =	vunpack.i.u.bf16.f32 v63;
	v55 =	vunpack.i.l.bf16.f32 v11  }
0x1cc: {  	s1 =	smul.f32 $5.000000000e-01, s9;
	s17 =	sshra.s32 s9, $0x1;
	v58 =	vunpack.i.u.bf16.f32 v23;
	v37 =	vsub.bf16 v48, v6;
	v40 =	vsub.bf16 v10, v56  }
0x1cd: {  	s0 =	ssub.s32 $0x5F3759DF, s17;
	s23 =	smul.f32 $5.000000000e-01, s15;
	v11 =	vmul.f32 v45, v45;
	v43 =	vsub.bf16 v17, v57;
	v27 =	vsub.bf16 v30, v59  }
0x1ce: {  	s17 =	smul.f32 s0, s1;
	v30 =	vunpack.i.u.bf16.f32 v4;
	v48 =	vunpack.i.l.bf16.f32 v3;
	v3 =	vunpack.i.l.bf16.f32 v14  }
0x1cf: {  	s19 =	sshra.s32 s15, $0x1;
	s24 =	smul.f32 $5.000000000e-01, s14;
	v56 =	vunpack.i.u.bf16.f32 v20;
	v57 =	vunpack.i.l.bf16.f32 v13;
	v17 =	vunpack.i.l.bf16.f32 v16  }
0x1d0: {  	s4 =	ssub.s32 $0x5F3759DF, s19;
	s10 =	smul.f32 $5.000000000e-01, s7;
	v62 =	vld [tilespmem:s13+$0x1410];
	v13 =	vunpack.i.l.bf16.f32 v63;
	v59 =	vunpack.i.u.bf16.f32 v26;
	v10 =	vunpack.i.l.bf16.f32 v20  }
0x1d1: {  	s18 =	sshra.s32 s6, $0x1;
	s20 =	smul.f32 s4, s23;
	v60 =	vld [tilespmem:s13+$0x1490];
	v21 =	vunpack.i.u.bf16.f32 v32;
	v32 =	vunpack.i.l.bf16.f32 v32;
	v63 =	vunpack.i.u.bf16.f32 v33  }
0x1d2: {  	s3 =	ssub.s32 $0x5F3759DF, s18;
	s18 =	sshra.s32 s14, $0x1;
	s17 =	smul.f32 s0, s17;
	v52 =	vld [tilespmem:s13+$0x3CC0];
	v33 =	vunpack.i.l.bf16.f32 v33;
	v20 =	vmul.f32 v15, v15;
	v15 =	vmul.f32 v34, v34  }
0x1d3: {  	s21 =	ssub.s32 $0x5F3759DF, s18;
	s11 =	smul.f32 $5.000000000e-01, s16;
	v61 =	vld [tilespmem:s13+$0x3C00];
	v6 =	vunpack.i.l.bf16.f32 v31;
	v33 =	vmul.f32 v33, v33;
	v32 =	vmul.f32 v32, v32  }
0x1d4: {  	s18 =	smul.f32 s21, s24;
	v16 =	vunpack.i.u.bf16.f32 v38;
	v17 =	vmul.f32 v17, v17;
	v21 =	vmul.f32 v21, v21  }
0x1d5: {  	s20 =	smul.f32 s4, s20;
	v13 =	vmul.f32 v13, v13;
	v16 =	vmul.f32 v16, v16;
	v19 =	vunpack.i.u.bf16.f32 v37  }
0x1d6: {  	s12 =	smul.f32 $5.000000000e-01, s6;
	v9 =	vunpack.i.u.bf16.f32 v43;
	v37 =	vunpack.i.l.bf16.f32 v37;
	v45 =	vunpack.i.u.bf16.f32 v40  }
0x1d7: {  	s2 =	smul.f32 $5.000000000e-01, s5;
	v40 =	vunpack.i.l.bf16.f32 v40;
	v25 =	vsub.bf16 v42, v60;
	v36 =	vsub.bf16 v46, v52  }
0x1d8: {  	s19 =	smul.f32 s3, s12;
	v43 =	vunpack.i.l.bf16.f32 v43;
	v42 =	vsub.bf16 v22, v62;
	v18 =	vsub.bf16 v41, v61  }
0x1d9: {  	s18 =	smul.f32 s21, s18;
	s20 =	ssub.f32 $1.500000000e+00, s20;
	v22 =	vunpack.i.u.bf16.f32 v5;
	v41 =	vunpack.i.l.bf16.f32 v5;
	v46 =	vunpack.i.u.bf16.f32 v8  }
0x1da: {  	s17 =	ssub.f32 $1.500000000e+00, s17;
	s19 =	smul.f32 s3, s19;
	v52 =	vunpack.i.l.bf16.f32 v8;
	v8 =	vunpack.i.l.bf16.f32 v23;
	v61 =	vunpack.i.l.bf16.f32 v26  }
0x1db: {  	s28 =	ssub.f32 $1.500000000e+00, s18;
	s18 =	smul.f32 s4, s20;
	v62 =	vunpack.i.l.bf16.f32 v29;
	v23 =	vmul.f32 v30, v30;
	v26 =	vmul.f32 v58, v58  }
0x1dc: {  	s25 =	smul.f32 s0, s17;
	s19 =	ssub.f32 $1.500000000e+00, s19;
	v5 =	vunpack.i.l.bf16.f32 v1;
	v40 =	vmul.f32 v40, v40;
	v45 =	vmul.f32 v45, v45  }
0x1dd: {  	s22 =	sshra.s32 s7, $0x1;
	s23 =	smul.f32 s18, s23;
	v30 =	vunpack.i.l.bf16.f32 v38;
	v9 =	vmul.f32 v9, v9;
	v34 =	vmul.f32 v41, v41  }
0x1de: {  	s0 =	ssub.s32 $0x5F3759DF, s22;
	s26 =	smul.f32 s3, s19;
	v41 =	vunpack.i.u.bf16.f32 v39;
	v7 =	vmul.f32 v46, v46;
	v46 =	vmul.f32 v49, v49  }
0x1df: {  	s22 =	sshra.s32 s16, $0x1;
	s19 =	smul.f32 s0, s10;
	v39 =	vunpack.i.l.bf16.f32 v39;
	v14 =	vmul.f32 v52, v52;
	v49 =	vmul.f32 v54, v54  }
0x1e0: {  	s3 =	ssub.s32 $0x5F3759DF, s22;
	s22 =	smul.f32 s21, s28;
	v60 =	vld [tilespmem:s13+$0x1400];
	v52 =	vunpack.i.u.bf16.f32 v35;
	v35 =	vunpack.i.l.bf16.f32 v35;
	v54 =	vmul.f32 v59, v59  }
0x1e1: {  	s21 =	sshra.s32 s8, $0x1;
	s28 =	sshra.s32 s5, $0x1;
	s31 =	smul.f32 s3, s11;
	[tilespmem:$0x1FFF0] =	vst v0;
	v58 =	vmul.f32 v62, v62;
	v0 =	vunpack.i.u.bf16.f32 v36;
	v39 =	vmul.f32 v39, v39  }
0x1e2: {  	s17 =	ssub.s32 $0x5F3759DF, s21;
	s21 =	ssub.s32 $0x5F3759DF, s28;
	s19 =	smul.f32 s0, s19;
	v36 =	vunpack.i.l.bf16.f32 v36;
	v41 =	vmul.f32 v41, v41;
	v35 =	vmul.f32 v35, v35  }
0x1e3: {  	s28 =	smul.f32 s21, s2;
	v28 =	vunpack.i.u.bf16.f32 v25;
	v52 =	vmul.f32 v52, v52;
	v36 =	vmul.f32 v36, v36  }
0x1e4: {  	s4 =	smul.f32 s3, s31;
	v62 =	vadd.f32 v40, v45;
	v0 =	vmul.f32 v0, v0;
	v28 =	vmul.f32 v28, v28  }
0x1e5: {  	s24 =	smul.f32 s22, s24;
	s19 =	ssub.f32 $1.500000000e+00, s19;
	v39 =	vadd.f32 v39, v41;
	v24 =	vsub.bf16 v44, v60;
	v44 =	vunpack.i.l.bf16.f32 v4  }
0x1e6: {  	s29 =	smul.f32 s21, s28;
	s4 =	ssub.f32 $1.500000000e+00, s4;
	v4 =	vunpack.i.u.bf16.f32 v31;
	v60 =	vunpack.i.u.bf16.f32 v29;
	v29 =	vmul.f32 v22, v22  }
0x1e7: {  	s28 =	smul.f32 s0, s19;
	v31 =	vunpack.i.l.bf16.f32 v25;
	v25 =	vmul.f32 v48, v48;
	v22 =	vmul.f32 v51, v51  }
0x1e8: {  	s19 =	smul.f32 s3, s4;
	v35 =	vadd.f32 v35, v52;
	v48 =	vmul.f32 v53, v53;
	v51 =	vmul.f32 v57, v57  }
0x1e9: {  	s4 =	smul.f32 s25, s1;
	v32 =	vadd.f32 v32, v62;
	v53 =	vmul.f32 v56, v56;
	v57 =	vmul.f32 v61, v61  }
0x1ea: {  	s13 =	smul.f32 $5.000000000e-01, s8;
	v56 =	vunpack.i.u.bf16.f32 v27;
	v38 =	vmul.f32 v44, v44;
	v44 =	vmul.f32 v47, v47  }
0x1eb: {  	s0 =	smul.f32 s4, s25;
	v27 =	vunpack.i.l.bf16.f32 v27;
	v47 =	vmul.f32 v50, v50;
	v50 =	vmul.f32 v55, v55  }
0x1ec: {  	s4 =	smul.f32 s24, s22;
	v61 =	vunpack.i.u.bf16.f32 v18;
	v55 =	vmul.f32 v60, v60;
	v31 =	vmul.f32 v31, v31  }
0x1ed: {  	s31 =	smul.f32 s17, s13;
	v18 =	vunpack.i.l.bf16.f32 v18;
	v60 =	vmul.f32 v63, v63;
	v27 =	vmul.f32 v27, v27  }
0x1ee: {  	s3 =	smul.f32 s23, s18;
	s0 =	ssub.f32 $1.500000000e+00, s0;
	v0 =	vadd.f32 v36, v0;
	v56 =	vmul.f32 v56, v56;
	v18 =	vmul.f32 v18, v18  }
0x1ef: {  	s4 =	ssub.f32 $1.500000000e+00, s4;
	s20 =	smul.f32 s17, s31;
	v45 =	vmul.f32 v61, v61;
	v21 =	vadd.f32 v32, v21;
	v59 =	vunpack.i.u.bf16.f32 v24  }
0x1f0: {  	s25 =	smul.f32 s0, s25;
	v24 =	vunpack.i.l.bf16.f32 v24;
	v0 =	vadd.f32 v58, v0;
	v33 =	vadd.f32 v33, v60  }
0x1f1: {  	s31 =	ssub.f32 $1.500000000e+00, s29;
	s4 =	smul.f32 s4, s22;
	v24 =	vmul.f32 v24, v24;
	v27 =	vadd.f32 v27, v56;
	v31 =	vadd.f32 v31, v39  }
0x1f2: {  	s22 =	smul.f32 s19, s11;
	v63 =	vmul.f32 v59, v59;
	v18 =	vadd.f32 v18, v45;
	v13 =	vadd.f32 v13, v21  }
0x1f3: {  	v30 =	vmul.f32 v30, v30;
	s20 =	ssub.f32 $1.500000000e+00, s20;
	s21 =	smul.f32 s21, s31;
	v0 =	vadd.f32 v0, v55;
	v33 =	vadd.f32 v57, v33  }
0x1f4: {  	s31 =	ssub.f32 $1.500000000e+00, s3;
	s3 =	smul.f32 s22, s19;
	v58 =	vmul.f32 v43, v43;
	v24 =	vadd.f32 v24, v63;
	v28 =	vadd.f32 v31, v28  }
0x1f5: {  	v12 =	vunpack.i.u.bf16.f32 v42;
	s9 =	smul.f32 s25, s9;
	v55 =	vadd.f32 v30, v27;
	v13 =	vadd.f32 v13, v49  }
0x1f6: {  	v42 =	vunpack.i.l.bf16.f32 v42;
	s20 =	smul.f32 s17, s20;
	v59 =	vadd.f32 v58, v18;
	v0 =	vadd.f32 v51, v0  }
0x1f7: {  	s17 =	smul.f32 s26, s12;
	v56 =	vmul.f32 v42, v42;
	v33 =	vadd.f32 v33, v54;
	v17 =	vadd.f32 v17, v28  }
0x1f8: {  	s2 =	smul.f32 s21, s2;
	v51 =	vmul.f32 v37, v37;
	v16 =	vadd.f32 v55, v16;
	v13 =	vadd.f32 v25, v13  }
0x1f9: {  	v8 =	vmul.f32 v8, v8;
	s1 =	smul.f32 s17, s26;
	v57 =	vadd.f32 v56, v24;
	v9 =	vadd.f32 v59, v9  }
0x1fa: {  	v5 =	vmul.f32 v5, v5;
	s17 =	smul.f32 s31, s18;
	v0 =	vadd.f32 v0, v47;
	v54 =	vadd.f32 v51, v35  }
0x1fb: {  	v12 =	vmul.f32 v12, v12;
	s18 =	smul.f32 s28, s10;
	v33 =	vadd.f32 v50, v33;
	v17 =	vadd.f32 v17, v48  }
0x1fc: {  	v19 =	vmul.f32 v19, v19;
	s3 =	ssub.f32 $1.500000000e+00, s3;
	s24 =	smul.f32 s20, s13;
	v8 =	vadd.f32 v8, v16;
	v13 =	vadd.f32 v13, v15  }
0x1fd: {  	v2 =	vmul.f32 v2, v2;
	s2 =	smul.f32 s2, s21;
	v12 =	vadd.f32 v57, v12;
	v5 =	vadd.f32 v5, v9  }
0x1fe: {  	v10 =	vmul.f32 v10, v10;
	s3 =	smul.f32 s3, s19;
	v19 =	vadd.f32 v54, v19;
	v33 =	vadd.f32 v33, v46  }
0x1ff: {  	v6 =	vmul.f32 v6, v6;
	v60 =	vld [tilespmem:$0x1FFF0];
	s0 =	smul.f32 s18, s28;
	v0 =	vadd.f32 v38, v0;
	v17 =	vadd.f32 v44, v17  }
0x200: {  	v3 =	vmul.f32 v3, v3;
	s1 =	ssub.f32 $1.500000000e+00, s1;
	s10 =	smul.f32 s24, s20;
	v10 =	vadd.f32 v10, v19;
	v50 =	vadd.f32 v34, v33  }
0x201: {  	v1 =	vunpack.i.u.bf16.f32 v1;
	s2 =	ssub.f32 $1.500000000e+00, s2;
	s3 =	smul.f32 s3, s16;
	v8 =	vadd.f32 v8, v26;
	v6 =	vadd.f32 v6, v12  }
0x202: {  	v4 =	vmul.f32 v4, v4;
	s1 =	smul.f32 s1, s26;
	s0 =	ssub.f32 $1.500000000e+00, s0;
	v10 =	vadd.f32 v10, v53;
	v52 =	vadd.f32 v50, v29  }
0x203: {  	v1 =	vmul.f32 v1, v1;
	s10 =	ssub.f32 $1.500000000e+00, s10;
	s2 =	smul.f32 s2, s21;
	v0 =	vadd.f32 v0, v23;
	v17 =	vadd.f32 v17, v20  }
0x204: {  	v61 =	vunpack.i.l.bf16.f32 v60;
	s0 =	smul.f32 s0, s28;
	v4 =	vadd.f32 v6, v4;
	v10 =	vadd.f32 v22, v10;
	(xrf2) =	vadd.scan.msk.f32 $0xffff, v52  }
0x205: {  	v62 =	vmul.f32 v61, v61;
	s10 =	smul.f32 s10, s20;
	v1 =	vadd.f32 v5, v1;
	(xrf2) =	vadd.scan.msk.f32 $0xffff, v0;
	v0 =	vadd.f32 v14, v8  }
0x206: {  	v63 =	vunpack.i.u.bf16.f32 v60;
	s6 =	smul.f32 s1, s6;
	v3 =	vadd.f32 v3, v4;
	v10 =	vadd.f32 v10, v11;
	(xrf2) =	vadd.scan.msk.f32 $0xffff, v17  }
0x207: {  	s2 =	smul.f32 s2, s5;
	v1 =	vadd.f32 v62, v1;
	v4 =	vmul.f32 v63, v63;
	(xrf2) =	vadd.scan.msk.f32 $0xffff, v13;
	v0 =	vadd.f32 v0, v7  }
0x208: {  	s25 =	smul.f32 s10, s8;
	v2 =	vadd.f32 v3, v2;
	(xrf2) =	vadd.scan.msk.f32 $0xffff, v10  }
0x209: {  	s0 =	smul.f32 s0, s7;
	s26 =	ssub.f32 s9, s6;
	(xrf2) =	vadd.scan.msk.f32 $0xffff, v0;
	v0 =	vadd.f32 v1, v4  }
0x20a: {  	s1 =	smul.f32 s17, s15;
	s2 =	ssub.f32 s25, s2;
	(xrf2) =	vadd.scan.msk.f32 $0xffff, v2  }
0x20b: {  	s28 =	smul.f32 s4, s14;
	s0 =	ssub.f32 s0, s3;
	(xrf2) =	vadd.scan.msk.f32 $0xffff, v0  }
0x20c: {  	s2 =	sadd.f32 $1.000000000e+00, s2  }
0x20d: {  	s1 =	ssub.f32 s1, s28  }
0x20e: {  	s0 =	sadd.f32 $1.000000000e+00, s0;
	s2 =	smax.f32 s2, $0.0e+00;
	v0, _, _ =	vpop (xrf2)  }
0x20f: {  	s2 =	sadd.f32 s2, s30;
	v1, _, _ =	vpop (xrf2);
	(v2sf) =	vpush v0, $0xF  }
0x210: {  	s1 =	sadd.f32 $1.000000000e+00, s1;
	s0 =	smax.f32 s0, $0.0e+00;
	v0, _, _ =	vpop (xrf2);
	(v2sf) =	vpush v1, $0xF  }
0x211: {  	s0 =	sadd.f32 s0, s2;
	v1, _, _ =	vpop (xrf2);
	(v2sf) =	vpush v0, $0xF  }
0x212: {  	s1 =	smax.f32 s1, $0.0e+00;
	s30 =	sadd.f32 $1.000000000e+00, s26;
	v0, _, _ =	vpop (xrf2);
	(v2sf) =	vpush v1, $0xF  }
0x213: {  	s0 =	sadd.f32 s1, s0;
	v1, _, _ =	vpop (xrf2);
	(v2sf) =	vpush v0, $0xF  }
0x214: {  	s31 =	smax.f32 s30, $0.0e+00;
	v0, _, _ =	vpop (xrf2);
	(v2sf) =	vpush v1, $0xF  }
0x215: {  	s14 =	simm.s32 $0x12850;
	s29 =	sadd.f32 s31, s0;
	s0 =	simm.s32 $0x0;
	(v2sf) =	vpush v0, $0xF;
	v0, _, _ =	vpop (xrf2)  }
.LBB2_5:
0x216: {  	v1 =	vld [tilespmem:s14+$0x14F0]  }
0x217: {  	v3 =	vld [tilespmem:s14+$0x3CF0]  }
0x218: {  	(v2sf) =	vpush v0, $0xF;
	v0 =	vld [tilespmem:s14+$0x14B0]  }
0x219: {  	v2 =	vld [tilespmem:s14+$0x3CB0]  }
0x21a: {  	v16 =	vld [tilespmem:s14+$0x50F0]  }
0x21b: {  	v17 =	vld [tilespmem:s14+$0xF0]  }
0x21c: {  	v18 =	vld [tilespmem:s14+$0x28F0]  }
0x21d: {  	v4 =	vld [tilespmem:s14+$0x1470]  }
0x21e: {  	v5 =	vld [tilespmem:s14+$0x3C70]  }
0x21f: {  	v19 =	vld [tilespmem:s14+$0x50B0]  }
0x220: {  	v20 =	vld [tilespmem:s14+$0xB0]  }
0x221: {  	v21 =	vld [tilespmem:s14+$0x28B0]  }
0x222: {  	v6 =	vld [tilespmem:s14+$0x14E0]  }
0x223: {  	v8 =	vld [tilespmem:s14+$0x3CE0]  }
0x224: {  	v7 =	vld [tilespmem:s14+$0x1430]  }
0x225: {  	v9 =	vld [tilespmem:s14+$0x3C30]  }
0x226: {  	v22 =	vld [tilespmem:s14+$0x5070]  }
0x227: {  	v23 =	vld [tilespmem:s14+$0x70]  }
0x228: {  	v24 =	vld [tilespmem:s14+$0x2870]  }
0x229: {  	v10 =	vld [tilespmem:s14+$0x14A0]  }
0x22a: {  	v11 =	vld [tilespmem:s14+$0x3CA0]  }
0x22b: {  	v25 =	vld [tilespmem:s14+$0x50E0]  }
0x22c: {  	v26 =	vld [tilespmem:s14+$0xE0]  }
0x22d: {  	v27 =	vld [tilespmem:s14+$0x28E0]  }
0x22e: {  	v28 =	vld [tilespmem:s14+$0x5030]  }
0x22f: {  	v29 =	vld [tilespmem:s14+$0x30]  }
0x230: {  	v30 =	vld [tilespmem:s14+$0x2830]  }
0x231: {  	v12 =	vld [tilespmem:s14+$0x1460]  }
0x232: {  	v13 =	vld [tilespmem:s14+$0x3C60]  }
0x233: {  	v31 =	vld [tilespmem:s14+$0x50A0]  }
0x234: {  	v32 =	vld [tilespmem:s14+$0xA0]  }
0x235: {  	v33 =	vld [tilespmem:s14+$0x28A0]  }
0x236: {  	v34 =	vld [tilespmem:s14+$0x5060]  }
0x237: {  	v35 =	vld [tilespmem:s14+$0x60]  }
0x238: {  	v36 =	vld [tilespmem:s14+$0x2860]  }
0x239: {  	v37 =	vld [tilespmem:s14+$0x50D0]  }
0x23a: {  	v38 =	vld [tilespmem:s14+$0xD0]  }
0x23b: {  	v39 =	vld [tilespmem:s14+$0x28D0]  }
0x23c: {  	v40 =	vld [tilespmem:s14+$0x5020]  }
0x23d: {  	v41 =	vld [tilespmem:s14+$0x20]  }
0x23e: {  	v42 =	vld [tilespmem:s14+$0x2820]  }
0x23f: {  	v43 =	vld [tilespmem:s14+$0x5090]  }
0x240: {  	v44 =	vld [tilespmem:s14+$0x90]  }
0x241: {  	v45 =	vld [tilespmem:s14+$0x2890]  }
0x242: {  	v46 =	vld [tilespmem:s14+$0x50C0]  }
0x243: {  	v47 =	vld [tilespmem:s14+$0xC0]  }
0x244: {  	v48 =	vld [tilespmem:s14+$0x28C0];
	v17 =	vadd.bf16 v17, v16;
	v16 =	vadd.bf16 v18, v16  }
0x245: {  	v49 =	vld [tilespmem:s14+$0x5050];
	v20 =	vadd.bf16 v20, v19;
	v19 =	vadd.bf16 v21, v19  }
0x246: {  	v50 =	vld [tilespmem:s14+$0x50];
	v23 =	vadd.bf16 v23, v22;
	v22 =	vadd.bf16 v24, v22  }
0x247: {  	v51 =	vld [tilespmem:s14+$0x2850];
	v26 =	vadd.bf16 v26, v25;
	v25 =	vadd.bf16 v27, v25  }
0x248: {  	v52 =	vld [tilespmem:s14+$0x5080];
	v29 =	vadd.bf16 v29, v28;
	v28 =	vadd.bf16 v30, v28  }
0x249: {  	v53 =	vld [tilespmem:s14+$0x80];
	v32 =	vadd.bf16 v32, v31;
	v31 =	vadd.bf16 v33, v31  }
0x24a: {  	v62 =	vld [tilespmem:s14+$0x5000];
	v35 =	vadd.bf16 v35, v34;
	v34 =	vadd.bf16 v36, v34  }
0x24b: {  	v56 =	vld [tilespmem:s14+$0x0];
	v38 =	vadd.bf16 v38, v37;
	v37 =	vadd.bf16 v39, v37  }
0x24c: {  	v57 =	vld [tilespmem:s14+$0x2800];
	v41 =	vadd.bf16 v41, v40;
	v40 =	vadd.bf16 v42, v40  }
0x24d: {  	v14 =	vld [tilespmem:s14+$0x14D0];
	v44 =	vadd.bf16 v44, v43;
	v43 =	vadd.bf16 v45, v43  }
0x24e: {  	v15 =	vld [tilespmem:s14+$0x3CD0];
	v47 =	vadd.bf16 v47, v46;
	v46 =	vadd.bf16 v48, v46  }
0x24f: {  	v63 =	vld [tilespmem:s14+$0x2810];
	v50 =	vadd.bf16 v50, v49;
	v49 =	vadd.bf16 v51, v49  }
0x250: {  	v60 =	vld [tilespmem:s14+$0x40];
	v53 =	vadd.bf16 v53, v52;
	v42 =	vadd.bf16 v56, v62  }
0x251: {  	v61 =	vld [tilespmem:s14+$0x2840];
	v39 =	vadd.bf16 v57, v62;
	v17 =	vsub.bf16 v17, v1  }
0x252: {  	v58 =	vld [tilespmem:s14+$0x1420];
	v3 =	vsub.bf16 v16, v3;
	v20 =	vsub.bf16 v20, v0  }
0x253: {  	v59 =	vld [tilespmem:s14+$0x3C20];
	v2 =	vsub.bf16 v19, v2;
	v4 =	vsub.bf16 v23, v4  }
0x254: {  	v54 =	vld [tilespmem:s14+$0x3C80];
	v5 =	vsub.bf16 v22, v5;
	v6 =	vsub.bf16 v26, v6  }
0x255: {  	v55 =	vld [tilespmem:s14+$0x1410];
	v8 =	vsub.bf16 v25, v8;
	v7 =	vsub.bf16 v29, v7  }
0x256: {  	v18 =	vld [tilespmem:s14+$0x2880];
	v0 =	vsub.bf16 v28, v9;
	v10 =	vsub.bf16 v32, v10  }
0x257: {  	v21 =	vld [tilespmem:s14+$0x5010];
	v11 =	vsub.bf16 v31, v11;
	v12 =	vsub.bf16 v35, v12  }
0x258: {  	v24 =	vld [tilespmem:s14+$0x10];
	v26 =	vsub.bf16 v34, v13;
	v14 =	vsub.bf16 v38, v14  }
0x259: {  	v30 =	vld [tilespmem:s14+$0x5040];
	v15 =	vsub.bf16 v37, v15;
	v28 =	vsub.bf16 v41, v58  }
0x25a: {  	v62 =	vld [tilespmem:s14+$0x3CC0];
	v1 =	vsub.bf16 v40, v59;
	v31 =	vunpack.i.u.bf16.f32 v20;
	v34 =	vunpack.i.u.bf16.f32 v3  }
0x25b: {  	v56 =	vld [tilespmem:s14+$0x3C10];
	s9 =	spop (v2sf);
	v38 =	vunpack.i.u.bf16.f32 v2;
	v40 =	vunpack.i.l.bf16.f32 v3;
	v41 =	vunpack.i.u.bf16.f32 v4  }
0x25c: {  	v16 =	vld [tilespmem:s14+$0x1450];
	s6 =	smul.f32 $5.000000000e-01, s9;
	s8 =	spop (v2sf);
	v20 =	vunpack.i.l.bf16.f32 v20;
	v45 =	vunpack.i.u.bf16.f32 v8;
	v48 =	vunpack.i.u.bf16.f32 v10  }
0x25d: {  	v19 =	vld [tilespmem:s14+$0x3C50];
	s3 =	sshra.s32 s9, $0x1;
	v3 =	vunpack.i.l.bf16.f32 v7;
	s5 =	smul.f32 $5.000000000e-01, s8;
	s1 =	spop (v2sf);
	v18 =	vadd.bf16 v18, v52;
	v24 =	vadd.bf16 v24, v21  }
0x25e: {  	v22 =	vld [tilespmem:s14+$0x1480];
	v51 =	vunpack.i.u.bf16.f32 v12;
	s4 =	ssub.s32 $0x5F3759DF, s3;
	v21 =	vadd.bf16 v63, v21;
	v33 =	vadd.bf16 v60, v30;
	s12 =	smul.f32 $5.000000000e-01, s1  }
0x25f: {  	v57 =	vld [tilespmem:s14+$0x1440];
	v13 =	vunpack.i.l.bf16.f32 v11;
	s31 =	sshra.s32 s8, $0x1;
	v30 =	vadd.bf16 v61, v30;
	v62 =	vsub.bf16 v46, v62;
	s30 =	spop (v2sf);
	s22 =	smul.f32 s4, s6  }
0x260: {  	v58 =	vld [tilespmem:s14+$0x3C40];
	v46 =	vunpack.i.l.bf16.f32 v4;
	v52 =	vunpack.i.l.bf16.f32 v8;
	v4 =	vunpack.i.u.bf16.f32 v28;
	s17 =	sshra.s32 s1, $0x1;
	s19 =	ssub.s32 $0x5F3759DF, s31;
	s16 =	smul.f32 $5.000000000e-01, s30  }
0x261: {  	v59 =	vld [tilespmem:s14+$0x1400];
	v8 =	vunpack.i.l.bf16.f32 v26;
	v34 =	vmul.f32 v34, v34;
	v20 =	vmul.f32 v20, v20;
	s15 =	spop (v2sf);
	s18 =	ssub.s32 $0x5F3759DF, s17;
	s17 =	smul.f32 s19, s5  }
0x262: {  	v13 =	vmul.f32 v13, v13;
	v16 =	vsub.bf16 v50, v16;
	v19 =	vsub.bf16 v49, v19;
	s23 =	smul.f32 $5.000000000e-01, s15  }
0x263: {  	[dreg:$0x9] =	wrdreg s0;
	v3 =	vmul.f32 v3, v3;
	v22 =	vsub.bf16 v53, v22;
	v37 =	vsub.bf16 v18, v54;
	s28 =	smul.f32 s18, s12  }
0x264: {  	v8 =	vmul.f32 v8, v8;
	s0 =	sshra.s32 s30, $0x1;
	v23 =	vsub.bf16 v24, v55;
	v21 =	vsub.bf16 v21, v56;
	s7 =	spop (v2sf);
	s22 =	smul.f32 s4, s22  }
0x265: {  	v4 =	vmul.f32 v4, v4;
	v24 =	vsub.bf16 v33, v57;
	v25 =	vsub.bf16 v30, v58;
	s21 =	ssub.s32 $0x5F3759DF, s0;
	s24 =	smul.f32 $5.000000000e-01, s7  }
0x266: {  	[dreg:$0xc] =	wrdreg s29;
	v63 =	vld [tilespmem:s14+$0x1490];
	v29 =	vsub.bf16 v42, v59;
	v33 =	vunpack.i.u.bf16.f32 v17;
	v42 =	vunpack.i.u.bf16.f32 v5;
	s29 =	smul.f32 s21, s16  }
0x267: {  	v60 =	vld [tilespmem:s14+$0x3C90];
	v49 =	vunpack.i.u.bf16.f32 v11;
	v50 =	vunpack.i.l.bf16.f32 v6;
	v53 =	vunpack.i.u.bf16.f32 v26;
	s20 =	sshra.s32 s15, $0x1;
	s10 =	spop (v2sf);
	s17 =	smul.f32 s19, s17  }
0x268: {  	v54 =	vunpack.i.u.bf16.f32 v14;
	v55 =	vunpack.i.u.bf16.f32 v15;
	v57 =	vunpack.i.l.bf16.f32 v14;
	s20 =	ssub.s32 $0x5F3759DF, s20;
	s25 =	smul.f32 $5.000000000e-01, s10  }
0x269: {  	[dreg:$0x11] =	wrdreg s1;
	v58 =	vunpack.i.l.bf16.f32 v15;
	v36 =	vunpack.i.l.bf16.f32 v62;
	v14 =	vmul.f32 v38, v38;
	s31 =	smul.f32 s20, s23  }
0x26a: {  	v59 =	vunpack.i.u.bf16.f32 v62;
	v11 =	vmul.f32 v41, v41;
	v36 =	vmul.f32 v36, v36;
	s1 =	sshra.s32 s7, $0x1;
	s11 =	spop (v2sf);
	s28 =	smul.f32 s18, s28  }
0x26b: {  	v61 =	vld [tilespmem:s14+$0x14C0];
	v59 =	vmul.f32 v59, v59;
	v18 =	vunpack.i.u.bf16.f32 v16;
	v15 =	vunpack.i.u.bf16.f32 v19;
	s3 =	ssub.s32 $0x5F3759DF, s1;
	s26 =	smul.f32 $5.000000000e-01, s11  }
0x26c: {  	[dreg:$0xe] =	wrdreg s30;
	s30 =	sshra.s32 s10, $0x1;
	v27 =	vsub.bf16 v44, v63;
	v63 =	vsub.bf16 v43, v60;
	v43 =	vunpack.i.l.bf16.f32 v2;
	s13 =	smul.f32 s3, s24  }
0x26d: {  	v44 =	vunpack.i.u.bf16.f32 v6;
	v2 =	vunpack.i.u.bf16.f32 v7;
	v7 =	vmul.f32 v42, v42;
	s30 =	ssub.s32 $0x5F3759DF, s30;
	s29 =	smul.f32 s21, s29  }
0x26e: {  	v9 =	vunpack.i.u.bf16.f32 v21;
	s22 =	ssub.f32 $1.500000000e+00, s22;
	v41 =	vmul.f32 v43, v43;
	v42 =	vmul.f32 v44, v44;
	s1 =	smul.f32 s30, s25  }
0x26f: {  	v21 =	vunpack.i.l.bf16.f32 v21;
	s2 =	sshra.s32 s11, $0x1;
	v43 =	vmul.f32 v45, v45;
	v44 =	vmul.f32 v46, v46;
	s31 =	smul.f32 s20, s31  }
0x270: {  	v61 =	vsub.bf16 v47, v61;
	v45 =	vmul.f32 v48, v48;
	v46 =	vmul.f32 v49, v49;
	s0 =	ssub.s32 $0x5F3759DF, s2;
	s4 =	smul.f32 s4, s22  }
0x271: {  	v47 =	vunpack.i.l.bf16.f32 v5;
	s17 =	ssub.f32 $1.500000000e+00, s17;
	v48 =	vmul.f32 v50, v50;
	v49 =	vmul.f32 v52, v52;
	s2 =	smul.f32 s0, s26  }
0x272: {  	v6 =	vunpack.i.l.bf16.f32 v28;
	v50 =	vmul.f32 v51, v51;
	v51 =	vmul.f32 v53, v53;
	s28 =	ssub.f32 $1.500000000e+00, s28;
	s13 =	smul.f32 s3, s13  }
0x273: {  	v52 =	vunpack.i.u.bf16.f32 v25;
	v53 =	vmul.f32 v54, v54;
	v54 =	vmul.f32 v55, v55;
	s22 =	ssub.f32 $1.500000000e+00, s29;
	s29 =	smul.f32 s19, s17  }
0x274: {  	v25 =	vunpack.i.l.bf16.f32 v25;
	v55 =	vmul.f32 v57, v57;
	v57 =	vmul.f32 v58, v58;
	s1 =	smul.f32 s30, s1  }
0x275: {  	v58 =	vunpack.i.u.bf16.f32 v29;
	v29 =	vunpack.i.l.bf16.f32 v29;
	v26 =	vunpack.i.u.bf16.f32 v27;
	s28 =	smul.f32 s18, s28  }
0x276: {  	v27 =	vunpack.i.l.bf16.f32 v27;
	v32 =	vunpack.i.u.bf16.f32 v61;
	v35 =	vunpack.i.l.bf16.f32 v61;
	s31 =	ssub.f32 $1.500000000e+00, s31;
	s2 =	smul.f32 s0, s2  }
0x277: {  	v60 =	vld [tilespmem:s14+$0x3C00];
	v61 =	vunpack.i.l.bf16.f32 v19;
	v19 =	vmul.f32 v31, v31;
	v25 =	vmul.f32 v25, v25;
	s13 =	ssub.f32 $1.500000000e+00, s13;
	s22 =	smul.f32 s21, s22  }
0x278: {  	v31 =	vunpack.i.u.bf16.f32 v22;
	v52 =	vmul.f32 v52, v52;
	v29 =	vmul.f32 v29, v29;
	s21 =	smul.f32 s20, s31  }
0x279: {  	v22 =	vunpack.i.l.bf16.f32 v22;
	v27 =	vmul.f32 v27, v27;
	v35 =	vmul.f32 v35, v35;
	s20 =	smul.f32 s3, s13  }
0x27a: {  	v56 =	vunpack.i.u.bf16.f32 v63;
	v32 =	vmul.f32 v32, v32;
	v22 =	vmul.f32 v22, v22;
	s3 =	smul.f32 s4, s6  }
0x27b: {  	v28 =	vunpack.i.l.bf16.f32 v63;
	v31 =	vmul.f32 v31, v31;
	v26 =	vmul.f32 v26, v26;
	s6 =	smul.f32 s29, s5  }
0x27c: {  	v28 =	vmul.f32 v28, v28;
	v25 =	vadd.f32 v25, v52;
	v30 =	vsub.bf16 v39, v60;
	s1 =	ssub.f32 $1.500000000e+00, s1;
	s13 =	smul.f32 s28, s12  }
0x27d: {  	v39 =	vunpack.i.l.bf16.f32 v17;
	v17 =	vunpack.i.l.bf16.f32 v10;
	v10 =	vunpack.i.l.bf16.f32 v12;
	s17 =	smul.f32 s22, s16  }
0x27e: {  	v60 =	vunpack.i.l.bf16.f32 v16;
	v16 =	vmul.f32 v47, v47;
	v47 =	vunpack.i.u.bf16.f32 v24;
	s2 =	ssub.f32 $1.500000000e+00, s2;
	s19 =	smul.f32 s30, s1  }
0x27f: {  	v24 =	vunpack.i.l.bf16.f32 v24;
	v32 =	vadd.f32 v35, v32;
	v22 =	vadd.f32 v22, v31;
	s23 =	smul.f32 s21, s23  }
0x280: {  	v38 =	vmul.f32 v39, v39;
	v39 =	vmul.f32 v40, v40;
	v40 =	vunpack.i.u.bf16.f32 v37;
	s18 =	smul.f32 s0, s2  }
0x281: {  	v37 =	vunpack.i.l.bf16.f32 v37;
	v24 =	vmul.f32 v24, v24;
	v63 =	vmul.f32 v47, v47;
	s24 =	smul.f32 s20, s24  }
0x282: {  	v17 =	vmul.f32 v17, v17;
	v62 =	vunpack.i.u.bf16.f32 v30;
	v37 =	vmul.f32 v37, v37;
	s0 =	smul.f32 s3, s4  }
0x283: {  	v30 =	vunpack.i.l.bf16.f32 v30;
	v35 =	vmul.f32 v40, v40;
	v32 =	vadd.f32 v55, v32;
	s1 =	smul.f32 s6, s29  }
0x284: {  	v55 =	vadd.f32 v36, v59;
	v59 =	vmul.f32 v58, v58;
	v22 =	vadd.f32 v27, v22;
	s2 =	smul.f32 s13, s28  }
0x285: {  	v24 =	vadd.f32 v24, v63;
	v30 =	vmul.f32 v30, v30;
	s3 =	smul.f32 s17, s22;
	v32 =	vadd.f32 v32, v53  }
0x286: {  	v62 =	vmul.f32 v62, v62;
	v35 =	vadd.f32 v37, v35;
	v31 =	vadd.f32 v57, v55;
	s30 =	smul.f32 s19, s25  }
0x287: {  	v40 =	vmul.f32 v56, v56;
	v29 =	vadd.f32 v29, v59;
	s5 =	smul.f32 s23, s21;
	v32 =	vadd.f32 v48, v32  }
0x288: {  	v56 =	vmul.f32 v21, v21;
	v22 =	vadd.f32 v22, v26;
	v30 =	vadd.f32 v30, v62;
	s31 =	smul.f32 s18, s26  }
0x289: {  	v12 =	vunpack.i.u.bf16.f32 v23;
	s6 =	smul.f32 s24, s20;
	v31 =	vadd.f32 v31, v54;
	v63 =	vadd.f32 v32, v42  }
0x28a: {  	v23 =	vunpack.i.l.bf16.f32 v23;
	s0 =	ssub.f32 $1.500000000e+00, s0;
	v17 =	vadd.f32 v17, v22;
	s12 =	smul.f32 s30, s19;
	v57 =	vadd.f32 v56, v30  }
0x28b: {  	s1 =	ssub.f32 $1.500000000e+00, s1;
	v54 =	vmul.f32 v23, v23;
	s13 =	smul.f32 s31, s18;
	v37 =	vadd.f32 v38, v63;
	v38 =	vadd.f32 v28, v35  }
0x28c: {  	s2 =	ssub.f32 $1.500000000e+00, s2;
	s0 =	smul.f32 s0, s4;
	v31 =	vadd.f32 v49, v31;
	v42 =	vmul.f32 v60, v60;
	v17 =	vadd.f32 v17, v45  }
0x28d: {  	v33 =	vmul.f32 v33, v33;
	s3 =	ssub.f32 $1.500000000e+00, s3;
	s1 =	smul.f32 s1, s29;
	v55 =	vadd.f32 v54, v29;
	v47 =	vadd.f32 v38, v40  }
0x28e: {  	s5 =	ssub.f32 $1.500000000e+00, s5;
	s2 =	smul.f32 s2, s28;
	v49 =	vmul.f32 v61, v61;
	v31 =	vadd.f32 v31, v43;
	v24 =	vadd.f32 v42, v24  }
0x28f: {  	v5 =	vunpack.i.l.bf16.f32 v1;
	s6 =	ssub.f32 $1.500000000e+00, s6;
	s16 =	smul.f32 s3, s22;
	v17 =	vadd.f32 v20, v17;
	v13 =	vadd.f32 v13, v47  }
0x290: {  	v18 =	vmul.f32 v18, v18;
	s5 =	smul.f32 s5, s21;
	v53 =	vadd.f32 v49, v25;
	v48 =	vadd.f32 v39, v31  }
0x291: {  	v15 =	vmul.f32 v15, v15;
	s6 =	smul.f32 s6, s20;
	v43 =	vadd.f32 v37, v33;
	v13 =	vadd.f32 v13, v46  }
0x292: {  	v12 =	vmul.f32 v12, v12;
	s17 =	ssub.f32 $1.500000000e+00, s12;
	s0 =	smul.f32 s0, s9;
	v18 =	vadd.f32 v24, v18;
	v52 =	vadd.f32 v48, v34  }
0x293: {  	v10 =	vmul.f32 v10, v10;
	s4 =	smul.f32 s1, s8;
	v17 =	vadd.f32 v17, v19;
	(xrf2) =	vadd.scan.msk.f32 $0xffff, v43;
	v13 =	vadd.f32 v41, v13  }
0x294: {  	v9 =	vmul.f32 v9, v9;
	s21 =	ssub.f32 $1.500000000e+00, s13;
	v12 =	vadd.f32 v55, v12;
	s3 =	smul.f32 s17, s19;
	v15 =	vadd.f32 v53, v15;
	(xrf2) =	vadd.scan.msk.f32 $0xffff, v52  }
0x295: {  	v6 =	vmul.f32 v6, v6;
	s5 =	smul.f32 s5, s15;
	v10 =	vadd.f32 v10, v18;
	(xrf2) =	vadd.scan.msk.f32 $0xffff, v17;
	v13 =	vadd.f32 v13, v14  }
0x296: {  	v5 =	vmul.f32 v5, v5;
	s23 =	rddreg [dreg:$0x11];
	v9 =	vadd.f32 v57, v9;
	s12 =	smul.f32 s21, s18;
	v8 =	vadd.f32 v8, v15  }
0x297: {  	v1 =	vunpack.i.u.bf16.f32 v1;
	s25 =	rddreg [dreg:$0xe];
	v6 =	vadd.f32 v6, v12;
	s3 =	smul.f32 s3, s10;
	v10 =	vadd.f32 v10, v50;
	(xrf2) =	vadd.scan.msk.f32 $0xffff, v13  }
0x298: {  	v1 =	vmul.f32 v1, v1;
	s30 =	rddreg [dreg:$0xc];
	v5 =	vadd.f32 v5, v9;
	s22 =	smul.f32 s12, s11;
	v8 =	vadd.f32 v8, v51  }
0x299: {  	v2 =	vmul.f32 v2, v2;
	s6 =	smul.f32 s6, s7;
	s0 =	ssub.f32 s0, s4;
	v4 =	vadd.f32 v6, v4;
	v10 =	vadd.f32 v44, v10  }
0x29a: {  	v61 =	vunpack.i.l.bf16.f32 v0;
	s1 =	smul.f32 s2, s23;
	v1 =	vadd.f32 v5, v1;
	s3 =	ssub.f32 s3, s22;
	v8 =	vadd.f32 v16, v8  }
0x29b: {  	s2 =	smul.f32 s16, s25;
	v63 =	vmul.f32 v61, v61;
	s24 =	ssub.f32 s5, s6;
	v62 =	vadd.f32 v3, v4;
	v10 =	vadd.f32 v10, v11  }
0x29c: {  	v0 =	vunpack.i.u.bf16.f32 v0;
	s3 =	sadd.f32 $1.000000000e+00, s3;
	v59 =	vadd.f32 v8, v7  }
0x29d: {  	v0 =	vmul.f32 v0, v0;
	s1 =	ssub.f32 s1, s2;
	v4 =	vadd.f32 v63, v1;
	v2 =	vadd.f32 v62, v2;
	v58, _, _ =	vpop (xrf2);
	(xrf2) =	vadd.scan.msk.f32 $0xffff, v10  }
0x29e: {  	s28 =	sadd.f32 $1.000000000e+00, s24;
	s26 =	smax.f32 s3, $0.0e+00;
	v60, _, _ =	vpop (xrf2);
	(xrf2) =	vadd.scan.msk.f32 $0xffff, v59  }
0x29f: {  	s2 =	sadd.f32 s26, s30;
	v3, _, _ =	vpop (xrf2);
	(xrf2) =	vadd.scan.msk.f32 $0xffff, v2;
	v2 =	vadd.f32 v4, v0  }
0x2a0: {  	s1 =	sadd.f32 $1.000000000e+00, s1;
	s3 =	smax.f32 s28, $0.0e+00  }
0x2a1: {  	s2 =	sadd.f32 s3, s2;
	v1, _, _ =	vpop (xrf2);
	(xrf2) =	vadd.scan.msk.f32 $0xffff, v2  }
0x2a2: {  	s0 =	sadd.f32 $1.000000000e+00, s0;
	s1 =	smax.f32 s1, $0.0e+00  }
0x2a3: {  	s1 =	sadd.f32 s1, s2  }
0x2a4: {  	s31 =	rddreg [dreg:$0x9];
	s0 =	smax.f32 s0, $0.0e+00  }
0x2a5: {  	(v2sf) =	vpush v58, $0xF;
	s29 =	sadd.f32 s0, s1;
	s0 =	sadd.s32 $0x4, s31  }
0x2a6: {  	(v2sf) =	vpush v60, $0xF;
	p0 =	slt.u32 s0, $0x4C  }
.Ltmp1:
0x2a7: {  	(v2sf) =	vpush v3, $0xF;
	(pc) =	sbr.rel @p0 .LBB2_5-.Ltmp1, $4  }
0x2a8: {  	(v2sf) =	vpush v1, $0xF;
	v0, _, _ =	vpop (xrf2)  }
0x2a9: {  	(v2sf) =	vpush v0, $0xF;
	v2, _, _ =	vpop (xrf2)  }
0x2aa: {  	v3, _, _ =	vpop (xrf2);
	(v2sf) =	vpush v2, $0xF  }
0x2ab: {  	s14 =	sadd.s32 $0x100, s14;
	(v2sf) =	vpush v3, $0xF;
	v0, _, _ =	vpop (xrf2)  }
0x2ac: {  	_ =	sdelay $0x6  }
0x2ad: {  	(v2sf) =	vpush v0, $0xF  }
0x2ae: {  	s5 =	spop (v2sf)  }
0x2af: {  	s14 =	smul.f32 $5.000000000e-01, s5;
	s6 =	spop (v2sf)  }
0x2b0: {  	s16 =	sshra.s32 s5, $0x1;
	s0 =	smul.f32 $5.000000000e-01, s6;
	s1 =	spop (v2sf)  }
0x2b1: {  	s16 =	ssub.s32 $0x5F3759DF, s16;
	s3 =	smul.f32 $5.000000000e-01, s1  }
0x2b2: {  	s17 =	sshra.s32 s6, $0x1;
	s2 =	spop (v2sf);
	s19 =	smul.f32 s16, s14  }
0x2b3: {  	s17 =	ssub.s32 $0x5F3759DF, s17;
	s15 =	smul.f32 $5.000000000e-01, s2  }
0x2b4: {  	s18 =	sshra.s32 s1, $0x1;
	s4 =	spop (v2sf);
	s21 =	smul.f32 s17, s0  }
0x2b5: {  	s18 =	ssub.s32 $0x5F3759DF, s18;
	s10 =	smul.f32 $5.000000000e-01, s4  }
0x2b6: {  	s22 =	smul.f32 s18, s3  }
0x2b7: {  	s20 =	sshra.s32 s2, $0x1;
	s7 =	spop (v2sf);
	s19 =	smul.f32 s16, s19  }
0x2b8: {  	s20 =	ssub.s32 $0x5F3759DF, s20;
	s11 =	smul.f32 $5.000000000e-01, s7  }
0x2b9: {  	s23 =	smul.f32 s20, s15  }
0x2ba: {  	s8 =	spop (v2sf);
	s21 =	smul.f32 s17, s21  }
0x2bb: {  	s12 =	smul.f32 $5.000000000e-01, s8  }
0x2bc: {  	s9 =	spop (v2sf);
	s22 =	smul.f32 s18, s22  }
0x2bd: {  	s19 =	ssub.f32 $1.500000000e+00, s19;
	s13 =	smul.f32 $5.000000000e-01, s9  }
0x2be: {  	s23 =	smul.f32 s20, s23;
	s21 =	ssub.f32 $1.500000000e+00, s21  }
0x2bf: {  	s24 =	sshra.s32 s4, $0x1;
	s16 =	smul.f32 s16, s19  }
0x2c0: {  	s19 =	ssub.s32 $0x5F3759DF, s24;
	s22 =	ssub.f32 $1.500000000e+00, s22;
	s17 =	smul.f32 s17, s21  }
0x2c1: {  	s28 =	sshra.s32 s7, $0x1;
	s24 =	smul.f32 s19, s10  }
0x2c2: {  	s21 =	ssub.s32 $0x5F3759DF, s28;
	s18 =	smul.f32 s18, s22  }
0x2c3: {  	s23 =	ssub.f32 $1.500000000e+00, s23;
	s31 =	smul.f32 s21, s11  }
0x2c4: {  	s14 =	smul.f32 s16, s14  }
0x2c5: {  	s20 =	smul.f32 s20, s23  }
0x2c6: {  	s24 =	smul.f32 s19, s24  }
0x2c7: {  	s25 =	sshra.s32 s8, $0x1;
	s0 =	smul.f32 s17, s0  }
0x2c8: {  	s23 =	ssub.s32 $0x5F3759DF, s25;
	s22 =	smul.f32 s21, s31  }
0x2c9: {  	s26 =	smul.f32 s23, s12  }
0x2ca: {  	s25 =	sshra.s32 s9, $0x1;
	s3 =	smul.f32 s18, s3  }
0x2cb: {  	s25 =	ssub.s32 $0x5F3759DF, s25;
	s14 =	smul.f32 s14, s16  }
0x2cc: {  	s28 =	smul.f32 s25, s13  }
0x2cd: {  	s15 =	smul.f32 s20, s15  }
0x2ce: {  	s0 =	smul.f32 s0, s17  }
0x2cf: {  	s26 =	smul.f32 s23, s26  }
0x2d0: {  	s24 =	ssub.f32 $1.500000000e+00, s24;
	s3 =	smul.f32 s3, s18  }
0x2d1: {  	s28 =	smul.f32 s25, s28  }
0x2d2: {  	s22 =	ssub.f32 $1.500000000e+00, s22;
	s19 =	smul.f32 s19, s24  }
0x2d3: {  	s15 =	smul.f32 s15, s20  }
0x2d4: {  	s26 =	ssub.f32 $1.500000000e+00, s26;
	s21 =	smul.f32 s21, s22  }
0x2d5: {  	s3 =	ssub.f32 $1.500000000e+00, s3;
	s10 =	smul.f32 s19, s10  }
0x2d6: {  	s23 =	smul.f32 s23, s26  }
0x2d7: {  	s31 =	ssub.f32 $1.500000000e+00, s28;
	s3 =	smul.f32 s3, s18  }
0x2d8: {  	s15 =	ssub.f32 $1.500000000e+00, s15;
	s11 =	smul.f32 s21, s11  }
0x2d9: {  	s22 =	smul.f32 s25, s31  }
0x2da: {  	s15 =	smul.f32 s15, s20  }
0x2db: {  	s10 =	smul.f32 s10, s19  }
0x2dc: {  	s12 =	smul.f32 s23, s12  }
0x2dd: {  	s11 =	smul.f32 s11, s21  }
0x2de: {  	s13 =	smul.f32 s22, s13  }
0x2df: {  	s10 =	ssub.f32 $1.500000000e+00, s10;
	s12 =	smul.f32 s12, s23  }
0x2e0: {  	s11 =	ssub.f32 $1.500000000e+00, s11;
	s13 =	smul.f32 s13, s22  }
0x2e1: {  	s10 =	smul.f32 s10, s19  }
0x2e2: {  	s12 =	ssub.f32 $1.500000000e+00, s12;
	s11 =	smul.f32 s11, s21  }
0x2e3: {  	s13 =	ssub.f32 $1.500000000e+00, s13;
	s4 =	smul.f32 s10, s4  }
0x2e4: {  	s12 =	smul.f32 s12, s23  }
0x2e5: {  	s13 =	smul.f32 s13, s22  }
0x2e6: {  	s22 =	smul.f32 s12, s8  }
0x2e7: {  	s14 =	ssub.f32 $1.500000000e+00, s14;
	s23 =	smul.f32 s13, s9  }
0x2e8: {  	s0 =	ssub.f32 $1.500000000e+00, s0;
	s7 =	smul.f32 s11, s7  }
0x2e9: {  	s1 =	smul.f32 s3, s1;
	s24 =	ssub.f32 s22, s23  }
0x2ea: {  	s2 =	smul.f32 s15, s2;
	s25 =	ssub.f32 s4, s7  }
0x2eb: {  	s14 =	smul.f32 s14, s16;
	s26 =	sadd.f32 $1.000000000e+00, s24  }
0x2ec: {  	s0 =	smul.f32 s0, s17;
	s1 =	ssub.f32 s1, s2  }
0x2ed: {  	s3 =	sadd.f32 $1.000000000e+00, s25;
	s28 =	smax.f32 s26, $0.0e+00  }
0x2ee: {  	s5 =	smul.f32 s14, s5;
	s2 =	sadd.f32 s28, s29  }
0x2ef: {  	s1 =	sadd.f32 $1.000000000e+00, s1;
	s3 =	smax.f32 s3, $0.0e+00  }
0x2f0: {  	s0 =	smul.f32 s0, s6;
	s2 =	sadd.f32 s3, s2  }
0x2f1: {  	s31 =	rddreg [dreg:$0x1d];
	s1 =	smax.f32 s1, $0.0e+00  }
0x2f2: {  	s1 =	sadd.f32 s1, s2;
	s2 =	sadd.s32 $0x1, s31  }
0x2f3: {  	s0 =	ssub.f32 s5, s0;
	p0 =	sne.s32 s2, $0x3E  }
.Ltmp2:
0x2f4: {  	_ = 	snop;
	(pc) =	sbr.rel @p0 .LBB2_2-.Ltmp2, $3  }
0x2f5: {  	s0 =	sadd.f32 $1.000000000e+00, s0;
	_ =	sdelay $0x1  }
0x2f6: {  	s0 =	smax.f32 s0, $0.0e+00  }
0x2f7: {  	s30 =	sadd.f32 s0, s1  }
0x2f8: {  	s0 =	simm.s32 $0x1  }
0x2f9: {  	_ =	swait.ge [sflag:s0], $0x6400  }
0x2fa: {  	[sflag:s0] =	ssyncset.done $0x0  }
0x2fb: {  	s1 =	simm.s32 $0xC350;
	[sflag:s0] =	ssyncadd.s32 $0xFFFF9C00  }
0x2fc: {  	v0 =	vld [tilespmem:s1+$0x14F0]  }
0x2fd: {  	v1 =	vld [tilespmem:s1+$0x3CF0]  }
0x2fe: {  	v2 =	vld [tilespmem:s1+$0x14B0]  }
0x2ff: {  	v3 =	vld [tilespmem:s1+$0x3CB0]  }
0x300: {  	v4 =	vld [tilespmem:s1+$0x50F0]  }
0x301: {  	v5 =	vld [tilespmem:s1+$0xF0]  }
0x302: {  	v6 =	vld [tilespmem:s1+$0x28F0]  }
0x303: {  	v7 =	vld [tilespmem:s1+$0x1470]  }
0x304: {  	v8 =	vld [tilespmem:s1+$0x3C70]  }
0x305: {  	v9 =	vld [tilespmem:s1+$0x50B0]  }
0x306: {  	v10 =	vld [tilespmem:s1+$0xB0]  }
0x307: {  	v11 =	vld [tilespmem:s1+$0x28B0]  }
0x308: {  	v12 =	vld [tilespmem:s1+$0x14E0]  }
0x309: {  	v13 =	vld [tilespmem:s1+$0x3CE0]  }
0x30a: {  	v14 =	vld [tilespmem:s1+$0x1430]  }
0x30b: {  	v15 =	vld [tilespmem:s1+$0x3C30]  }
0x30c: {  	v16 =	vld [tilespmem:s1+$0x5070]  }
0x30d: {  	v17 =	vld [tilespmem:s1+$0x70]  }
0x30e: {  	v18 =	vld [tilespmem:s1+$0x2870]  }
0x30f: {  	v19 =	vld [tilespmem:s1+$0x14A0]  }
0x310: {  	v20 =	vld [tilespmem:s1+$0x3CA0]  }
0x311: {  	v21 =	vld [tilespmem:s1+$0x50E0]  }
0x312: {  	v22 =	vld [tilespmem:s1+$0xE0]  }
0x313: {  	v23 =	vld [tilespmem:s1+$0x28E0]  }
0x314: {  	v24 =	vld [tilespmem:s1+$0x5030]  }
0x315: {  	v25 =	vld [tilespmem:s1+$0x30]  }
0x316: {  	v26 =	vld [tilespmem:s1+$0x2830]  }
0x317: {  	v29 =	vld [tilespmem:s1+$0x50A0]  }
0x318: {  	v30 =	vld [tilespmem:s1+$0xA0]  }
0x319: {  	v31 =	vld [tilespmem:s1+$0x28A0]  }
0x31a: {  	v34 =	vld [tilespmem:s1+$0x5060]  }
0x31b: {  	v35 =	vld [tilespmem:s1+$0x60]  }
0x31c: {  	v36 =	vld [tilespmem:s1+$0x2860]  }
0x31d: {  	v37 =	vld [tilespmem:s1+$0x50D0]  }
0x31e: {  	v38 =	vld [tilespmem:s1+$0xD0]  }
0x31f: {  	v39 =	vld [tilespmem:s1+$0x28D0]  }
0x320: {  	v40 =	vld [tilespmem:s1+$0x5020]  }
0x321: {  	v41 =	vld [tilespmem:s1+$0x20]  }
0x322: {  	v42 =	vld [tilespmem:s1+$0x2820]  }
0x323: {  	v43 =	vld [tilespmem:s1+$0x5090]  }
0x324: {  	v44 =	vld [tilespmem:s1+$0x90]  }
0x325: {  	v45 =	vld [tilespmem:s1+$0x2890]  }
0x326: {  	v46 =	vld [tilespmem:s1+$0x50C0]  }
0x327: {  	v47 =	vld [tilespmem:s1+$0xC0]  }
0x328: {  	v48 =	vld [tilespmem:s1+$0x28C0];
	v5 =	vadd.bf16 v5, v4  }
0x329: {  	v49 =	vld [tilespmem:s1+$0x5050];
	v4 =	vadd.bf16 v6, v4;
	v6 =	vadd.bf16 v10, v9  }
0x32a: {  	v50 =	vld [tilespmem:s1+$0x50];
	v9 =	vadd.bf16 v11, v9;
	v11 =	vadd.bf16 v17, v16  }
0x32b: {  	v51 =	vld [tilespmem:s1+$0x2850];
	v16 =	vadd.bf16 v18, v16;
	v18 =	vadd.bf16 v22, v21  }
0x32c: {  	v52 =	vld [tilespmem:s1+$0x5080];
	v21 =	vadd.bf16 v23, v21;
	v23 =	vadd.bf16 v25, v24  }
0x32d: {  	v53 =	vld [tilespmem:s1+$0x80];
	v24 =	vadd.bf16 v26, v24;
	v26 =	vadd.bf16 v30, v29  }
0x32e: {  	v59 =	vld [tilespmem:s1+$0x5000];
	v29 =	vadd.bf16 v31, v29;
	v31 =	vadd.bf16 v35, v34  }
0x32f: {  	v60 =	vld [tilespmem:s1+$0x0];
	v34 =	vadd.bf16 v36, v34;
	v63 =	vadd.bf16 v38, v37  }
0x330: {  	v61 =	vld [tilespmem:s1+$0x2800];
	v37 =	vadd.bf16 v39, v37;
	v39 =	vadd.bf16 v41, v40  }
0x331: {  	v27 =	vld [tilespmem:s1+$0x1460];
	v40 =	vadd.bf16 v42, v40;
	v42 =	vadd.bf16 v44, v43  }
0x332: {  	v28 =	vld [tilespmem:s1+$0x3C60];
	v43 =	vadd.bf16 v45, v43;
	v45 =	vadd.bf16 v47, v46  }
0x333: {  	v32 =	vld [tilespmem:s1+$0x14D0];
	v46 =	vadd.bf16 v48, v46;
	v48 =	vadd.bf16 v50, v49  }
0x334: {  	v33 =	vld [tilespmem:s1+$0x3CD0];
	v49 =	vadd.bf16 v51, v49;
	v51 =	vadd.bf16 v53, v52  }
0x335: {  	v57 =	vld [tilespmem:s1+$0x2810];
	v44 =	vadd.bf16 v60, v59;
	v41 =	vadd.bf16 v61, v59  }
0x336: {  	v58 =	vld [tilespmem:s1+$0x2840];
	v5 =	vsub.bf16 v5, v0;
	v4 =	vsub.bf16 v4, v1  }
0x337: {  	v62 =	vld [tilespmem:s1+$0x1420];
	v2 =	vsub.bf16 v6, v2;
	v3 =	vsub.bf16 v9, v3  }
0x338: {  	v56 =	vld [tilespmem:s1+$0x3C20];
	v7 =	vsub.bf16 v11, v7;
	v8 =	vsub.bf16 v16, v8  }
0x339: {  	v10 =	vld [tilespmem:s1+$0x2880];
	v11 =	vsub.bf16 v18, v12;
	v13 =	vsub.bf16 v21, v13  }
0x33a: {  	v17 =	vld [tilespmem:s1+$0x5010];
	v14 =	vsub.bf16 v23, v14;
	v0 =	vsub.bf16 v24, v15  }
0x33b: {  	v22 =	vld [tilespmem:s1+$0x10];
	v16 =	vsub.bf16 v26, v19;
	v19 =	vsub.bf16 v29, v20  }
0x33c: {  	v30 =	vld [tilespmem:s1+$0x5040];
	v20 =	vsub.bf16 v31, v27;
	v23 =	vsub.bf16 v34, v28  }
0x33d: {  	v35 =	vld [tilespmem:s1+$0x40];
	v24 =	vsub.bf16 v63, v32;
	v54 =	vsub.bf16 v37, v33  }
0x33e: {  	v59 =	vld [tilespmem:s1+$0x14C0];
	v55 =	vsub.bf16 v39, v62;
	v1 =	vsub.bf16 v40, v56  }
0x33f: {  	v60 =	vld [tilespmem:s1+$0x1410];
	v29 =	vunpack.i.u.bf16.f32 v2;
	v31 =	vunpack.i.u.bf16.f32 v4;
	v34 =	vunpack.i.u.bf16.f32 v3  }
0x340: {  	v61 =	vld [tilespmem:s1+$0x3C10];
	v37 =	vunpack.i.l.bf16.f32 v4;
	v38 =	vunpack.i.u.bf16.f32 v7;
	v39 =	vunpack.i.u.bf16.f32 v8  }
0x341: {  	v6 =	vld [tilespmem:s1+$0x1450];
	v40 =	vunpack.i.l.bf16.f32 v2;
	v2 =	vunpack.i.u.bf16.f32 v14;
	v7 =	vunpack.i.l.bf16.f32 v7  }
0x342: {  	v9 =	vld [tilespmem:s1+$0x3C50];
	v8 =	vunpack.i.l.bf16.f32 v8;
	v4 =	vunpack.i.u.bf16.f32 v55;
	v10 =	vadd.bf16 v10, v52  }
0x343: {  	v12 =	vld [tilespmem:s1+$0x1480];
	v27 =	vunpack.i.l.bf16.f32 v54;
	v22 =	vadd.bf16 v22, v17;
	v17 =	vadd.bf16 v57, v17  }
0x344: {  	v15 =	vld [tilespmem:s1+$0x3C80];
	v28 =	vunpack.i.l.bf16.f32 v55;
	v35 =	vadd.bf16 v35, v30;
	v30 =	vadd.bf16 v58, v30  }
0x345: {  	v63 =	vld [tilespmem:s1+$0x1440];
	v59 =	vsub.bf16 v45, v59;
	v31 =	vmul.f32 v31, v31;
	v29 =	vmul.f32 v29, v29  }
0x346: {  	v56 =	vld [tilespmem:s1+$0x3C40];
	v45 =	vunpack.i.u.bf16.f32 v19;
	v34 =	vmul.f32 v34, v34;
	v37 =	vmul.f32 v37, v37  }
0x347: {  	v62 =	vld [tilespmem:s1+$0x3C00];
	v19 =	vunpack.i.l.bf16.f32 v19;
	v38 =	vmul.f32 v38, v38;
	v39 =	vmul.f32 v39, v39  }
0x348: {  	v40 =	vmul.f32 v40, v40;
	v7 =	vmul.f32 v7, v7;
	v6 =	vsub.bf16 v48, v6  }
0x349: {  	v8 =	vmul.f32 v8, v8;
	v9 =	vsub.bf16 v49, v9;
	v12 =	vsub.bf16 v51, v12  }
0x34a: {  	v27 =	vmul.f32 v27, v27;
	v10 =	vsub.bf16 v10, v15;
	v15 =	vsub.bf16 v22, v60  }
0x34b: {  	v45 =	vmul.f32 v45, v45;
	v17 =	vsub.bf16 v17, v61;
	v18 =	vsub.bf16 v35, v63  }
0x34c: {  	v21 =	vsub.bf16 v30, v56;
	v26 =	vsub.bf16 v41, v62;
	v30 =	vunpack.i.u.bf16.f32 v5  }
0x34d: {  	v35 =	vunpack.i.l.bf16.f32 v5;
	v41 =	vunpack.i.l.bf16.f32 v3;
	v3 =	vunpack.i.l.bf16.f32 v14  }
0x34e: {  	v63 =	vunpack.i.u.bf16.f32 v20;
	v60 =	vunpack.i.u.bf16.f32 v23;
	v61 =	vunpack.i.u.bf16.f32 v24  }
0x34f: {  	v62 =	vunpack.i.u.bf16.f32 v54;
	v24 =	vunpack.i.l.bf16.f32 v24;
	v30 =	vmul.f32 v30, v30  }
0x350: {  	v5 =	vunpack.i.l.bf16.f32 v1;
	v35 =	vmul.f32 v35, v35;
	v14 =	vmul.f32 v63, v63  }
0x351: {  	v57 =	vld [tilespmem:s1+$0x1490];
	v33 =	vunpack.i.l.bf16.f32 v59;
	v47 =	vmul.f32 v61, v61;
	v48 =	vmul.f32 v62, v62  }
0x352: {  	v58 =	vld [tilespmem:s1+$0x3C90];
	v53 =	vunpack.i.u.bf16.f32 v59;
	v24 =	vmul.f32 v24, v24;
	v33 =	vmul.f32 v33, v33  }
0x353: {  	v52 =	vld [tilespmem:s1+$0x3CC0];
	v23 =	vunpack.i.l.bf16.f32 v23;
	v53 =	vmul.f32 v53, v53;
	v5 =	vmul.f32 v5, v5  }
0x354: {  	v51 =	vunpack.i.u.bf16.f32 v6;
	v55 =	vunpack.i.u.bf16.f32 v15;
	v56 =	vunpack.i.u.bf16.f32 v17  }
0x355: {  	v6 =	vunpack.i.l.bf16.f32 v6;
	v15 =	vunpack.i.l.bf16.f32 v15;
	v17 =	vunpack.i.l.bf16.f32 v17  }
0x356: {  	v59 =	vunpack.i.u.bf16.f32 v18;
	v18 =	vunpack.i.l.bf16.f32 v18;
	v62 =	vunpack.i.u.bf16.f32 v26  }
0x357: {  	v26 =	vunpack.i.l.bf16.f32 v26;
	v25 =	vsub.bf16 v42, v57;
	v58 =	vsub.bf16 v43, v58  }
0x358: {  	v36 =	vsub.bf16 v46, v52;
	v42 =	vunpack.i.u.bf16.f32 v11;
	v43 =	vunpack.i.u.bf16.f32 v13  }
0x359: {  	v11 =	vunpack.i.l.bf16.f32 v11;
	v46 =	vmul.f32 v60, v60;
	v18 =	vmul.f32 v18, v18  }
0x35a: {  	v13 =	vunpack.i.l.bf16.f32 v13;
	v26 =	vmul.f32 v26, v26;
	v6 =	vmul.f32 v6, v6  }
0x35b: {  	v33 =	vadd.f32 v33, v53;
	v15 =	vmul.f32 v15, v15;
	v53 =	vmul.f32 v23, v23  }
0x35c: {  	v52 =	vunpack.i.u.bf16.f32 v9;
	v17 =	vmul.f32 v17, v17;
	v56 =	vmul.f32 v56, v56  }
0x35d: {  	v60 =	vunpack.i.u.bf16.f32 v21;
	v42 =	vmul.f32 v42, v42;
	v43 =	vmul.f32 v43, v43  }
0x35e: {  	v21 =	vunpack.i.l.bf16.f32 v21;
	v11 =	vmul.f32 v11, v11;
	v13 =	vmul.f32 v13, v13  }
0x35f: {  	v9 =	vunpack.i.l.bf16.f32 v9;
	v21 =	vmul.f32 v21, v21;
	v60 =	vmul.f32 v60, v60  }
0x360: {  	v20 =	vunpack.i.l.bf16.f32 v20;
	v9 =	vmul.f32 v9, v9;
	v52 =	vmul.f32 v52, v52  }
0x361: {  	v49 =	vunpack.i.u.bf16.f32 v25;
	v50 =	vunpack.i.u.bf16.f32 v58;
	v25 =	vunpack.i.l.bf16.f32 v25  }
0x362: {  	v57 =	vld [tilespmem:s1+$0x1400];
	v32 =	vunpack.i.l.bf16.f32 v58;
	v54 =	vunpack.i.u.bf16.f32 v36;
	v36 =	vunpack.i.l.bf16.f32 v36  }
0x363: {  	v58 =	vunpack.i.u.bf16.f32 v10;
	v24 =	vadd.f32 v24, v33;
	v33 =	vmul.f32 v62, v62  }
0x364: {  	v10 =	vunpack.i.l.bf16.f32 v10;
	v25 =	vmul.f32 v25, v25;
	v36 =	vmul.f32 v36, v36  }
0x365: {  	v1 =	vunpack.i.u.bf16.f32 v1;
	v54 =	vmul.f32 v54, v54;
	v10 =	vmul.f32 v10, v10  }
0x366: {  	v63 =	vmul.f32 v58, v58;
	v58 =	vmul.f32 v59, v59;
	v21 =	vadd.f32 v21, v60  }
0x367: {  	v24 =	vadd.f32 v24, v47;
	v47 =	vmul.f32 v32, v32;
	v22 =	vsub.bf16 v44, v57  }
0x368: {  	v44 =	vunpack.i.u.bf16.f32 v16;
	v57 =	vunpack.i.u.bf16.f32 v12;
	v36 =	vadd.f32 v36, v54  }
0x369: {  	v12 =	vunpack.i.l.bf16.f32 v12;
	v10 =	vadd.f32 v10, v63;
	v18 =	vadd.f32 v18, v58  }
0x36a: {  	v9 =	vadd.f32 v9, v21;
	v12 =	vmul.f32 v12, v12;
	v11 =	vadd.f32 v11, v24  }
0x36b: {  	v57 =	vmul.f32 v57, v57;
	v24 =	vadd.f32 v26, v33;
	v27 =	vadd.f32 v27, v36  }
0x36c: {  	v61 =	vunpack.i.u.bf16.f32 v22;
	v10 =	vadd.f32 v47, v10;
	v6 =	vadd.f32 v6, v18  }
0x36d: {  	v22 =	vunpack.i.l.bf16.f32 v22;
	v9 =	vadd.f32 v9, v52;
	v12 =	vadd.f32 v12, v57  }
0x36e: {  	v22 =	vmul.f32 v22, v22;
	v63 =	vmul.f32 v61, v61;
	v11 =	vadd.f32 v11, v42  }
0x36f: {  	v54 =	vmul.f32 v55, v55;
	v55 =	vadd.f32 v17, v24;
	v27 =	vadd.f32 v27, v48  }
0x370: {  	v48 =	vmul.f32 v50, v50;
	v9 =	vadd.f32 v53, v9;
	v22 =	vadd.f32 v22, v63  }
0x371: {  	v50 =	vmul.f32 v51, v51;
	v12 =	vadd.f32 v25, v12;
	v11 =	vadd.f32 v35, v11  }
0x372: {  	v36 =	vmul.f32 v49, v49;
	v59 =	vadd.f32 v55, v56;
	v13 =	vadd.f32 v13, v27  }
0x373: {  	v16 =	vunpack.i.l.bf16.f32 v16;
	v10 =	vadd.f32 v10, v48;
	v6 =	vadd.f32 v6, v50  }
0x374: {  	v49 =	vmul.f32 v19, v19;
	v58 =	vadd.f32 v9, v46;
	v12 =	vadd.f32 v12, v36  }
0x375: {  	v51 =	vmul.f32 v20, v20;
	v11 =	vadd.f32 v11, v30;
	v15 =	vadd.f32 v15, v22  }
0x376: {  	v16 =	vmul.f32 v16, v16;
	v5 =	vadd.f32 v5, v59;
	v13 =	vadd.f32 v13, v43  }
0x377: {  	v1 =	vmul.f32 v1, v1;
	v10 =	vadd.f32 v49, v10;
	v6 =	vadd.f32 v51, v6  }
0x378: {  	v44 =	vmul.f32 v44, v44;
	v12 =	vadd.f32 v16, v12;
	v15 =	vadd.f32 v15, v54  }
0x379: {  	v57 =	vmul.f32 v28, v28;
	v1 =	vadd.f32 v5, v1;
	v13 =	vadd.f32 v37, v13  }
0x37a: {  	v4 =	vmul.f32 v4, v4;
	v10 =	vadd.f32 v10, v45;
	v12 =	vadd.f32 v12, v44  }
0x37b: {  	v41 =	vmul.f32 v41, v41;
	v6 =	vadd.f32 v6, v14;
	v60 =	vadd.f32 v57, v15  }
0x37c: {  	v2 =	vmul.f32 v2, v2;
	v13 =	vadd.f32 v13, v31;
	v12 =	vadd.f32 v40, v12  }
0x37d: {  	v3 =	vmul.f32 v3, v3;
	v10 =	vadd.f32 v41, v10;
	v6 =	vadd.f32 v7, v6  }
0x37e: {  	v61 =	vunpack.i.l.bf16.f32 v0;
	(xrf2) =	vadd.scan.msk.f32 $0xffff, v11;
	v4 =	vadd.f32 v60, v4;
	v12 =	vadd.f32 v12, v29  }
0x37f: {  	v62 =	vmul.f32 v61, v61;
	v7 =	vadd.f32 v8, v58;
	v10 =	vadd.f32 v10, v34;
	(xrf2) =	vadd.scan.msk.f32 $0xffff, v13  }
0x380: {  	v0 =	vunpack.i.u.bf16.f32 v0;
	v6 =	vadd.f32 v6, v38;
	v3 =	vadd.f32 v3, v4;
	(xrf2) =	vadd.scan.msk.f32 $0xffff, v12  }
0x381: {  	v0 =	vmul.f32 v0, v0;
	v1 =	vadd.f32 v62, v1;
	v63 =	vadd.f32 v7, v39;
	(xrf2) =	vadd.scan.msk.f32 $0xffff, v10  }
0x382: {  	v2 =	vadd.f32 v3, v2;
	(xrf2) =	vadd.scan.msk.f32 $0xffff, v6  }
0x383: {  	v0 =	vadd.f32 v1, v0;
	(xrf2) =	vadd.scan.msk.f32 $0xffff, v63  }
0x384: {  	(xrf2) =	vadd.scan.msk.f32 $0xffff, v2  }
0x385: {  	(xrf2) =	vadd.scan.msk.f32 $0xffff, v0;
	_ =	sdelay $0x2  }
0x386: {  	v0, _, _ =	vpop (xrf2)  }
0x387: {  	(v2sf) =	vpush v0, $0xF;
	v1, _, _ =	vpop (xrf2)  }
0x388: {  	(v2sf) =	vpush v1, $0xF;
	v0, _, _ =	vpop (xrf2)  }
0x389: {  	v1, _, _ =	vpop (xrf2);
	(v2sf) =	vpush v0, $0xF  }
0x38a: {  	v0, _, _ =	vpop (xrf2);
	(v2sf) =	vpush v1, $0xF  }
0x38b: {  	v1, _, _ =	vpop (xrf2);
	(v2sf) =	vpush v0, $0xF  }
0x38c: {  	v0, _, _ =	vpop (xrf2);
	(v2sf) =	vpush v1, $0xF  }
0x38d: {  	s14 =	simm.s32 $0xC450;
	s0 =	simm.s32 $0x0;
	(v2sf) =	vpush v0, $0xF;
	v0, _, _ =	vpop (xrf2)  }
.LBB2_8:
0x38e: {  	v1 =	vld [tilespmem:s14+$0x14F0]  }
0x38f: {  	v3 =	vld [tilespmem:s14+$0x3CF0]  }
0x390: {  	(v2sf) =	vpush v0, $0xF;
	v0 =	vld [tilespmem:s14+$0x14B0]  }
0x391: {  	v2 =	vld [tilespmem:s14+$0x3CB0]  }
0x392: {  	v16 =	vld [tilespmem:s14+$0x50F0]  }
0x393: {  	v17 =	vld [tilespmem:s14+$0xF0]  }
0x394: {  	v18 =	vld [tilespmem:s14+$0x28F0]  }
0x395: {  	v4 =	vld [tilespmem:s14+$0x1470]  }
0x396: {  	v5 =	vld [tilespmem:s14+$0x3C70]  }
0x397: {  	v19 =	vld [tilespmem:s14+$0x50B0]  }
0x398: {  	v20 =	vld [tilespmem:s14+$0xB0]  }
0x399: {  	v21 =	vld [tilespmem:s14+$0x28B0]  }
0x39a: {  	v6 =	vld [tilespmem:s14+$0x14E0]  }
0x39b: {  	v8 =	vld [tilespmem:s14+$0x3CE0]  }
0x39c: {  	v7 =	vld [tilespmem:s14+$0x1430]  }
0x39d: {  	v9 =	vld [tilespmem:s14+$0x3C30]  }
0x39e: {  	v22 =	vld [tilespmem:s14+$0x5070]  }
0x39f: {  	v23 =	vld [tilespmem:s14+$0x70]  }
0x3a0: {  	v24 =	vld [tilespmem:s14+$0x2870]  }
0x3a1: {  	v10 =	vld [tilespmem:s14+$0x14A0]  }
0x3a2: {  	v11 =	vld [tilespmem:s14+$0x3CA0]  }
0x3a3: {  	v25 =	vld [tilespmem:s14+$0x50E0]  }
0x3a4: {  	v26 =	vld [tilespmem:s14+$0xE0]  }
0x3a5: {  	v27 =	vld [tilespmem:s14+$0x28E0]  }
0x3a6: {  	v28 =	vld [tilespmem:s14+$0x5030]  }
0x3a7: {  	v29 =	vld [tilespmem:s14+$0x30]  }
0x3a8: {  	v30 =	vld [tilespmem:s14+$0x2830]  }
0x3a9: {  	v12 =	vld [tilespmem:s14+$0x1460]  }
0x3aa: {  	v13 =	vld [tilespmem:s14+$0x3C60]  }
0x3ab: {  	v31 =	vld [tilespmem:s14+$0x50A0]  }
0x3ac: {  	v32 =	vld [tilespmem:s14+$0xA0]  }
0x3ad: {  	v33 =	vld [tilespmem:s14+$0x28A0]  }
0x3ae: {  	v34 =	vld [tilespmem:s14+$0x5060]  }
0x3af: {  	v35 =	vld [tilespmem:s14+$0x60]  }
0x3b0: {  	v36 =	vld [tilespmem:s14+$0x2860]  }
0x3b1: {  	v37 =	vld [tilespmem:s14+$0x50D0]  }
0x3b2: {  	v38 =	vld [tilespmem:s14+$0xD0]  }
0x3b3: {  	v39 =	vld [tilespmem:s14+$0x28D0]  }
0x3b4: {  	v40 =	vld [tilespmem:s14+$0x5020]  }
0x3b5: {  	v41 =	vld [tilespmem:s14+$0x20]  }
0x3b6: {  	v42 =	vld [tilespmem:s14+$0x2820]  }
0x3b7: {  	v43 =	vld [tilespmem:s14+$0x5090]  }
0x3b8: {  	v44 =	vld [tilespmem:s14+$0x90]  }
0x3b9: {  	v45 =	vld [tilespmem:s14+$0x2890]  }
0x3ba: {  	v46 =	vld [tilespmem:s14+$0x50C0]  }
0x3bb: {  	v47 =	vld [tilespmem:s14+$0xC0]  }
0x3bc: {  	v48 =	vld [tilespmem:s14+$0x28C0];
	v17 =	vadd.bf16 v17, v16;
	v16 =	vadd.bf16 v18, v16  }
0x3bd: {  	v49 =	vld [tilespmem:s14+$0x5050];
	v20 =	vadd.bf16 v20, v19;
	v19 =	vadd.bf16 v21, v19  }
0x3be: {  	v50 =	vld [tilespmem:s14+$0x50];
	v23 =	vadd.bf16 v23, v22;
	v22 =	vadd.bf16 v24, v22  }
0x3bf: {  	v51 =	vld [tilespmem:s14+$0x2850];
	v26 =	vadd.bf16 v26, v25;
	v25 =	vadd.bf16 v27, v25  }
0x3c0: {  	v52 =	vld [tilespmem:s14+$0x5080];
	v29 =	vadd.bf16 v29, v28;
	v28 =	vadd.bf16 v30, v28  }
0x3c1: {  	v53 =	vld [tilespmem:s14+$0x80];
	v32 =	vadd.bf16 v32, v31;
	v31 =	vadd.bf16 v33, v31  }
0x3c2: {  	v62 =	vld [tilespmem:s14+$0x5000];
	v35 =	vadd.bf16 v35, v34;
	v34 =	vadd.bf16 v36, v34  }
0x3c3: {  	v56 =	vld [tilespmem:s14+$0x0];
	v38 =	vadd.bf16 v38, v37;
	v37 =	vadd.bf16 v39, v37  }
0x3c4: {  	v57 =	vld [tilespmem:s14+$0x2800];
	v41 =	vadd.bf16 v41, v40;
	v40 =	vadd.bf16 v42, v40  }
0x3c5: {  	v14 =	vld [tilespmem:s14+$0x14D0];
	v44 =	vadd.bf16 v44, v43;
	v43 =	vadd.bf16 v45, v43  }
0x3c6: {  	v15 =	vld [tilespmem:s14+$0x3CD0];
	v47 =	vadd.bf16 v47, v46;
	v46 =	vadd.bf16 v48, v46  }
0x3c7: {  	v63 =	vld [tilespmem:s14+$0x2810];
	v50 =	vadd.bf16 v50, v49;
	v49 =	vadd.bf16 v51, v49  }
0x3c8: {  	v60 =	vld [tilespmem:s14+$0x40];
	v53 =	vadd.bf16 v53, v52;
	v42 =	vadd.bf16 v56, v62  }
0x3c9: {  	v61 =	vld [tilespmem:s14+$0x2840];
	v39 =	vadd.bf16 v57, v62;
	v17 =	vsub.bf16 v17, v1  }
0x3ca: {  	v58 =	vld [tilespmem:s14+$0x1420];
	v3 =	vsub.bf16 v16, v3;
	v20 =	vsub.bf16 v20, v0  }
0x3cb: {  	v59 =	vld [tilespmem:s14+$0x3C20];
	v2 =	vsub.bf16 v19, v2;
	v4 =	vsub.bf16 v23, v4  }
0x3cc: {  	v54 =	vld [tilespmem:s14+$0x3C80];
	v5 =	vsub.bf16 v22, v5;
	v6 =	vsub.bf16 v26, v6  }
0x3cd: {  	v55 =	vld [tilespmem:s14+$0x1410];
	v8 =	vsub.bf16 v25, v8;
	v7 =	vsub.bf16 v29, v7  }
0x3ce: {  	v18 =	vld [tilespmem:s14+$0x2880];
	v0 =	vsub.bf16 v28, v9;
	v10 =	vsub.bf16 v32, v10  }
0x3cf: {  	v21 =	vld [tilespmem:s14+$0x5010];
	v11 =	vsub.bf16 v31, v11;
	v12 =	vsub.bf16 v35, v12  }
0x3d0: {  	v24 =	vld [tilespmem:s14+$0x10];
	v26 =	vsub.bf16 v34, v13;
	v14 =	vsub.bf16 v38, v14  }
0x3d1: {  	v30 =	vld [tilespmem:s14+$0x5040];
	v15 =	vsub.bf16 v37, v15;
	v28 =	vsub.bf16 v41, v58  }
0x3d2: {  	v62 =	vld [tilespmem:s14+$0x3CC0];
	v1 =	vsub.bf16 v40, v59;
	v31 =	vunpack.i.u.bf16.f32 v20;
	v34 =	vunpack.i.u.bf16.f32 v3  }
0x3d3: {  	v56 =	vld [tilespmem:s14+$0x3C10];
	s9 =	spop (v2sf);
	v38 =	vunpack.i.u.bf16.f32 v2;
	v40 =	vunpack.i.l.bf16.f32 v3;
	v41 =	vunpack.i.u.bf16.f32 v4  }
0x3d4: {  	v16 =	vld [tilespmem:s14+$0x1450];
	s6 =	smul.f32 $5.000000000e-01, s9;
	s8 =	spop (v2sf);
	v20 =	vunpack.i.l.bf16.f32 v20;
	v45 =	vunpack.i.u.bf16.f32 v8;
	v48 =	vunpack.i.u.bf16.f32 v10  }
0x3d5: {  	v19 =	vld [tilespmem:s14+$0x3C50];
	s28 =	sshra.s32 s9, $0x1;
	v3 =	vunpack.i.l.bf16.f32 v7;
	s5 =	smul.f32 $5.000000000e-01, s8;
	s2 =	spop (v2sf);
	v18 =	vadd.bf16 v18, v52;
	v24 =	vadd.bf16 v24, v21  }
0x3d6: {  	v22 =	vld [tilespmem:s14+$0x1480];
	v51 =	vunpack.i.u.bf16.f32 v12;
	s4 =	ssub.s32 $0x5F3759DF, s28;
	v21 =	vadd.bf16 v63, v21;
	v33 =	vadd.bf16 v60, v30;
	s12 =	smul.f32 $5.000000000e-01, s2  }
0x3d7: {  	v57 =	vld [tilespmem:s14+$0x1440];
	v13 =	vunpack.i.l.bf16.f32 v11;
	s29 =	sshra.s32 s8, $0x1;
	v30 =	vadd.bf16 v61, v30;
	v62 =	vsub.bf16 v46, v62;
	s1 =	spop (v2sf);
	s17 =	smul.f32 s4, s6  }
0x3d8: {  	v58 =	vld [tilespmem:s14+$0x3C40];
	v46 =	vunpack.i.l.bf16.f32 v4;
	v52 =	vunpack.i.l.bf16.f32 v8;
	v4 =	vunpack.i.u.bf16.f32 v28;
	s3 =	sshra.s32 s2, $0x1;
	s19 =	ssub.s32 $0x5F3759DF, s29;
	s16 =	smul.f32 $5.000000000e-01, s1  }
0x3d9: {  	v59 =	vld [tilespmem:s14+$0x1400];
	v8 =	vunpack.i.l.bf16.f32 v26;
	v34 =	vmul.f32 v34, v34;
	v20 =	vmul.f32 v20, v20;
	s15 =	spop (v2sf);
	s18 =	ssub.s32 $0x5F3759DF, s3;
	s3 =	smul.f32 s19, s5  }
0x3da: {  	v13 =	vmul.f32 v13, v13;
	v16 =	vsub.bf16 v50, v16;
	v19 =	vsub.bf16 v49, v19;
	s23 =	smul.f32 $5.000000000e-01, s15  }
0x3db: {  	v3 =	vmul.f32 v3, v3;
	v22 =	vsub.bf16 v53, v22;
	v37 =	vsub.bf16 v18, v54;
	s22 =	smul.f32 s18, s12  }
0x3dc: {  	v8 =	vmul.f32 v8, v8;
	s31 =	sshra.s32 s1, $0x1;
	v23 =	vsub.bf16 v24, v55;
	v21 =	vsub.bf16 v21, v56;
	s7 =	spop (v2sf);
	s17 =	smul.f32 s4, s17  }
0x3dd: {  	v4 =	vmul.f32 v4, v4;
	v24 =	vsub.bf16 v33, v57;
	v25 =	vsub.bf16 v30, v58;
	s21 =	ssub.s32 $0x5F3759DF, s31;
	s24 =	smul.f32 $5.000000000e-01, s7  }
0x3de: {  	v63 =	vld [tilespmem:s14+$0x1490];
	v29 =	vsub.bf16 v42, v59;
	v33 =	vunpack.i.u.bf16.f32 v17;
	v42 =	vunpack.i.u.bf16.f32 v5;
	s28 =	smul.f32 s21, s16  }
0x3df: {  	v60 =	vld [tilespmem:s14+$0x3C90];
	v49 =	vunpack.i.u.bf16.f32 v11;
	v50 =	vunpack.i.l.bf16.f32 v6;
	v53 =	vunpack.i.u.bf16.f32 v26;
	s20 =	sshra.s32 s15, $0x1;
	s10 =	spop (v2sf);
	s3 =	smul.f32 s19, s3  }
0x3e0: {  	[dreg:$0xb] =	wrdreg s30;
	v54 =	vunpack.i.u.bf16.f32 v14;
	v55 =	vunpack.i.u.bf16.f32 v15;
	v57 =	vunpack.i.l.bf16.f32 v14;
	s20 =	ssub.s32 $0x5F3759DF, s20;
	s25 =	smul.f32 $5.000000000e-01, s10  }
0x3e1: {  	[dreg:$0xf] =	wrdreg s1;
	v58 =	vunpack.i.l.bf16.f32 v15;
	v36 =	vunpack.i.l.bf16.f32 v62;
	v14 =	vmul.f32 v38, v38;
	s30 =	smul.f32 s20, s23  }
0x3e2: {  	v59 =	vunpack.i.u.bf16.f32 v62;
	v11 =	vmul.f32 v41, v41;
	v36 =	vmul.f32 v36, v36;
	s1 =	sshra.s32 s7, $0x1;
	s11 =	spop (v2sf);
	s22 =	smul.f32 s18, s22  }
0x3e3: {  	[dreg:$0xa] =	wrdreg s0;
	v61 =	vld [tilespmem:s14+$0x14C0];
	v59 =	vmul.f32 v59, v59;
	v18 =	vunpack.i.u.bf16.f32 v16;
	v15 =	vunpack.i.u.bf16.f32 v19;
	s0 =	ssub.s32 $0x5F3759DF, s1;
	s26 =	smul.f32 $5.000000000e-01, s11  }
0x3e4: {  	s29 =	sshra.s32 s10, $0x1;
	v27 =	vsub.bf16 v44, v63;
	v63 =	vsub.bf16 v43, v60;
	v43 =	vunpack.i.l.bf16.f32 v2;
	s13 =	smul.f32 s0, s24  }
0x3e5: {  	v44 =	vunpack.i.u.bf16.f32 v6;
	v2 =	vunpack.i.u.bf16.f32 v7;
	v7 =	vmul.f32 v42, v42;
	s31 =	ssub.s32 $0x5F3759DF, s29;
	s28 =	smul.f32 s21, s28  }
0x3e6: {  	v9 =	vunpack.i.u.bf16.f32 v21;
	s17 =	ssub.f32 $1.500000000e+00, s17;
	v41 =	vmul.f32 v43, v43;
	v42 =	vmul.f32 v44, v44;
	s1 =	smul.f32 s31, s25  }
0x3e7: {  	[dreg:$0x12] =	wrdreg s2;
	v21 =	vunpack.i.l.bf16.f32 v21;
	s2 =	sshra.s32 s11, $0x1;
	v43 =	vmul.f32 v45, v45;
	v44 =	vmul.f32 v46, v46;
	s30 =	smul.f32 s20, s30  }
0x3e8: {  	v61 =	vsub.bf16 v47, v61;
	v45 =	vmul.f32 v48, v48;
	v46 =	vmul.f32 v49, v49;
	s29 =	ssub.s32 $0x5F3759DF, s2;
	s4 =	smul.f32 s4, s17  }
0x3e9: {  	v47 =	vunpack.i.l.bf16.f32 v5;
	s3 =	ssub.f32 $1.500000000e+00, s3;
	v48 =	vmul.f32 v50, v50;
	v49 =	vmul.f32 v52, v52;
	s2 =	smul.f32 s29, s26  }
0x3ea: {  	v6 =	vunpack.i.l.bf16.f32 v28;
	v50 =	vmul.f32 v51, v51;
	v51 =	vmul.f32 v53, v53;
	s13 =	smul.f32 s0, s13  }
0x3eb: {  	v52 =	vunpack.i.u.bf16.f32 v25;
	v53 =	vmul.f32 v54, v54;
	v54 =	vmul.f32 v55, v55;
	s22 =	ssub.f32 $1.500000000e+00, s22;
	s3 =	smul.f32 s19, s3  }
0x3ec: {  	v25 =	vunpack.i.l.bf16.f32 v25;
	v55 =	vmul.f32 v57, v57;
	v57 =	vmul.f32 v58, v58;
	s1 =	smul.f32 s31, s1  }
0x3ed: {  	v58 =	vunpack.i.u.bf16.f32 v29;
	v29 =	vunpack.i.l.bf16.f32 v29;
	v26 =	vunpack.i.u.bf16.f32 v27;
	s17 =	ssub.f32 $1.500000000e+00, s28;
	s28 =	smul.f32 s18, s22  }
0x3ee: {  	v27 =	vunpack.i.l.bf16.f32 v27;
	v32 =	vunpack.i.u.bf16.f32 v61;
	v35 =	vunpack.i.l.bf16.f32 v61;
	s19 =	ssub.f32 $1.500000000e+00, s30;
	s2 =	smul.f32 s29, s2  }
0x3ef: {  	v60 =	vld [tilespmem:s14+$0x3C00];
	v61 =	vunpack.i.l.bf16.f32 v19;
	v19 =	vmul.f32 v31, v31;
	v25 =	vmul.f32 v25, v25;
	s22 =	smul.f32 s21, s17  }
0x3f0: {  	v31 =	vunpack.i.u.bf16.f32 v22;
	v52 =	vmul.f32 v52, v52;
	v29 =	vmul.f32 v29, v29;
	s13 =	ssub.f32 $1.500000000e+00, s13;
	s21 =	smul.f32 s20, s19  }
0x3f1: {  	v22 =	vunpack.i.l.bf16.f32 v22;
	v27 =	vmul.f32 v27, v27;
	v35 =	vmul.f32 v35, v35;
	s12 =	smul.f32 s28, s12  }
0x3f2: {  	v56 =	vunpack.i.u.bf16.f32 v63;
	v32 =	vmul.f32 v32, v32;
	v22 =	vmul.f32 v22, v22;
	s1 =	ssub.f32 $1.500000000e+00, s1;
	s20 =	smul.f32 s0, s13  }
0x3f3: {  	v28 =	vunpack.i.l.bf16.f32 v63;
	v31 =	vmul.f32 v31, v31;
	v26 =	vmul.f32 v26, v26;
	s13 =	smul.f32 s22, s16  }
0x3f4: {  	v28 =	vmul.f32 v28, v28;
	v25 =	vadd.f32 v25, v52;
	v30 =	vsub.bf16 v39, v60;
	s2 =	ssub.f32 $1.500000000e+00, s2;
	s19 =	smul.f32 s31, s1  }
0x3f5: {  	v39 =	vunpack.i.l.bf16.f32 v17;
	v17 =	vunpack.i.l.bf16.f32 v10;
	v10 =	vunpack.i.l.bf16.f32 v12;
	s16 =	smul.f32 s21, s23  }
0x3f6: {  	v60 =	vunpack.i.l.bf16.f32 v16;
	v16 =	vmul.f32 v47, v47;
	v47 =	vunpack.i.u.bf16.f32 v24;
	s18 =	smul.f32 s29, s2  }
0x3f7: {  	v24 =	vunpack.i.l.bf16.f32 v24;
	v32 =	vadd.f32 v35, v32;
	v22 =	vadd.f32 v22, v31;
	s2 =	smul.f32 s4, s6  }
0x3f8: {  	v38 =	vmul.f32 v39, v39;
	v39 =	vmul.f32 v40, v40;
	v40 =	vunpack.i.u.bf16.f32 v37;
	s6 =	smul.f32 s3, s5  }
0x3f9: {  	v37 =	vunpack.i.l.bf16.f32 v37;
	v24 =	vmul.f32 v24, v24;
	v63 =	vmul.f32 v47, v47;
	s17 =	smul.f32 s20, s24  }
0x3fa: {  	v17 =	vmul.f32 v17, v17;
	v62 =	vunpack.i.u.bf16.f32 v30;
	v37 =	vmul.f32 v37, v37;
	s5 =	smul.f32 s13, s22  }
0x3fb: {  	v30 =	vunpack.i.l.bf16.f32 v30;
	v35 =	vmul.f32 v40, v40;
	v32 =	vadd.f32 v55, v32;
	s23 =	smul.f32 s19, s25  }
0x3fc: {  	v55 =	vadd.f32 v36, v59;
	v59 =	vmul.f32 v58, v58;
	v22 =	vadd.f32 v27, v22;
	s24 =	smul.f32 s18, s26  }
0x3fd: {  	v24 =	vadd.f32 v24, v63;
	v30 =	vmul.f32 v30, v30;
	v32 =	vadd.f32 v32, v53;
	s0 =	smul.f32 s2, s4  }
0x3fe: {  	v62 =	vmul.f32 v62, v62;
	v35 =	vadd.f32 v37, v35;
	v31 =	vadd.f32 v57, v55;
	s1 =	smul.f32 s6, s3  }
0x3ff: {  	v40 =	vmul.f32 v56, v56;
	v29 =	vadd.f32 v29, v59;
	s2 =	smul.f32 s12, s28;
	v32 =	vadd.f32 v48, v32  }
0x400: {  	v56 =	vmul.f32 v21, v21;
	v22 =	vadd.f32 v22, v26;
	v30 =	vadd.f32 v30, v62;
	s6 =	smul.f32 s16, s21  }
0x401: {  	v12 =	vunpack.i.u.bf16.f32 v23;
	s12 =	smul.f32 s17, s20;
	v31 =	vadd.f32 v31, v54;
	v63 =	vadd.f32 v32, v42  }
0x402: {  	v23 =	vunpack.i.l.bf16.f32 v23;
	s25 =	ssub.f32 $1.500000000e+00, s5;
	v17 =	vadd.f32 v17, v22;
	s13 =	smul.f32 s23, s19;
	v57 =	vadd.f32 v56, v30  }
0x403: {  	v54 =	vmul.f32 v23, v23;
	s0 =	ssub.f32 $1.500000000e+00, s0;
	s16 =	smul.f32 s24, s18;
	v37 =	vadd.f32 v38, v63;
	v38 =	vadd.f32 v28, v35  }
0x404: {  	s1 =	ssub.f32 $1.500000000e+00, s1;
	s31 =	smul.f32 s25, s22;
	v31 =	vadd.f32 v49, v31;
	v42 =	vmul.f32 v60, v60;
	v17 =	vadd.f32 v17, v45  }
0x405: {  	v33 =	vmul.f32 v33, v33;
	s2 =	ssub.f32 $1.500000000e+00, s2;
	v55 =	vadd.f32 v54, v29;
	s0 =	smul.f32 s0, s4;
	v47 =	vadd.f32 v38, v40  }
0x406: {  	s26 =	ssub.f32 $1.500000000e+00, s6;
	v49 =	vmul.f32 v61, v61;
	s3 =	smul.f32 s1, s3;
	v31 =	vadd.f32 v31, v43;
	v24 =	vadd.f32 v42, v24  }
0x407: {  	v5 =	vunpack.i.l.bf16.f32 v1;
	s29 =	ssub.f32 $1.500000000e+00, s12;
	s28 =	smul.f32 s2, s28;
	v17 =	vadd.f32 v20, v17;
	v13 =	vadd.f32 v13, v47  }
0x408: {  	v18 =	vmul.f32 v18, v18;
	s13 =	ssub.f32 $1.500000000e+00, s13;
	s5 =	smul.f32 s26, s21;
	v53 =	vadd.f32 v49, v25;
	v48 =	vadd.f32 v39, v31  }
0x409: {  	v15 =	vmul.f32 v15, v15;
	s17 =	ssub.f32 $1.500000000e+00, s16;
	s6 =	smul.f32 s29, s20;
	v43 =	vadd.f32 v37, v33;
	v13 =	vadd.f32 v13, v46  }
0x40a: {  	v12 =	vmul.f32 v12, v12;
	s4 =	smul.f32 s13, s19;
	v18 =	vadd.f32 v24, v18;
	v52 =	vadd.f32 v48, v34  }
0x40b: {  	v10 =	vmul.f32 v10, v10;
	s12 =	smul.f32 s17, s18;
	v17 =	vadd.f32 v17, v19;
	(xrf2) =	vadd.scan.msk.f32 $0xffff, v43;
	v13 =	vadd.f32 v41, v13  }
0x40c: {  	v9 =	vmul.f32 v9, v9;
	v12 =	vadd.f32 v55, v12;
	s0 =	smul.f32 s0, s9;
	v15 =	vadd.f32 v53, v15;
	(xrf2) =	vadd.scan.msk.f32 $0xffff, v52  }
0x40d: {  	v6 =	vmul.f32 v6, v6;
	s3 =	smul.f32 s3, s8;
	v10 =	vadd.f32 v10, v18;
	(xrf2) =	vadd.scan.msk.f32 $0xffff, v17;
	v13 =	vadd.f32 v13, v14  }
0x40e: {  	v5 =	vmul.f32 v5, v5;
	s23 =	rddreg [dreg:$0x12];
	v9 =	vadd.f32 v57, v9;
	s5 =	smul.f32 s5, s15;
	v8 =	vadd.f32 v8, v15  }
0x40f: {  	v1 =	vunpack.i.u.bf16.f32 v1;
	s25 =	rddreg [dreg:$0xf];
	v6 =	vadd.f32 v6, v12;
	s4 =	smul.f32 s4, s10;
	v10 =	vadd.f32 v10, v50;
	(xrf2) =	vadd.scan.msk.f32 $0xffff, v13  }
0x410: {  	v1 =	vmul.f32 v1, v1;
	s29 =	rddreg [dreg:$0xb];
	v5 =	vadd.f32 v5, v9;
	s21 =	smul.f32 s12, s11;
	v8 =	vadd.f32 v8, v51  }
0x411: {  	v2 =	vmul.f32 v2, v2;
	s6 =	smul.f32 s6, s7;
	s0 =	ssub.f32 s0, s3;
	v4 =	vadd.f32 v6, v4;
	v10 =	vadd.f32 v44, v10  }
0x412: {  	v61 =	vunpack.i.l.bf16.f32 v0;
	s2 =	smul.f32 s31, s25;
	v1 =	vadd.f32 v5, v1;
	s22 =	ssub.f32 s4, s21;
	v8 =	vadd.f32 v16, v8  }
0x413: {  	v63 =	vmul.f32 v61, v61;
	s1 =	smul.f32 s28, s23;
	s24 =	ssub.f32 s5, s6;
	v62 =	vadd.f32 v3, v4;
	v10 =	vadd.f32 v10, v11  }
0x414: {  	v0 =	vunpack.i.u.bf16.f32 v0;
	s3 =	sadd.f32 $1.000000000e+00, s22;
	v59 =	vadd.f32 v8, v7  }
0x415: {  	v0 =	vmul.f32 v0, v0;
	s1 =	ssub.f32 s1, s2;
	v4 =	vadd.f32 v63, v1;
	v2 =	vadd.f32 v62, v2;
	v58, _, _ =	vpop (xrf2);
	(xrf2) =	vadd.scan.msk.f32 $0xffff, v10  }
0x416: {  	s28 =	sadd.f32 $1.000000000e+00, s24;
	s26 =	smax.f32 s3, $0.0e+00;
	v60, _, _ =	vpop (xrf2);
	(xrf2) =	vadd.scan.msk.f32 $0xffff, v59  }
0x417: {  	s2 =	sadd.f32 s26, s29;
	v3, _, _ =	vpop (xrf2);
	(xrf2) =	vadd.scan.msk.f32 $0xffff, v2;
	v2 =	vadd.f32 v4, v0  }
0x418: {  	s1 =	sadd.f32 $1.000000000e+00, s1;
	s3 =	smax.f32 s28, $0.0e+00  }
0x419: {  	s2 =	sadd.f32 s3, s2;
	v1, _, _ =	vpop (xrf2);
	(xrf2) =	vadd.scan.msk.f32 $0xffff, v2  }
0x41a: {  	s0 =	sadd.f32 $1.000000000e+00, s0;
	s1 =	smax.f32 s1, $0.0e+00  }
0x41b: {  	s1 =	sadd.f32 s1, s2  }
0x41c: {  	s31 =	rddreg [dreg:$0xa];
	s0 =	smax.f32 s0, $0.0e+00  }
0x41d: {  	(v2sf) =	vpush v58, $0xF;
	s30 =	sadd.f32 s0, s1;
	s0 =	sadd.s32 $0x4, s31  }
0x41e: {  	(v2sf) =	vpush v60, $0xF;
	p0 =	slt.u32 s0, $0x4C  }
.Ltmp3:
0x41f: {  	(v2sf) =	vpush v3, $0xF;
	(pc) =	sbr.rel @p0 .LBB2_8-.Ltmp3, $4  }
0x420: {  	(v2sf) =	vpush v1, $0xF;
	v0, _, _ =	vpop (xrf2)  }
0x421: {  	(v2sf) =	vpush v0, $0xF;
	v2, _, _ =	vpop (xrf2)  }
0x422: {  	v3, _, _ =	vpop (xrf2);
	(v2sf) =	vpush v2, $0xF  }
0x423: {  	s14 =	sadd.s32 $0x100, s14;
	(v2sf) =	vpush v3, $0xF;
	v0, _, _ =	vpop (xrf2)  }
0x424: {  	_ =	sdelay $0x7  }
0x425: {  	(v2sf) =	vpush v0, $0xF;
	s5 =	spop (v2sf)  }
0x426: {  	s14 =	smul.f32 $5.000000000e-01, s5;
	s6 =	spop (v2sf)  }
0x427: {  	s16 =	sshra.s32 s5, $0x1;
	s0 =	smul.f32 $5.000000000e-01, s6;
	s1 =	spop (v2sf)  }
0x428: {  	s16 =	ssub.s32 $0x5F3759DF, s16;
	s3 =	smul.f32 $5.000000000e-01, s1  }
0x429: {  	s17 =	sshra.s32 s6, $0x1;
	s2 =	spop (v2sf);
	s19 =	smul.f32 s16, s14  }
0x42a: {  	s17 =	ssub.s32 $0x5F3759DF, s17;
	s15 =	smul.f32 $5.000000000e-01, s2  }
0x42b: {  	s18 =	sshra.s32 s1, $0x1;
	s4 =	spop (v2sf);
	s21 =	smul.f32 s17, s0  }
0x42c: {  	s18 =	ssub.s32 $0x5F3759DF, s18;
	s10 =	smul.f32 $5.000000000e-01, s4  }
0x42d: {  	s22 =	smul.f32 s18, s3  }
0x42e: {  	s20 =	sshra.s32 s2, $0x1;
	s7 =	spop (v2sf);
	s19 =	smul.f32 s16, s19  }
0x42f: {  	s20 =	ssub.s32 $0x5F3759DF, s20;
	s11 =	smul.f32 $5.000000000e-01, s7  }
0x430: {  	s23 =	smul.f32 s20, s15  }
0x431: {  	s8 =	spop (v2sf);
	s21 =	smul.f32 s17, s21  }
0x432: {  	s24 =	sshra.s32 s4, $0x1;
	s12 =	smul.f32 $5.000000000e-01, s8  }
0x433: {  	s31 =	ssub.s32 $0x5F3759DF, s24;
	s22 =	smul.f32 s18, s22  }
0x434: {  	s9 =	spop (v2sf);
	s24 =	smul.f32 s31, s10  }
0x435: {  	s19 =	ssub.f32 $1.500000000e+00, s19;
	s13 =	smul.f32 $5.000000000e-01, s9  }
0x436: {  	s23 =	smul.f32 s20, s23  }
0x437: {  	s21 =	ssub.f32 $1.500000000e+00, s21;
	s16 =	smul.f32 s16, s19  }
0x438: {  	s22 =	ssub.f32 $1.500000000e+00, s22;
	s24 =	smul.f32 s31, s24  }
0x439: {  	s25 =	sshra.s32 s7, $0x1;
	s17 =	smul.f32 s17, s21  }
0x43a: {  	s21 =	ssub.s32 $0x5F3759DF, s25;
	s18 =	smul.f32 s18, s22  }
0x43b: {  	s23 =	ssub.f32 $1.500000000e+00, s23;
	s26 =	smul.f32 s21, s11  }
0x43c: {  	s25 =	sshra.s32 s9, $0x1;
	s14 =	smul.f32 s16, s14  }
0x43d: {  	s28 =	sshra.s32 s8, $0x1;
	s25 =	ssub.s32 $0x5F3759DF, s25;
	s20 =	smul.f32 s20, s23  }
0x43e: {  	s23 =	ssub.s32 $0x5F3759DF, s28;
	s28 =	smul.f32 s25, s13  }
0x43f: {  	s0 =	smul.f32 s17, s0  }
0x440: {  	s24 =	ssub.f32 $1.500000000e+00, s24;
	s22 =	smul.f32 s21, s26  }
0x441: {  	s26 =	smul.f32 s23, s12  }
0x442: {  	s19 =	smul.f32 s31, s24  }
0x443: {  	s3 =	smul.f32 s18, s3  }
0x444: {  	s14 =	smul.f32 s14, s16  }
0x445: {  	s28 =	smul.f32 s25, s28  }
0x446: {  	s15 =	smul.f32 s20, s15  }
0x447: {  	s0 =	smul.f32 s0, s17  }
0x448: {  	s26 =	smul.f32 s23, s26  }
0x449: {  	s3 =	smul.f32 s3, s18  }
0x44a: {  	s22 =	ssub.f32 $1.500000000e+00, s22;
	s10 =	smul.f32 s19, s10  }
0x44b: {  	s14 =	ssub.f32 $1.500000000e+00, s14;
	s15 =	smul.f32 s15, s20  }
0x44c: {  	s21 =	smul.f32 s21, s22  }
0x44d: {  	s31 =	ssub.f32 $1.500000000e+00, s28;
	s14 =	smul.f32 s14, s16  }
0x44e: {  	s0 =	ssub.f32 $1.500000000e+00, s0;
	s10 =	smul.f32 s10, s19  }
0x44f: {  	s29 =	ssub.f32 $1.500000000e+00, s26;
	s22 =	smul.f32 s25, s31  }
0x450: {  	s3 =	ssub.f32 $1.500000000e+00, s3;
	s0 =	smul.f32 s0, s17  }
0x451: {  	s23 =	smul.f32 s23, s29  }
0x452: {  	s3 =	smul.f32 s3, s18  }
0x453: {  	s15 =	ssub.f32 $1.500000000e+00, s15;
	s11 =	smul.f32 s21, s11  }
0x454: {  	s5 =	smul.f32 s14, s5  }
0x455: {  	s15 =	smul.f32 s15, s20  }
0x456: {  	s13 =	smul.f32 s22, s13  }
0x457: {  	s0 =	smul.f32 s0, s6  }
0x458: {  	s10 =	ssub.f32 $1.500000000e+00, s10;
	s12 =	smul.f32 s23, s12  }
0x459: {  	s11 =	smul.f32 s11, s21  }
0x45a: {  	s10 =	smul.f32 s10, s19  }
0x45b: {  	s13 =	smul.f32 s13, s22  }
0x45c: {  	s12 =	smul.f32 s12, s23;
	s11 =	ssub.f32 $1.500000000e+00, s11  }
0x45d: {  	s4 =	smul.f32 s10, s4;
	s13 =	ssub.f32 $1.500000000e+00, s13  }
0x45e: {  	s12 =	ssub.f32 $1.500000000e+00, s12;
	s11 =	smul.f32 s11, s21  }
0x45f: {  	s13 =	smul.f32 s13, s22  }
0x460: {  	s12 =	smul.f32 s12, s23  }
0x461: {  	s22 =	smul.f32 s13, s9  }
0x462: {  	s21 =	smul.f32 s12, s8  }
0x463: {  	s0 =	ssub.f32 s5, s0;
	s7 =	smul.f32 s11, s7  }
0x464: {  	s1 =	smul.f32 s3, s1;
	s23 =	ssub.f32 s21, s22  }
0x465: {  	s2 =	smul.f32 s15, s2;
	s24 =	ssub.f32 s4, s7  }
0x466: {  	s25 =	sadd.f32 $1.000000000e+00, s23  }
0x467: {  	s1 =	ssub.f32 s1, s2  }
0x468: {  	s3 =	sadd.f32 $1.000000000e+00, s24;
	s26 =	smax.f32 s25, $0.0e+00  }
0x469: {  	s2 =	sadd.f32 s26, s30  }
0x46a: {  	s1 =	sadd.f32 $1.000000000e+00, s1;
	s3 =	smax.f32 s3, $0.0e+00  }
0x46b: {  	s2 =	sadd.f32 s3, s2  }
0x46c: {  	s0 =	sadd.f32 $1.000000000e+00, s0;
	s1 =	smax.f32 s1, $0.0e+00  }
0x46d: {  	s1 =	sadd.f32 s1, s2  }
0x46e: {  	s0 =	smax.f32 s0, $0.0e+00  }
0x46f: {  	s0 =	sadd.f32 s0, s1;
	_ =	sdelay $0x1  }
0x470: {  	v63 =	vmov s0  }
0x471: {  	s28 =	rddreg [dreg:$0x1a];
	v0 =	vnsel vm0, $0x0, v63  }
0x472: {  	s29 =	simm.s32 $0x18B50;
	s12 =	simm.s32 $0x0;
	s1 =	simm.s32 $0x3;
	[tilespmem:$0x18B50] =	vst v0  }
0x473: {  	[hbm4b:s28+s12] =	stream.linear.scatter [tilespmem:s29], [sflag:$0x3], $0x10, $0x38;
	[tilespmem:$0x18B60] =	vst v63  }
0x474: {  	_ =	swait.ge [sflag:s1], $0x10  }
0x475: {  	s30 =	rddreg [dreg:$0x1c]  }
0x476: {  	s31 =	rddreg [dreg:$0x1b];
	s2 =	sadd.s32 $0x1, s30  }
0x477: {  	p0 =	sne.s32 s2, s31  }
.Ltmp4:
0x478: {  	_ = 	snop;
	(pc) =	sbr.rel @p0 .LBB2_1-.Ltmp4, $3  }
0x479: {  	_ =	sdelay $0x1  }
0x47a: {  	[sflag:s1] =	ssyncset.done $0x0  }
0x47b: {  	[sflag:s1] =	ssyncadd.s32 $0xFFFFFFF0  }
0x47c: {  	_ =	sfence.sel $0x180000  }
0x47d: {  	[bflag:$0x0] =	sbarrier.arrive $0xFFFF  }
0x47e: {  	_ =	strace $0x90000047  }
0x47f: {  	s0 =	stileid.u32;
	[bflag:$0x2] =	sbarrier.arrive $0xFFFF  }
0x480: {  	p0 =	sne.s32 s0, $0x0;
	s0 =	rddreg [dreg:$0x7]  }
0x481: {  	s0 =	sadd.s32 @!p0 $0x100000, s0  }
0x482: {  	[sflag:s0] =	ssyncadd.tile.s32 @!p0 $0x1;
	_ =	shalt  }
.Lfunc_end2:
_tile_overlayer_lowered:
.L_overlay_start_2:
0x483: {  	(tag) =	ssettag $0x2  }
0x484: {  	s0 =	rddreg [dreg:$0x0];
	s2 =	stileid.u32  }
0x485: {  	s1 =	rddreg [dreg:$0x1];
	p0 =	sne.s32 s2, $0x0  }
0x486: {  	s3 =	rddreg [dreg:$0x2];
	[bflag:$0x3] =	sbarrier.arrive $0xFFFF;
	s2 =	simm.s32 @!p0 $0x1C03  }
0x487: {  	[timem:s3], [sflag:s2] =	dma.local @!p0 [hbm:s0], s1  }
0x488: {  	s0 =	simm.s32 @!p0 $0x3  }
0x489: {  	_ =	swait.ge @!p0 [sflag:s0], s1  }
0x48a: {  	s1 =	ssub.s32 @!p0 $0x0, s1;
	[sflag:s0] =	ssyncset.done @!p0 $0x0  }
0x48b: {  	[sflag:s0] =	ssyncadd.s32 @!p0 s1  }
0x48c: {  	[bflag:$0x3] =	sbarrier.arrive $0xFFFF  }
0x48d: {  	_ =	shalt  }

</sc_bundles>
